<compile_context>
chip_gen: v7x
topology: tpu7x:2x2x1
jax: 0.10.2.dev20260603
libtpu: 0.0.44.dev20260713+nightly
codegen_flags: <defaults>
</compile_context>

<pallas_src>
import jax
import jax.numpy as jnp
from jax import lax
from jax.experimental import pallas as pl
from jax.experimental.pallas import tpu as pltpu
from jax.experimental.pallas import tpu_sc as plsc

B = 4
S = 2048
HID = 768
LANES = 16
HVECS = HID // LANES

_info = plsc.get_sparse_core_info()
NC = _info.num_cores
NS = _info.num_subcores
NW = NC * NS

TOKENS = B * S
POS_PER_W = S // NW
CHUNK = 16
SUBS = POS_PER_W // CHUNK
NCHUNK = SUBS * B
DEPTH = 5
AHEAD = 3


def _body(ids_hbm, ttb_hbm, w_word, w_pos, w_type, out_hbm,
          idx_v, ttb_v, type_v, pbuf, wbuf,
          sem_w, sem_o, sem_p):
    wid = lax.axis_index("s") * NC + lax.axis_index("c")

    pltpu.sync_copy(ids_hbm.at[pl.ds(wid * NCHUNK, NCHUNK)], idx_v)

    def gather_desc(c):
        q = lax.rem(c, DEPTH)
        return pltpu.make_async_copy(
            w_word.at[idx_v.at[c]], wbuf.at[q], sem_w.at[lax.rem(c, AHEAD)])

    def pos_desc(s):
        return pltpu.make_async_copy(
            w_pos.at[pl.ds(wid * POS_PER_W + s * CHUNK, CHUNK)],
            pbuf.at[lax.rem(s, 2)], sem_p)

    def store_desc(c):
        q = lax.rem(c, DEPTH)
        s = lax.div(c, B)
        b = lax.rem(c, B)
        base = b * S + wid * POS_PER_W + s * CHUNK
        return pltpu.make_async_copy(
            wbuf.at[q], out_hbm.at[pl.ds(base, CHUNK)],
            sem_o.at[lax.rem(c, AHEAD)])

    for c in range(AHEAD):
        gather_desc(c).start()
    pltpu.sync_copy(ttb_hbm.at[pl.ds(wid * NCHUNK, NCHUNK)], ttb_v)
    pltpu.sync_copy(w_type, type_v)
    pltpu.sync_copy(w_pos.at[pl.ds(wid * POS_PER_W, CHUNK)], pbuf.at[0])

    def chunk_body(c, carry):
        q = lax.rem(c, DEPTH)
        s = lax.div(c, B)
        b = lax.rem(c, B)

        gather_desc(c).wait()

        @pl.when(c >= DEPTH - AHEAD)
        def _():
            store_desc(c - (DEPTH - AHEAD)).wait()

        @pl.when(c + AHEAD < NCHUNK)
        def _():
            gather_desc(c + AHEAD).start()

        @pl.when(jnp.logical_and(b == 0, s > 0))
        def _():
            pos_desc(s).wait()

        @pl.when(jnp.logical_and(b == 0, s + 1 < SUBS))
        def _():
            pos_desc(s + 1).start()

        sq = lax.rem(s, 2)

        KG = HVECS // 3
        for g in range(3):
            t0r = [type_v[0, pl.ds((g * KG + k) * LANES, LANES)]
                   for k in range(KG)]
            d_r = [type_v[1, pl.ds((g * KG + k) * LANES, LANES)] - t0r[k]
                   for k in range(KG)]

            @plsc.parallel_loop(0, CHUNK, unroll=4)
            def accum(i):
                ttb = ttb_v[c, i, :]
                for k in range(KG):
                    sl = pl.ds((g * KG + k) * LANES, LANES)
                    y = pbuf[sq, i, sl] + t0r[k] + ttb * d_r[k]
                    plsc.addupdate(wbuf.at[q, i, sl], y)

        store_desc(c).start()

        return carry

    lax.fori_loop(0, NCHUNK, chunk_body, 0, unroll=False)

    for c in range(NCHUNK - (DEPTH - AHEAD), NCHUNK):
        store_desc(c).wait()


def kernel(input_ids, token_type_ids, W_word, W_pos, W_type):
    def order(x):
        x = x.reshape(B, NW, SUBS, CHUNK)
        return x.transpose(1, 2, 0, 3).reshape(NW * NCHUNK, CHUNK)

    ids = order(input_ids.astype(jnp.int32))
    ttb = jnp.repeat(
        order(token_type_ids.astype(jnp.float32))[..., None], LANES, axis=-1)

    mesh = plsc.VectorSubcoreMesh(core_axis_name="c", subcore_axis_name="s")
    out = pl.kernel(
        _body,
        out_type=jax.ShapeDtypeStruct((TOKENS, HID), jnp.float32),
        mesh=mesh,
        scratch_types=[
            pltpu.VMEM((NCHUNK, CHUNK), jnp.int32),
            pltpu.VMEM((NCHUNK, CHUNK, LANES), jnp.float32),
            pltpu.VMEM((2, HID), jnp.float32),
            pltpu.VMEM((2, CHUNK, HID), jnp.float32),
            pltpu.VMEM((DEPTH, CHUNK, HID), jnp.float32),
            pltpu.SemaphoreType.DMA((AHEAD,)),
            pltpu.SemaphoreType.DMA((AHEAD,)),
            pltpu.SemaphoreType.DMA,
        ],
    )(ids, ttb, W_word, W_pos, W_type)

    return out.reshape(B, S, HID)

# --- scband reference (transcript-rebuilt; emitter-appended) ---
"""Pipeline reference for scband-input-encoder-58093727646117 (READ-ONLY COPY).

The authoritative reference and input builder live on the scoring server;
editing this copy changes nothing except your own understanding.
"""

import jax, jax.numpy as jnp
import numpy as np

VOCAB = 100000
HID = 768
MAXPOS = 2048
NTYPES = 2
B = 4
S = 2048


def setup_inputs(seed: int = 0) -> dict:
    key = jax.random.key(seed)
    k1, k2, k3, k4, k5 = jax.random.split(key, 5)
    input_ids = jax.random.randint(k1, (B, S), 0, VOCAB)
    token_type_ids = jax.random.randint(k2, (B, S), 0, NTYPES)
    W_word = jax.random.normal(k3, (VOCAB, HID), dtype=jnp.float32) * 0.02
    # padding_idx=0 -> row 0 initialized to zeros (as nn.Embedding with padding_idx)
    W_word = W_word.at[0].set(0.0)
    W_pos = jax.random.normal(k4, (MAXPOS, HID), dtype=jnp.float32) * 0.02
    W_type = jax.random.normal(k5, (NTYPES, HID), dtype=jnp.float32) * 0.02
    return {
        "input_ids": input_ids,
        "token_type_ids": token_type_ids,
        "W_word": W_word,
        "W_pos": W_pos,
        "W_type": W_type,
    }


def reference(input_ids, token_type_ids, W_word, W_pos, W_type):
    # position_ids = arange(seq_len) broadcast to input_ids shape (default path)
    seq_length = input_ids.shape[1]
    position_ids = jnp.broadcast_to(
        jnp.arange(seq_length, dtype=input_ids.dtype)[None, :], input_ids.shape
    )
    words_embeddings = jnp.take(W_word, input_ids, axis=0)
    position_embeddings = jnp.take(W_pos, position_ids, axis=0)
    token_type_embeddings = jnp.take(W_type, token_type_ids, axis=0)
    embeddings = words_embeddings + position_embeddings + token_type_embeddings
    # StableDropout in eval mode (drop_prob effectively 0 at inference) -> identity
    # mask is None -> no masking branch
    return embeddings

if __name__ == "__main__":
    import jax
    _d = setup_inputs()
    print(jax.jit(kernel)(*tuple(_d.values())))

</pallas_src>

<mosaic_0001>
#map = affine_map<(d0, d1) -> (0, 0)>
#map1 = affine_map<(d0, d1) -> (0, 0, 0)>
module attributes {stable_mosaic.version = 14 : i64} {
  func.func @_body(%arg0: i32, %arg1: i32, %arg2: memref<512x16xi32, #tpu.memory_space<hbm>>, %arg3: memref<512x16x16xf32, #tpu.memory_space<hbm>>, %arg4: memref<100000x768xf32, #tpu.memory_space<hbm>>, %arg5: memref<2048x768xf32, #tpu.memory_space<hbm>>, %arg6: memref<2x768xf32, #tpu.memory_space<hbm>>, %arg7: memref<8192x768xf32, #tpu.memory_space<hbm>>, %arg8: memref<16x16xi32, #tpu.memory_space<vmem>>, %arg9: memref<16x16x16xf32, #tpu.memory_space<vmem>>, %arg10: memref<2x768xf32, #tpu.memory_space<vmem>>, %arg11: memref<2x16x768xf32, #tpu.memory_space<vmem>>, %arg12: memref<5x16x768xf32, #tpu.memory_space<vmem>>, %arg13: memref<3x!tpu.dma_semaphore, #tpu.memory_space<semaphore_mem>>, %arg14: memref<3x!tpu.dma_semaphore, #tpu.memory_space<semaphore_mem>>, %arg15: memref<!tpu.dma_semaphore, #tpu.memory_space<semaphore_mem>>) attributes {dimension_semantics = [#tpu.dimension_semantics<core_parallel>, #tpu.dimension_semantics<subcore_parallel>], iteration_bounds = array<i64: 2, 16>, scalar_prefetch = 0 : i64, scratch_operands = 8 : i64, tpu.core_type = #tpu.core_type<sc_vector_subcore>, window_params = [{transform_indices = #map}, {transform_indices = #map1}, {transform_indices = #map}, {transform_indices = #map}, {transform_indices = #map}, {transform_indices = #map}]} {
    %mul3A = arith.constant 2 : i32
    %mul3A_0 = arith.muli %arg1, %mul3A : i32
    %add3A = arith.addi %mul3A_0, %arg0 : i32
    %mul3A_1 = arith.constant 16 : i32
    %mul3A_2 = arith.muli %add3A, %mul3A_1 : i32
    "tpu.region"() ({
      %run_scoped3A_133 = tpu.sem_alloc : memref<!tpu.dma_semaphore, #tpu.memory_space<semaphore_mem>>
      %dma_start3A_134 = arith.constant 0 : i32
      %dma_start3A_135 = tpu.memref_slice %arg2[%mul3A_2, %dma_start3A_134] : memref<512x16xi32, #tpu.memory_space<hbm>> -> memref<16x16xi32, #tpu.memory_space<hbm>>
      %dma_start3A_136 = arith.constant 0 : i32
      %dma_start3A_137 = tpu.memref_slice %arg2[%mul3A_2, %dma_start3A_136] : memref<512x16xi32, #tpu.memory_space<hbm>> -> memref<16x16xi32, #tpu.memory_space<hbm>>
      tpu.enqueue_dma source(%dma_start3A_137 : memref<16x16xi32, #tpu.memory_space<hbm>>) target(%arg8 : memref<16x16xi32, #tpu.memory_space<vmem>>) target_semaphore(%run_scoped3A_133 : memref<!tpu.dma_semaphore, #tpu.memory_space<semaphore_mem>>)
      %dma_wait3A_138 = arith.constant 0 : i32
      %dma_wait3A_139 = tpu.memref_slice %arg2[%mul3A_2, %dma_wait3A_138] : memref<512x16xi32, #tpu.memory_space<hbm>> -> memref<16x16xi32, #tpu.memory_space<hbm>>
      %dma_wait3A_140 = arith.constant 0 : i32
      %dma_wait3A_141 = tpu.memref_slice %arg2[%mul3A_2, %dma_wait3A_140] : memref<512x16xi32, #tpu.memory_space<hbm>> -> memref<16x16xi32, #tpu.memory_space<hbm>>
      tpu.wait_dma2 semaphore(%run_scoped3A_133 : memref<!tpu.dma_semaphore, #tpu.memory_space<semaphore_mem>>) src(%dma_wait3A_141 : memref<16x16xi32, #tpu.memory_space<hbm>>) dst(%arg8 : memref<16x16xi32, #tpu.memory_space<vmem>>)
      tpu.yield
    }) : () -> ()
    %rem3A = arith.constant 0 : i32
    %rem3A_3 = arith.constant 5 : i32
    %rem3A_4 = arith.remsi %rem3A, %rem3A_3 : i32
    %rem3A_5 = arith.constant 0 : i32
    %rem3A_6 = arith.constant 3 : i32
    %rem3A_7 = arith.remsi %rem3A_5, %rem3A_6 : i32
    %dma_start3A = arith.constant 0 : i32
    %dma_start3A_8 = arith.constant 0 : i32
    %dma_start3A_9 = arith.constant 0 : i32
    %dma_start3A_10 = tpu.memref_slice %arg12[%rem3A_4, %dma_start3A_8, %dma_start3A_9] : memref<5x16x768xf32, #tpu.memory_space<vmem>> -> memref<1x16x768xf32, #tpu.memory_space<vmem>>
    %dma_start3A_11 = tpu.memref_squeeze %dma_start3A_10 : memref<1x16x768xf32, #tpu.memory_space<vmem>> -> memref<16x768xf32, #tpu.memory_space<vmem>>
    %dma_start3A_12 = arith.constant 0 : i32
    %dma_start3A_13 = tpu.memref_slice %arg8[%dma_start3A, %dma_start3A_12] : memref<16x16xi32, #tpu.memory_space<vmem>> -> memref<1x16xi32, #tpu.memory_space<vmem>>
    %dma_start3A_14 = tpu.memref_squeeze %dma_start3A_13 : memref<1x16xi32, #tpu.memory_space<vmem>> -> memref<16xi32, #tpu.memory_space<vmem>>
    %dma_start3A_15 = arith.constant 0 : i32
    %dma_start3A_16 = arith.constant 0 : i32
    %dma_start3A_17 = tpu.memref_slice %arg4[%dma_start3A_15, %dma_start3A_16] : memref<100000x768xf32, #tpu.memory_space<hbm>> -> memref<100000x768xf32, #tpu.memory_space<hbm>>
    %dma_start3A_18 = tpu.memref_slice %arg13[%rem3A_7] : memref<3x!tpu.dma_semaphore, #tpu.memory_space<semaphore_mem>> -> memref<1x!tpu.dma_semaphore, #tpu.memory_space<semaphore_mem>>
    %dma_start3A_19 = tpu.memref_squeeze %dma_start3A_18 : memref<1x!tpu.dma_semaphore, #tpu.memory_space<semaphore_mem>> -> memref<!tpu.dma_semaphore, #tpu.memory_space<semaphore_mem>>
    tpu.enqueue_indirect_dma source(%dma_start3A_17 : memref<100000x768xf32, #tpu.memory_space<hbm>>) target(%dma_start3A_11 : memref<16x768xf32, #tpu.memory_space<vmem>>) offsets(%dma_start3A_14 : memref<16xi32, #tpu.memory_space<vmem>>) semaphore(%dma_start3A_19 : memref<!tpu.dma_semaphore, #tpu.memory_space<semaphore_mem>>)
    %rem3A_20 = arith.constant 1 : i32
    %rem3A_21 = arith.constant 5 : i32
    %rem3A_22 = arith.remsi %rem3A_20, %rem3A_21 : i32
    %rem3A_23 = arith.constant 1 : i32
    %rem3A_24 = arith.constant 3 : i32
    %rem3A_25 = arith.remsi %rem3A_23, %rem3A_24 : i32
    %dma_start3A_26 = arith.constant 1 : i32
    %dma_start3A_27 = arith.constant 0 : i32
    %dma_start3A_28 = arith.constant 0 : i32
    %dma_start3A_29 = tpu.memref_slice %arg12[%rem3A_22, %dma_start3A_27, %dma_start3A_28] : memref<5x16x768xf32, #tpu.memory_space<vmem>> -> memref<1x16x768xf32, #tpu.memory_space<vmem>>
    %dma_start3A_30 = tpu.memref_squeeze %dma_start3A_29 : memref<1x16x768xf32, #tpu.memory_space<vmem>> -> memref<16x768xf32, #tpu.memory_space<vmem>>
    %dma_start3A_31 = arith.constant 0 : i32
    %dma_start3A_32 = tpu.memref_slice %arg8[%dma_start3A_26, %dma_start3A_31] : memref<16x16xi32, #tpu.memory_space<vmem>> -> memref<1x16xi32, #tpu.memory_space<vmem>>
    %dma_start3A_33 = tpu.memref_squeeze %dma_start3A_32 : memref<1x16xi32, #tpu.memory_space<vmem>> -> memref<16xi32, #tpu.memory_space<vmem>>
    %dma_start3A_34 = arith.constant 0 : i32
    %dma_start3A_35 = arith.constant 0 : i32
    %dma_start3A_36 = tpu.memref_slice %arg4[%dma_start3A_34, %dma_start3A_35] : memref<100000x768xf32, #tpu.memory_space<hbm>> -> memref<100000x768xf32, #tpu.memory_space<hbm>>
    %dma_start3A_37 = tpu.memref_slice %arg13[%rem3A_25] : memref<3x!tpu.dma_semaphore, #tpu.memory_space<semaphore_mem>> -> memref<1x!tpu.dma_semaphore, #tpu.memory_space<semaphore_mem>>
    %dma_start3A_38 = tpu.memref_squeeze %dma_start3A_37 : memref<1x!tpu.dma_semaphore, #tpu.memory_space<semaphore_mem>> -> memref<!tpu.dma_semaphore, #tpu.memory_space<semaphore_mem>>
    tpu.enqueue_indirect_dma source(%dma_start3A_36 : memref<100000x768xf32, #tpu.memory_space<hbm>>) target(%dma_start3A_30 : memref<16x768xf32, #tpu.memory_space<vmem>>) offsets(%dma_start3A_33 : memref<16xi32, #tpu.memory_space<vmem>>) semaphore(%dma_start3A_38 : memref<!tpu.dma_semaphore, #tpu.memory_space<semaphore_mem>>)
    %rem3A_39 = arith.constant 2 : i32
    %rem3A_40 = arith.constant 5 : i32
    %rem3A_41 = arith.remsi %rem3A_39, %rem3A_40 : i32
    %rem3A_42 = arith.constant 2 : i32
    %rem3A_43 = arith.constant 3 : i32
    %rem3A_44 = arith.remsi %rem3A_42, %rem3A_43 : i32
    %dma_start3A_45 = arith.constant 2 : i32
    %dma_start3A_46 = arith.constant 0 : i32
    %dma_start3A_47 = arith.constant 0 : i32
    %dma_start3A_48 = tpu.memref_slice %arg12[%rem3A_41, %dma_start3A_46, %dma_start3A_47] : memref<5x16x768xf32, #tpu.memory_space<vmem>> -> memref<1x16x768xf32, #tpu.memory_space<vmem>>
    %dma_start3A_49 = tpu.memref_squeeze %dma_start3A_48 : memref<1x16x768xf32, #tpu.memory_space<vmem>> -> memref<16x768xf32, #tpu.memory_space<vmem>>
    %dma_start3A_50 = arith.constant 0 : i32
    %dma_start3A_51 = tpu.memref_slice %arg8[%dma_start3A_45, %dma_start3A_50] : memref<16x16xi32, #tpu.memory_space<vmem>> -> memref<1x16xi32, #tpu.memory_space<vmem>>
    %dma_start3A_52 = tpu.memref_squeeze %dma_start3A_51 : memref<1x16xi32, #tpu.memory_space<vmem>> -> memref<16xi32, #tpu.memory_space<vmem>>
    %dma_start3A_53 = arith.constant 0 : i32
    %dma_start3A_54 = arith.constant 0 : i32
    %dma_start3A_55 = tpu.memref_slice %arg4[%dma_start3A_53, %dma_start3A_54] : memref<100000x768xf32, #tpu.memory_space<hbm>> -> memref<100000x768xf32, #tpu.memory_space<hbm>>
    %dma_start3A_56 = tpu.memref_slice %arg13[%rem3A_44] : memref<3x!tpu.dma_semaphore, #tpu.memory_space<semaphore_mem>> -> memref<1x!tpu.dma_semaphore, #tpu.memory_space<semaphore_mem>>
    %dma_start3A_57 = tpu.memref_squeeze %dma_start3A_56 : memref<1x!tpu.dma_semaphore, #tpu.memory_space<semaphore_mem>> -> memref<!tpu.dma_semaphore, #tpu.memory_space<semaphore_mem>>
    tpu.enqueue_indirect_dma source(%dma_start3A_55 : memref<100000x768xf32, #tpu.memory_space<hbm>>) target(%dma_start3A_49 : memref<16x768xf32, #tpu.memory_space<vmem>>) offsets(%dma_start3A_52 : memref<16xi32, #tpu.memory_space<vmem>>) semaphore(%dma_start3A_57 : memref<!tpu.dma_semaphore, #tpu.memory_space<semaphore_mem>>)
    %mul3A_58 = arith.constant 16 : i32
    %mul3A_59 = arith.muli %add3A, %mul3A_58 : i32
    "tpu.region"() ({
      %run_scoped3A_133 = tpu.sem_alloc : memref<!tpu.dma_semaphore, #tpu.memory_space<semaphore_mem>>
      %dma_start3A_134 = arith.constant 0 : i32
      %dma_start3A_135 = arith.constant 0 : i32
      %dma_start3A_136 = tpu.memref_slice %arg3[%mul3A_59, %dma_start3A_134, %dma_start3A_135] : memref<512x16x16xf32, #tpu.memory_space<hbm>> -> memref<16x16x16xf32, #tpu.memory_space<hbm>>
      %dma_start3A_137 = arith.constant 0 : i32
      %dma_start3A_138 = arith.constant 0 : i32
      %dma_start3A_139 = tpu.memref_slice %arg3[%mul3A_59, %dma_start3A_137, %dma_start3A_138] : memref<512x16x16xf32, #tpu.memory_space<hbm>> -> memref<16x16x16xf32, #tpu.memory_space<hbm>>
      tpu.enqueue_dma source(%dma_start3A_139 : memref<16x16x16xf32, #tpu.memory_space<hbm>>) target(%arg9 : memref<16x16x16xf32, #tpu.memory_space<vmem>>) target_semaphore(%run_scoped3A_133 : memref<!tpu.dma_semaphore, #tpu.memory_space<semaphore_mem>>)
      %dma_wait3A_140 = arith.constant 0 : i32
      %dma_wait3A_141 = arith.constant 0 : i32
      %dma_wait3A_142 = tpu.memref_slice %arg3[%mul3A_59, %dma_wait3A_140, %dma_wait3A_141] : memref<512x16x16xf32, #tpu.memory_space<hbm>> -> memref<16x16x16xf32, #tpu.memory_space<hbm>>
      %dma_wait3A_143 = arith.constant 0 : i32
      %dma_wait3A_144 = arith.constant 0 : i32
      %dma_wait3A_145 = tpu.memref_slice %arg3[%mul3A_59, %dma_wait3A_143, %dma_wait3A_144] : memref<512x16x16xf32, #tpu.memory_space<hbm>> -> memref<16x16x16xf32, #tpu.memory_space<hbm>>
      tpu.wait_dma2 semaphore(%run_scoped3A_133 : memref<!tpu.dma_semaphore, #tpu.memory_space<semaphore_mem>>) src(%dma_wait3A_145 : memref<16x16x16xf32, #tpu.memory_space<hbm>>) dst(%arg9 : memref<16x16x16xf32, #tpu.memory_space<vmem>>)
      tpu.yield
    }) : () -> ()
    "tpu.region"() ({
      %run_scoped3A_133 = tpu.sem_alloc : memref<!tpu.dma_semaphore, #tpu.memory_space<semaphore_mem>>
      tpu.enqueue_dma source(%arg6 : memref<2x768xf32, #tpu.memory_space<hbm>>) target(%arg10 : memref<2x768xf32, #tpu.memory_space<vmem>>) target_semaphore(%run_scoped3A_133 : memref<!tpu.dma_semaphore, #tpu.memory_space<semaphore_mem>>)
      tpu.wait_dma2 semaphore(%run_scoped3A_133 : memref<!tpu.dma_semaphore, #tpu.memory_space<semaphore_mem>>) src(%arg6 : memref<2x768xf32, #tpu.memory_space<hbm>>) dst(%arg10 : memref<2x768xf32, #tpu.memory_space<vmem>>)
      tpu.yield
    }) : () -> ()
    %mul3A_60 = arith.constant 64 : i32
    %mul3A_61 = arith.muli %add3A, %mul3A_60 : i32
    %run_scoped3A = arith.constant 0 : i32
    "tpu.region"() ({
      %run_scoped3A_133 = tpu.sem_alloc : memref<!tpu.dma_semaphore, #tpu.memory_space<semaphore_mem>>
      %dma_start3A_134 = arith.constant 0 : i32
      %dma_start3A_135 = arith.constant 0 : i32
      %dma_start3A_136 = tpu.memref_slice %arg11[%run_scoped3A, %dma_start3A_134, %dma_start3A_135] : memref<2x16x768xf32, #tpu.memory_space<vmem>> -> memref<1x16x768xf32, #tpu.memory_space<vmem>>
      %dma_start3A_137 = tpu.memref_squeeze %dma_start3A_136 : memref<1x16x768xf32, #tpu.memory_space<vmem>> -> memref<16x768xf32, #tpu.memory_space<vmem>>
      %dma_start3A_138 = arith.constant 0 : i32
      %dma_start3A_139 = tpu.memref_slice %arg5[%mul3A_61, %dma_start3A_138] : memref<2048x768xf32, #tpu.memory_space<hbm>> -> memref<16x768xf32, #tpu.memory_space<hbm>>
      %dma_start3A_140 = arith.constant 0 : i32
      %dma_start3A_141 = arith.constant 0 : i32
      %dma_start3A_142 = tpu.memref_slice %arg11[%run_scoped3A, %dma_start3A_140, %dma_start3A_141] : memref<2x16x768xf32, #tpu.memory_space<vmem>> -> memref<1x16x768xf32, #tpu.memory_space<vmem>>
      %dma_start3A_143 = tpu.memref_squeeze %dma_start3A_142 : memref<1x16x768xf32, #tpu.memory_space<vmem>> -> memref<16x768xf32, #tpu.memory_space<vmem>>
      %dma_start3A_144 = arith.constant 0 : i32
      %dma_start3A_145 = tpu.memref_slice %arg5[%mul3A_61, %dma_start3A_144] : memref<2048x768xf32, #tpu.memory_space<hbm>> -> memref<16x768xf32, #tpu.memory_space<hbm>>
      tpu.enqueue_dma source(%dma_start3A_145 : memref<16x768xf32, #tpu.memory_space<hbm>>) target(%dma_start3A_143 : memref<16x768xf32, #tpu.memory_space<vmem>>) target_semaphore(%run_scoped3A_133 : memref<!tpu.dma_semaphore, #tpu.memory_space<semaphore_mem>>)
      %dma_wait3A_146 = arith.constant 0 : i32
      %dma_wait3A_147 = arith.constant 0 : i32
      %dma_wait3A_148 = tpu.memref_slice %arg11[%run_scoped3A, %dma_wait3A_146, %dma_wait3A_147] : memref<2x16x768xf32, #tpu.memory_space<vmem>> -> memref<1x16x768xf32, #tpu.memory_space<vmem>>
      %dma_wait3A_149 = tpu.memref_squeeze %dma_wait3A_148 : memref<1x16x768xf32, #tpu.memory_space<vmem>> -> memref<16x768xf32, #tpu.memory_space<vmem>>
      %dma_wait3A_150 = arith.constant 0 : i32
      %dma_wait3A_151 = tpu.memref_slice %arg5[%mul3A_61, %dma_wait3A_150] : memref<2048x768xf32, #tpu.memory_space<hbm>> -> memref<16x768xf32, #tpu.memory_space<hbm>>
      %dma_wait3A_152 = arith.constant 0 : i32
      %dma_wait3A_153 = arith.constant 0 : i32
      %dma_wait3A_154 = tpu.memref_slice %arg11[%run_scoped3A, %dma_wait3A_152, %dma_wait3A_153] : memref<2x16x768xf32, #tpu.memory_space<vmem>> -> memref<1x16x768xf32, #tpu.memory_space<vmem>>
      %dma_wait3A_155 = tpu.memref_squeeze %dma_wait3A_154 : memref<1x16x768xf32, #tpu.memory_space<vmem>> -> memref<16x768xf32, #tpu.memory_space<vmem>>
      %dma_wait3A_156 = arith.constant 0 : i32
      %dma_wait3A_157 = tpu.memref_slice %arg5[%mul3A_61, %dma_wait3A_156] : memref<2048x768xf32, #tpu.memory_space<hbm>> -> memref<16x768xf32, #tpu.memory_space<hbm>>
      tpu.wait_dma2 semaphore(%run_scoped3A_133 : memref<!tpu.dma_semaphore, #tpu.memory_space<semaphore_mem>>) src(%dma_wait3A_157 : memref<16x768xf32, #tpu.memory_space<hbm>>) dst(%dma_wait3A_155 : memref<16x768xf32, #tpu.memory_space<vmem>>)
      tpu.yield
    }) : () -> ()
    %scan3A = arith.constant 0 : i32
    %scan3A_62 = arith.constant 0 : i32
    %scan3A_63 = arith.constant 16 : i32
    %scan3A_64 = arith.addi %scan3A_62, %scan3A_63 : i32
    %scan3A_65 = arith.constant 1 : i32
    scf.for %scan3A_133 = %scan3A_62 to %scan3A_64 step %scan3A_65  : i32 {
      %rem3A_134 = arith.constant 5 : i32
      %rem3A_135 = arith.remsi %scan3A_133, %rem3A_134 : i32
      %div3A_136 = arith.constant 4 : i32
      %div3A_137 = arith.divsi %scan3A_133, %div3A_136 : i32
      %rem3A_138 = arith.constant 4 : i32
      %rem3A_139 = arith.remsi %scan3A_133, %rem3A_138 : i32
      %rem3A_140 = arith.constant 5 : i32
      %rem3A_141 = arith.remsi %scan3A_133, %rem3A_140 : i32
      %rem3A_142 = arith.constant 3 : i32
      %rem3A_143 = arith.remsi %scan3A_133, %rem3A_142 : i32
      %dma_wait3A_144 = arith.constant 0 : i32
      %dma_wait3A_145 = arith.constant 0 : i32
      %dma_wait3A_146 = tpu.memref_slice %arg12[%rem3A_141, %dma_wait3A_144, %dma_wait3A_145] : memref<5x16x768xf32, #tpu.memory_space<vmem>> -> memref<1x16x768xf32, #tpu.memory_space<vmem>>
      %dma_wait3A_147 = tpu.memref_squeeze %dma_wait3A_146 : memref<1x16x768xf32, #tpu.memory_space<vmem>> -> memref<16x768xf32, #tpu.memory_space<vmem>>
      %dma_wait3A_148 = arith.constant 0 : i32
      %dma_wait3A_149 = tpu.memref_slice %arg8[%scan3A_133, %dma_wait3A_148] : memref<16x16xi32, #tpu.memory_space<vmem>> -> memref<1x16xi32, #tpu.memory_space<vmem>>
      %dma_wait3A_150 = tpu.memref_squeeze %dma_wait3A_149 : memref<1x16xi32, #tpu.memory_space<vmem>> -> memref<16xi32, #tpu.memory_space<vmem>>
      %dma_wait3A_151 = arith.constant 0 : i32
      %dma_wait3A_152 = arith.constant 0 : i32
      %dma_wait3A_153 = tpu.memref_slice %arg4[%dma_wait3A_151, %dma_wait3A_152] : memref<100000x768xf32, #tpu.memory_space<hbm>> -> memref<100000x768xf32, #tpu.memory_space<hbm>>
      %dma_wait3A_154 = tpu.memref_slice %arg13[%rem3A_143] : memref<3x!tpu.dma_semaphore, #tpu.memory_space<semaphore_mem>> -> memref<1x!tpu.dma_semaphore, #tpu.memory_space<semaphore_mem>>
      %dma_wait3A_155 = tpu.memref_squeeze %dma_wait3A_154 : memref<1x!tpu.dma_semaphore, #tpu.memory_space<semaphore_mem>> -> memref<!tpu.dma_semaphore, #tpu.memory_space<semaphore_mem>>
      tpu.wait_indirect_dma semaphore(%dma_wait3A_155 : memref<!tpu.dma_semaphore, #tpu.memory_space<semaphore_mem>>) src(%dma_wait3A_153 : memref<100000x768xf32, #tpu.memory_space<hbm>>) dst(%dma_wait3A_147 : memref<16x768xf32, #tpu.memory_space<vmem>>)
      %ge3A = arith.constant 2 : i32
      %ge3A_156 = arith.cmpi sge, %scan3A_133, %ge3A : i32
      %convert_element_type3A = arith.extui %ge3A_156 : i1 to i32
      %cond3A = arith.constant 0 : i32
      %cond3A_157 = arith.cmpi ne, %convert_element_type3A, %cond3A : i32
      scf.if %cond3A_157 {
        %sub3A_745 = arith.constant 2 : i32
        %sub3A_746 = arith.subi %scan3A_133, %sub3A_745 : i32
        %rem3A_747 = arith.constant 5 : i32
        %rem3A_748 = arith.remsi %sub3A_746, %rem3A_747 : i32
        %div3A_749 = arith.constant 4 : i32
        %div3A_750 = arith.divsi %sub3A_746, %div3A_749 : i32
        %rem3A_751 = arith.constant 4 : i32
        %rem3A_752 = arith.remsi %sub3A_746, %rem3A_751 : i32
        %mul3A_753 = arith.constant 2048 : i32
        %mul3A_754 = arith.muli %rem3A_752, %mul3A_753 : i32
        %mul3A_755 = arith.constant 64 : i32
        %mul3A_756 = arith.muli %add3A, %mul3A_755 : i32
        %add3A_757 = arith.addi %mul3A_754, %mul3A_756 : i32
        %mul3A_758 = arith.constant 16 : i32
        %mul3A_759 = arith.muli %div3A_750, %mul3A_758 : i32
        %add3A_760 = arith.addi %add3A_757, %mul3A_759 : i32
        %rem3A_761 = arith.constant 3 : i32
        %rem3A_762 = arith.remsi %sub3A_746, %rem3A_761 : i32
        %dma_wait3A_763 = arith.constant 0 : i32
        %dma_wait3A_764 = arith.constant 0 : i32
        %dma_wait3A_765 = tpu.memref_slice %arg12[%rem3A_748, %dma_wait3A_763, %dma_wait3A_764] : memref<5x16x768xf32, #tpu.memory_space<vmem>> -> memref<1x16x768xf32, #tpu.memory_space<vmem>>
        %dma_wait3A_766 = tpu.memref_squeeze %dma_wait3A_765 : memref<1x16x768xf32, #tpu.memory_space<vmem>> -> memref<16x768xf32, #tpu.memory_space<vmem>>
        %dma_wait3A_767 = arith.constant 0 : i32
        %dma_wait3A_768 = tpu.memref_slice %arg7[%add3A_760, %dma_wait3A_767] : memref<8192x768xf32, #tpu.memory_space<hbm>> -> memref<16x768xf32, #tpu.memory_space<hbm>>
        %dma_wait3A_769 = tpu.memref_slice %arg14[%rem3A_762] : memref<3x!tpu.dma_semaphore, #tpu.memory_space<semaphore_mem>> -> memref<1x!tpu.dma_semaphore, #tpu.memory_space<semaphore_mem>>
        %dma_wait3A_770 = tpu.memref_squeeze %dma_wait3A_769 : memref<1x!tpu.dma_semaphore, #tpu.memory_space<semaphore_mem>> -> memref<!tpu.dma_semaphore, #tpu.memory_space<semaphore_mem>>
        %dma_wait3A_771 = arith.constant 0 : i32
        %dma_wait3A_772 = tpu.memref_slice %arg7[%add3A_760, %dma_wait3A_771] : memref<8192x768xf32, #tpu.memory_space<hbm>> -> memref<16x768xf32, #tpu.memory_space<hbm>>
        %dma_wait3A_773 = arith.constant 0 : i32
        %dma_wait3A_774 = arith.constant 0 : i32
        %dma_wait3A_775 = tpu.memref_slice %arg12[%rem3A_748, %dma_wait3A_773, %dma_wait3A_774] : memref<5x16x768xf32, #tpu.memory_space<vmem>> -> memref<1x16x768xf32, #tpu.memory_space<vmem>>
        %dma_wait3A_776 = tpu.memref_squeeze %dma_wait3A_775 : memref<1x16x768xf32, #tpu.memory_space<vmem>> -> memref<16x768xf32, #tpu.memory_space<vmem>>
        tpu.wait_dma2 semaphore(%dma_wait3A_770 : memref<!tpu.dma_semaphore, #tpu.memory_space<semaphore_mem>>) src(%dma_wait3A_776 : memref<16x768xf32, #tpu.memory_space<vmem>>) dst(%dma_wait3A_772 : memref<16x768xf32, #tpu.memory_space<hbm>>)
      } else {
      }
      %add3A_158 = arith.constant 3 : i32
      %add3A_159 = arith.addi %scan3A_133, %add3A_158 : i32
      %lt3A = arith.constant 16 : i32
      %lt3A_160 = arith.cmpi slt, %add3A_159, %lt3A : i32
      %convert_element_type3A_161 = arith.extui %lt3A_160 : i1 to i32
      %cond3A_162 = arith.constant 0 : i32
      %cond3A_163 = arith.cmpi ne, %convert_element_type3A_161, %cond3A_162 : i32
      scf.if %cond3A_163 {
        %add3A_745 = arith.constant 3 : i32
        %add3A_746 = arith.addi %scan3A_133, %add3A_745 : i32
        %rem3A_747 = arith.constant 5 : i32
        %rem3A_748 = arith.remsi %add3A_746, %rem3A_747 : i32
        %rem3A_749 = arith.constant 3 : i32
        %rem3A_750 = arith.remsi %add3A_746, %rem3A_749 : i32
        %dma_start3A_751 = arith.constant 0 : i32
        %dma_start3A_752 = arith.constant 0 : i32
        %dma_start3A_753 = tpu.memref_slice %arg12[%rem3A_748, %dma_start3A_751, %dma_start3A_752] : memref<5x16x768xf32, #tpu.memory_space<vmem>> -> memref<1x16x768xf32, #tpu.memory_space<vmem>>
        %dma_start3A_754 = tpu.memref_squeeze %dma_start3A_753 : memref<1x16x768xf32, #tpu.memory_space<vmem>> -> memref<16x768xf32, #tpu.memory_space<vmem>>
        %dma_start3A_755 = arith.constant 0 : i32
        %dma_start3A_756 = tpu.memref_slice %arg8[%add3A_746, %dma_start3A_755] : memref<16x16xi32, #tpu.memory_space<vmem>> -> memref<1x16xi32, #tpu.memory_space<vmem>>
        %dma_start3A_757 = tpu.memref_squeeze %dma_start3A_756 : memref<1x16xi32, #tpu.memory_space<vmem>> -> memref<16xi32, #tpu.memory_space<vmem>>
        %dma_start3A_758 = arith.constant 0 : i32
        %dma_start3A_759 = arith.constant 0 : i32
        %dma_start3A_760 = tpu.memref_slice %arg4[%dma_start3A_758, %dma_start3A_759] : memref<100000x768xf32, #tpu.memory_space<hbm>> -> memref<100000x768xf32, #tpu.memory_space<hbm>>
        %dma_start3A_761 = tpu.memref_slice %arg13[%rem3A_750] : memref<3x!tpu.dma_semaphore, #tpu.memory_space<semaphore_mem>> -> memref<1x!tpu.dma_semaphore, #tpu.memory_space<semaphore_mem>>
        %dma_start3A_762 = tpu.memref_squeeze %dma_start3A_761 : memref<1x!tpu.dma_semaphore, #tpu.memory_space<semaphore_mem>> -> memref<!tpu.dma_semaphore, #tpu.memory_space<semaphore_mem>>
        tpu.enqueue_indirect_dma source(%dma_start3A_760 : memref<100000x768xf32, #tpu.memory_space<hbm>>) target(%dma_start3A_754 : memref<16x768xf32, #tpu.memory_space<vmem>>) offsets(%dma_start3A_757 : memref<16xi32, #tpu.memory_space<vmem>>) semaphore(%dma_start3A_762 : memref<!tpu.dma_semaphore, #tpu.memory_space<semaphore_mem>>)
      } else {
      }
      %eq3A = arith.constant 0 : i32
      %eq3A_164 = arith.cmpi eq, %rem3A_139, %eq3A : i32
      %gt3A = arith.constant 0 : i32
      %gt3A_165 = arith.cmpi sgt, %div3A_137, %gt3A : i32
      %and3A = arith.andi %eq3A_164, %gt3A_165 : i1
      %convert_element_type3A_166 = arith.extui %and3A : i1 to i32
      %cond3A_167 = arith.constant 0 : i32
      %cond3A_168 = arith.cmpi ne, %convert_element_type3A_166, %cond3A_167 : i32
      scf.if %cond3A_168 {
        %mul3A_745 = arith.constant 64 : i32
        %mul3A_746 = arith.muli %add3A, %mul3A_745 : i32
        %mul3A_747 = arith.constant 16 : i32
        %mul3A_748 = arith.muli %div3A_137, %mul3A_747 : i32
        %add3A_749 = arith.addi %mul3A_746, %mul3A_748 : i32
        %rem3A_750 = arith.constant 2 : i32
        %rem3A_751 = arith.remsi %div3A_137, %rem3A_750 : i32
        %dma_wait3A_752 = arith.constant 0 : i32
        %dma_wait3A_753 = arith.constant 0 : i32
        %dma_wait3A_754 = tpu.memref_slice %arg11[%rem3A_751, %dma_wait3A_752, %dma_wait3A_753] : memref<2x16x768xf32, #tpu.memory_space<vmem>> -> memref<1x16x768xf32, #tpu.memory_space<vmem>>
        %dma_wait3A_755 = tpu.memref_squeeze %dma_wait3A_754 : memref<1x16x768xf32, #tpu.memory_space<vmem>> -> memref<16x768xf32, #tpu.memory_space<vmem>>
        %dma_wait3A_756 = arith.constant 0 : i32
        %dma_wait3A_757 = tpu.memref_slice %arg5[%add3A_749, %dma_wait3A_756] : memref<2048x768xf32, #tpu.memory_space<hbm>> -> memref<16x768xf32, #tpu.memory_space<hbm>>
        %dma_wait3A_758 = arith.constant 0 : i32
        %dma_wait3A_759 = arith.constant 0 : i32
        %dma_wait3A_760 = tpu.memref_slice %arg11[%rem3A_751, %dma_wait3A_758, %dma_wait3A_759] : memref<2x16x768xf32, #tpu.memory_space<vmem>> -> memref<1x16x768xf32, #tpu.memory_space<vmem>>
        %dma_wait3A_761 = tpu.memref_squeeze %dma_wait3A_760 : memref<1x16x768xf32, #tpu.memory_space<vmem>> -> memref<16x768xf32, #tpu.memory_space<vmem>>
        %dma_wait3A_762 = arith.constant 0 : i32
        %dma_wait3A_763 = tpu.memref_slice %arg5[%add3A_749, %dma_wait3A_762] : memref<2048x768xf32, #tpu.memory_space<hbm>> -> memref<16x768xf32, #tpu.memory_space<hbm>>
        tpu.wait_dma2 semaphore(%arg15 : memref<!tpu.dma_semaphore, #tpu.memory_space<semaphore_mem>>) src(%dma_wait3A_763 : memref<16x768xf32, #tpu.memory_space<hbm>>) dst(%dma_wait3A_761 : memref<16x768xf32, #tpu.memory_space<vmem>>)
      } else {
      }
      %eq3A_169 = arith.constant 0 : i32
      %eq3A_170 = arith.cmpi eq, %rem3A_139, %eq3A_169 : i32
      %add3A_171 = arith.constant 1 : i32
      %add3A_172 = arith.addi %div3A_137, %add3A_171 : i32
      %lt3A_173 = arith.constant 4 : i32
      %lt3A_174 = arith.cmpi slt, %add3A_172, %lt3A_173 : i32
      %and3A_175 = arith.andi %eq3A_170, %lt3A_174 : i1
      %convert_element_type3A_176 = arith.extui %and3A_175 : i1 to i32
      %cond3A_177 = arith.constant 0 : i32
      %cond3A_178 = arith.cmpi ne, %convert_element_type3A_176, %cond3A_177 : i32
      scf.if %cond3A_178 {
        %add3A_745 = arith.constant 1 : i32
        %add3A_746 = arith.addi %div3A_137, %add3A_745 : i32
        %mul3A_747 = arith.constant 64 : i32
        %mul3A_748 = arith.muli %add3A, %mul3A_747 : i32
        %mul3A_749 = arith.constant 16 : i32
        %mul3A_750 = arith.muli %add3A_746, %mul3A_749 : i32
        %add3A_751 = arith.addi %mul3A_748, %mul3A_750 : i32
        %rem3A_752 = arith.constant 2 : i32
        %rem3A_753 = arith.remsi %add3A_746, %rem3A_752 : i32
        %dma_start3A_754 = arith.constant 0 : i32
        %dma_start3A_755 = arith.constant 0 : i32
        %dma_start3A_756 = tpu.memref_slice %arg11[%rem3A_753, %dma_start3A_754, %dma_start3A_755] : memref<2x16x768xf32, #tpu.memory_space<vmem>> -> memref<1x16x768xf32, #tpu.memory_space<vmem>>
        %dma_start3A_757 = tpu.memref_squeeze %dma_start3A_756 : memref<1x16x768xf32, #tpu.memory_space<vmem>> -> memref<16x768xf32, #tpu.memory_space<vmem>>
        %dma_start3A_758 = arith.constant 0 : i32
        %dma_start3A_759 = tpu.memref_slice %arg5[%add3A_751, %dma_start3A_758] : memref<2048x768xf32, #tpu.memory_space<hbm>> -> memref<16x768xf32, #tpu.memory_space<hbm>>
        %dma_start3A_760 = arith.constant 0 : i32
        %dma_start3A_761 = arith.constant 0 : i32
        %dma_start3A_762 = tpu.memref_slice %arg11[%rem3A_753, %dma_start3A_760, %dma_start3A_761] : memref<2x16x768xf32, #tpu.memory_space<vmem>> -> memref<1x16x768xf32, #tpu.memory_space<vmem>>
        %dma_start3A_763 = tpu.memref_squeeze %dma_start3A_762 : memref<1x16x768xf32, #tpu.memory_space<vmem>> -> memref<16x768xf32, #tpu.memory_space<vmem>>
        %dma_start3A_764 = arith.constant 0 : i32
        %dma_start3A_765 = tpu.memref_slice %arg5[%add3A_751, %dma_start3A_764] : memref<2048x768xf32, #tpu.memory_space<hbm>> -> memref<16x768xf32, #tpu.memory_space<hbm>>
        tpu.enqueue_dma source(%dma_start3A_765 : memref<16x768xf32, #tpu.memory_space<hbm>>) target(%dma_start3A_763 : memref<16x768xf32, #tpu.memory_space<vmem>>) target_semaphore(%arg15 : memref<!tpu.dma_semaphore, #tpu.memory_space<semaphore_mem>>)
      } else {
      }
      %rem3A_179 = arith.constant 2 : i32
      %rem3A_180 = arith.remsi %div3A_137, %rem3A_179 : i32
      %get3A = arith.constant 0 : i32
      %get3A_181 = arith.index_cast %get3A : i32 to index
      %get3A_182 = arith.constant 0 : index
      %get3A_183 = tpu.vector_load %arg10[%get3A_181, %get3A_182] {strides = array<i32>} : memref<2x768xf32, #tpu.memory_space<vmem>>, vector<1x16xf32>,
      %get3A_184 = vector.shape_cast %get3A_183 : vector<1x16xf32> to vector<16xf32>
      %get3A_185 = arith.constant 0 : i32
      %get3A_186 = arith.index_cast %get3A_185 : i32 to index
      %get3A_187 = arith.constant 16 : index
      %get3A_188 = tpu.vector_load %arg10[%get3A_186, %get3A_187] {strides = array<i32>} : memref<2x768xf32, #tpu.memory_space<vmem>>, vector<1x16xf32>,
      %get3A_189 = vector.shape_cast %get3A_188 : vector<1x16xf32> to vector<16xf32>
      %get3A_190 = arith.constant 0 : i32
      %get3A_191 = arith.index_cast %get3A_190 : i32 to index
      %get3A_192 = arith.constant 32 : index
      %get3A_193 = tpu.vector_load %arg10[%get3A_191, %get3A_192] {strides = array<i32>} : memref<2x768xf32, #tpu.memory_space<vmem>>, vector<1x16xf32>,
      %get3A_194 = vector.shape_cast %get3A_193 : vector<1x16xf32> to vector<16xf32>
      %get3A_195 = arith.constant 0 : i32
      %get3A_196 = arith.index_cast %get3A_195 : i32 to index
      %get3A_197 = arith.constant 48 : index
      %get3A_198 = tpu.vector_load %arg10[%get3A_196, %get3A_197] {strides = array<i32>} : memref<2x768xf32, #tpu.memory_space<vmem>>, vector<1x16xf32>,
      %get3A_199 = vector.shape_cast %get3A_198 : vector<1x16xf32> to vector<16xf32>
      %get3A_200 = arith.constant 0 : i32
      %get3A_201 = arith.index_cast %get3A_200 : i32 to index
      %get3A_202 = arith.constant 64 : index
      %get3A_203 = tpu.vector_load %arg10[%get3A_201, %get3A_202] {strides = array<i32>} : memref<2x768xf32, #tpu.memory_space<vmem>>, vector<1x16xf32>,
      %get3A_204 = vector.shape_cast %get3A_203 : vector<1x16xf32> to vector<16xf32>
      %get3A_205 = arith.constant 0 : i32
      %get3A_206 = arith.index_cast %get3A_205 : i32 to index
      %get3A_207 = arith.constant 80 : index
      %get3A_208 = tpu.vector_load %arg10[%get3A_206, %get3A_207] {strides = array<i32>} : memref<2x768xf32, #tpu.memory_space<vmem>>, vector<1x16xf32>,
      %get3A_209 = vector.shape_cast %get3A_208 : vector<1x16xf32> to vector<16xf32>
      %get3A_210 = arith.constant 0 : i32
      %get3A_211 = arith.index_cast %get3A_210 : i32 to index
      %get3A_212 = arith.constant 96 : index
      %get3A_213 = tpu.vector_load %arg10[%get3A_211, %get3A_212] {strides = array<i32>} : memref<2x768xf32, #tpu.memory_space<vmem>>, vector<1x16xf32>,
      %get3A_214 = vector.shape_cast %get3A_213 : vector<1x16xf32> to vector<16xf32>
      %get3A_215 = arith.constant 0 : i32
      %get3A_216 = arith.index_cast %get3A_215 : i32 to index
      %get3A_217 = arith.constant 112 : index
      %get3A_218 = tpu.vector_load %arg10[%get3A_216, %get3A_217] {strides = array<i32>} : memref<2x768xf32, #tpu.memory_space<vmem>>, vector<1x16xf32>,
      %get3A_219 = vector.shape_cast %get3A_218 : vector<1x16xf32> to vector<16xf32>
      %get3A_220 = arith.constant 0 : i32
      %get3A_221 = arith.index_cast %get3A_220 : i32 to index
      %get3A_222 = arith.constant 128 : index
      %get3A_223 = tpu.vector_load %arg10[%get3A_221, %get3A_222] {strides = array<i32>} : memref<2x768xf32, #tpu.memory_space<vmem>>, vector<1x16xf32>,
      %get3A_224 = vector.shape_cast %get3A_223 : vector<1x16xf32> to vector<16xf32>
      %get3A_225 = arith.constant 0 : i32
      %get3A_226 = arith.index_cast %get3A_225 : i32 to index
      %get3A_227 = arith.constant 144 : index
      %get3A_228 = tpu.vector_load %arg10[%get3A_226, %get3A_227] {strides = array<i32>} : memref<2x768xf32, #tpu.memory_space<vmem>>, vector<1x16xf32>,
      %get3A_229 = vector.shape_cast %get3A_228 : vector<1x16xf32> to vector<16xf32>
      %get3A_230 = arith.constant 0 : i32
      %get3A_231 = arith.index_cast %get3A_230 : i32 to index
      %get3A_232 = arith.constant 160 : index
      %get3A_233 = tpu.vector_load %arg10[%get3A_231, %get3A_232] {strides = array<i32>} : memref<2x768xf32, #tpu.memory_space<vmem>>, vector<1x16xf32>,
      %get3A_234 = vector.shape_cast %get3A_233 : vector<1x16xf32> to vector<16xf32>
      %get3A_235 = arith.constant 0 : i32
      %get3A_236 = arith.index_cast %get3A_235 : i32 to index
      %get3A_237 = arith.constant 176 : index
      %get3A_238 = tpu.vector_load %arg10[%get3A_236, %get3A_237] {strides = array<i32>} : memref<2x768xf32, #tpu.memory_space<vmem>>, vector<1x16xf32>,
      %get3A_239 = vector.shape_cast %get3A_238 : vector<1x16xf32> to vector<16xf32>
      %get3A_240 = arith.constant 0 : i32
      %get3A_241 = arith.index_cast %get3A_240 : i32 to index
      %get3A_242 = arith.constant 192 : index
      %get3A_243 = tpu.vector_load %arg10[%get3A_241, %get3A_242] {strides = array<i32>} : memref<2x768xf32, #tpu.memory_space<vmem>>, vector<1x16xf32>,
      %get3A_244 = vector.shape_cast %get3A_243 : vector<1x16xf32> to vector<16xf32>
      %get3A_245 = arith.constant 0 : i32
      %get3A_246 = arith.index_cast %get3A_245 : i32 to index
      %get3A_247 = arith.constant 208 : index
      %get3A_248 = tpu.vector_load %arg10[%get3A_246, %get3A_247] {strides = array<i32>} : memref<2x768xf32, #tpu.memory_space<vmem>>, vector<1x16xf32>,
      %get3A_249 = vector.shape_cast %get3A_248 : vector<1x16xf32> to vector<16xf32>
      %get3A_250 = arith.constant 0 : i32
      %get3A_251 = arith.index_cast %get3A_250 : i32 to index
      %get3A_252 = arith.constant 224 : index
      %get3A_253 = tpu.vector_load %arg10[%get3A_251, %get3A_252] {strides = array<i32>} : memref<2x768xf32, #tpu.memory_space<vmem>>, vector<1x16xf32>,
      %get3A_254 = vector.shape_cast %get3A_253 : vector<1x16xf32> to vector<16xf32>
      %get3A_255 = arith.constant 0 : i32
      %get3A_256 = arith.index_cast %get3A_255 : i32 to index
      %get3A_257 = arith.constant 240 : index
      %get3A_258 = tpu.vector_load %arg10[%get3A_256, %get3A_257] {strides = array<i32>} : memref<2x768xf32, #tpu.memory_space<vmem>>, vector<1x16xf32>,
      %get3A_259 = vector.shape_cast %get3A_258 : vector<1x16xf32> to vector<16xf32>
      %get3A_260 = arith.constant 1 : i32
      %get3A_261 = arith.index_cast %get3A_260 : i32 to index
      %get3A_262 = arith.constant 0 : index
      %get3A_263 = tpu.vector_load %arg10[%get3A_261, %get3A_262] {strides = array<i32>} : memref<2x768xf32, #tpu.memory_space<vmem>>, vector<1x16xf32>,
      %get3A_264 = vector.shape_cast %get3A_263 : vector<1x16xf32> to vector<16xf32>
      %sub3A = arith.subf %get3A_264, %get3A_184 : vector<16xf32>
      %get3A_265 = arith.constant 1 : i32
      %get3A_266 = arith.index_cast %get3A_265 : i32 to index
      %get3A_267 = arith.constant 16 : index
      %get3A_268 = tpu.vector_load %arg10[%get3A_266, %get3A_267] {strides = array<i32>} : memref<2x768xf32, #tpu.memory_space<vmem>>, vector<1x16xf32>,
      %get3A_269 = vector.shape_cast %get3A_268 : vector<1x16xf32> to vector<16xf32>
      %sub3A_270 = arith.subf %get3A_269, %get3A_189 : vector<16xf32>
      %get3A_271 = arith.constant 1 : i32
      %get3A_272 = arith.index_cast %get3A_271 : i32 to index
      %get3A_273 = arith.constant 32 : index
      %get3A_274 = tpu.vector_load %arg10[%get3A_272, %get3A_273] {strides = array<i32>} : memref<2x768xf32, #tpu.memory_space<vmem>>, vector<1x16xf32>,
      %get3A_275 = vector.shape_cast %get3A_274 : vector<1x16xf32> to vector<16xf32>
      %sub3A_276 = arith.subf %get3A_275, %get3A_194 : vector<16xf32>
      %get3A_277 = arith.constant 1 : i32
      %get3A_278 = arith.index_cast %get3A_277 : i32 to index
      %get3A_279 = arith.constant 48 : index
      %get3A_280 = tpu.vector_load %arg10[%get3A_278, %get3A_279] {strides = array<i32>} : memref<2x768xf32, #tpu.memory_space<vmem>>, vector<1x16xf32>,
      %get3A_281 = vector.shape_cast %get3A_280 : vector<1x16xf32> to vector<16xf32>
      %sub3A_282 = arith.subf %get3A_281, %get3A_199 : vector<16xf32>
      %get3A_283 = arith.constant 1 : i32
      %get3A_284 = arith.index_cast %get3A_283 : i32 to index
      %get3A_285 = arith.constant 64 : index
      %get3A_286 = tpu.vector_load %arg10[%get3A_284, %get3A_285] {strides = array<i32>} : memref<2x768xf32, #tpu.memory_space<vmem>>, vector<1x16xf32>,
      %get3A_287 = vector.shape_cast %get3A_286 : vector<1x16xf32> to vector<16xf32>
      %sub3A_288 = arith.subf %get3A_287, %get3A_204 : vector<16xf32>
      %get3A_289 = arith.constant 1 : i32
      %get3A_290 = arith.index_cast %get3A_289 : i32 to index
      %get3A_291 = arith.constant 80 : index
      %get3A_292 = tpu.vector_load %arg10[%get3A_290, %get3A_291] {strides = array<i32>} : memref<2x768xf32, #tpu.memory_space<vmem>>, vector<1x16xf32>,
      %get3A_293 = vector.shape_cast %get3A_292 : vector<1x16xf32> to vector<16xf32>
      %sub3A_294 = arith.subf %get3A_293, %get3A_209 : vector<16xf32>
      %get3A_295 = arith.constant 1 : i32
      %get3A_296 = arith.index_cast %get3A_295 : i32 to index
      %get3A_297 = arith.constant 96 : index
      %get3A_298 = tpu.vector_load %arg10[%get3A_296, %get3A_297] {strides = array<i32>} : memref<2x768xf32, #tpu.memory_space<vmem>>, vector<1x16xf32>,
      %get3A_299 = vector.shape_cast %get3A_298 : vector<1x16xf32> to vector<16xf32>
      %sub3A_300 = arith.subf %get3A_299, %get3A_214 : vector<16xf32>
      %get3A_301 = arith.constant 1 : i32
      %get3A_302 = arith.index_cast %get3A_301 : i32 to index
      %get3A_303 = arith.constant 112 : index
      %get3A_304 = tpu.vector_load %arg10[%get3A_302, %get3A_303] {strides = array<i32>} : memref<2x768xf32, #tpu.memory_space<vmem>>, vector<1x16xf32>,
      %get3A_305 = vector.shape_cast %get3A_304 : vector<1x16xf32> to vector<16xf32>
      %sub3A_306 = arith.subf %get3A_305, %get3A_219 : vector<16xf32>
      %get3A_307 = arith.constant 1 : i32
      %get3A_308 = arith.index_cast %get3A_307 : i32 to index
      %get3A_309 = arith.constant 128 : index
      %get3A_310 = tpu.vector_load %arg10[%get3A_308, %get3A_309] {strides = array<i32>} : memref<2x768xf32, #tpu.memory_space<vmem>>, vector<1x16xf32>,
      %get3A_311 = vector.shape_cast %get3A_310 : vector<1x16xf32> to vector<16xf32>
      %sub3A_312 = arith.subf %get3A_311, %get3A_224 : vector<16xf32>
      %get3A_313 = arith.constant 1 : i32
      %get3A_314 = arith.index_cast %get3A_313 : i32 to index
      %get3A_315 = arith.constant 144 : index
      %get3A_316 = tpu.vector_load %arg10[%get3A_314, %get3A_315] {strides = array<i32>} : memref<2x768xf32, #tpu.memory_space<vmem>>, vector<1x16xf32>,
      %get3A_317 = vector.shape_cast %get3A_316 : vector<1x16xf32> to vector<16xf32>
      %sub3A_318 = arith.subf %get3A_317, %get3A_229 : vector<16xf32>
      %get3A_319 = arith.constant 1 : i32
      %get3A_320 = arith.index_cast %get3A_319 : i32 to index
      %get3A_321 = arith.constant 160 : index
      %get3A_322 = tpu.vector_load %arg10[%get3A_320, %get3A_321] {strides = array<i32>} : memref<2x768xf32, #tpu.memory_space<vmem>>, vector<1x16xf32>,
      %get3A_323 = vector.shape_cast %get3A_322 : vector<1x16xf32> to vector<16xf32>
      %sub3A_324 = arith.subf %get3A_323, %get3A_234 : vector<16xf32>
      %get3A_325 = arith.constant 1 : i32
      %get3A_326 = arith.index_cast %get3A_325 : i32 to index
      %get3A_327 = arith.constant 176 : index
      %get3A_328 = tpu.vector_load %arg10[%get3A_326, %get3A_327] {strides = array<i32>} : memref<2x768xf32, #tpu.memory_space<vmem>>, vector<1x16xf32>,
      %get3A_329 = vector.shape_cast %get3A_328 : vector<1x16xf32> to vector<16xf32>
      %sub3A_330 = arith.subf %get3A_329, %get3A_239 : vector<16xf32>
      %get3A_331 = arith.constant 1 : i32
      %get3A_332 = arith.index_cast %get3A_331 : i32 to index
      %get3A_333 = arith.constant 192 : index
      %get3A_334 = tpu.vector_load %arg10[%get3A_332, %get3A_333] {strides = array<i32>} : memref<2x768xf32, #tpu.memory_space<vmem>>, vector<1x16xf32>,
      %get3A_335 = vector.shape_cast %get3A_334 : vector<1x16xf32> to vector<16xf32>
      %sub3A_336 = arith.subf %get3A_335, %get3A_244 : vector<16xf32>
      %get3A_337 = arith.constant 1 : i32
      %get3A_338 = arith.index_cast %get3A_337 : i32 to index
      %get3A_339 = arith.constant 208 : index
      %get3A_340 = tpu.vector_load %arg10[%get3A_338, %get3A_339] {strides = array<i32>} : memref<2x768xf32, #tpu.memory_space<vmem>>, vector<1x16xf32>,
      %get3A_341 = vector.shape_cast %get3A_340 : vector<1x16xf32> to vector<16xf32>
      %sub3A_342 = arith.subf %get3A_341, %get3A_249 : vector<16xf32>
      %get3A_343 = arith.constant 1 : i32
      %get3A_344 = arith.index_cast %get3A_343 : i32 to index
      %get3A_345 = arith.constant 224 : index
      %get3A_346 = tpu.vector_load %arg10[%get3A_344, %get3A_345] {strides = array<i32>} : memref<2x768xf32, #tpu.memory_space<vmem>>, vector<1x16xf32>,
      %get3A_347 = vector.shape_cast %get3A_346 : vector<1x16xf32> to vector<16xf32>
      %sub3A_348 = arith.subf %get3A_347, %get3A_254 : vector<16xf32>
      %get3A_349 = arith.constant 1 : i32
      %get3A_350 = arith.index_cast %get3A_349 : i32 to index
      %get3A_351 = arith.constant 240 : index
      %get3A_352 = tpu.vector_load %arg10[%get3A_350, %get3A_351] {strides = array<i32>} : memref<2x768xf32, #tpu.memory_space<vmem>>, vector<1x16xf32>,
      %get3A_353 = vector.shape_cast %get3A_352 : vector<1x16xf32> to vector<16xf32>
      %sub3A_354 = arith.subf %get3A_353, %get3A_259 : vector<16xf32>
      %parallel_loop3A = arith.constant 0 : i32
      %parallel_loop3A_355 = arith.constant 16 : i32
      %parallel_loop3A_356 = arith.constant 1 : i32
      scf.for %parallel_loop3A_745 = %parallel_loop3A to %parallel_loop3A_355 step %parallel_loop3A_356  : i32 {
        %parallel_loop3A_746 = arith.index_cast %scan3A_133 : i32 to index
        %parallel_loop3A_747 = arith.index_cast %parallel_loop3A_745 : i32 to index
        %parallel_loop3A_748 = arith.constant 0 : index
        %parallel_loop3A_749 = tpu.vector_load %arg9[%parallel_loop3A_746, %parallel_loop3A_747, %parallel_loop3A_748] {strides = array<i32>} : memref<16x16x16xf32, #tpu.memory_space<vmem>>, vector<1x1x16xf32>,
        %parallel_loop3A_750 = vector.shape_cast %parallel_loop3A_749 : vector<1x1x16xf32> to vector<16xf32>
        %parallel_loop3A_751 = arith.index_cast %rem3A_180 : i32 to index
        %parallel_loop3A_752 = arith.index_cast %parallel_loop3A_745 : i32 to index
        %parallel_loop3A_753 = arith.constant 0 : index
        %parallel_loop3A_754 = tpu.vector_load %arg11[%parallel_loop3A_751, %parallel_loop3A_752, %parallel_loop3A_753] {strides = array<i32>} : memref<2x16x768xf32, #tpu.memory_space<vmem>>, vector<1x1x16xf32>,
        %parallel_loop3A_755 = vector.shape_cast %parallel_loop3A_754 : vector<1x1x16xf32> to vector<16xf32>
        %parallel_loop3A_756 = arith.addf %parallel_loop3A_755, %get3A_184 : vector<16xf32>
        %parallel_loop3A_757 = arith.mulf %parallel_loop3A_750, %sub3A : vector<16xf32>
        %parallel_loop3A_758 = arith.addf %parallel_loop3A_756, %parallel_loop3A_757 : vector<16xf32>
        %parallel_loop3A_759 = arith.index_cast %rem3A_135 : i32 to index
        %parallel_loop3A_760 = arith.index_cast %parallel_loop3A_745 : i32 to index
        %parallel_loop3A_761 = arith.constant 0 : index
        %parallel_loop3A_762 = tpu.vector_load %arg12[%parallel_loop3A_759, %parallel_loop3A_760, %parallel_loop3A_761] {strides = array<i32>} : memref<5x16x768xf32, #tpu.memory_space<vmem>>, vector<1x1x16xf32>,
        %parallel_loop3A_763 = vector.shape_cast %parallel_loop3A_762 : vector<1x1x16xf32> to vector<16xf32>
        %parallel_loop3A_764 = vector.shape_cast %parallel_loop3A_758 : vector<16xf32> to vector<1x1x16xf32>
        tpu.vector_store %arg12[%parallel_loop3A_759, %parallel_loop3A_760, %parallel_loop3A_761], %parallel_loop3A_764 {add = true, strides = array<i32>} : memref<5x16x768xf32, #tpu.memory_space<vmem>>, vector<1x1x16xf32>,
        %parallel_loop3A_765 = arith.index_cast %rem3A_180 : i32 to index
        %parallel_loop3A_766 = arith.index_cast %parallel_loop3A_745 : i32 to index
        %parallel_loop3A_767 = arith.constant 16 : index
        %parallel_loop3A_768 = tpu.vector_load %arg11[%parallel_loop3A_765, %parallel_loop3A_766, %parallel_loop3A_767] {strides = array<i32>} : memref<2x16x768xf32, #tpu.memory_space<vmem>>, vector<1x1x16xf32>,
        %parallel_loop3A_769 = vector.shape_cast %parallel_loop3A_768 : vector<1x1x16xf32> to vector<16xf32>
        %parallel_loop3A_770 = arith.addf %parallel_loop3A_769, %get3A_189 : vector<16xf32>
        %parallel_loop3A_771 = arith.mulf %parallel_loop3A_750, %sub3A_270 : vector<16xf32>
        %parallel_loop3A_772 = arith.addf %parallel_loop3A_770, %parallel_loop3A_771 : vector<16xf32>
        %parallel_loop3A_773 = arith.index_cast %rem3A_135 : i32 to index
        %parallel_loop3A_774 = arith.index_cast %parallel_loop3A_745 : i32 to index
        %parallel_loop3A_775 = arith.constant 16 : index
        %parallel_loop3A_776 = tpu.vector_load %arg12[%parallel_loop3A_773, %parallel_loop3A_774, %parallel_loop3A_775] {strides = array<i32>} : memref<5x16x768xf32, #tpu.memory_space<vmem>>, vector<1x1x16xf32>,
        %parallel_loop3A_777 = vector.shape_cast %parallel_loop3A_776 : vector<1x1x16xf32> to vector<16xf32>
        %parallel_loop3A_778 = vector.shape_cast %parallel_loop3A_772 : vector<16xf32> to vector<1x1x16xf32>
        tpu.vector_store %arg12[%parallel_loop3A_773, %parallel_loop3A_774, %parallel_loop3A_775], %parallel_loop3A_778 {add = true, strides = array<i32>} : memref<5x16x768xf32, #tpu.memory_space<vmem>>, vector<1x1x16xf32>,
        %parallel_loop3A_779 = arith.index_cast %rem3A_180 : i32 to index
        %parallel_loop3A_780 = arith.index_cast %parallel_loop3A_745 : i32 to index
        %parallel_loop3A_781 = arith.constant 32 : index
        %parallel_loop3A_782 = tpu.vector_load %arg11[%parallel_loop3A_779, %parallel_loop3A_780, %parallel_loop3A_781] {strides = array<i32>} : memref<2x16x768xf32, #tpu.memory_space<vmem>>, vector<1x1x16xf32>,
        %parallel_loop3A_783 = vector.shape_cast %parallel_loop3A_782 : vector<1x1x16xf32> to vector<16xf32>
        %parallel_loop3A_784 = arith.addf %parallel_loop3A_783, %get3A_194 : vector<16xf32>
        %parallel_loop3A_785 = arith.mulf %parallel_loop3A_750, %sub3A_276 : vector<16xf32>
        %parallel_loop3A_786 = arith.addf %parallel_loop3A_784, %parallel_loop3A_785 : vector<16xf32>
        %parallel_loop3A_787 = arith.index_cast %rem3A_135 : i32 to index
        %parallel_loop3A_788 = arith.index_cast %parallel_loop3A_745 : i32 to index
        %parallel_loop3A_789 = arith.constant 32 : index
        %parallel_loop3A_790 = tpu.vector_load %arg12[%parallel_loop3A_787, %parallel_loop3A_788, %parallel_loop3A_789] {strides = array<i32>} : memref<5x16x768xf32, #tpu.memory_space<vmem>>, vector<1x1x16xf32>,
        %parallel_loop3A_791 = vector.shape_cast %parallel_loop3A_790 : vector<1x1x16xf32> to vector<16xf32>
        %parallel_loop3A_792 = vector.shape_cast %parallel_loop3A_786 : vector<16xf32> to vector<1x1x16xf32>
        tpu.vector_store %arg12[%parallel_loop3A_787, %parallel_loop3A_788, %parallel_loop3A_789], %parallel_loop3A_792 {add = true, strides = array<i32>} : memref<5x16x768xf32, #tpu.memory_space<vmem>>, vector<1x1x16xf32>,
        %parallel_loop3A_793 = arith.index_cast %rem3A_180 : i32 to index
        %parallel_loop3A_794 = arith.index_cast %parallel_loop3A_745 : i32 to index
        %parallel_loop3A_795 = arith.constant 48 : index
        %parallel_loop3A_796 = tpu.vector_load %arg11[%parallel_loop3A_793, %parallel_loop3A_794, %parallel_loop3A_795] {strides = array<i32>} : memref<2x16x768xf32, #tpu.memory_space<vmem>>, vector<1x1x16xf32>,
        %parallel_loop3A_797 = vector.shape_cast %parallel_loop3A_796 : vector<1x1x16xf32> to vector<16xf32>
        %parallel_loop3A_798 = arith.addf %parallel_loop3A_797, %get3A_199 : vector<16xf32>
        %parallel_loop3A_799 = arith.mulf %parallel_loop3A_750, %sub3A_282 : vector<16xf32>
        %parallel_loop3A_800 = arith.addf %parallel_loop3A_798, %parallel_loop3A_799 : vector<16xf32>
        %parallel_loop3A_801 = arith.index_cast %rem3A_135 : i32 to index
        %parallel_loop3A_802 = arith.index_cast %parallel_loop3A_745 : i32 to index
        %parallel_loop3A_803 = arith.constant 48 : index
        %parallel_loop3A_804 = tpu.vector_load %arg12[%parallel_loop3A_801, %parallel_loop3A_802, %parallel_loop3A_803] {strides = array<i32>} : memref<5x16x768xf32, #tpu.memory_space<vmem>>, vector<1x1x16xf32>,
        %parallel_loop3A_805 = vector.shape_cast %parallel_loop3A_804 : vector<1x1x16xf32> to vector<16xf32>
        %parallel_loop3A_806 = vector.shape_cast %parallel_loop3A_800 : vector<16xf32> to vector<1x1x16xf32>
        tpu.vector_store %arg12[%parallel_loop3A_801, %parallel_loop3A_802, %parallel_loop3A_803], %parallel_loop3A_806 {add = true, strides = array<i32>} : memref<5x16x768xf32, #tpu.memory_space<vmem>>, vector<1x1x16xf32>,
        %parallel_loop3A_807 = arith.index_cast %rem3A_180 : i32 to index
        %parallel_loop3A_808 = arith.index_cast %parallel_loop3A_745 : i32 to index
        %parallel_loop3A_809 = arith.constant 64 : index
        %parallel_loop3A_810 = tpu.vector_load %arg11[%parallel_loop3A_807, %parallel_loop3A_808, %parallel_loop3A_809] {strides = array<i32>} : memref<2x16x768xf32, #tpu.memory_space<vmem>>, vector<1x1x16xf32>,
        %parallel_loop3A_811 = vector.shape_cast %parallel_loop3A_810 : vector<1x1x16xf32> to vector<16xf32>
        %parallel_loop3A_812 = arith.addf %parallel_loop3A_811, %get3A_204 : vector<16xf32>
        %parallel_loop3A_813 = arith.mulf %parallel_loop3A_750, %sub3A_288 : vector<16xf32>
        %parallel_loop3A_814 = arith.addf %parallel_loop3A_812, %parallel_loop3A_813 : vector<16xf32>
        %parallel_loop3A_815 = arith.index_cast %rem3A_135 : i32 to index
        %parallel_loop3A_816 = arith.index_cast %parallel_loop3A_745 : i32 to index
        %parallel_loop3A_817 = arith.constant 64 : index
        %parallel_loop3A_818 = tpu.vector_load %arg12[%parallel_loop3A_815, %parallel_loop3A_816, %parallel_loop3A_817] {strides = array<i32>} : memref<5x16x768xf32, #tpu.memory_space<vmem>>, vector<1x1x16xf32>,
        %parallel_loop3A_819 = vector.shape_cast %parallel_loop3A_818 : vector<1x1x16xf32> to vector<16xf32>
        %parallel_loop3A_820 = vector.shape_cast %parallel_loop3A_814 : vector<16xf32> to vector<1x1x16xf32>
        tpu.vector_store %arg12[%parallel_loop3A_815, %parallel_loop3A_816, %parallel_loop3A_817], %parallel_loop3A_820 {add = true, strides = array<i32>} : memref<5x16x768xf32, #tpu.memory_space<vmem>>, vector<1x1x16xf32>,
        %parallel_loop3A_821 = arith.index_cast %rem3A_180 : i32 to index
        %parallel_loop3A_822 = arith.index_cast %parallel_loop3A_745 : i32 to index
        %parallel_loop3A_823 = arith.constant 80 : index
        %parallel_loop3A_824 = tpu.vector_load %arg11[%parallel_loop3A_821, %parallel_loop3A_822, %parallel_loop3A_823] {strides = array<i32>} : memref<2x16x768xf32, #tpu.memory_space<vmem>>, vector<1x1x16xf32>,
        %parallel_loop3A_825 = vector.shape_cast %parallel_loop3A_824 : vector<1x1x16xf32> to vector<16xf32>
        %parallel_loop3A_826 = arith.addf %parallel_loop3A_825, %get3A_209 : vector<16xf32>
        %parallel_loop3A_827 = arith.mulf %parallel_loop3A_750, %sub3A_294 : vector<16xf32>
        %parallel_loop3A_828 = arith.addf %parallel_loop3A_826, %parallel_loop3A_827 : vector<16xf32>
        %parallel_loop3A_829 = arith.index_cast %rem3A_135 : i32 to index
        %parallel_loop3A_830 = arith.index_cast %parallel_loop3A_745 : i32 to index
        %parallel_loop3A_831 = arith.constant 80 : index
        %parallel_loop3A_832 = tpu.vector_load %arg12[%parallel_loop3A_829, %parallel_loop3A_830, %parallel_loop3A_831] {strides = array<i32>} : memref<5x16x768xf32, #tpu.memory_space<vmem>>, vector<1x1x16xf32>,
        %parallel_loop3A_833 = vector.shape_cast %parallel_loop3A_832 : vector<1x1x16xf32> to vector<16xf32>
        %parallel_loop3A_834 = vector.shape_cast %parallel_loop3A_828 : vector<16xf32> to vector<1x1x16xf32>
        tpu.vector_store %arg12[%parallel_loop3A_829, %parallel_loop3A_830, %parallel_loop3A_831], %parallel_loop3A_834 {add = true, strides = array<i32>} : memref<5x16x768xf32, #tpu.memory_space<vmem>>, vector<1x1x16xf32>,
        %parallel_loop3A_835 = arith.index_cast %rem3A_180 : i32 to index
        %parallel_loop3A_836 = arith.index_cast %parallel_loop3A_745 : i32 to index
        %parallel_loop3A_837 = arith.constant 96 : index
        %parallel_loop3A_838 = tpu.vector_load %arg11[%parallel_loop3A_835, %parallel_loop3A_836, %parallel_loop3A_837] {strides = array<i32>} : memref<2x16x768xf32, #tpu.memory_space<vmem>>, vector<1x1x16xf32>,
        %parallel_loop3A_839 = vector.shape_cast %parallel_loop3A_838 : vector<1x1x16xf32> to vector<16xf32>
        %parallel_loop3A_840 = arith.addf %parallel_loop3A_839, %get3A_214 : vector<16xf32>
        %parallel_loop3A_841 = arith.mulf %parallel_loop3A_750, %sub3A_300 : vector<16xf32>
        %parallel_loop3A_842 = arith.addf %parallel_loop3A_840, %parallel_loop3A_841 : vector<16xf32>
        %parallel_loop3A_843 = arith.index_cast %rem3A_135 : i32 to index
        %parallel_loop3A_844 = arith.index_cast %parallel_loop3A_745 : i32 to index
        %parallel_loop3A_845 = arith.constant 96 : index
        %parallel_loop3A_846 = tpu.vector_load %arg12[%parallel_loop3A_843, %parallel_loop3A_844, %parallel_loop3A_845] {strides = array<i32>} : memref<5x16x768xf32, #tpu.memory_space<vmem>>, vector<1x1x16xf32>,
        %parallel_loop3A_847 = vector.shape_cast %parallel_loop3A_846 : vector<1x1x16xf32> to vector<16xf32>
        %parallel_loop3A_848 = vector.shape_cast %parallel_loop3A_842 : vector<16xf32> to vector<1x1x16xf32>
        tpu.vector_store %arg12[%parallel_loop3A_843, %parallel_loop3A_844, %parallel_loop3A_845], %parallel_loop3A_848 {add = true, strides = array<i32>} : memref<5x16x768xf32, #tpu.memory_space<vmem>>, vector<1x1x16xf32>,
        %parallel_loop3A_849 = arith.index_cast %rem3A_180 : i32 to index
        %parallel_loop3A_850 = arith.index_cast %parallel_loop3A_745 : i32 to index
        %parallel_loop3A_851 = arith.constant 112 : index
        %parallel_loop3A_852 = tpu.vector_load %arg11[%parallel_loop3A_849, %parallel_loop3A_850, %parallel_loop3A_851] {strides = array<i32>} : memref<2x16x768xf32, #tpu.memory_space<vmem>>, vector<1x1x16xf32>,
        %parallel_loop3A_853 = vector.shape_cast %parallel_loop3A_852 : vector<1x1x16xf32> to vector<16xf32>
        %parallel_loop3A_854 = arith.addf %parallel_loop3A_853, %get3A_219 : vector<16xf32>
        %parallel_loop3A_855 = arith.mulf %parallel_loop3A_750, %sub3A_306 : vector<16xf32>
        %parallel_loop3A_856 = arith.addf %parallel_loop3A_854, %parallel_loop3A_855 : vector<16xf32>
        %parallel_loop3A_857 = arith.index_cast %rem3A_135 : i32 to index
        %parallel_loop3A_858 = arith.index_cast %parallel_loop3A_745 : i32 to index
        %parallel_loop3A_859 = arith.constant 112 : index
        %parallel_loop3A_860 = tpu.vector_load %arg12[%parallel_loop3A_857, %parallel_loop3A_858, %parallel_loop3A_859] {strides = array<i32>} : memref<5x16x768xf32, #tpu.memory_space<vmem>>, vector<1x1x16xf32>,
        %parallel_loop3A_861 = vector.shape_cast %parallel_loop3A_860 : vector<1x1x16xf32> to vector<16xf32>
        %parallel_loop3A_862 = vector.shape_cast %parallel_loop3A_856 : vector<16xf32> to vector<1x1x16xf32>
        tpu.vector_store %arg12[%parallel_loop3A_857, %parallel_loop3A_858, %parallel_loop3A_859], %parallel_loop3A_862 {add = true, strides = array<i32>} : memref<5x16x768xf32, #tpu.memory_space<vmem>>, vector<1x1x16xf32>,
        %parallel_loop3A_863 = arith.index_cast %rem3A_180 : i32 to index
        %parallel_loop3A_864 = arith.index_cast %parallel_loop3A_745 : i32 to index
        %parallel_loop3A_865 = arith.constant 128 : index
        %parallel_loop3A_866 = tpu.vector_load %arg11[%parallel_loop3A_863, %parallel_loop3A_864, %parallel_loop3A_865] {strides = array<i32>} : memref<2x16x768xf32, #tpu.memory_space<vmem>>, vector<1x1x16xf32>,
        %parallel_loop3A_867 = vector.shape_cast %parallel_loop3A_866 : vector<1x1x16xf32> to vector<16xf32>
        %parallel_loop3A_868 = arith.addf %parallel_loop3A_867, %get3A_224 : vector<16xf32>
        %parallel_loop3A_869 = arith.mulf %parallel_loop3A_750, %sub3A_312 : vector<16xf32>
        %parallel_loop3A_870 = arith.addf %parallel_loop3A_868, %parallel_loop3A_869 : vector<16xf32>
        %parallel_loop3A_871 = arith.index_cast %rem3A_135 : i32 to index
        %parallel_loop3A_872 = arith.index_cast %parallel_loop3A_745 : i32 to index
        %parallel_loop3A_873 = arith.constant 128 : index
        %parallel_loop3A_874 = tpu.vector_load %arg12[%parallel_loop3A_871, %parallel_loop3A_872, %parallel_loop3A_873] {strides = array<i32>} : memref<5x16x768xf32, #tpu.memory_space<vmem>>, vector<1x1x16xf32>,
        %parallel_loop3A_875 = vector.shape_cast %parallel_loop3A_874 : vector<1x1x16xf32> to vector<16xf32>
        %parallel_loop3A_876 = vector.shape_cast %parallel_loop3A_870 : vector<16xf32> to vector<1x1x16xf32>
        tpu.vector_store %arg12[%parallel_loop3A_871, %parallel_loop3A_872, %parallel_loop3A_873], %parallel_loop3A_876 {add = true, strides = array<i32>} : memref<5x16x768xf32, #tpu.memory_space<vmem>>, vector<1x1x16xf32>,
        %parallel_loop3A_877 = arith.index_cast %rem3A_180 : i32 to index
        %parallel_loop3A_878 = arith.index_cast %parallel_loop3A_745 : i32 to index
        %parallel_loop3A_879 = arith.constant 144 : index
        %parallel_loop3A_880 = tpu.vector_load %arg11[%parallel_loop3A_877, %parallel_loop3A_878, %parallel_loop3A_879] {strides = array<i32>} : memref<2x16x768xf32, #tpu.memory_space<vmem>>, vector<1x1x16xf32>,
        %parallel_loop3A_881 = vector.shape_cast %parallel_loop3A_880 : vector<1x1x16xf32> to vector<16xf32>
        %parallel_loop3A_882 = arith.addf %parallel_loop3A_881, %get3A_229 : vector<16xf32>
        %parallel_loop3A_883 = arith.mulf %parallel_loop3A_750, %sub3A_318 : vector<16xf32>
        %parallel_loop3A_884 = arith.addf %parallel_loop3A_882, %parallel_loop3A_883 : vector<16xf32>
        %parallel_loop3A_885 = arith.index_cast %rem3A_135 : i32 to index
        %parallel_loop3A_886 = arith.index_cast %parallel_loop3A_745 : i32 to index
        %parallel_loop3A_887 = arith.constant 144 : index
        %parallel_loop3A_888 = tpu.vector_load %arg12[%parallel_loop3A_885, %parallel_loop3A_886, %parallel_loop3A_887] {strides = array<i32>} : memref<5x16x768xf32, #tpu.memory_space<vmem>>, vector<1x1x16xf32>,
        %parallel_loop3A_889 = vector.shape_cast %parallel_loop3A_888 : vector<1x1x16xf32> to vector<16xf32>
        %parallel_loop3A_890 = vector.shape_cast %parallel_loop3A_884 : vector<16xf32> to vector<1x1x16xf32>
        tpu.vector_store %arg12[%parallel_loop3A_885, %parallel_loop3A_886, %parallel_loop3A_887], %parallel_loop3A_890 {add = true, strides = array<i32>} : memref<5x16x768xf32, #tpu.memory_space<vmem>>, vector<1x1x16xf32>,
        %parallel_loop3A_891 = arith.index_cast %rem3A_180 : i32 to index
        %parallel_loop3A_892 = arith.index_cast %parallel_loop3A_745 : i32 to index
        %parallel_loop3A_893 = arith.constant 160 : index
        %parallel_loop3A_894 = tpu.vector_load %arg11[%parallel_loop3A_891, %parallel_loop3A_892, %parallel_loop3A_893] {strides = array<i32>} : memref<2x16x768xf32, #tpu.memory_space<vmem>>, vector<1x1x16xf32>,
        %parallel_loop3A_895 = vector.shape_cast %parallel_loop3A_894 : vector<1x1x16xf32> to vector<16xf32>
        %parallel_loop3A_896 = arith.addf %parallel_loop3A_895, %get3A_234 : vector<16xf32>
        %parallel_loop3A_897 = arith.mulf %parallel_loop3A_750, %sub3A_324 : vector<16xf32>
        %parallel_loop3A_898 = arith.addf %parallel_loop3A_896, %parallel_loop3A_897 : vector<16xf32>
        %parallel_loop3A_899 = arith.index_cast %rem3A_135 : i32 to index
        %parallel_loop3A_900 = arith.index_cast %parallel_loop3A_745 : i32 to index
        %parallel_loop3A_901 = arith.constant 160 : index
        %parallel_loop3A_902 = tpu.vector_load %arg12[%parallel_loop3A_899, %parallel_loop3A_900, %parallel_loop3A_901] {strides = array<i32>} : memref<5x16x768xf32, #tpu.memory_space<vmem>>, vector<1x1x16xf32>,
        %parallel_loop3A_903 = vector.shape_cast %parallel_loop3A_902 : vector<1x1x16xf32> to vector<16xf32>
        %parallel_loop3A_904 = vector.shape_cast %parallel_loop3A_898 : vector<16xf32> to vector<1x1x16xf32>
        tpu.vector_store %arg12[%parallel_loop3A_899, %parallel_loop3A_900, %parallel_loop3A_901], %parallel_loop3A_904 {add = true, strides = array<i32>} : memref<5x16x768xf32, #tpu.memory_space<vmem>>, vector<1x1x16xf32>,
        %parallel_loop3A_905 = arith.index_cast %rem3A_180 : i32 to index
        %parallel_loop3A_906 = arith.index_cast %parallel_loop3A_745 : i32 to index
        %parallel_loop3A_907 = arith.constant 176 : index
        %parallel_loop3A_908 = tpu.vector_load %arg11[%parallel_loop3A_905, %parallel_loop3A_906, %parallel_loop3A_907] {strides = array<i32>} : memref<2x16x768xf32, #tpu.memory_space<vmem>>, vector<1x1x16xf32>,
        %parallel_loop3A_909 = vector.shape_cast %parallel_loop3A_908 : vector<1x1x16xf32> to vector<16xf32>
        %parallel_loop3A_910 = arith.addf %parallel_loop3A_909, %get3A_239 : vector<16xf32>
        %parallel_loop3A_911 = arith.mulf %parallel_loop3A_750, %sub3A_330 : vector<16xf32>
        %parallel_loop3A_912 = arith.addf %parallel_loop3A_910, %parallel_loop3A_911 : vector<16xf32>
        %parallel_loop3A_913 = arith.index_cast %rem3A_135 : i32 to index
        %parallel_loop3A_914 = arith.index_cast %parallel_loop3A_745 : i32 to index
        %parallel_loop3A_915 = arith.constant 176 : index
        %parallel_loop3A_916 = tpu.vector_load %arg12[%parallel_loop3A_913, %parallel_loop3A_914, %parallel_loop3A_915] {strides = array<i32>} : memref<5x16x768xf32, #tpu.memory_space<vmem>>, vector<1x1x16xf32>,
        %parallel_loop3A_917 = vector.shape_cast %parallel_loop3A_916 : vector<1x1x16xf32> to vector<16xf32>
        %parallel_loop3A_918 = vector.shape_cast %parallel_loop3A_912 : vector<16xf32> to vector<1x1x16xf32>
        tpu.vector_store %arg12[%parallel_loop3A_913, %parallel_loop3A_914, %parallel_loop3A_915], %parallel_loop3A_918 {add = true, strides = array<i32>} : memref<5x16x768xf32, #tpu.memory_space<vmem>>, vector<1x1x16xf32>,
        %parallel_loop3A_919 = arith.index_cast %rem3A_180 : i32 to index
        %parallel_loop3A_920 = arith.index_cast %parallel_loop3A_745 : i32 to index
        %parallel_loop3A_921 = arith.constant 192 : index
        %parallel_loop3A_922 = tpu.vector_load %arg11[%parallel_loop3A_919, %parallel_loop3A_920, %parallel_loop3A_921] {strides = array<i32>} : memref<2x16x768xf32, #tpu.memory_space<vmem>>, vector<1x1x16xf32>,
        %parallel_loop3A_923 = vector.shape_cast %parallel_loop3A_922 : vector<1x1x16xf32> to vector<16xf32>
        %parallel_loop3A_924 = arith.addf %parallel_loop3A_923, %get3A_244 : vector<16xf32>
        %parallel_loop3A_925 = arith.mulf %parallel_loop3A_750, %sub3A_336 : vector<16xf32>
        %parallel_loop3A_926 = arith.addf %parallel_loop3A_924, %parallel_loop3A_925 : vector<16xf32>
        %parallel_loop3A_927 = arith.index_cast %rem3A_135 : i32 to index
        %parallel_loop3A_928 = arith.index_cast %parallel_loop3A_745 : i32 to index
        %parallel_loop3A_929 = arith.constant 192 : index
        %parallel_loop3A_930 = tpu.vector_load %arg12[%parallel_loop3A_927, %parallel_loop3A_928, %parallel_loop3A_929] {strides = array<i32>} : memref<5x16x768xf32, #tpu.memory_space<vmem>>, vector<1x1x16xf32>,
        %parallel_loop3A_931 = vector.shape_cast %parallel_loop3A_930 : vector<1x1x16xf32> to vector<16xf32>
        %parallel_loop3A_932 = vector.shape_cast %parallel_loop3A_926 : vector<16xf32> to vector<1x1x16xf32>
        tpu.vector_store %arg12[%parallel_loop3A_927, %parallel_loop3A_928, %parallel_loop3A_929], %parallel_loop3A_932 {add = true, strides = array<i32>} : memref<5x16x768xf32, #tpu.memory_space<vmem>>, vector<1x1x16xf32>,
        %parallel_loop3A_933 = arith.index_cast %rem3A_180 : i32 to index
        %parallel_loop3A_934 = arith.index_cast %parallel_loop3A_745 : i32 to index
        %parallel_loop3A_935 = arith.constant 208 : index
        %parallel_loop3A_936 = tpu.vector_load %arg11[%parallel_loop3A_933, %parallel_loop3A_934, %parallel_loop3A_935] {strides = array<i32>} : memref<2x16x768xf32, #tpu.memory_space<vmem>>, vector<1x1x16xf32>,
        %parallel_loop3A_937 = vector.shape_cast %parallel_loop3A_936 : vector<1x1x16xf32> to vector<16xf32>
        %parallel_loop3A_938 = arith.addf %parallel_loop3A_937, %get3A_249 : vector<16xf32>
        %parallel_loop3A_939 = arith.mulf %parallel_loop3A_750, %sub3A_342 : vector<16xf32>
        %parallel_loop3A_940 = arith.addf %parallel_loop3A_938, %parallel_loop3A_939 : vector<16xf32>
        %parallel_loop3A_941 = arith.index_cast %rem3A_135 : i32 to index
        %parallel_loop3A_942 = arith.index_cast %parallel_loop3A_745 : i32 to index
        %parallel_loop3A_943 = arith.constant 208 : index
        %parallel_loop3A_944 = tpu.vector_load %arg12[%parallel_loop3A_941, %parallel_loop3A_942, %parallel_loop3A_943] {strides = array<i32>} : memref<5x16x768xf32, #tpu.memory_space<vmem>>, vector<1x1x16xf32>,
        %parallel_loop3A_945 = vector.shape_cast %parallel_loop3A_944 : vector<1x1x16xf32> to vector<16xf32>
        %parallel_loop3A_946 = vector.shape_cast %parallel_loop3A_940 : vector<16xf32> to vector<1x1x16xf32>
        tpu.vector_store %arg12[%parallel_loop3A_941, %parallel_loop3A_942, %parallel_loop3A_943], %parallel_loop3A_946 {add = true, strides = array<i32>} : memref<5x16x768xf32, #tpu.memory_space<vmem>>, vector<1x1x16xf32>,
        %parallel_loop3A_947 = arith.index_cast %rem3A_180 : i32 to index
        %parallel_loop3A_948 = arith.index_cast %parallel_loop3A_745 : i32 to index
        %parallel_loop3A_949 = arith.constant 224 : index
        %parallel_loop3A_950 = tpu.vector_load %arg11[%parallel_loop3A_947, %parallel_loop3A_948, %parallel_loop3A_949] {strides = array<i32>} : memref<2x16x768xf32, #tpu.memory_space<vmem>>, vector<1x1x16xf32>,
        %parallel_loop3A_951 = vector.shape_cast %parallel_loop3A_950 : vector<1x1x16xf32> to vector<16xf32>
        %parallel_loop3A_952 = arith.addf %parallel_loop3A_951, %get3A_254 : vector<16xf32>
        %parallel_loop3A_953 = arith.mulf %parallel_loop3A_750, %sub3A_348 : vector<16xf32>
        %parallel_loop3A_954 = arith.addf %parallel_loop3A_952, %parallel_loop3A_953 : vector<16xf32>
        %parallel_loop3A_955 = arith.index_cast %rem3A_135 : i32 to index
        %parallel_loop3A_956 = arith.index_cast %parallel_loop3A_745 : i32 to index
        %parallel_loop3A_957 = arith.constant 224 : index
        %parallel_loop3A_958 = tpu.vector_load %arg12[%parallel_loop3A_955, %parallel_loop3A_956, %parallel_loop3A_957] {strides = array<i32>} : memref<5x16x768xf32, #tpu.memory_space<vmem>>, vector<1x1x16xf32>,
        %parallel_loop3A_959 = vector.shape_cast %parallel_loop3A_958 : vector<1x1x16xf32> to vector<16xf32>
        %parallel_loop3A_960 = vector.shape_cast %parallel_loop3A_954 : vector<16xf32> to vector<1x1x16xf32>
        tpu.vector_store %arg12[%parallel_loop3A_955, %parallel_loop3A_956, %parallel_loop3A_957], %parallel_loop3A_960 {add = true, strides = array<i32>} : memref<5x16x768xf32, #tpu.memory_space<vmem>>, vector<1x1x16xf32>,
        %parallel_loop3A_961 = arith.index_cast %rem3A_180 : i32 to index
        %parallel_loop3A_962 = arith.index_cast %parallel_loop3A_745 : i32 to index
        %parallel_loop3A_963 = arith.constant 240 : index
        %parallel_loop3A_964 = tpu.vector_load %arg11[%parallel_loop3A_961, %parallel_loop3A_962, %parallel_loop3A_963] {strides = array<i32>} : memref<2x16x768xf32, #tpu.memory_space<vmem>>, vector<1x1x16xf32>,
        %parallel_loop3A_965 = vector.shape_cast %parallel_loop3A_964 : vector<1x1x16xf32> to vector<16xf32>
        %parallel_loop3A_966 = arith.addf %parallel_loop3A_965, %get3A_259 : vector<16xf32>
        %parallel_loop3A_967 = arith.mulf %parallel_loop3A_750, %sub3A_354 : vector<16xf32>
        %parallel_loop3A_968 = arith.addf %parallel_loop3A_966, %parallel_loop3A_967 : vector<16xf32>
        %parallel_loop3A_969 = arith.index_cast %rem3A_135 : i32 to index
        %parallel_loop3A_970 = arith.index_cast %parallel_loop3A_745 : i32 to index
        %parallel_loop3A_971 = arith.constant 240 : index
        %parallel_loop3A_972 = tpu.vector_load %arg12[%parallel_loop3A_969, %parallel_loop3A_970, %parallel_loop3A_971] {strides = array<i32>} : memref<5x16x768xf32, #tpu.memory_space<vmem>>, vector<1x1x16xf32>,
        %parallel_loop3A_973 = vector.shape_cast %parallel_loop3A_972 : vector<1x1x16xf32> to vector<16xf32>
        %parallel_loop3A_974 = vector.shape_cast %parallel_loop3A_968 : vector<16xf32> to vector<1x1x16xf32>
        tpu.vector_store %arg12[%parallel_loop3A_969, %parallel_loop3A_970, %parallel_loop3A_971], %parallel_loop3A_974 {add = true, strides = array<i32>} : memref<5x16x768xf32, #tpu.memory_space<vmem>>, vector<1x1x16xf32>,
      } {sc.loop_unroll_factor = 4 : i64, sc.parallel_access}
      %get3A_357 = arith.constant 0 : i32
      %get3A_358 = arith.index_cast %get3A_357 : i32 to index
      %get3A_359 = arith.constant 256 : index
      %get3A_360 = tpu.vector_load %arg10[%get3A_358, %get3A_359] {strides = array<i32>} : memref<2x768xf32, #tpu.memory_space<vmem>>, vector<1x16xf32>,
      %get3A_361 = vector.shape_cast %get3A_360 : vector<1x16xf32> to vector<16xf32>
      %get3A_362 = arith.constant 0 : i32
      %get3A_363 = arith.index_cast %get3A_362 : i32 to index
      %get3A_364 = arith.constant 272 : index
      %get3A_365 = tpu.vector_load %arg10[%get3A_363, %get3A_364] {strides = array<i32>} : memref<2x768xf32, #tpu.memory_space<vmem>>, vector<1x16xf32>,
      %get3A_366 = vector.shape_cast %get3A_365 : vector<1x16xf32> to vector<16xf32>
      %get3A_367 = arith.constant 0 : i32
      %get3A_368 = arith.index_cast %get3A_367 : i32 to index
      %get3A_369 = arith.constant 288 : index
      %get3A_370 = tpu.vector_load %arg10[%get3A_368, %get3A_369] {strides = array<i32>} : memref<2x768xf32, #tpu.memory_space<vmem>>, vector<1x16xf32>,
      %get3A_371 = vector.shape_cast %get3A_370 : vector<1x16xf32> to vector<16xf32>
      %get3A_372 = arith.constant 0 : i32
      %get3A_373 = arith.index_cast %get3A_372 : i32 to index
      %get3A_374 = arith.constant 304 : index
      %get3A_375 = tpu.vector_load %arg10[%get3A_373, %get3A_374] {strides = array<i32>} : memref<2x768xf32, #tpu.memory_space<vmem>>, vector<1x16xf32>,
      %get3A_376 = vector.shape_cast %get3A_375 : vector<1x16xf32> to vector<16xf32>
      %get3A_377 = arith.constant 0 : i32
      %get3A_378 = arith.index_cast %get3A_377 : i32 to index
      %get3A_379 = arith.constant 320 : index
      %get3A_380 = tpu.vector_load %arg10[%get3A_378, %get3A_379] {strides = array<i32>} : memref<2x768xf32, #tpu.memory_space<vmem>>, vector<1x16xf32>,
      %get3A_381 = vector.shape_cast %get3A_380 : vector<1x16xf32> to vector<16xf32>
      %get3A_382 = arith.constant 0 : i32
      %get3A_383 = arith.index_cast %get3A_382 : i32 to index
      %get3A_384 = arith.constant 336 : index
      %get3A_385 = tpu.vector_load %arg10[%get3A_383, %get3A_384] {strides = array<i32>} : memref<2x768xf32, #tpu.memory_space<vmem>>, vector<1x16xf32>,
      %get3A_386 = vector.shape_cast %get3A_385 : vector<1x16xf32> to vector<16xf32>
      %get3A_387 = arith.constant 0 : i32
      %get3A_388 = arith.index_cast %get3A_387 : i32 to index
      %get3A_389 = arith.constant 352 : index
      %get3A_390 = tpu.vector_load %arg10[%get3A_388, %get3A_389] {strides = array<i32>} : memref<2x768xf32, #tpu.memory_space<vmem>>, vector<1x16xf32>,
      %get3A_391 = vector.shape_cast %get3A_390 : vector<1x16xf32> to vector<16xf32>
      %get3A_392 = arith.constant 0 : i32
      %get3A_393 = arith.index_cast %get3A_392 : i32 to index
      %get3A_394 = arith.constant 368 : index
      %get3A_395 = tpu.vector_load %arg10[%get3A_393, %get3A_394] {strides = array<i32>} : memref<2x768xf32, #tpu.memory_space<vmem>>, vector<1x16xf32>,
      %get3A_396 = vector.shape_cast %get3A_395 : vector<1x16xf32> to vector<16xf32>
      %get3A_397 = arith.constant 0 : i32
      %get3A_398 = arith.index_cast %get3A_397 : i32 to index
      %get3A_399 = arith.constant 384 : index
      %get3A_400 = tpu.vector_load %arg10[%get3A_398, %get3A_399] {strides = array<i32>} : memref<2x768xf32, #tpu.memory_space<vmem>>, vector<1x16xf32>,
      %get3A_401 = vector.shape_cast %get3A_400 : vector<1x16xf32> to vector<16xf32>
      %get3A_402 = arith.constant 0 : i32
      %get3A_403 = arith.index_cast %get3A_402 : i32 to index
      %get3A_404 = arith.constant 400 : index
      %get3A_405 = tpu.vector_load %arg10[%get3A_403, %get3A_404] {strides = array<i32>} : memref<2x768xf32, #tpu.memory_space<vmem>>, vector<1x16xf32>,
      %get3A_406 = vector.shape_cast %get3A_405 : vector<1x16xf32> to vector<16xf32>
      %get3A_407 = arith.constant 0 : i32
      %get3A_408 = arith.index_cast %get3A_407 : i32 to index
      %get3A_409 = arith.constant 416 : index
      %get3A_410 = tpu.vector_load %arg10[%get3A_408, %get3A_409] {strides = array<i32>} : memref<2x768xf32, #tpu.memory_space<vmem>>, vector<1x16xf32>,
      %get3A_411 = vector.shape_cast %get3A_410 : vector<1x16xf32> to vector<16xf32>
      %get3A_412 = arith.constant 0 : i32
      %get3A_413 = arith.index_cast %get3A_412 : i32 to index
      %get3A_414 = arith.constant 432 : index
      %get3A_415 = tpu.vector_load %arg10[%get3A_413, %get3A_414] {strides = array<i32>} : memref<2x768xf32, #tpu.memory_space<vmem>>, vector<1x16xf32>,
      %get3A_416 = vector.shape_cast %get3A_415 : vector<1x16xf32> to vector<16xf32>
      %get3A_417 = arith.constant 0 : i32
      %get3A_418 = arith.index_cast %get3A_417 : i32 to index
      %get3A_419 = arith.constant 448 : index
      %get3A_420 = tpu.vector_load %arg10[%get3A_418, %get3A_419] {strides = array<i32>} : memref<2x768xf32, #tpu.memory_space<vmem>>, vector<1x16xf32>,
      %get3A_421 = vector.shape_cast %get3A_420 : vector<1x16xf32> to vector<16xf32>
      %get3A_422 = arith.constant 0 : i32
      %get3A_423 = arith.index_cast %get3A_422 : i32 to index
      %get3A_424 = arith.constant 464 : index
      %get3A_425 = tpu.vector_load %arg10[%get3A_423, %get3A_424] {strides = array<i32>} : memref<2x768xf32, #tpu.memory_space<vmem>>, vector<1x16xf32>,
      %get3A_426 = vector.shape_cast %get3A_425 : vector<1x16xf32> to vector<16xf32>
      %get3A_427 = arith.constant 0 : i32
      %get3A_428 = arith.index_cast %get3A_427 : i32 to index
      %get3A_429 = arith.constant 480 : index
      %get3A_430 = tpu.vector_load %arg10[%get3A_428, %get3A_429] {strides = array<i32>} : memref<2x768xf32, #tpu.memory_space<vmem>>, vector<1x16xf32>,
      %get3A_431 = vector.shape_cast %get3A_430 : vector<1x16xf32> to vector<16xf32>
      %get3A_432 = arith.constant 0 : i32
      %get3A_433 = arith.index_cast %get3A_432 : i32 to index
      %get3A_434 = arith.constant 496 : index
      %get3A_435 = tpu.vector_load %arg10[%get3A_433, %get3A_434] {strides = array<i32>} : memref<2x768xf32, #tpu.memory_space<vmem>>, vector<1x16xf32>,
      %get3A_436 = vector.shape_cast %get3A_435 : vector<1x16xf32> to vector<16xf32>
      %get3A_437 = arith.constant 1 : i32
      %get3A_438 = arith.index_cast %get3A_437 : i32 to index
      %get3A_439 = arith.constant 256 : index
      %get3A_440 = tpu.vector_load %arg10[%get3A_438, %get3A_439] {strides = array<i32>} : memref<2x768xf32, #tpu.memory_space<vmem>>, vector<1x16xf32>,
      %get3A_441 = vector.shape_cast %get3A_440 : vector<1x16xf32> to vector<16xf32>
      %sub3A_442 = arith.subf %get3A_441, %get3A_361 : vector<16xf32>
      %get3A_443 = arith.constant 1 : i32
      %get3A_444 = arith.index_cast %get3A_443 : i32 to index
      %get3A_445 = arith.constant 272 : index
      %get3A_446 = tpu.vector_load %arg10[%get3A_444, %get3A_445] {strides = array<i32>} : memref<2x768xf32, #tpu.memory_space<vmem>>, vector<1x16xf32>,
      %get3A_447 = vector.shape_cast %get3A_446 : vector<1x16xf32> to vector<16xf32>
      %sub3A_448 = arith.subf %get3A_447, %get3A_366 : vector<16xf32>
      %get3A_449 = arith.constant 1 : i32
      %get3A_450 = arith.index_cast %get3A_449 : i32 to index
      %get3A_451 = arith.constant 288 : index
      %get3A_452 = tpu.vector_load %arg10[%get3A_450, %get3A_451] {strides = array<i32>} : memref<2x768xf32, #tpu.memory_space<vmem>>, vector<1x16xf32>,
      %get3A_453 = vector.shape_cast %get3A_452 : vector<1x16xf32> to vector<16xf32>
      %sub3A_454 = arith.subf %get3A_453, %get3A_371 : vector<16xf32>
      %get3A_455 = arith.constant 1 : i32
      %get3A_456 = arith.index_cast %get3A_455 : i32 to index
      %get3A_457 = arith.constant 304 : index
      %get3A_458 = tpu.vector_load %arg10[%get3A_456, %get3A_457] {strides = array<i32>} : memref<2x768xf32, #tpu.memory_space<vmem>>, vector<1x16xf32>,
      %get3A_459 = vector.shape_cast %get3A_458 : vector<1x16xf32> to vector<16xf32>
      %sub3A_460 = arith.subf %get3A_459, %get3A_376 : vector<16xf32>
      %get3A_461 = arith.constant 1 : i32
      %get3A_462 = arith.index_cast %get3A_461 : i32 to index
      %get3A_463 = arith.constant 320 : index
      %get3A_464 = tpu.vector_load %arg10[%get3A_462, %get3A_463] {strides = array<i32>} : memref<2x768xf32, #tpu.memory_space<vmem>>, vector<1x16xf32>,
      %get3A_465 = vector.shape_cast %get3A_464 : vector<1x16xf32> to vector<16xf32>
      %sub3A_466 = arith.subf %get3A_465, %get3A_381 : vector<16xf32>
      %get3A_467 = arith.constant 1 : i32
      %get3A_468 = arith.index_cast %get3A_467 : i32 to index
      %get3A_469 = arith.constant 336 : index
      %get3A_470 = tpu.vector_load %arg10[%get3A_468, %get3A_469] {strides = array<i32>} : memref<2x768xf32, #tpu.memory_space<vmem>>, vector<1x16xf32>,
      %get3A_471 = vector.shape_cast %get3A_470 : vector<1x16xf32> to vector<16xf32>
      %sub3A_472 = arith.subf %get3A_471, %get3A_386 : vector<16xf32>
      %get3A_473 = arith.constant 1 : i32
      %get3A_474 = arith.index_cast %get3A_473 : i32 to index
      %get3A_475 = arith.constant 352 : index
      %get3A_476 = tpu.vector_load %arg10[%get3A_474, %get3A_475] {strides = array<i32>} : memref<2x768xf32, #tpu.memory_space<vmem>>, vector<1x16xf32>,
      %get3A_477 = vector.shape_cast %get3A_476 : vector<1x16xf32> to vector<16xf32>
      %sub3A_478 = arith.subf %get3A_477, %get3A_391 : vector<16xf32>
      %get3A_479 = arith.constant 1 : i32
      %get3A_480 = arith.index_cast %get3A_479 : i32 to index
      %get3A_481 = arith.constant 368 : index
      %get3A_482 = tpu.vector_load %arg10[%get3A_480, %get3A_481] {strides = array<i32>} : memref<2x768xf32, #tpu.memory_space<vmem>>, vector<1x16xf32>,
      %get3A_483 = vector.shape_cast %get3A_482 : vector<1x16xf32> to vector<16xf32>
      %sub3A_484 = arith.subf %get3A_483, %get3A_396 : vector<16xf32>
      %get3A_485 = arith.constant 1 : i32
      %get3A_486 = arith.index_cast %get3A_485 : i32 to index
      %get3A_487 = arith.constant 384 : index
      %get3A_488 = tpu.vector_load %arg10[%get3A_486, %get3A_487] {strides = array<i32>} : memref<2x768xf32, #tpu.memory_space<vmem>>, vector<1x16xf32>,
      %get3A_489 = vector.shape_cast %get3A_488 : vector<1x16xf32> to vector<16xf32>
      %sub3A_490 = arith.subf %get3A_489, %get3A_401 : vector<16xf32>
      %get3A_491 = arith.constant 1 : i32
      %get3A_492 = arith.index_cast %get3A_491 : i32 to index
      %get3A_493 = arith.constant 400 : index
      %get3A_494 = tpu.vector_load %arg10[%get3A_492, %get3A_493] {strides = array<i32>} : memref<2x768xf32, #tpu.memory_space<vmem>>, vector<1x16xf32>,
      %get3A_495 = vector.shape_cast %get3A_494 : vector<1x16xf32> to vector<16xf32>
      %sub3A_496 = arith.subf %get3A_495, %get3A_406 : vector<16xf32>
      %get3A_497 = arith.constant 1 : i32
      %get3A_498 = arith.index_cast %get3A_497 : i32 to index
      %get3A_499 = arith.constant 416 : index
      %get3A_500 = tpu.vector_load %arg10[%get3A_498, %get3A_499] {strides = array<i32>} : memref<2x768xf32, #tpu.memory_space<vmem>>, vector<1x16xf32>,
      %get3A_501 = vector.shape_cast %get3A_500 : vector<1x16xf32> to vector<16xf32>
      %sub3A_502 = arith.subf %get3A_501, %get3A_411 : vector<16xf32>
      %get3A_503 = arith.constant 1 : i32
      %get3A_504 = arith.index_cast %get3A_503 : i32 to index
      %get3A_505 = arith.constant 432 : index
      %get3A_506 = tpu.vector_load %arg10[%get3A_504, %get3A_505] {strides = array<i32>} : memref<2x768xf32, #tpu.memory_space<vmem>>, vector<1x16xf32>,
      %get3A_507 = vector.shape_cast %get3A_506 : vector<1x16xf32> to vector<16xf32>
      %sub3A_508 = arith.subf %get3A_507, %get3A_416 : vector<16xf32>
      %get3A_509 = arith.constant 1 : i32
      %get3A_510 = arith.index_cast %get3A_509 : i32 to index
      %get3A_511 = arith.constant 448 : index
      %get3A_512 = tpu.vector_load %arg10[%get3A_510, %get3A_511] {strides = array<i32>} : memref<2x768xf32, #tpu.memory_space<vmem>>, vector<1x16xf32>,
      %get3A_513 = vector.shape_cast %get3A_512 : vector<1x16xf32> to vector<16xf32>
      %sub3A_514 = arith.subf %get3A_513, %get3A_421 : vector<16xf32>
      %get3A_515 = arith.constant 1 : i32
      %get3A_516 = arith.index_cast %get3A_515 : i32 to index
      %get3A_517 = arith.constant 464 : index
      %get3A_518 = tpu.vector_load %arg10[%get3A_516, %get3A_517] {strides = array<i32>} : memref<2x768xf32, #tpu.memory_space<vmem>>, vector<1x16xf32>,
      %get3A_519 = vector.shape_cast %get3A_518 : vector<1x16xf32> to vector<16xf32>
      %sub3A_520 = arith.subf %get3A_519, %get3A_426 : vector<16xf32>
      %get3A_521 = arith.constant 1 : i32
      %get3A_522 = arith.index_cast %get3A_521 : i32 to index
      %get3A_523 = arith.constant 480 : index
      %get3A_524 = tpu.vector_load %arg10[%get3A_522, %get3A_523] {strides = array<i32>} : memref<2x768xf32, #tpu.memory_space<vmem>>, vector<1x16xf32>,
      %get3A_525 = vector.shape_cast %get3A_524 : vector<1x16xf32> to vector<16xf32>
      %sub3A_526 = arith.subf %get3A_525, %get3A_431 : vector<16xf32>
      %get3A_527 = arith.constant 1 : i32
      %get3A_528 = arith.index_cast %get3A_527 : i32 to index
      %get3A_529 = arith.constant 496 : index
      %get3A_530 = tpu.vector_load %arg10[%get3A_528, %get3A_529] {strides = array<i32>} : memref<2x768xf32, #tpu.memory_space<vmem>>, vector<1x16xf32>,
      %get3A_531 = vector.shape_cast %get3A_530 : vector<1x16xf32> to vector<16xf32>
      %sub3A_532 = arith.subf %get3A_531, %get3A_436 : vector<16xf32>
      %parallel_loop3A_533 = arith.constant 0 : i32
      %parallel_loop3A_534 = arith.constant 16 : i32
      %parallel_loop3A_535 = arith.constant 1 : i32
      scf.for %parallel_loop3A_745 = %parallel_loop3A_533 to %parallel_loop3A_534 step %parallel_loop3A_535  : i32 {
        %parallel_loop3A_746 = arith.index_cast %scan3A_133 : i32 to index
        %parallel_loop3A_747 = arith.index_cast %parallel_loop3A_745 : i32 to index
        %parallel_loop3A_748 = arith.constant 0 : index
        %parallel_loop3A_749 = tpu.vector_load %arg9[%parallel_loop3A_746, %parallel_loop3A_747, %parallel_loop3A_748] {strides = array<i32>} : memref<16x16x16xf32, #tpu.memory_space<vmem>>, vector<1x1x16xf32>,
        %parallel_loop3A_750 = vector.shape_cast %parallel_loop3A_749 : vector<1x1x16xf32> to vector<16xf32>
        %parallel_loop3A_751 = arith.index_cast %rem3A_180 : i32 to index
        %parallel_loop3A_752 = arith.index_cast %parallel_loop3A_745 : i32 to index
        %parallel_loop3A_753 = arith.constant 256 : index
        %parallel_loop3A_754 = tpu.vector_load %arg11[%parallel_loop3A_751, %parallel_loop3A_752, %parallel_loop3A_753] {strides = array<i32>} : memref<2x16x768xf32, #tpu.memory_space<vmem>>, vector<1x1x16xf32>,
        %parallel_loop3A_755 = vector.shape_cast %parallel_loop3A_754 : vector<1x1x16xf32> to vector<16xf32>
        %parallel_loop3A_756 = arith.addf %parallel_loop3A_755, %get3A_361 : vector<16xf32>
        %parallel_loop3A_757 = arith.mulf %parallel_loop3A_750, %sub3A_442 : vector<16xf32>
        %parallel_loop3A_758 = arith.addf %parallel_loop3A_756, %parallel_loop3A_757 : vector<16xf32>
        %parallel_loop3A_759 = arith.index_cast %rem3A_135 : i32 to index
        %parallel_loop3A_760 = arith.index_cast %parallel_loop3A_745 : i32 to index
        %parallel_loop3A_761 = arith.constant 256 : index
        %parallel_loop3A_762 = tpu.vector_load %arg12[%parallel_loop3A_759, %parallel_loop3A_760, %parallel_loop3A_761] {strides = array<i32>} : memref<5x16x768xf32, #tpu.memory_space<vmem>>, vector<1x1x16xf32>,
        %parallel_loop3A_763 = vector.shape_cast %parallel_loop3A_762 : vector<1x1x16xf32> to vector<16xf32>
        %parallel_loop3A_764 = vector.shape_cast %parallel_loop3A_758 : vector<16xf32> to vector<1x1x16xf32>
        tpu.vector_store %arg12[%parallel_loop3A_759, %parallel_loop3A_760, %parallel_loop3A_761], %parallel_loop3A_764 {add = true, strides = array<i32>} : memref<5x16x768xf32, #tpu.memory_space<vmem>>, vector<1x1x16xf32>,
        %parallel_loop3A_765 = arith.index_cast %rem3A_180 : i32 to index
        %parallel_loop3A_766 = arith.index_cast %parallel_loop3A_745 : i32 to index
        %parallel_loop3A_767 = arith.constant 272 : index
        %parallel_loop3A_768 = tpu.vector_load %arg11[%parallel_loop3A_765, %parallel_loop3A_766, %parallel_loop3A_767] {strides = array<i32>} : memref<2x16x768xf32, #tpu.memory_space<vmem>>, vector<1x1x16xf32>,
        %parallel_loop3A_769 = vector.shape_cast %parallel_loop3A_768 : vector<1x1x16xf32> to vector<16xf32>
        %parallel_loop3A_770 = arith.addf %parallel_loop3A_769, %get3A_366 : vector<16xf32>
        %parallel_loop3A_771 = arith.mulf %parallel_loop3A_750, %sub3A_448 : vector<16xf32>
        %parallel_loop3A_772 = arith.addf %parallel_loop3A_770, %parallel_loop3A_771 : vector<16xf32>
        %parallel_loop3A_773 = arith.index_cast %rem3A_135 : i32 to index
        %parallel_loop3A_774 = arith.index_cast %parallel_loop3A_745 : i32 to index
        %parallel_loop3A_775 = arith.constant 272 : index
        %parallel_loop3A_776 = tpu.vector_load %arg12[%parallel_loop3A_773, %parallel_loop3A_774, %parallel_loop3A_775] {strides = array<i32>} : memref<5x16x768xf32, #tpu.memory_space<vmem>>, vector<1x1x16xf32>,
        %parallel_loop3A_777 = vector.shape_cast %parallel_loop3A_776 : vector<1x1x16xf32> to vector<16xf32>
        %parallel_loop3A_778 = vector.shape_cast %parallel_loop3A_772 : vector<16xf32> to vector<1x1x16xf32>
        tpu.vector_store %arg12[%parallel_loop3A_773, %parallel_loop3A_774, %parallel_loop3A_775], %parallel_loop3A_778 {add = true, strides = array<i32>} : memref<5x16x768xf32, #tpu.memory_space<vmem>>, vector<1x1x16xf32>,
        %parallel_loop3A_779 = arith.index_cast %rem3A_180 : i32 to index
        %parallel_loop3A_780 = arith.index_cast %parallel_loop3A_745 : i32 to index
        %parallel_loop3A_781 = arith.constant 288 : index
        %parallel_loop3A_782 = tpu.vector_load %arg11[%parallel_loop3A_779, %parallel_loop3A_780, %parallel_loop3A_781] {strides = array<i32>} : memref<2x16x768xf32, #tpu.memory_space<vmem>>, vector<1x1x16xf32>,
        %parallel_loop3A_783 = vector.shape_cast %parallel_loop3A_782 : vector<1x1x16xf32> to vector<16xf32>
        %parallel_loop3A_784 = arith.addf %parallel_loop3A_783, %get3A_371 : vector<16xf32>
        %parallel_loop3A_785 = arith.mulf %parallel_loop3A_750, %sub3A_454 : vector<16xf32>
        %parallel_loop3A_786 = arith.addf %parallel_loop3A_784, %parallel_loop3A_785 : vector<16xf32>
        %parallel_loop3A_787 = arith.index_cast %rem3A_135 : i32 to index
        %parallel_loop3A_788 = arith.index_cast %parallel_loop3A_745 : i32 to index
        %parallel_loop3A_789 = arith.constant 288 : index
        %parallel_loop3A_790 = tpu.vector_load %arg12[%parallel_loop3A_787, %parallel_loop3A_788, %parallel_loop3A_789] {strides = array<i32>} : memref<5x16x768xf32, #tpu.memory_space<vmem>>, vector<1x1x16xf32>,
        %parallel_loop3A_791 = vector.shape_cast %parallel_loop3A_790 : vector<1x1x16xf32> to vector<16xf32>
        %parallel_loop3A_792 = vector.shape_cast %parallel_loop3A_786 : vector<16xf32> to vector<1x1x16xf32>
        tpu.vector_store %arg12[%parallel_loop3A_787, %parallel_loop3A_788, %parallel_loop3A_789], %parallel_loop3A_792 {add = true, strides = array<i32>} : memref<5x16x768xf32, #tpu.memory_space<vmem>>, vector<1x1x16xf32>,
        %parallel_loop3A_793 = arith.index_cast %rem3A_180 : i32 to index
        %parallel_loop3A_794 = arith.index_cast %parallel_loop3A_745 : i32 to index
        %parallel_loop3A_795 = arith.constant 304 : index
        %parallel_loop3A_796 = tpu.vector_load %arg11[%parallel_loop3A_793, %parallel_loop3A_794, %parallel_loop3A_795] {strides = array<i32>} : memref<2x16x768xf32, #tpu.memory_space<vmem>>, vector<1x1x16xf32>,
        %parallel_loop3A_797 = vector.shape_cast %parallel_loop3A_796 : vector<1x1x16xf32> to vector<16xf32>
        %parallel_loop3A_798 = arith.addf %parallel_loop3A_797, %get3A_376 : vector<16xf32>
        %parallel_loop3A_799 = arith.mulf %parallel_loop3A_750, %sub3A_460 : vector<16xf32>
        %parallel_loop3A_800 = arith.addf %parallel_loop3A_798, %parallel_loop3A_799 : vector<16xf32>
        %parallel_loop3A_801 = arith.index_cast %rem3A_135 : i32 to index
        %parallel_loop3A_802 = arith.index_cast %parallel_loop3A_745 : i32 to index
        %parallel_loop3A_803 = arith.constant 304 : index
        %parallel_loop3A_804 = tpu.vector_load %arg12[%parallel_loop3A_801, %parallel_loop3A_802, %parallel_loop3A_803] {strides = array<i32>} : memref<5x16x768xf32, #tpu.memory_space<vmem>>, vector<1x1x16xf32>,
        %parallel_loop3A_805 = vector.shape_cast %parallel_loop3A_804 : vector<1x1x16xf32> to vector<16xf32>
        %parallel_loop3A_806 = vector.shape_cast %parallel_loop3A_800 : vector<16xf32> to vector<1x1x16xf32>
        tpu.vector_store %arg12[%parallel_loop3A_801, %parallel_loop3A_802, %parallel_loop3A_803], %parallel_loop3A_806 {add = true, strides = array<i32>} : memref<5x16x768xf32, #tpu.memory_space<vmem>>, vector<1x1x16xf32>,
        %parallel_loop3A_807 = arith.index_cast %rem3A_180 : i32 to index
        %parallel_loop3A_808 = arith.index_cast %parallel_loop3A_745 : i32 to index
        %parallel_loop3A_809 = arith.constant 320 : index
        %parallel_loop3A_810 = tpu.vector_load %arg11[%parallel_loop3A_807, %parallel_loop3A_808, %parallel_loop3A_809] {strides = array<i32>} : memref<2x16x768xf32, #tpu.memory_space<vmem>>, vector<1x1x16xf32>,
        %parallel_loop3A_811 = vector.shape_cast %parallel_loop3A_810 : vector<1x1x16xf32> to vector<16xf32>
        %parallel_loop3A_812 = arith.addf %parallel_loop3A_811, %get3A_381 : vector<16xf32>
        %parallel_loop3A_813 = arith.mulf %parallel_loop3A_750, %sub3A_466 : vector<16xf32>
        %parallel_loop3A_814 = arith.addf %parallel_loop3A_812, %parallel_loop3A_813 : vector<16xf32>
        %parallel_loop3A_815 = arith.index_cast %rem3A_135 : i32 to index
        %parallel_loop3A_816 = arith.index_cast %parallel_loop3A_745 : i32 to index
        %parallel_loop3A_817 = arith.constant 320 : index
        %parallel_loop3A_818 = tpu.vector_load %arg12[%parallel_loop3A_815, %parallel_loop3A_816, %parallel_loop3A_817] {strides = array<i32>} : memref<5x16x768xf32, #tpu.memory_space<vmem>>, vector<1x1x16xf32>,
        %parallel_loop3A_819 = vector.shape_cast %parallel_loop3A_818 : vector<1x1x16xf32> to vector<16xf32>
        %parallel_loop3A_820 = vector.shape_cast %parallel_loop3A_814 : vector<16xf32> to vector<1x1x16xf32>
        tpu.vector_store %arg12[%parallel_loop3A_815, %parallel_loop3A_816, %parallel_loop3A_817], %parallel_loop3A_820 {add = true, strides = array<i32>} : memref<5x16x768xf32, #tpu.memory_space<vmem>>, vector<1x1x16xf32>,
        %parallel_loop3A_821 = arith.index_cast %rem3A_180 : i32 to index
        %parallel_loop3A_822 = arith.index_cast %parallel_loop3A_745 : i32 to index
        %parallel_loop3A_823 = arith.constant 336 : index
        %parallel_loop3A_824 = tpu.vector_load %arg11[%parallel_loop3A_821, %parallel_loop3A_822, %parallel_loop3A_823] {strides = array<i32>} : memref<2x16x768xf32, #tpu.memory_space<vmem>>, vector<1x1x16xf32>,
        %parallel_loop3A_825 = vector.shape_cast %parallel_loop3A_824 : vector<1x1x16xf32> to vector<16xf32>
        %parallel_loop3A_826 = arith.addf %parallel_loop3A_825, %get3A_386 : vector<16xf32>
        %parallel_loop3A_827 = arith.mulf %parallel_loop3A_750, %sub3A_472 : vector<16xf32>
        %parallel_loop3A_828 = arith.addf %parallel_loop3A_826, %parallel_loop3A_827 : vector<16xf32>
        %parallel_loop3A_829 = arith.index_cast %rem3A_135 : i32 to index
        %parallel_loop3A_830 = arith.index_cast %parallel_loop3A_745 : i32 to index
        %parallel_loop3A_831 = arith.constant 336 : index
        %parallel_loop3A_832 = tpu.vector_load %arg12[%parallel_loop3A_829, %parallel_loop3A_830, %parallel_loop3A_831] {strides = array<i32>} : memref<5x16x768xf32, #tpu.memory_space<vmem>>, vector<1x1x16xf32>,
        %parallel_loop3A_833 = vector.shape_cast %parallel_loop3A_832 : vector<1x1x16xf32> to vector<16xf32>
        %parallel_loop3A_834 = vector.shape_cast %parallel_loop3A_828 : vector<16xf32> to vector<1x1x16xf32>
        tpu.vector_store %arg12[%parallel_loop3A_829, %parallel_loop3A_830, %parallel_loop3A_831], %parallel_loop3A_834 {add = true, strides = array<i32>} : memref<5x16x768xf32, #tpu.memory_space<vmem>>, vector<1x1x16xf32>,
        %parallel_loop3A_835 = arith.index_cast %rem3A_180 : i32 to index
        %parallel_loop3A_836 = arith.index_cast %parallel_loop3A_745 : i32 to index
        %parallel_loop3A_837 = arith.constant 352 : index
        %parallel_loop3A_838 = tpu.vector_load %arg11[%parallel_loop3A_835, %parallel_loop3A_836, %parallel_loop3A_837] {strides = array<i32>} : memref<2x16x768xf32, #tpu.memory_space<vmem>>, vector<1x1x16xf32>,
        %parallel_loop3A_839 = vector.shape_cast %parallel_loop3A_838 : vector<1x1x16xf32> to vector<16xf32>
        %parallel_loop3A_840 = arith.addf %parallel_loop3A_839, %get3A_391 : vector<16xf32>
        %parallel_loop3A_841 = arith.mulf %parallel_loop3A_750, %sub3A_478 : vector<16xf32>
        %parallel_loop3A_842 = arith.addf %parallel_loop3A_840, %parallel_loop3A_841 : vector<16xf32>
        %parallel_loop3A_843 = arith.index_cast %rem3A_135 : i32 to index
        %parallel_loop3A_844 = arith.index_cast %parallel_loop3A_745 : i32 to index
        %parallel_loop3A_845 = arith.constant 352 : index
        %parallel_loop3A_846 = tpu.vector_load %arg12[%parallel_loop3A_843, %parallel_loop3A_844, %parallel_loop3A_845] {strides = array<i32>} : memref<5x16x768xf32, #tpu.memory_space<vmem>>, vector<1x1x16xf32>,
        %parallel_loop3A_847 = vector.shape_cast %parallel_loop3A_846 : vector<1x1x16xf32> to vector<16xf32>
        %parallel_loop3A_848 = vector.shape_cast %parallel_loop3A_842 : vector<16xf32> to vector<1x1x16xf32>
        tpu.vector_store %arg12[%parallel_loop3A_843, %parallel_loop3A_844, %parallel_loop3A_845], %parallel_loop3A_848 {add = true, strides = array<i32>} : memref<5x16x768xf32, #tpu.memory_space<vmem>>, vector<1x1x16xf32>,
        %parallel_loop3A_849 = arith.index_cast %rem3A_180 : i32 to index
        %parallel_loop3A_850 = arith.index_cast %parallel_loop3A_745 : i32 to index
        %parallel_loop3A_851 = arith.constant 368 : index
        %parallel_loop3A_852 = tpu.vector_load %arg11[%parallel_loop3A_849, %parallel_loop3A_850, %parallel_loop3A_851] {strides = array<i32>} : memref<2x16x768xf32, #tpu.memory_space<vmem>>, vector<1x1x16xf32>,
        %parallel_loop3A_853 = vector.shape_cast %parallel_loop3A_852 : vector<1x1x16xf32> to vector<16xf32>
        %parallel_loop3A_854 = arith.addf %parallel_loop3A_853, %get3A_396 : vector<16xf32>
        %parallel_loop3A_855 = arith.mulf %parallel_loop3A_750, %sub3A_484 : vector<16xf32>
        %parallel_loop3A_856 = arith.addf %parallel_loop3A_854, %parallel_loop3A_855 : vector<16xf32>
        %parallel_loop3A_857 = arith.index_cast %rem3A_135 : i32 to index
        %parallel_loop3A_858 = arith.index_cast %parallel_loop3A_745 : i32 to index
        %parallel_loop3A_859 = arith.constant 368 : index
        %parallel_loop3A_860 = tpu.vector_load %arg12[%parallel_loop3A_857, %parallel_loop3A_858, %parallel_loop3A_859] {strides = array<i32>} : memref<5x16x768xf32, #tpu.memory_space<vmem>>, vector<1x1x16xf32>,
        %parallel_loop3A_861 = vector.shape_cast %parallel_loop3A_860 : vector<1x1x16xf32> to vector<16xf32>
        %parallel_loop3A_862 = vector.shape_cast %parallel_loop3A_856 : vector<16xf32> to vector<1x1x16xf32>
        tpu.vector_store %arg12[%parallel_loop3A_857, %parallel_loop3A_858, %parallel_loop3A_859], %parallel_loop3A_862 {add = true, strides = array<i32>} : memref<5x16x768xf32, #tpu.memory_space<vmem>>, vector<1x1x16xf32>,
        %parallel_loop3A_863 = arith.index_cast %rem3A_180 : i32 to index
        %parallel_loop3A_864 = arith.index_cast %parallel_loop3A_745 : i32 to index
        %parallel_loop3A_865 = arith.constant 384 : index
        %parallel_loop3A_866 = tpu.vector_load %arg11[%parallel_loop3A_863, %parallel_loop3A_864, %parallel_loop3A_865] {strides = array<i32>} : memref<2x16x768xf32, #tpu.memory_space<vmem>>, vector<1x1x16xf32>,
        %parallel_loop3A_867 = vector.shape_cast %parallel_loop3A_866 : vector<1x1x16xf32> to vector<16xf32>
        %parallel_loop3A_868 = arith.addf %parallel_loop3A_867, %get3A_401 : vector<16xf32>
        %parallel_loop3A_869 = arith.mulf %parallel_loop3A_750, %sub3A_490 : vector<16xf32>
        %parallel_loop3A_870 = arith.addf %parallel_loop3A_868, %parallel_loop3A_869 : vector<16xf32>
        %parallel_loop3A_871 = arith.index_cast %rem3A_135 : i32 to index
        %parallel_loop3A_872 = arith.index_cast %parallel_loop3A_745 : i32 to index
        %parallel_loop3A_873 = arith.constant 384 : index
        %parallel_loop3A_874 = tpu.vector_load %arg12[%parallel_loop3A_871, %parallel_loop3A_872, %parallel_loop3A_873] {strides = array<i32>} : memref<5x16x768xf32, #tpu.memory_space<vmem>>, vector<1x1x16xf32>,
        %parallel_loop3A_875 = vector.shape_cast %parallel_loop3A_874 : vector<1x1x16xf32> to vector<16xf32>
        %parallel_loop3A_876 = vector.shape_cast %parallel_loop3A_870 : vector<16xf32> to vector<1x1x16xf32>
        tpu.vector_store %arg12[%parallel_loop3A_871, %parallel_loop3A_872, %parallel_loop3A_873], %parallel_loop3A_876 {add = true, strides = array<i32>} : memref<5x16x768xf32, #tpu.memory_space<vmem>>, vector<1x1x16xf32>,
        %parallel_loop3A_877 = arith.index_cast %rem3A_180 : i32 to index
        %parallel_loop3A_878 = arith.index_cast %parallel_loop3A_745 : i32 to index
        %parallel_loop3A_879 = arith.constant 400 : index
        %parallel_loop3A_880 = tpu.vector_load %arg11[%parallel_loop3A_877, %parallel_loop3A_878, %parallel_loop3A_879] {strides = array<i32>} : memref<2x16x768xf32, #tpu.memory_space<vmem>>, vector<1x1x16xf32>,
        %parallel_loop3A_881 = vector.shape_cast %parallel_loop3A_880 : vector<1x1x16xf32> to vector<16xf32>
        %parallel_loop3A_882 = arith.addf %parallel_loop3A_881, %get3A_406 : vector<16xf32>
        %parallel_loop3A_883 = arith.mulf %parallel_loop3A_750, %sub3A_496 : vector<16xf32>
        %parallel_loop3A_884 = arith.addf %parallel_loop3A_882, %parallel_loop3A_883 : vector<16xf32>
        %parallel_loop3A_885 = arith.index_cast %rem3A_135 : i32 to index
        %parallel_loop3A_886 = arith.index_cast %parallel_loop3A_745 : i32 to index
        %parallel_loop3A_887 = arith.constant 400 : index
        %parallel_loop3A_888 = tpu.vector_load %arg12[%parallel_loop3A_885, %parallel_loop3A_886, %parallel_loop3A_887] {strides = array<i32>} : memref<5x16x768xf32, #tpu.memory_space<vmem>>, vector<1x1x16xf32>,
        %parallel_loop3A_889 = vector.shape_cast %parallel_loop3A_888 : vector<1x1x16xf32> to vector<16xf32>
        %parallel_loop3A_890 = vector.shape_cast %parallel_loop3A_884 : vector<16xf32> to vector<1x1x16xf32>
        tpu.vector_store %arg12[%parallel_loop3A_885, %parallel_loop3A_886, %parallel_loop3A_887], %parallel_loop3A_890 {add = true, strides = array<i32>} : memref<5x16x768xf32, #tpu.memory_space<vmem>>, vector<1x1x16xf32>,
        %parallel_loop3A_891 = arith.index_cast %rem3A_180 : i32 to index
        %parallel_loop3A_892 = arith.index_cast %parallel_loop3A_745 : i32 to index
        %parallel_loop3A_893 = arith.constant 416 : index
        %parallel_loop3A_894 = tpu.vector_load %arg11[%parallel_loop3A_891, %parallel_loop3A_892, %parallel_loop3A_893] {strides = array<i32>} : memref<2x16x768xf32, #tpu.memory_space<vmem>>, vector<1x1x16xf32>,
        %parallel_loop3A_895 = vector.shape_cast %parallel_loop3A_894 : vector<1x1x16xf32> to vector<16xf32>
        %parallel_loop3A_896 = arith.addf %parallel_loop3A_895, %get3A_411 : vector<16xf32>
        %parallel_loop3A_897 = arith.mulf %parallel_loop3A_750, %sub3A_502 : vector<16xf32>
        %parallel_loop3A_898 = arith.addf %parallel_loop3A_896, %parallel_loop3A_897 : vector<16xf32>
        %parallel_loop3A_899 = arith.index_cast %rem3A_135 : i32 to index
        %parallel_loop3A_900 = arith.index_cast %parallel_loop3A_745 : i32 to index
        %parallel_loop3A_901 = arith.constant 416 : index
        %parallel_loop3A_902 = tpu.vector_load %arg12[%parallel_loop3A_899, %parallel_loop3A_900, %parallel_loop3A_901] {strides = array<i32>} : memref<5x16x768xf32, #tpu.memory_space<vmem>>, vector<1x1x16xf32>,
        %parallel_loop3A_903 = vector.shape_cast %parallel_loop3A_902 : vector<1x1x16xf32> to vector<16xf32>
        %parallel_loop3A_904 = vector.shape_cast %parallel_loop3A_898 : vector<16xf32> to vector<1x1x16xf32>
        tpu.vector_store %arg12[%parallel_loop3A_899, %parallel_loop3A_900, %parallel_loop3A_901], %parallel_loop3A_904 {add = true, strides = array<i32>} : memref<5x16x768xf32, #tpu.memory_space<vmem>>, vector<1x1x16xf32>,
        %parallel_loop3A_905 = arith.index_cast %rem3A_180 : i32 to index
        %parallel_loop3A_906 = arith.index_cast %parallel_loop3A_745 : i32 to index
        %parallel_loop3A_907 = arith.constant 432 : index
        %parallel_loop3A_908 = tpu.vector_load %arg11[%parallel_loop3A_905, %parallel_loop3A_906, %parallel_loop3A_907] {strides = array<i32>} : memref<2x16x768xf32, #tpu.memory_space<vmem>>, vector<1x1x16xf32>,
        %parallel_loop3A_909 = vector.shape_cast %parallel_loop3A_908 : vector<1x1x16xf32> to vector<16xf32>
        %parallel_loop3A_910 = arith.addf %parallel_loop3A_909, %get3A_416 : vector<16xf32>
        %parallel_loop3A_911 = arith.mulf %parallel_loop3A_750, %sub3A_508 : vector<16xf32>
        %parallel_loop3A_912 = arith.addf %parallel_loop3A_910, %parallel_loop3A_911 : vector<16xf32>
        %parallel_loop3A_913 = arith.index_cast %rem3A_135 : i32 to index
        %parallel_loop3A_914 = arith.index_cast %parallel_loop3A_745 : i32 to index
        %parallel_loop3A_915 = arith.constant 432 : index
        %parallel_loop3A_916 = tpu.vector_load %arg12[%parallel_loop3A_913, %parallel_loop3A_914, %parallel_loop3A_915] {strides = array<i32>} : memref<5x16x768xf32, #tpu.memory_space<vmem>>, vector<1x1x16xf32>,
        %parallel_loop3A_917 = vector.shape_cast %parallel_loop3A_916 : vector<1x1x16xf32> to vector<16xf32>
        %parallel_loop3A_918 = vector.shape_cast %parallel_loop3A_912 : vector<16xf32> to vector<1x1x16xf32>
        tpu.vector_store %arg12[%parallel_loop3A_913, %parallel_loop3A_914, %parallel_loop3A_915], %parallel_loop3A_918 {add = true, strides = array<i32>} : memref<5x16x768xf32, #tpu.memory_space<vmem>>, vector<1x1x16xf32>,
        %parallel_loop3A_919 = arith.index_cast %rem3A_180 : i32 to index
        %parallel_loop3A_920 = arith.index_cast %parallel_loop3A_745 : i32 to index
        %parallel_loop3A_921 = arith.constant 448 : index
        %parallel_loop3A_922 = tpu.vector_load %arg11[%parallel_loop3A_919, %parallel_loop3A_920, %parallel_loop3A_921] {strides = array<i32>} : memref<2x16x768xf32, #tpu.memory_space<vmem>>, vector<1x1x16xf32>,
        %parallel_loop3A_923 = vector.shape_cast %parallel_loop3A_922 : vector<1x1x16xf32> to vector<16xf32>
        %parallel_loop3A_924 = arith.addf %parallel_loop3A_923, %get3A_421 : vector<16xf32>
        %parallel_loop3A_925 = arith.mulf %parallel_loop3A_750, %sub3A_514 : vector<16xf32>
        %parallel_loop3A_926 = arith.addf %parallel_loop3A_924, %parallel_loop3A_925 : vector<16xf32>
        %parallel_loop3A_927 = arith.index_cast %rem3A_135 : i32 to index
        %parallel_loop3A_928 = arith.index_cast %parallel_loop3A_745 : i32 to index
        %parallel_loop3A_929 = arith.constant 448 : index
        %parallel_loop3A_930 = tpu.vector_load %arg12[%parallel_loop3A_927, %parallel_loop3A_928, %parallel_loop3A_929] {strides = array<i32>} : memref<5x16x768xf32, #tpu.memory_space<vmem>>, vector<1x1x16xf32>,
        %parallel_loop3A_931 = vector.shape_cast %parallel_loop3A_930 : vector<1x1x16xf32> to vector<16xf32>
        %parallel_loop3A_932 = vector.shape_cast %parallel_loop3A_926 : vector<16xf32> to vector<1x1x16xf32>
        tpu.vector_store %arg12[%parallel_loop3A_927, %parallel_loop3A_928, %parallel_loop3A_929], %parallel_loop3A_932 {add = true, strides = array<i32>} : memref<5x16x768xf32, #tpu.memory_space<vmem>>, vector<1x1x16xf32>,
        %parallel_loop3A_933 = arith.index_cast %rem3A_180 : i32 to index
        %parallel_loop3A_934 = arith.index_cast %parallel_loop3A_745 : i32 to index
        %parallel_loop3A_935 = arith.constant 464 : index
        %parallel_loop3A_936 = tpu.vector_load %arg11[%parallel_loop3A_933, %parallel_loop3A_934, %parallel_loop3A_935] {strides = array<i32>} : memref<2x16x768xf32, #tpu.memory_space<vmem>>, vector<1x1x16xf32>,
        %parallel_loop3A_937 = vector.shape_cast %parallel_loop3A_936 : vector<1x1x16xf32> to vector<16xf32>
        %parallel_loop3A_938 = arith.addf %parallel_loop3A_937, %get3A_426 : vector<16xf32>
        %parallel_loop3A_939 = arith.mulf %parallel_loop3A_750, %sub3A_520 : vector<16xf32>
        %parallel_loop3A_940 = arith.addf %parallel_loop3A_938, %parallel_loop3A_939 : vector<16xf32>
        %parallel_loop3A_941 = arith.index_cast %rem3A_135 : i32 to index
        %parallel_loop3A_942 = arith.index_cast %parallel_loop3A_745 : i32 to index
        %parallel_loop3A_943 = arith.constant 464 : index
        %parallel_loop3A_944 = tpu.vector_load %arg12[%parallel_loop3A_941, %parallel_loop3A_942, %parallel_loop3A_943] {strides = array<i32>} : memref<5x16x768xf32, #tpu.memory_space<vmem>>, vector<1x1x16xf32>,
        %parallel_loop3A_945 = vector.shape_cast %parallel_loop3A_944 : vector<1x1x16xf32> to vector<16xf32>
        %parallel_loop3A_946 = vector.shape_cast %parallel_loop3A_940 : vector<16xf32> to vector<1x1x16xf32>
        tpu.vector_store %arg12[%parallel_loop3A_941, %parallel_loop3A_942, %parallel_loop3A_943], %parallel_loop3A_946 {add = true, strides = array<i32>} : memref<5x16x768xf32, #tpu.memory_space<vmem>>, vector<1x1x16xf32>,
        %parallel_loop3A_947 = arith.index_cast %rem3A_180 : i32 to index
        %parallel_loop3A_948 = arith.index_cast %parallel_loop3A_745 : i32 to index
        %parallel_loop3A_949 = arith.constant 480 : index
        %parallel_loop3A_950 = tpu.vector_load %arg11[%parallel_loop3A_947, %parallel_loop3A_948, %parallel_loop3A_949] {strides = array<i32>} : memref<2x16x768xf32, #tpu.memory_space<vmem>>, vector<1x1x16xf32>,
        %parallel_loop3A_951 = vector.shape_cast %parallel_loop3A_950 : vector<1x1x16xf32> to vector<16xf32>
        %parallel_loop3A_952 = arith.addf %parallel_loop3A_951, %get3A_431 : vector<16xf32>
        %parallel_loop3A_953 = arith.mulf %parallel_loop3A_750, %sub3A_526 : vector<16xf32>
        %parallel_loop3A_954 = arith.addf %parallel_loop3A_952, %parallel_loop3A_953 : vector<16xf32>
        %parallel_loop3A_955 = arith.index_cast %rem3A_135 : i32 to index
        %parallel_loop3A_956 = arith.index_cast %parallel_loop3A_745 : i32 to index
        %parallel_loop3A_957 = arith.constant 480 : index
        %parallel_loop3A_958 = tpu.vector_load %arg12[%parallel_loop3A_955, %parallel_loop3A_956, %parallel_loop3A_957] {strides = array<i32>} : memref<5x16x768xf32, #tpu.memory_space<vmem>>, vector<1x1x16xf32>,
        %parallel_loop3A_959 = vector.shape_cast %parallel_loop3A_958 : vector<1x1x16xf32> to vector<16xf32>
        %parallel_loop3A_960 = vector.shape_cast %parallel_loop3A_954 : vector<16xf32> to vector<1x1x16xf32>
        tpu.vector_store %arg12[%parallel_loop3A_955, %parallel_loop3A_956, %parallel_loop3A_957], %parallel_loop3A_960 {add = true, strides = array<i32>} : memref<5x16x768xf32, #tpu.memory_space<vmem>>, vector<1x1x16xf32>,
        %parallel_loop3A_961 = arith.index_cast %rem3A_180 : i32 to index
        %parallel_loop3A_962 = arith.index_cast %parallel_loop3A_745 : i32 to index
        %parallel_loop3A_963 = arith.constant 496 : index
        %parallel_loop3A_964 = tpu.vector_load %arg11[%parallel_loop3A_961, %parallel_loop3A_962, %parallel_loop3A_963] {strides = array<i32>} : memref<2x16x768xf32, #tpu.memory_space<vmem>>, vector<1x1x16xf32>,
        %parallel_loop3A_965 = vector.shape_cast %parallel_loop3A_964 : vector<1x1x16xf32> to vector<16xf32>
        %parallel_loop3A_966 = arith.addf %parallel_loop3A_965, %get3A_436 : vector<16xf32>
        %parallel_loop3A_967 = arith.mulf %parallel_loop3A_750, %sub3A_532 : vector<16xf32>
        %parallel_loop3A_968 = arith.addf %parallel_loop3A_966, %parallel_loop3A_967 : vector<16xf32>
        %parallel_loop3A_969 = arith.index_cast %rem3A_135 : i32 to index
        %parallel_loop3A_970 = arith.index_cast %parallel_loop3A_745 : i32 to index
        %parallel_loop3A_971 = arith.constant 496 : index
        %parallel_loop3A_972 = tpu.vector_load %arg12[%parallel_loop3A_969, %parallel_loop3A_970, %parallel_loop3A_971] {strides = array<i32>} : memref<5x16x768xf32, #tpu.memory_space<vmem>>, vector<1x1x16xf32>,
        %parallel_loop3A_973 = vector.shape_cast %parallel_loop3A_972 : vector<1x1x16xf32> to vector<16xf32>
        %parallel_loop3A_974 = vector.shape_cast %parallel_loop3A_968 : vector<16xf32> to vector<1x1x16xf32>
        tpu.vector_store %arg12[%parallel_loop3A_969, %parallel_loop3A_970, %parallel_loop3A_971], %parallel_loop3A_974 {add = true, strides = array<i32>} : memref<5x16x768xf32, #tpu.memory_space<vmem>>, vector<1x1x16xf32>,
      } {sc.loop_unroll_factor = 4 : i64, sc.parallel_access}
      %get3A_536 = arith.constant 0 : i32
      %get3A_537 = arith.index_cast %get3A_536 : i32 to index
      %get3A_538 = arith.constant 512 : index
      %get3A_539 = tpu.vector_load %arg10[%get3A_537, %get3A_538] {strides = array<i32>} : memref<2x768xf32, #tpu.memory_space<vmem>>, vector<1x16xf32>,
      %get3A_540 = vector.shape_cast %get3A_539 : vector<1x16xf32> to vector<16xf32>
      %get3A_541 = arith.constant 0 : i32
      %get3A_542 = arith.index_cast %get3A_541 : i32 to index
      %get3A_543 = arith.constant 528 : index
      %get3A_544 = tpu.vector_load %arg10[%get3A_542, %get3A_543] {strides = array<i32>} : memref<2x768xf32, #tpu.memory_space<vmem>>, vector<1x16xf32>,
      %get3A_545 = vector.shape_cast %get3A_544 : vector<1x16xf32> to vector<16xf32>
      %get3A_546 = arith.constant 0 : i32
      %get3A_547 = arith.index_cast %get3A_546 : i32 to index
      %get3A_548 = arith.constant 544 : index
      %get3A_549 = tpu.vector_load %arg10[%get3A_547, %get3A_548] {strides = array<i32>} : memref<2x768xf32, #tpu.memory_space<vmem>>, vector<1x16xf32>,
      %get3A_550 = vector.shape_cast %get3A_549 : vector<1x16xf32> to vector<16xf32>
      %get3A_551 = arith.constant 0 : i32
      %get3A_552 = arith.index_cast %get3A_551 : i32 to index
      %get3A_553 = arith.constant 560 : index
      %get3A_554 = tpu.vector_load %arg10[%get3A_552, %get3A_553] {strides = array<i32>} : memref<2x768xf32, #tpu.memory_space<vmem>>, vector<1x16xf32>,
      %get3A_555 = vector.shape_cast %get3A_554 : vector<1x16xf32> to vector<16xf32>
      %get3A_556 = arith.constant 0 : i32
      %get3A_557 = arith.index_cast %get3A_556 : i32 to index
      %get3A_558 = arith.constant 576 : index
      %get3A_559 = tpu.vector_load %arg10[%get3A_557, %get3A_558] {strides = array<i32>} : memref<2x768xf32, #tpu.memory_space<vmem>>, vector<1x16xf32>,
      %get3A_560 = vector.shape_cast %get3A_559 : vector<1x16xf32> to vector<16xf32>
      %get3A_561 = arith.constant 0 : i32
      %get3A_562 = arith.index_cast %get3A_561 : i32 to index
      %get3A_563 = arith.constant 592 : index
      %get3A_564 = tpu.vector_load %arg10[%get3A_562, %get3A_563] {strides = array<i32>} : memref<2x768xf32, #tpu.memory_space<vmem>>, vector<1x16xf32>,
      %get3A_565 = vector.shape_cast %get3A_564 : vector<1x16xf32> to vector<16xf32>
      %get3A_566 = arith.constant 0 : i32
      %get3A_567 = arith.index_cast %get3A_566 : i32 to index
      %get3A_568 = arith.constant 608 : index
      %get3A_569 = tpu.vector_load %arg10[%get3A_567, %get3A_568] {strides = array<i32>} : memref<2x768xf32, #tpu.memory_space<vmem>>, vector<1x16xf32>,
      %get3A_570 = vector.shape_cast %get3A_569 : vector<1x16xf32> to vector<16xf32>
      %get3A_571 = arith.constant 0 : i32
      %get3A_572 = arith.index_cast %get3A_571 : i32 to index
      %get3A_573 = arith.constant 624 : index
      %get3A_574 = tpu.vector_load %arg10[%get3A_572, %get3A_573] {strides = array<i32>} : memref<2x768xf32, #tpu.memory_space<vmem>>, vector<1x16xf32>,
      %get3A_575 = vector.shape_cast %get3A_574 : vector<1x16xf32> to vector<16xf32>
      %get3A_576 = arith.constant 0 : i32
      %get3A_577 = arith.index_cast %get3A_576 : i32 to index
      %get3A_578 = arith.constant 640 : index
      %get3A_579 = tpu.vector_load %arg10[%get3A_577, %get3A_578] {strides = array<i32>} : memref<2x768xf32, #tpu.memory_space<vmem>>, vector<1x16xf32>,
      %get3A_580 = vector.shape_cast %get3A_579 : vector<1x16xf32> to vector<16xf32>
      %get3A_581 = arith.constant 0 : i32
      %get3A_582 = arith.index_cast %get3A_581 : i32 to index
      %get3A_583 = arith.constant 656 : index
      %get3A_584 = tpu.vector_load %arg10[%get3A_582, %get3A_583] {strides = array<i32>} : memref<2x768xf32, #tpu.memory_space<vmem>>, vector<1x16xf32>,
      %get3A_585 = vector.shape_cast %get3A_584 : vector<1x16xf32> to vector<16xf32>
      %get3A_586 = arith.constant 0 : i32
      %get3A_587 = arith.index_cast %get3A_586 : i32 to index
      %get3A_588 = arith.constant 672 : index
      %get3A_589 = tpu.vector_load %arg10[%get3A_587, %get3A_588] {strides = array<i32>} : memref<2x768xf32, #tpu.memory_space<vmem>>, vector<1x16xf32>,
      %get3A_590 = vector.shape_cast %get3A_589 : vector<1x16xf32> to vector<16xf32>
      %get3A_591 = arith.constant 0 : i32
      %get3A_592 = arith.index_cast %get3A_591 : i32 to index
      %get3A_593 = arith.constant 688 : index
      %get3A_594 = tpu.vector_load %arg10[%get3A_592, %get3A_593] {strides = array<i32>} : memref<2x768xf32, #tpu.memory_space<vmem>>, vector<1x16xf32>,
      %get3A_595 = vector.shape_cast %get3A_594 : vector<1x16xf32> to vector<16xf32>
      %get3A_596 = arith.constant 0 : i32
      %get3A_597 = arith.index_cast %get3A_596 : i32 to index
      %get3A_598 = arith.constant 704 : index
      %get3A_599 = tpu.vector_load %arg10[%get3A_597, %get3A_598] {strides = array<i32>} : memref<2x768xf32, #tpu.memory_space<vmem>>, vector<1x16xf32>,
      %get3A_600 = vector.shape_cast %get3A_599 : vector<1x16xf32> to vector<16xf32>
      %get3A_601 = arith.constant 0 : i32
      %get3A_602 = arith.index_cast %get3A_601 : i32 to index
      %get3A_603 = arith.constant 720 : index
      %get3A_604 = tpu.vector_load %arg10[%get3A_602, %get3A_603] {strides = array<i32>} : memref<2x768xf32, #tpu.memory_space<vmem>>, vector<1x16xf32>,
      %get3A_605 = vector.shape_cast %get3A_604 : vector<1x16xf32> to vector<16xf32>
      %get3A_606 = arith.constant 0 : i32
      %get3A_607 = arith.index_cast %get3A_606 : i32 to index
      %get3A_608 = arith.constant 736 : index
      %get3A_609 = tpu.vector_load %arg10[%get3A_607, %get3A_608] {strides = array<i32>} : memref<2x768xf32, #tpu.memory_space<vmem>>, vector<1x16xf32>,
      %get3A_610 = vector.shape_cast %get3A_609 : vector<1x16xf32> to vector<16xf32>
      %get3A_611 = arith.constant 0 : i32
      %get3A_612 = arith.index_cast %get3A_611 : i32 to index
      %get3A_613 = arith.constant 752 : index
      %get3A_614 = tpu.vector_load %arg10[%get3A_612, %get3A_613] {strides = array<i32>} : memref<2x768xf32, #tpu.memory_space<vmem>>, vector<1x16xf32>,
      %get3A_615 = vector.shape_cast %get3A_614 : vector<1x16xf32> to vector<16xf32>
      %get3A_616 = arith.constant 1 : i32
      %get3A_617 = arith.index_cast %get3A_616 : i32 to index
      %get3A_618 = arith.constant 512 : index
      %get3A_619 = tpu.vector_load %arg10[%get3A_617, %get3A_618] {strides = array<i32>} : memref<2x768xf32, #tpu.memory_space<vmem>>, vector<1x16xf32>,
      %get3A_620 = vector.shape_cast %get3A_619 : vector<1x16xf32> to vector<16xf32>
      %sub3A_621 = arith.subf %get3A_620, %get3A_540 : vector<16xf32>
      %get3A_622 = arith.constant 1 : i32
      %get3A_623 = arith.index_cast %get3A_622 : i32 to index
      %get3A_624 = arith.constant 528 : index
      %get3A_625 = tpu.vector_load %arg10[%get3A_623, %get3A_624] {strides = array<i32>} : memref<2x768xf32, #tpu.memory_space<vmem>>, vector<1x16xf32>,
      %get3A_626 = vector.shape_cast %get3A_625 : vector<1x16xf32> to vector<16xf32>
      %sub3A_627 = arith.subf %get3A_626, %get3A_545 : vector<16xf32>
      %get3A_628 = arith.constant 1 : i32
      %get3A_629 = arith.index_cast %get3A_628 : i32 to index
      %get3A_630 = arith.constant 544 : index
      %get3A_631 = tpu.vector_load %arg10[%get3A_629, %get3A_630] {strides = array<i32>} : memref<2x768xf32, #tpu.memory_space<vmem>>, vector<1x16xf32>,
      %get3A_632 = vector.shape_cast %get3A_631 : vector<1x16xf32> to vector<16xf32>
      %sub3A_633 = arith.subf %get3A_632, %get3A_550 : vector<16xf32>
      %get3A_634 = arith.constant 1 : i32
      %get3A_635 = arith.index_cast %get3A_634 : i32 to index
      %get3A_636 = arith.constant 560 : index
      %get3A_637 = tpu.vector_load %arg10[%get3A_635, %get3A_636] {strides = array<i32>} : memref<2x768xf32, #tpu.memory_space<vmem>>, vector<1x16xf32>,
      %get3A_638 = vector.shape_cast %get3A_637 : vector<1x16xf32> to vector<16xf32>
      %sub3A_639 = arith.subf %get3A_638, %get3A_555 : vector<16xf32>
      %get3A_640 = arith.constant 1 : i32
      %get3A_641 = arith.index_cast %get3A_640 : i32 to index
      %get3A_642 = arith.constant 576 : index
      %get3A_643 = tpu.vector_load %arg10[%get3A_641, %get3A_642] {strides = array<i32>} : memref<2x768xf32, #tpu.memory_space<vmem>>, vector<1x16xf32>,
      %get3A_644 = vector.shape_cast %get3A_643 : vector<1x16xf32> to vector<16xf32>
      %sub3A_645 = arith.subf %get3A_644, %get3A_560 : vector<16xf32>
      %get3A_646 = arith.constant 1 : i32
      %get3A_647 = arith.index_cast %get3A_646 : i32 to index
      %get3A_648 = arith.constant 592 : index
      %get3A_649 = tpu.vector_load %arg10[%get3A_647, %get3A_648] {strides = array<i32>} : memref<2x768xf32, #tpu.memory_space<vmem>>, vector<1x16xf32>,
      %get3A_650 = vector.shape_cast %get3A_649 : vector<1x16xf32> to vector<16xf32>
      %sub3A_651 = arith.subf %get3A_650, %get3A_565 : vector<16xf32>
      %get3A_652 = arith.constant 1 : i32
      %get3A_653 = arith.index_cast %get3A_652 : i32 to index
      %get3A_654 = arith.constant 608 : index
      %get3A_655 = tpu.vector_load %arg10[%get3A_653, %get3A_654] {strides = array<i32>} : memref<2x768xf32, #tpu.memory_space<vmem>>, vector<1x16xf32>,
      %get3A_656 = vector.shape_cast %get3A_655 : vector<1x16xf32> to vector<16xf32>
      %sub3A_657 = arith.subf %get3A_656, %get3A_570 : vector<16xf32>
      %get3A_658 = arith.constant 1 : i32
      %get3A_659 = arith.index_cast %get3A_658 : i32 to index
      %get3A_660 = arith.constant 624 : index
      %get3A_661 = tpu.vector_load %arg10[%get3A_659, %get3A_660] {strides = array<i32>} : memref<2x768xf32, #tpu.memory_space<vmem>>, vector<1x16xf32>,
      %get3A_662 = vector.shape_cast %get3A_661 : vector<1x16xf32> to vector<16xf32>
      %sub3A_663 = arith.subf %get3A_662, %get3A_575 : vector<16xf32>
      %get3A_664 = arith.constant 1 : i32
      %get3A_665 = arith.index_cast %get3A_664 : i32 to index
      %get3A_666 = arith.constant 640 : index
      %get3A_667 = tpu.vector_load %arg10[%get3A_665, %get3A_666] {strides = array<i32>} : memref<2x768xf32, #tpu.memory_space<vmem>>, vector<1x16xf32>,
      %get3A_668 = vector.shape_cast %get3A_667 : vector<1x16xf32> to vector<16xf32>
      %sub3A_669 = arith.subf %get3A_668, %get3A_580 : vector<16xf32>
      %get3A_670 = arith.constant 1 : i32
      %get3A_671 = arith.index_cast %get3A_670 : i32 to index
      %get3A_672 = arith.constant 656 : index
      %get3A_673 = tpu.vector_load %arg10[%get3A_671, %get3A_672] {strides = array<i32>} : memref<2x768xf32, #tpu.memory_space<vmem>>, vector<1x16xf32>,
      %get3A_674 = vector.shape_cast %get3A_673 : vector<1x16xf32> to vector<16xf32>
      %sub3A_675 = arith.subf %get3A_674, %get3A_585 : vector<16xf32>
      %get3A_676 = arith.constant 1 : i32
      %get3A_677 = arith.index_cast %get3A_676 : i32 to index
      %get3A_678 = arith.constant 672 : index
      %get3A_679 = tpu.vector_load %arg10[%get3A_677, %get3A_678] {strides = array<i32>} : memref<2x768xf32, #tpu.memory_space<vmem>>, vector<1x16xf32>,
      %get3A_680 = vector.shape_cast %get3A_679 : vector<1x16xf32> to vector<16xf32>
      %sub3A_681 = arith.subf %get3A_680, %get3A_590 : vector<16xf32>
      %get3A_682 = arith.constant 1 : i32
      %get3A_683 = arith.index_cast %get3A_682 : i32 to index
      %get3A_684 = arith.constant 688 : index
      %get3A_685 = tpu.vector_load %arg10[%get3A_683, %get3A_684] {strides = array<i32>} : memref<2x768xf32, #tpu.memory_space<vmem>>, vector<1x16xf32>,
      %get3A_686 = vector.shape_cast %get3A_685 : vector<1x16xf32> to vector<16xf32>
      %sub3A_687 = arith.subf %get3A_686, %get3A_595 : vector<16xf32>
      %get3A_688 = arith.constant 1 : i32
      %get3A_689 = arith.index_cast %get3A_688 : i32 to index
      %get3A_690 = arith.constant 704 : index
      %get3A_691 = tpu.vector_load %arg10[%get3A_689, %get3A_690] {strides = array<i32>} : memref<2x768xf32, #tpu.memory_space<vmem>>, vector<1x16xf32>,
      %get3A_692 = vector.shape_cast %get3A_691 : vector<1x16xf32> to vector<16xf32>
      %sub3A_693 = arith.subf %get3A_692, %get3A_600 : vector<16xf32>
      %get3A_694 = arith.constant 1 : i32
      %get3A_695 = arith.index_cast %get3A_694 : i32 to index
      %get3A_696 = arith.constant 720 : index
      %get3A_697 = tpu.vector_load %arg10[%get3A_695, %get3A_696] {strides = array<i32>} : memref<2x768xf32, #tpu.memory_space<vmem>>, vector<1x16xf32>,
      %get3A_698 = vector.shape_cast %get3A_697 : vector<1x16xf32> to vector<16xf32>
      %sub3A_699 = arith.subf %get3A_698, %get3A_605 : vector<16xf32>
      %get3A_700 = arith.constant 1 : i32
      %get3A_701 = arith.index_cast %get3A_700 : i32 to index
      %get3A_702 = arith.constant 736 : index
      %get3A_703 = tpu.vector_load %arg10[%get3A_701, %get3A_702] {strides = array<i32>} : memref<2x768xf32, #tpu.memory_space<vmem>>, vector<1x16xf32>,
      %get3A_704 = vector.shape_cast %get3A_703 : vector<1x16xf32> to vector<16xf32>
      %sub3A_705 = arith.subf %get3A_704, %get3A_610 : vector<16xf32>
      %get3A_706 = arith.constant 1 : i32
      %get3A_707 = arith.index_cast %get3A_706 : i32 to index
      %get3A_708 = arith.constant 752 : index
      %get3A_709 = tpu.vector_load %arg10[%get3A_707, %get3A_708] {strides = array<i32>} : memref<2x768xf32, #tpu.memory_space<vmem>>, vector<1x16xf32>,
      %get3A_710 = vector.shape_cast %get3A_709 : vector<1x16xf32> to vector<16xf32>
      %sub3A_711 = arith.subf %get3A_710, %get3A_615 : vector<16xf32>
      %parallel_loop3A_712 = arith.constant 0 : i32
      %parallel_loop3A_713 = arith.constant 16 : i32
      %parallel_loop3A_714 = arith.constant 1 : i32
      scf.for %parallel_loop3A_745 = %parallel_loop3A_712 to %parallel_loop3A_713 step %parallel_loop3A_714  : i32 {
        %parallel_loop3A_746 = arith.index_cast %scan3A_133 : i32 to index
        %parallel_loop3A_747 = arith.index_cast %parallel_loop3A_745 : i32 to index
        %parallel_loop3A_748 = arith.constant 0 : index
        %parallel_loop3A_749 = tpu.vector_load %arg9[%parallel_loop3A_746, %parallel_loop3A_747, %parallel_loop3A_748] {strides = array<i32>} : memref<16x16x16xf32, #tpu.memory_space<vmem>>, vector<1x1x16xf32>,
        %parallel_loop3A_750 = vector.shape_cast %parallel_loop3A_749 : vector<1x1x16xf32> to vector<16xf32>
        %parallel_loop3A_751 = arith.index_cast %rem3A_180 : i32 to index
        %parallel_loop3A_752 = arith.index_cast %parallel_loop3A_745 : i32 to index
        %parallel_loop3A_753 = arith.constant 512 : index
        %parallel_loop3A_754 = tpu.vector_load %arg11[%parallel_loop3A_751, %parallel_loop3A_752, %parallel_loop3A_753] {strides = array<i32>} : memref<2x16x768xf32, #tpu.memory_space<vmem>>, vector<1x1x16xf32>,
        %parallel_loop3A_755 = vector.shape_cast %parallel_loop3A_754 : vector<1x1x16xf32> to vector<16xf32>
        %parallel_loop3A_756 = arith.addf %parallel_loop3A_755, %get3A_540 : vector<16xf32>
        %parallel_loop3A_757 = arith.mulf %parallel_loop3A_750, %sub3A_621 : vector<16xf32>
        %parallel_loop3A_758 = arith.addf %parallel_loop3A_756, %parallel_loop3A_757 : vector<16xf32>
        %parallel_loop3A_759 = arith.index_cast %rem3A_135 : i32 to index
        %parallel_loop3A_760 = arith.index_cast %parallel_loop3A_745 : i32 to index
        %parallel_loop3A_761 = arith.constant 512 : index
        %parallel_loop3A_762 = tpu.vector_load %arg12[%parallel_loop3A_759, %parallel_loop3A_760, %parallel_loop3A_761] {strides = array<i32>} : memref<5x16x768xf32, #tpu.memory_space<vmem>>, vector<1x1x16xf32>,
        %parallel_loop3A_763 = vector.shape_cast %parallel_loop3A_762 : vector<1x1x16xf32> to vector<16xf32>
        %parallel_loop3A_764 = vector.shape_cast %parallel_loop3A_758 : vector<16xf32> to vector<1x1x16xf32>
        tpu.vector_store %arg12[%parallel_loop3A_759, %parallel_loop3A_760, %parallel_loop3A_761], %parallel_loop3A_764 {add = true, strides = array<i32>} : memref<5x16x768xf32, #tpu.memory_space<vmem>>, vector<1x1x16xf32>,
        %parallel_loop3A_765 = arith.index_cast %rem3A_180 : i32 to index
        %parallel_loop3A_766 = arith.index_cast %parallel_loop3A_745 : i32 to index
        %parallel_loop3A_767 = arith.constant 528 : index
        %parallel_loop3A_768 = tpu.vector_load %arg11[%parallel_loop3A_765, %parallel_loop3A_766, %parallel_loop3A_767] {strides = array<i32>} : memref<2x16x768xf32, #tpu.memory_space<vmem>>, vector<1x1x16xf32>,
        %parallel_loop3A_769 = vector.shape_cast %parallel_loop3A_768 : vector<1x1x16xf32> to vector<16xf32>
        %parallel_loop3A_770 = arith.addf %parallel_loop3A_769, %get3A_545 : vector<16xf32>
        %parallel_loop3A_771 = arith.mulf %parallel_loop3A_750, %sub3A_627 : vector<16xf32>
        %parallel_loop3A_772 = arith.addf %parallel_loop3A_770, %parallel_loop3A_771 : vector<16xf32>
        %parallel_loop3A_773 = arith.index_cast %rem3A_135 : i32 to index
        %parallel_loop3A_774 = arith.index_cast %parallel_loop3A_745 : i32 to index
        %parallel_loop3A_775 = arith.constant 528 : index
        %parallel_loop3A_776 = tpu.vector_load %arg12[%parallel_loop3A_773, %parallel_loop3A_774, %parallel_loop3A_775] {strides = array<i32>} : memref<5x16x768xf32, #tpu.memory_space<vmem>>, vector<1x1x16xf32>,
        %parallel_loop3A_777 = vector.shape_cast %parallel_loop3A_776 : vector<1x1x16xf32> to vector<16xf32>
        %parallel_loop3A_778 = vector.shape_cast %parallel_loop3A_772 : vector<16xf32> to vector<1x1x16xf32>
        tpu.vector_store %arg12[%parallel_loop3A_773, %parallel_loop3A_774, %parallel_loop3A_775], %parallel_loop3A_778 {add = true, strides = array<i32>} : memref<5x16x768xf32, #tpu.memory_space<vmem>>, vector<1x1x16xf32>,
        %parallel_loop3A_779 = arith.index_cast %rem3A_180 : i32 to index
        %parallel_loop3A_780 = arith.index_cast %parallel_loop3A_745 : i32 to index
        %parallel_loop3A_781 = arith.constant 544 : index
        %parallel_loop3A_782 = tpu.vector_load %arg11[%parallel_loop3A_779, %parallel_loop3A_780, %parallel_loop3A_781] {strides = array<i32>} : memref<2x16x768xf32, #tpu.memory_space<vmem>>, vector<1x1x16xf32>,
        %parallel_loop3A_783 = vector.shape_cast %parallel_loop3A_782 : vector<1x1x16xf32> to vector<16xf32>
        %parallel_loop3A_784 = arith.addf %parallel_loop3A_783, %get3A_550 : vector<16xf32>
        %parallel_loop3A_785 = arith.mulf %parallel_loop3A_750, %sub3A_633 : vector<16xf32>
        %parallel_loop3A_786 = arith.addf %parallel_loop3A_784, %parallel_loop3A_785 : vector<16xf32>
        %parallel_loop3A_787 = arith.index_cast %rem3A_135 : i32 to index
        %parallel_loop3A_788 = arith.index_cast %parallel_loop3A_745 : i32 to index
        %parallel_loop3A_789 = arith.constant 544 : index
        %parallel_loop3A_790 = tpu.vector_load %arg12[%parallel_loop3A_787, %parallel_loop3A_788, %parallel_loop3A_789] {strides = array<i32>} : memref<5x16x768xf32, #tpu.memory_space<vmem>>, vector<1x1x16xf32>,
        %parallel_loop3A_791 = vector.shape_cast %parallel_loop3A_790 : vector<1x1x16xf32> to vector<16xf32>
        %parallel_loop3A_792 = vector.shape_cast %parallel_loop3A_786 : vector<16xf32> to vector<1x1x16xf32>
        tpu.vector_store %arg12[%parallel_loop3A_787, %parallel_loop3A_788, %parallel_loop3A_789], %parallel_loop3A_792 {add = true, strides = array<i32>} : memref<5x16x768xf32, #tpu.memory_space<vmem>>, vector<1x1x16xf32>,
        %parallel_loop3A_793 = arith.index_cast %rem3A_180 : i32 to index
        %parallel_loop3A_794 = arith.index_cast %parallel_loop3A_745 : i32 to index
        %parallel_loop3A_795 = arith.constant 560 : index
        %parallel_loop3A_796 = tpu.vector_load %arg11[%parallel_loop3A_793, %parallel_loop3A_794, %parallel_loop3A_795] {strides = array<i32>} : memref<2x16x768xf32, #tpu.memory_space<vmem>>, vector<1x1x16xf32>,
        %parallel_loop3A_797 = vector.shape_cast %parallel_loop3A_796 : vector<1x1x16xf32> to vector<16xf32>
        %parallel_loop3A_798 = arith.addf %parallel_loop3A_797, %get3A_555 : vector<16xf32>
        %parallel_loop3A_799 = arith.mulf %parallel_loop3A_750, %sub3A_639 : vector<16xf32>
        %parallel_loop3A_800 = arith.addf %parallel_loop3A_798, %parallel_loop3A_799 : vector<16xf32>
        %parallel_loop3A_801 = arith.index_cast %rem3A_135 : i32 to index
        %parallel_loop3A_802 = arith.index_cast %parallel_loop3A_745 : i32 to index
        %parallel_loop3A_803 = arith.constant 560 : index
        %parallel_loop3A_804 = tpu.vector_load %arg12[%parallel_loop3A_801, %parallel_loop3A_802, %parallel_loop3A_803] {strides = array<i32>} : memref<5x16x768xf32, #tpu.memory_space<vmem>>, vector<1x1x16xf32>,
        %parallel_loop3A_805 = vector.shape_cast %parallel_loop3A_804 : vector<1x1x16xf32> to vector<16xf32>
        %parallel_loop3A_806 = vector.shape_cast %parallel_loop3A_800 : vector<16xf32> to vector<1x1x16xf32>
        tpu.vector_store %arg12[%parallel_loop3A_801, %parallel_loop3A_802, %parallel_loop3A_803], %parallel_loop3A_806 {add = true, strides = array<i32>} : memref<5x16x768xf32, #tpu.memory_space<vmem>>, vector<1x1x16xf32>,
        %parallel_loop3A_807 = arith.index_cast %rem3A_180 : i32 to index
        %parallel_loop3A_808 = arith.index_cast %parallel_loop3A_745 : i32 to index
        %parallel_loop3A_809 = arith.constant 576 : index
        %parallel_loop3A_810 = tpu.vector_load %arg11[%parallel_loop3A_807, %parallel_loop3A_808, %parallel_loop3A_809] {strides = array<i32>} : memref<2x16x768xf32, #tpu.memory_space<vmem>>, vector<1x1x16xf32>,
        %parallel_loop3A_811 = vector.shape_cast %parallel_loop3A_810 : vector<1x1x16xf32> to vector<16xf32>
        %parallel_loop3A_812 = arith.addf %parallel_loop3A_811, %get3A_560 : vector<16xf32>
        %parallel_loop3A_813 = arith.mulf %parallel_loop3A_750, %sub3A_645 : vector<16xf32>
        %parallel_loop3A_814 = arith.addf %parallel_loop3A_812, %parallel_loop3A_813 : vector<16xf32>
        %parallel_loop3A_815 = arith.index_cast %rem3A_135 : i32 to index
        %parallel_loop3A_816 = arith.index_cast %parallel_loop3A_745 : i32 to index
        %parallel_loop3A_817 = arith.constant 576 : index
        %parallel_loop3A_818 = tpu.vector_load %arg12[%parallel_loop3A_815, %parallel_loop3A_816, %parallel_loop3A_817] {strides = array<i32>} : memref<5x16x768xf32, #tpu.memory_space<vmem>>, vector<1x1x16xf32>,
        %parallel_loop3A_819 = vector.shape_cast %parallel_loop3A_818 : vector<1x1x16xf32> to vector<16xf32>
        %parallel_loop3A_820 = vector.shape_cast %parallel_loop3A_814 : vector<16xf32> to vector<1x1x16xf32>
        tpu.vector_store %arg12[%parallel_loop3A_815, %parallel_loop3A_816, %parallel_loop3A_817], %parallel_loop3A_820 {add = true, strides = array<i32>} : memref<5x16x768xf32, #tpu.memory_space<vmem>>, vector<1x1x16xf32>,
        %parallel_loop3A_821 = arith.index_cast %rem3A_180 : i32 to index
        %parallel_loop3A_822 = arith.index_cast %parallel_loop3A_745 : i32 to index
        %parallel_loop3A_823 = arith.constant 592 : index
        %parallel_loop3A_824 = tpu.vector_load %arg11[%parallel_loop3A_821, %parallel_loop3A_822, %parallel_loop3A_823] {strides = array<i32>} : memref<2x16x768xf32, #tpu.memory_space<vmem>>, vector<1x1x16xf32>,
        %parallel_loop3A_825 = vector.shape_cast %parallel_loop3A_824 : vector<1x1x16xf32> to vector<16xf32>
        %parallel_loop3A_826 = arith.addf %parallel_loop3A_825, %get3A_565 : vector<16xf32>
        %parallel_loop3A_827 = arith.mulf %parallel_loop3A_750, %sub3A_651 : vector<16xf32>
        %parallel_loop3A_828 = arith.addf %parallel_loop3A_826, %parallel_loop3A_827 : vector<16xf32>
        %parallel_loop3A_829 = arith.index_cast %rem3A_135 : i32 to index
        %parallel_loop3A_830 = arith.index_cast %parallel_loop3A_745 : i32 to index
        %parallel_loop3A_831 = arith.constant 592 : index
        %parallel_loop3A_832 = tpu.vector_load %arg12[%parallel_loop3A_829, %parallel_loop3A_830, %parallel_loop3A_831] {strides = array<i32>} : memref<5x16x768xf32, #tpu.memory_space<vmem>>, vector<1x1x16xf32>,
        %parallel_loop3A_833 = vector.shape_cast %parallel_loop3A_832 : vector<1x1x16xf32> to vector<16xf32>
        %parallel_loop3A_834 = vector.shape_cast %parallel_loop3A_828 : vector<16xf32> to vector<1x1x16xf32>
        tpu.vector_store %arg12[%parallel_loop3A_829, %parallel_loop3A_830, %parallel_loop3A_831], %parallel_loop3A_834 {add = true, strides = array<i32>} : memref<5x16x768xf32, #tpu.memory_space<vmem>>, vector<1x1x16xf32>,
        %parallel_loop3A_835 = arith.index_cast %rem3A_180 : i32 to index
        %parallel_loop3A_836 = arith.index_cast %parallel_loop3A_745 : i32 to index
        %parallel_loop3A_837 = arith.constant 608 : index
        %parallel_loop3A_838 = tpu.vector_load %arg11[%parallel_loop3A_835, %parallel_loop3A_836, %parallel_loop3A_837] {strides = array<i32>} : memref<2x16x768xf32, #tpu.memory_space<vmem>>, vector<1x1x16xf32>,
        %parallel_loop3A_839 = vector.shape_cast %parallel_loop3A_838 : vector<1x1x16xf32> to vector<16xf32>
        %parallel_loop3A_840 = arith.addf %parallel_loop3A_839, %get3A_570 : vector<16xf32>
        %parallel_loop3A_841 = arith.mulf %parallel_loop3A_750, %sub3A_657 : vector<16xf32>
        %parallel_loop3A_842 = arith.addf %parallel_loop3A_840, %parallel_loop3A_841 : vector<16xf32>
        %parallel_loop3A_843 = arith.index_cast %rem3A_135 : i32 to index
        %parallel_loop3A_844 = arith.index_cast %parallel_loop3A_745 : i32 to index
        %parallel_loop3A_845 = arith.constant 608 : index
        %parallel_loop3A_846 = tpu.vector_load %arg12[%parallel_loop3A_843, %parallel_loop3A_844, %parallel_loop3A_845] {strides = array<i32>} : memref<5x16x768xf32, #tpu.memory_space<vmem>>, vector<1x1x16xf32>,
        %parallel_loop3A_847 = vector.shape_cast %parallel_loop3A_846 : vector<1x1x16xf32> to vector<16xf32>
        %parallel_loop3A_848 = vector.shape_cast %parallel_loop3A_842 : vector<16xf32> to vector<1x1x16xf32>
        tpu.vector_store %arg12[%parallel_loop3A_843, %parallel_loop3A_844, %parallel_loop3A_845], %parallel_loop3A_848 {add = true, strides = array<i32>} : memref<5x16x768xf32, #tpu.memory_space<vmem>>, vector<1x1x16xf32>,
        %parallel_loop3A_849 = arith.index_cast %rem3A_180 : i32 to index
        %parallel_loop3A_850 = arith.index_cast %parallel_loop3A_745 : i32 to index
        %parallel_loop3A_851 = arith.constant 624 : index
        %parallel_loop3A_852 = tpu.vector_load %arg11[%parallel_loop3A_849, %parallel_loop3A_850, %parallel_loop3A_851] {strides = array<i32>} : memref<2x16x768xf32, #tpu.memory_space<vmem>>, vector<1x1x16xf32>,
        %parallel_loop3A_853 = vector.shape_cast %parallel_loop3A_852 : vector<1x1x16xf32> to vector<16xf32>
        %parallel_loop3A_854 = arith.addf %parallel_loop3A_853, %get3A_575 : vector<16xf32>
        %parallel_loop3A_855 = arith.mulf %parallel_loop3A_750, %sub3A_663 : vector<16xf32>
        %parallel_loop3A_856 = arith.addf %parallel_loop3A_854, %parallel_loop3A_855 : vector<16xf32>
        %parallel_loop3A_857 = arith.index_cast %rem3A_135 : i32 to index
        %parallel_loop3A_858 = arith.index_cast %parallel_loop3A_745 : i32 to index
        %parallel_loop3A_859 = arith.constant 624 : index
        %parallel_loop3A_860 = tpu.vector_load %arg12[%parallel_loop3A_857, %parallel_loop3A_858, %parallel_loop3A_859] {strides = array<i32>} : memref<5x16x768xf32, #tpu.memory_space<vmem>>, vector<1x1x16xf32>,
        %parallel_loop3A_861 = vector.shape_cast %parallel_loop3A_860 : vector<1x1x16xf32> to vector<16xf32>
        %parallel_loop3A_862 = vector.shape_cast %parallel_loop3A_856 : vector<16xf32> to vector<1x1x16xf32>
        tpu.vector_store %arg12[%parallel_loop3A_857, %parallel_loop3A_858, %parallel_loop3A_859], %parallel_loop3A_862 {add = true, strides = array<i32>} : memref<5x16x768xf32, #tpu.memory_space<vmem>>, vector<1x1x16xf32>,
        %parallel_loop3A_863 = arith.index_cast %rem3A_180 : i32 to index
        %parallel_loop3A_864 = arith.index_cast %parallel_loop3A_745 : i32 to index
        %parallel_loop3A_865 = arith.constant 640 : index
        %parallel_loop3A_866 = tpu.vector_load %arg11[%parallel_loop3A_863, %parallel_loop3A_864, %parallel_loop3A_865] {strides = array<i32>} : memref<2x16x768xf32, #tpu.memory_space<vmem>>, vector<1x1x16xf32>,
        %parallel_loop3A_867 = vector.shape_cast %parallel_loop3A_866 : vector<1x1x16xf32> to vector<16xf32>
        %parallel_loop3A_868 = arith.addf %parallel_loop3A_867, %get3A_580 : vector<16xf32>
        %parallel_loop3A_869 = arith.mulf %parallel_loop3A_750, %sub3A_669 : vector<16xf32>
        %parallel_loop3A_870 = arith.addf %parallel_loop3A_868, %parallel_loop3A_869 : vector<16xf32>
        %parallel_loop3A_871 = arith.index_cast %rem3A_135 : i32 to index
        %parallel_loop3A_872 = arith.index_cast %parallel_loop3A_745 : i32 to index
        %parallel_loop3A_873 = arith.constant 640 : index
        %parallel_loop3A_874 = tpu.vector_load %arg12[%parallel_loop3A_871, %parallel_loop3A_872, %parallel_loop3A_873] {strides = array<i32>} : memref<5x16x768xf32, #tpu.memory_space<vmem>>, vector<1x1x16xf32>,
        %parallel_loop3A_875 = vector.shape_cast %parallel_loop3A_874 : vector<1x1x16xf32> to vector<16xf32>
        %parallel_loop3A_876 = vector.shape_cast %parallel_loop3A_870 : vector<16xf32> to vector<1x1x16xf32>
        tpu.vector_store %arg12[%parallel_loop3A_871, %parallel_loop3A_872, %parallel_loop3A_873], %parallel_loop3A_876 {add = true, strides = array<i32>} : memref<5x16x768xf32, #tpu.memory_space<vmem>>, vector<1x1x16xf32>,
        %parallel_loop3A_877 = arith.index_cast %rem3A_180 : i32 to index
        %parallel_loop3A_878 = arith.index_cast %parallel_loop3A_745 : i32 to index
        %parallel_loop3A_879 = arith.constant 656 : index
        %parallel_loop3A_880 = tpu.vector_load %arg11[%parallel_loop3A_877, %parallel_loop3A_878, %parallel_loop3A_879] {strides = array<i32>} : memref<2x16x768xf32, #tpu.memory_space<vmem>>, vector<1x1x16xf32>,
        %parallel_loop3A_881 = vector.shape_cast %parallel_loop3A_880 : vector<1x1x16xf32> to vector<16xf32>
        %parallel_loop3A_882 = arith.addf %parallel_loop3A_881, %get3A_585 : vector<16xf32>
        %parallel_loop3A_883 = arith.mulf %parallel_loop3A_750, %sub3A_675 : vector<16xf32>
        %parallel_loop3A_884 = arith.addf %parallel_loop3A_882, %parallel_loop3A_883 : vector<16xf32>
        %parallel_loop3A_885 = arith.index_cast %rem3A_135 : i32 to index
        %parallel_loop3A_886 = arith.index_cast %parallel_loop3A_745 : i32 to index
        %parallel_loop3A_887 = arith.constant 656 : index
        %parallel_loop3A_888 = tpu.vector_load %arg12[%parallel_loop3A_885, %parallel_loop3A_886, %parallel_loop3A_887] {strides = array<i32>} : memref<5x16x768xf32, #tpu.memory_space<vmem>>, vector<1x1x16xf32>,
        %parallel_loop3A_889 = vector.shape_cast %parallel_loop3A_888 : vector<1x1x16xf32> to vector<16xf32>
        %parallel_loop3A_890 = vector.shape_cast %parallel_loop3A_884 : vector<16xf32> to vector<1x1x16xf32>
        tpu.vector_store %arg12[%parallel_loop3A_885, %parallel_loop3A_886, %parallel_loop3A_887], %parallel_loop3A_890 {add = true, strides = array<i32>} : memref<5x16x768xf32, #tpu.memory_space<vmem>>, vector<1x1x16xf32>,
        %parallel_loop3A_891 = arith.index_cast %rem3A_180 : i32 to index
        %parallel_loop3A_892 = arith.index_cast %parallel_loop3A_745 : i32 to index
        %parallel_loop3A_893 = arith.constant 672 : index
        %parallel_loop3A_894 = tpu.vector_load %arg11[%parallel_loop3A_891, %parallel_loop3A_892, %parallel_loop3A_893] {strides = array<i32>} : memref<2x16x768xf32, #tpu.memory_space<vmem>>, vector<1x1x16xf32>,
        %parallel_loop3A_895 = vector.shape_cast %parallel_loop3A_894 : vector<1x1x16xf32> to vector<16xf32>
        %parallel_loop3A_896 = arith.addf %parallel_loop3A_895, %get3A_590 : vector<16xf32>
        %parallel_loop3A_897 = arith.mulf %parallel_loop3A_750, %sub3A_681 : vector<16xf32>
        %parallel_loop3A_898 = arith.addf %parallel_loop3A_896, %parallel_loop3A_897 : vector<16xf32>
        %parallel_loop3A_899 = arith.index_cast %rem3A_135 : i32 to index
        %parallel_loop3A_900 = arith.index_cast %parallel_loop3A_745 : i32 to index
        %parallel_loop3A_901 = arith.constant 672 : index
        %parallel_loop3A_902 = tpu.vector_load %arg12[%parallel_loop3A_899, %parallel_loop3A_900, %parallel_loop3A_901] {strides = array<i32>} : memref<5x16x768xf32, #tpu.memory_space<vmem>>, vector<1x1x16xf32>,
        %parallel_loop3A_903 = vector.shape_cast %parallel_loop3A_902 : vector<1x1x16xf32> to vector<16xf32>
        %parallel_loop3A_904 = vector.shape_cast %parallel_loop3A_898 : vector<16xf32> to vector<1x1x16xf32>
        tpu.vector_store %arg12[%parallel_loop3A_899, %parallel_loop3A_900, %parallel_loop3A_901], %parallel_loop3A_904 {add = true, strides = array<i32>} : memref<5x16x768xf32, #tpu.memory_space<vmem>>, vector<1x1x16xf32>,
        %parallel_loop3A_905 = arith.index_cast %rem3A_180 : i32 to index
        %parallel_loop3A_906 = arith.index_cast %parallel_loop3A_745 : i32 to index
        %parallel_loop3A_907 = arith.constant 688 : index
        %parallel_loop3A_908 = tpu.vector_load %arg11[%parallel_loop3A_905, %parallel_loop3A_906, %parallel_loop3A_907] {strides = array<i32>} : memref<2x16x768xf32, #tpu.memory_space<vmem>>, vector<1x1x16xf32>,
        %parallel_loop3A_909 = vector.shape_cast %parallel_loop3A_908 : vector<1x1x16xf32> to vector<16xf32>
        %parallel_loop3A_910 = arith.addf %parallel_loop3A_909, %get3A_595 : vector<16xf32>
        %parallel_loop3A_911 = arith.mulf %parallel_loop3A_750, %sub3A_687 : vector<16xf32>
        %parallel_loop3A_912 = arith.addf %parallel_loop3A_910, %parallel_loop3A_911 : vector<16xf32>
        %parallel_loop3A_913 = arith.index_cast %rem3A_135 : i32 to index
        %parallel_loop3A_914 = arith.index_cast %parallel_loop3A_745 : i32 to index
        %parallel_loop3A_915 = arith.constant 688 : index
        %parallel_loop3A_916 = tpu.vector_load %arg12[%parallel_loop3A_913, %parallel_loop3A_914, %parallel_loop3A_915] {strides = array<i32>} : memref<5x16x768xf32, #tpu.memory_space<vmem>>, vector<1x1x16xf32>,
        %parallel_loop3A_917 = vector.shape_cast %parallel_loop3A_916 : vector<1x1x16xf32> to vector<16xf32>
        %parallel_loop3A_918 = vector.shape_cast %parallel_loop3A_912 : vector<16xf32> to vector<1x1x16xf32>
        tpu.vector_store %arg12[%parallel_loop3A_913, %parallel_loop3A_914, %parallel_loop3A_915], %parallel_loop3A_918 {add = true, strides = array<i32>} : memref<5x16x768xf32, #tpu.memory_space<vmem>>, vector<1x1x16xf32>,
        %parallel_loop3A_919 = arith.index_cast %rem3A_180 : i32 to index
        %parallel_loop3A_920 = arith.index_cast %parallel_loop3A_745 : i32 to index
        %parallel_loop3A_921 = arith.constant 704 : index
        %parallel_loop3A_922 = tpu.vector_load %arg11[%parallel_loop3A_919, %parallel_loop3A_920, %parallel_loop3A_921] {strides = array<i32>} : memref<2x16x768xf32, #tpu.memory_space<vmem>>, vector<1x1x16xf32>,
        %parallel_loop3A_923 = vector.shape_cast %parallel_loop3A_922 : vector<1x1x16xf32> to vector<16xf32>
        %parallel_loop3A_924 = arith.addf %parallel_loop3A_923, %get3A_600 : vector<16xf32>
        %parallel_loop3A_925 = arith.mulf %parallel_loop3A_750, %sub3A_693 : vector<16xf32>
        %parallel_loop3A_926 = arith.addf %parallel_loop3A_924, %parallel_loop3A_925 : vector<16xf32>
        %parallel_loop3A_927 = arith.index_cast %rem3A_135 : i32 to index
        %parallel_loop3A_928 = arith.index_cast %parallel_loop3A_745 : i32 to index
        %parallel_loop3A_929 = arith.constant 704 : index
        %parallel_loop3A_930 = tpu.vector_load %arg12[%parallel_loop3A_927, %parallel_loop3A_928, %parallel_loop3A_929] {strides = array<i32>} : memref<5x16x768xf32, #tpu.memory_space<vmem>>, vector<1x1x16xf32>,
        %parallel_loop3A_931 = vector.shape_cast %parallel_loop3A_930 : vector<1x1x16xf32> to vector<16xf32>
        %parallel_loop3A_932 = vector.shape_cast %parallel_loop3A_926 : vector<16xf32> to vector<1x1x16xf32>
        tpu.vector_store %arg12[%parallel_loop3A_927, %parallel_loop3A_928, %parallel_loop3A_929], %parallel_loop3A_932 {add = true, strides = array<i32>} : memref<5x16x768xf32, #tpu.memory_space<vmem>>, vector<1x1x16xf32>,
        %parallel_loop3A_933 = arith.index_cast %rem3A_180 : i32 to index
        %parallel_loop3A_934 = arith.index_cast %parallel_loop3A_745 : i32 to index
        %parallel_loop3A_935 = arith.constant 720 : index
        %parallel_loop3A_936 = tpu.vector_load %arg11[%parallel_loop3A_933, %parallel_loop3A_934, %parallel_loop3A_935] {strides = array<i32>} : memref<2x16x768xf32, #tpu.memory_space<vmem>>, vector<1x1x16xf32>,
        %parallel_loop3A_937 = vector.shape_cast %parallel_loop3A_936 : vector<1x1x16xf32> to vector<16xf32>
        %parallel_loop3A_938 = arith.addf %parallel_loop3A_937, %get3A_605 : vector<16xf32>
        %parallel_loop3A_939 = arith.mulf %parallel_loop3A_750, %sub3A_699 : vector<16xf32>
        %parallel_loop3A_940 = arith.addf %parallel_loop3A_938, %parallel_loop3A_939 : vector<16xf32>
        %parallel_loop3A_941 = arith.index_cast %rem3A_135 : i32 to index
        %parallel_loop3A_942 = arith.index_cast %parallel_loop3A_745 : i32 to index
        %parallel_loop3A_943 = arith.constant 720 : index
        %parallel_loop3A_944 = tpu.vector_load %arg12[%parallel_loop3A_941, %parallel_loop3A_942, %parallel_loop3A_943] {strides = array<i32>} : memref<5x16x768xf32, #tpu.memory_space<vmem>>, vector<1x1x16xf32>,
        %parallel_loop3A_945 = vector.shape_cast %parallel_loop3A_944 : vector<1x1x16xf32> to vector<16xf32>
        %parallel_loop3A_946 = vector.shape_cast %parallel_loop3A_940 : vector<16xf32> to vector<1x1x16xf32>
        tpu.vector_store %arg12[%parallel_loop3A_941, %parallel_loop3A_942, %parallel_loop3A_943], %parallel_loop3A_946 {add = true, strides = array<i32>} : memref<5x16x768xf32, #tpu.memory_space<vmem>>, vector<1x1x16xf32>,
        %parallel_loop3A_947 = arith.index_cast %rem3A_180 : i32 to index
        %parallel_loop3A_948 = arith.index_cast %parallel_loop3A_745 : i32 to index
        %parallel_loop3A_949 = arith.constant 736 : index
        %parallel_loop3A_950 = tpu.vector_load %arg11[%parallel_loop3A_947, %parallel_loop3A_948, %parallel_loop3A_949] {strides = array<i32>} : memref<2x16x768xf32, #tpu.memory_space<vmem>>, vector<1x1x16xf32>,
        %parallel_loop3A_951 = vector.shape_cast %parallel_loop3A_950 : vector<1x1x16xf32> to vector<16xf32>
        %parallel_loop3A_952 = arith.addf %parallel_loop3A_951, %get3A_610 : vector<16xf32>
        %parallel_loop3A_953 = arith.mulf %parallel_loop3A_750, %sub3A_705 : vector<16xf32>
        %parallel_loop3A_954 = arith.addf %parallel_loop3A_952, %parallel_loop3A_953 : vector<16xf32>
        %parallel_loop3A_955 = arith.index_cast %rem3A_135 : i32 to index
        %parallel_loop3A_956 = arith.index_cast %parallel_loop3A_745 : i32 to index
        %parallel_loop3A_957 = arith.constant 736 : index
        %parallel_loop3A_958 = tpu.vector_load %arg12[%parallel_loop3A_955, %parallel_loop3A_956, %parallel_loop3A_957] {strides = array<i32>} : memref<5x16x768xf32, #tpu.memory_space<vmem>>, vector<1x1x16xf32>,
        %parallel_loop3A_959 = vector.shape_cast %parallel_loop3A_958 : vector<1x1x16xf32> to vector<16xf32>
        %parallel_loop3A_960 = vector.shape_cast %parallel_loop3A_954 : vector<16xf32> to vector<1x1x16xf32>
        tpu.vector_store %arg12[%parallel_loop3A_955, %parallel_loop3A_956, %parallel_loop3A_957], %parallel_loop3A_960 {add = true, strides = array<i32>} : memref<5x16x768xf32, #tpu.memory_space<vmem>>, vector<1x1x16xf32>,
        %parallel_loop3A_961 = arith.index_cast %rem3A_180 : i32 to index
        %parallel_loop3A_962 = arith.index_cast %parallel_loop3A_745 : i32 to index
        %parallel_loop3A_963 = arith.constant 752 : index
        %parallel_loop3A_964 = tpu.vector_load %arg11[%parallel_loop3A_961, %parallel_loop3A_962, %parallel_loop3A_963] {strides = array<i32>} : memref<2x16x768xf32, #tpu.memory_space<vmem>>, vector<1x1x16xf32>,
        %parallel_loop3A_965 = vector.shape_cast %parallel_loop3A_964 : vector<1x1x16xf32> to vector<16xf32>
        %parallel_loop3A_966 = arith.addf %parallel_loop3A_965, %get3A_615 : vector<16xf32>
        %parallel_loop3A_967 = arith.mulf %parallel_loop3A_750, %sub3A_711 : vector<16xf32>
        %parallel_loop3A_968 = arith.addf %parallel_loop3A_966, %parallel_loop3A_967 : vector<16xf32>
        %parallel_loop3A_969 = arith.index_cast %rem3A_135 : i32 to index
        %parallel_loop3A_970 = arith.index_cast %parallel_loop3A_745 : i32 to index
        %parallel_loop3A_971 = arith.constant 752 : index
        %parallel_loop3A_972 = tpu.vector_load %arg12[%parallel_loop3A_969, %parallel_loop3A_970, %parallel_loop3A_971] {strides = array<i32>} : memref<5x16x768xf32, #tpu.memory_space<vmem>>, vector<1x1x16xf32>,
        %parallel_loop3A_973 = vector.shape_cast %parallel_loop3A_972 : vector<1x1x16xf32> to vector<16xf32>
        %parallel_loop3A_974 = vector.shape_cast %parallel_loop3A_968 : vector<16xf32> to vector<1x1x16xf32>
        tpu.vector_store %arg12[%parallel_loop3A_969, %parallel_loop3A_970, %parallel_loop3A_971], %parallel_loop3A_974 {add = true, strides = array<i32>} : memref<5x16x768xf32, #tpu.memory_space<vmem>>, vector<1x1x16xf32>,
      } {sc.loop_unroll_factor = 4 : i64, sc.parallel_access}
      %rem3A_715 = arith.constant 5 : i32
      %rem3A_716 = arith.remsi %scan3A_133, %rem3A_715 : i32
      %div3A_717 = arith.constant 4 : i32
      %div3A_718 = arith.divsi %scan3A_133, %div3A_717 : i32
      %rem3A_719 = arith.constant 4 : i32
      %rem3A_720 = arith.remsi %scan3A_133, %rem3A_719 : i32
      %mul3A_721 = arith.constant 2048 : i32
      %mul3A_722 = arith.muli %rem3A_720, %mul3A_721 : i32
      %mul3A_723 = arith.constant 64 : i32
      %mul3A_724 = arith.muli %add3A, %mul3A_723 : i32
      %add3A_725 = arith.addi %mul3A_722, %mul3A_724 : i32
      %mul3A_726 = arith.constant 16 : i32
      %mul3A_727 = arith.muli %div3A_718, %mul3A_726 : i32
      %add3A_728 = arith.addi %add3A_725, %mul3A_727 : i32
      %rem3A_729 = arith.constant 3 : i32
      %rem3A_730 = arith.remsi %scan3A_133, %rem3A_729 : i32
      %dma_start3A_731 = arith.constant 0 : i32
      %dma_start3A_732 = arith.constant 0 : i32
      %dma_start3A_733 = tpu.memref_slice %arg12[%rem3A_716, %dma_start3A_731, %dma_start3A_732] : memref<5x16x768xf32, #tpu.memory_space<vmem>> -> memref<1x16x768xf32, #tpu.memory_space<vmem>>
      %dma_start3A_734 = tpu.memref_squeeze %dma_start3A_733 : memref<1x16x768xf32, #tpu.memory_space<vmem>> -> memref<16x768xf32, #tpu.memory_space<vmem>>
      %dma_start3A_735 = arith.constant 0 : i32
      %dma_start3A_736 = tpu.memref_slice %arg7[%add3A_728, %dma_start3A_735] : memref<8192x768xf32, #tpu.memory_space<hbm>> -> memref<16x768xf32, #tpu.memory_space<hbm>>
      %dma_start3A_737 = tpu.memref_slice %arg14[%rem3A_730] : memref<3x!tpu.dma_semaphore, #tpu.memory_space<semaphore_mem>> -> memref<1x!tpu.dma_semaphore, #tpu.memory_space<semaphore_mem>>
      %dma_start3A_738 = tpu.memref_squeeze %dma_start3A_737 : memref<1x!tpu.dma_semaphore, #tpu.memory_space<semaphore_mem>> -> memref<!tpu.dma_semaphore, #tpu.memory_space<semaphore_mem>>
      %dma_start3A_739 = arith.constant 0 : i32
      %dma_start3A_740 = tpu.memref_slice %arg7[%add3A_728, %dma_start3A_739] : memref<8192x768xf32, #tpu.memory_space<hbm>> -> memref<16x768xf32, #tpu.memory_space<hbm>>
      %dma_start3A_741 = arith.constant 0 : i32
      %dma_start3A_742 = arith.constant 0 : i32
      %dma_start3A_743 = tpu.memref_slice %arg12[%rem3A_716, %dma_start3A_741, %dma_start3A_742] : memref<5x16x768xf32, #tpu.memory_space<vmem>> -> memref<1x16x768xf32, #tpu.memory_space<vmem>>
      %dma_start3A_744 = tpu.memref_squeeze %dma_start3A_743 : memref<1x16x768xf32, #tpu.memory_space<vmem>> -> memref<16x768xf32, #tpu.memory_space<vmem>>
      tpu.enqueue_dma source(%dma_start3A_744 : memref<16x768xf32, #tpu.memory_space<vmem>>) target(%dma_start3A_740 : memref<16x768xf32, #tpu.memory_space<hbm>>) target_semaphore(%dma_start3A_738 : memref<!tpu.dma_semaphore, #tpu.memory_space<semaphore_mem>>)
    }
    %scan3A_66 = arith.constant 16 : i32
    %rem3A_67 = arith.constant 14 : i32
    %rem3A_68 = arith.constant 5 : i32
    %rem3A_69 = arith.remsi %rem3A_67, %rem3A_68 : i32
    %div3A = arith.constant 14 : i32
    %div3A_70 = arith.constant 4 : i32
    %div3A_71 = arith.divsi %div3A, %div3A_70 : i32
    %rem3A_72 = arith.constant 14 : i32
    %rem3A_73 = arith.constant 4 : i32
    %rem3A_74 = arith.remsi %rem3A_72, %rem3A_73 : i32
    %mul3A_75 = arith.constant 2048 : i32
    %mul3A_76 = arith.muli %rem3A_74, %mul3A_75 : i32
    %mul3A_77 = arith.constant 64 : i32
    %mul3A_78 = arith.muli %add3A, %mul3A_77 : i32
    %add3A_79 = arith.addi %mul3A_76, %mul3A_78 : i32
    %mul3A_80 = arith.constant 16 : i32
    %mul3A_81 = arith.muli %div3A_71, %mul3A_80 : i32
    %add3A_82 = arith.addi %add3A_79, %mul3A_81 : i32
    %rem3A_83 = arith.constant 14 : i32
    %rem3A_84 = arith.constant 3 : i32
    %rem3A_85 = arith.remsi %rem3A_83, %rem3A_84 : i32
    %dma_wait3A = arith.constant 0 : i32
    %dma_wait3A_86 = arith.constant 0 : i32
    %dma_wait3A_87 = tpu.memref_slice %arg12[%rem3A_69, %dma_wait3A, %dma_wait3A_86] : memref<5x16x768xf32, #tpu.memory_space<vmem>> -> memref<1x16x768xf32, #tpu.memory_space<vmem>>
    %dma_wait3A_88 = tpu.memref_squeeze %dma_wait3A_87 : memref<1x16x768xf32, #tpu.memory_space<vmem>> -> memref<16x768xf32, #tpu.memory_space<vmem>>
    %dma_wait3A_89 = arith.constant 0 : i32
    %dma_wait3A_90 = tpu.memref_slice %arg7[%add3A_82, %dma_wait3A_89] : memref<8192x768xf32, #tpu.memory_space<hbm>> -> memref<16x768xf32, #tpu.memory_space<hbm>>
    %dma_wait3A_91 = tpu.memref_slice %arg14[%rem3A_85] : memref<3x!tpu.dma_semaphore, #tpu.memory_space<semaphore_mem>> -> memref<1x!tpu.dma_semaphore, #tpu.memory_space<semaphore_mem>>
    %dma_wait3A_92 = tpu.memref_squeeze %dma_wait3A_91 : memref<1x!tpu.dma_semaphore, #tpu.memory_space<semaphore_mem>> -> memref<!tpu.dma_semaphore, #tpu.memory_space<semaphore_mem>>
    %dma_wait3A_93 = arith.constant 0 : i32
    %dma_wait3A_94 = tpu.memref_slice %arg7[%add3A_82, %dma_wait3A_93] : memref<8192x768xf32, #tpu.memory_space<hbm>> -> memref<16x768xf32, #tpu.memory_space<hbm>>
    %dma_wait3A_95 = arith.constant 0 : i32
    %dma_wait3A_96 = arith.constant 0 : i32
    %dma_wait3A_97 = tpu.memref_slice %arg12[%rem3A_69, %dma_wait3A_95, %dma_wait3A_96] : memref<5x16x768xf32, #tpu.memory_space<vmem>> -> memref<1x16x768xf32, #tpu.memory_space<vmem>>
    %dma_wait3A_98 = tpu.memref_squeeze %dma_wait3A_97 : memref<1x16x768xf32, #tpu.memory_space<vmem>> -> memref<16x768xf32, #tpu.memory_space<vmem>>
    tpu.wait_dma2 semaphore(%dma_wait3A_92 : memref<!tpu.dma_semaphore, #tpu.memory_space<semaphore_mem>>) src(%dma_wait3A_98 : memref<16x768xf32, #tpu.memory_space<vmem>>) dst(%dma_wait3A_94 : memref<16x768xf32, #tpu.memory_space<hbm>>)
    %rem3A_99 = arith.constant 15 : i32
    %rem3A_100 = arith.constant 5 : i32
    %rem3A_101 = arith.remsi %rem3A_99, %rem3A_100 : i32
    %div3A_102 = arith.constant 15 : i32
    %div3A_103 = arith.constant 4 : i32
    %div3A_104 = arith.divsi %div3A_102, %div3A_103 : i32
    %rem3A_105 = arith.constant 15 : i32
    %rem3A_106 = arith.constant 4 : i32
    %rem3A_107 = arith.remsi %rem3A_105, %rem3A_106 : i32
    %mul3A_108 = arith.constant 2048 : i32
    %mul3A_109 = arith.muli %rem3A_107, %mul3A_108 : i32
    %mul3A_110 = arith.constant 64 : i32
    %mul3A_111 = arith.muli %add3A, %mul3A_110 : i32
    %add3A_112 = arith.addi %mul3A_109, %mul3A_111 : i32
    %mul3A_113 = arith.constant 16 : i32
    %mul3A_114 = arith.muli %div3A_104, %mul3A_113 : i32
    %add3A_115 = arith.addi %add3A_112, %mul3A_114 : i32
    %rem3A_116 = arith.constant 15 : i32
    %rem3A_117 = arith.constant 3 : i32
    %rem3A_118 = arith.remsi %rem3A_116, %rem3A_117 : i32
    %dma_wait3A_119 = arith.constant 0 : i32
    %dma_wait3A_120 = arith.constant 0 : i32
    %dma_wait3A_121 = tpu.memref_slice %arg12[%rem3A_101, %dma_wait3A_119, %dma_wait3A_120] : memref<5x16x768xf32, #tpu.memory_space<vmem>> -> memref<1x16x768xf32, #tpu.memory_space<vmem>>
    %dma_wait3A_122 = tpu.memref_squeeze %dma_wait3A_121 : memref<1x16x768xf32, #tpu.memory_space<vmem>> -> memref<16x768xf32, #tpu.memory_space<vmem>>
    %dma_wait3A_123 = arith.constant 0 : i32
    %dma_wait3A_124 = tpu.memref_slice %arg7[%add3A_115, %dma_wait3A_123] : memref<8192x768xf32, #tpu.memory_space<hbm>> -> memref<16x768xf32, #tpu.memory_space<hbm>>
    %dma_wait3A_125 = tpu.memref_slice %arg14[%rem3A_118] : memref<3x!tpu.dma_semaphore, #tpu.memory_space<semaphore_mem>> -> memref<1x!tpu.dma_semaphore, #tpu.memory_space<semaphore_mem>>
    %dma_wait3A_126 = tpu.memref_squeeze %dma_wait3A_125 : memref<1x!tpu.dma_semaphore, #tpu.memory_space<semaphore_mem>> -> memref<!tpu.dma_semaphore, #tpu.memory_space<semaphore_mem>>
    %dma_wait3A_127 = arith.constant 0 : i32
    %dma_wait3A_128 = tpu.memref_slice %arg7[%add3A_115, %dma_wait3A_127] : memref<8192x768xf32, #tpu.memory_space<hbm>> -> memref<16x768xf32, #tpu.memory_space<hbm>>
    %dma_wait3A_129 = arith.constant 0 : i32
    %dma_wait3A_130 = arith.constant 0 : i32
    %dma_wait3A_131 = tpu.memref_slice %arg12[%rem3A_101, %dma_wait3A_129, %dma_wait3A_130] : memref<5x16x768xf32, #tpu.memory_space<vmem>> -> memref<1x16x768xf32, #tpu.memory_space<vmem>>
    %dma_wait3A_132 = tpu.memref_squeeze %dma_wait3A_131 : memref<1x16x768xf32, #tpu.memory_space<vmem>> -> memref<16x768xf32, #tpu.memory_space<vmem>>
    tpu.wait_dma2 semaphore(%dma_wait3A_126 : memref<!tpu.dma_semaphore, #tpu.memory_space<semaphore_mem>>) src(%dma_wait3A_132 : memref<16x768xf32, #tpu.memory_space<vmem>>) dst(%dma_wait3A_128 : memref<16x768xf32, #tpu.memory_space<hbm>>)
    return
  }
}

</mosaic_0001>

<sc_bundles>
// kernel: kernel.3.cloned.1.call-start
scs
__scs_entry_jumppad:
0x0: {  	(pc) =	sbr.rel $0x88, $3  }
0x1: {  	(tag) =	ssettag $0x0;
	lr =	simm.s32 $0x1  }
0x2: {  	[smem:$0x3F9C] =	sst lr;
	_ =	strace $0xD0000000  }
0x3: {  	_ = 	snop  }
0x4: {  	_ = 	snop  }
0x5: {  	_ = 	snop  }
0x6: {  	_ = 	snop  }
0x7: {  	_ = 	snop  }
__scs_overlays_trampoline_lowered:
0x8: {  	[smem:$0x3FAB] =	sst s0  }
0x9: {  	[smem:$0x3FAC] =	sst s1  }
0xa: {  	[smem:$0x3FAD] =	sst s2  }
0xb: {  	[smem:$0x3FAE] =	sst s3  }
0xc: {  	[smem:$0x3FAF] =	sst s4  }
0xd: {  	[smem:$0x3FB0] =	sst s5  }
0xe: {  	[smem:$0x3FB1] =	sst s6  }
0xf: {  	[smem:$0x3FB2] =	sst s7  }
0x10: {  	[smem:$0x3FB3] =	sst s8  }
0x11: {  	[smem:$0x3FB4] =	sst s9;
	s0 =	simm.s32 @!p0 $0x0  }
0x12: {  	s1 =	sld [smem:$0x3F9A];
	s0 =	simm.s32 @p0 $0x1  }
0x13: {  	[smem:$0x3FB5] =	sst s0;
	s0 =	simm.s32 @!p1 $0x0  }
0x14: {  	s2 =	sld [smem:$0x3F99];
	s0 =	simm.s32 @p1 $0x1  }
0x15: {  	[smem:$0x3FB6] =	sst s0;
	s0 =	simm.s32 @!p2 $0x0  }
0x16: {  	s3 =	sld [smem:$0x3FDB];
	s0 =	simm.s32 @p2 $0x1  }
0x17: {  	s4 =	simm.s32 $0x1BF5;
	[smem:$0x3FB8] =	sst s0  }
0x18: {  	s0 =	sld [smem:$0x3F9B];
	_ =	swait.ge [sflag:s4], $0x0  }
0x19: {  	s7 =	sld [smem:$0x3F9C]  }
0x1a: {  	s8 =	sadd.s32 $0xFFFFE003, lr  }
0x1b: {  	s9 =	sadd.s32 $0xFFFFFEF7, lr;
	s5 =	simm.s32 $0xFFFFFFFF;
	p2 =	slt.u32 s8, $0xFFFFF086  }
0x1c: {  	p1 =	slt.u32 s9, $0xF7A;
	s5 =	simm.s32 @!p2 $0x0  }
0x1d: {  	s5 =	simm.s32 @p1 $0x1;
	p0 =	seq.s32 s7, s2  }
0x1e: {  	s7 =	smul.u32 @!p0 $0xF7A, s2;
	p2 =	seq.s32 @!p0 s5, $0x0  }
0x1f: {  	s9 =	smul.u32 $0xF7A, s1;
	s8 =	simm.s32 @!p0 $0x1BF5;
	p2 =	por !p2, p0  }
0x20: {  	[sflag:s8] =	ssyncset.s32 @!p0 $0xFFFFF086;
	s6 =	sadd.s32 @!p0 s3, s7;
	s7 =	simm.s32 @!p0 $0x108  }
0x21: {  	s3 =	sadd.s32 s3, s9;
	s6 =	sadd.s32 @!p0 $0x88, s6;
	s7 =	simm.s32 @p2 $0x1082  }
0x22: {  	[simem:s7], [sflag:s8] =	dma.local @!p0 [hbm:s6], $0xF7A  }
0x23: {  	s9 =	sor.u32 $0xD0000000, s2;
	s6 =	simm.s32 $0x108;
	_ =	swait.ge @!p0 [sflag:s8], $0x0  }
0x24: {  	s3 =	sadd.s32 $0x88, s3;
	s6 =	simm.s32 @!p1 $0x1082;
	[sflag:s4] =	ssyncset.s32 $0xFFFFF086  }
0x25: {  	[simem:s6], [sflag:s4] =	dma.local [hbm:s3], $0xF7A  }
0x26: {  	[smem:$0x3F9C] =	sst s1;
	(tag) =	ssettag s2;
	_ =	strace s9  }
0x27: {  	s1 =	sld [smem:$0x3FAC]  }
0x28: {  	s2 =	sld [smem:$0x3FAD]  }
0x29: {  	s4 =	sld [smem:$0x3FAF]  }
0x2a: {  	p0 =	seq.s32 s5, $0x0;
	s5 =	sld [smem:$0x3FB0]  }
0x2b: {  	s6 =	sld [smem:$0x3FB1]  }
0x2c: {  	s7 =	sld [smem:$0x3FB2]  }
0x2d: {  	s3 =	simm.s32 $0x108;
	s8 =	sld [smem:$0x3FB3]  }
0x2e: {  	s3 =	simm.s32 @!p0 $0x1082;
	s9 =	sld [smem:$0x3FB4]  }
0x2f: {  	lr =	sadd.s32 s0, s3;
	s0 =	sld [smem:$0x3FAB]  }
0x30: {  	s3 =	sld [smem:$0x3FAE]  }
0x31: {  	[smem:$0x3FB7] =	sst s10  }
0x32: {  	s10 =	sld [smem:$0x3FB5];
	_ =	sdelay $0x3  }
0x33: {  	p0 =	seq.s32 s10, $0x1;
	s10 =	sld [smem:$0x3FB7];
	_ =	sdelay $0x3  }
0x34: {  	[smem:$0x3FB7] =	sst s10  }
0x35: {  	s10 =	sld [smem:$0x3FB6];
	_ =	sdelay $0x3  }
0x36: {  	p1 =	seq.s32 s10, $0x1;
	s10 =	sld [smem:$0x3FB7];
	_ =	sdelay $0x3  }
0x37: {  	[smem:$0x3FB7] =	sst s10  }
0x38: {  	s10 =	sld [smem:$0x3FB8]  }
0x39: {  	_ = 	snop;
	(pc) =	sbr.ind lr, $3  }
0x3a: {  	_ = 	snop  }
0x3b: {  	_ = 	snop  }
0x3c: {  	p2 =	seq.s32 s10, $0x1;
	s10 =	sld [smem:$0x3FB7]  }
0x3d: {  	_ =	shalt  }
0x3e: {  	_ =	shalt  }
0x3f: {  	_ =	shalt  }
0x40: {  	_ =	shalt  }
0x41: {  	_ =	shalt  }
0x42: {  	_ =	shalt  }
0x43: {  	_ =	shalt  }
0x44: {  	_ =	shalt  }
0x45: {  	_ =	shalt  }
0x46: {  	_ =	shalt  }
0x47: {  	_ =	shalt  }
0x48: {  	_ =	shalt  }
0x49: {  	_ =	shalt  }
0x4a: {  	_ =	shalt  }
0x4b: {  	_ =	shalt  }
0x4c: {  	_ =	shalt  }
0x4d: {  	_ =	shalt  }
0x4e: {  	_ =	shalt  }
0x4f: {  	_ =	shalt  }
0x50: {  	_ =	shalt  }
0x51: {  	_ =	shalt  }
0x52: {  	_ =	shalt  }
0x53: {  	_ =	shalt  }
0x54: {  	_ =	shalt  }
0x55: {  	_ =	shalt  }
0x56: {  	_ =	shalt  }
0x57: {  	_ =	shalt  }
0x58: {  	_ =	shalt  }
0x59: {  	_ =	shalt  }
0x5a: {  	_ =	shalt  }
0x5b: {  	_ =	shalt  }
0x5c: {  	_ =	shalt  }
0x5d: {  	_ =	shalt  }
0x5e: {  	_ =	shalt  }
0x5f: {  	_ =	shalt  }
0x60: {  	_ =	shalt  }
0x61: {  	_ =	shalt  }
0x62: {  	_ =	shalt  }
0x63: {  	_ =	shalt  }
0x64: {  	_ =	shalt  }
0x65: {  	_ =	shalt  }
0x66: {  	_ =	shalt  }
0x67: {  	_ =	shalt  }
0x68: {  	_ =	shalt  }
0x69: {  	_ =	shalt  }
0x6a: {  	_ =	shalt  }
0x6b: {  	_ =	shalt  }
0x6c: {  	_ =	shalt  }
0x6d: {  	_ =	shalt  }
0x6e: {  	_ =	shalt  }
0x6f: {  	_ =	shalt  }
0x70: {  	_ =	shalt  }
0x71: {  	_ =	shalt  }
0x72: {  	_ =	shalt  }
0x73: {  	_ =	shalt  }
0x74: {  	_ =	shalt  }
0x75: {  	_ =	shalt  }
0x76: {  	_ =	shalt  }
0x77: {  	_ =	shalt  }
0x78: {  	_ =	shalt  }
0x79: {  	_ =	shalt  }
0x7a: {  	_ =	shalt  }
0x7b: {  	_ =	shalt  }
0x7c: {  	_ =	shalt  }
0x7d: {  	_ =	shalt  }
0x7e: {  	_ =	shalt  }
0x7f: {  	_ =	shalt  }
0x80: {  	_ =	shalt  }
0x81: {  	_ =	shalt  }
0x82: {  	_ =	shalt  }
0x83: {  	_ =	shalt  }
0x84: {  	_ =	shalt  }
0x85: {  	_ =	shalt  }
0x86: {  	_ =	shalt  }
0x87: {  	_ =	shalt  }
.Lfunc_end0:
.L_simem_size_0:
called_computation_lowered:
.L_overlay_start_0:
0x88: {  	s2 =	sld [smem:$0x3FD9]  }
0x89: {  	s3 =	sld [smem:$0x3FFE];
	_ =	sdelay $0x1  }
0x8a: {  	s1 =	srdreg.scid  }
0x8b: {  	s0 =	sand.u32 $0x1, s1  }
0x8c: {  	s17 =	sshll.u32 s0, $0xA;
	s2 =	sadd.s32 s3, s2  }
0x8d: {  	s2 =	sadd.s32 s2, s17  }
0x8e: {  	[smem:$0x3FC3] =	sst s2  }
0x8f: {  	_ = 	snop  }
0x90: {  	s2 =	sld [smem:$0x3FC7]  }
0x91: {  	s18 =	sld [smem:$0x3FC6]  }
0x92: {  	s4 =	sld [smem:$0x3FC5]  }
0x93: {  	s5 =	sld [smem:$0x3FD0];
	(tm) =	ssettm $0x1  }
0x94: {  	s6 =	sld [smem:$0x3FFB];
	_ =	sdelay $0x3  }
0x95: {  	_ =	strace s6  }
0x96: {  	s6 =	sld [smem:$0x3FFC];
	_ =	sdelay $0x3  }
0x97: {  	_ =	strace s6  }
0x98: {  	s6 =	sld [smem:$0x3FFD];
	_ =	sdelay $0x3  }
0x99: {  	_ =	strace s6  }
0x9a: {  	_ =	strace $0x8FFFFFFF  }
0x9b: {  	s19 =	sld [smem:$0x3FDB];
	_ =	sdelay $0x1  }
0x9c: {  	s7 =	simm.s32 $_scs_section_size  }
0x9d: {  	s8 =	simm.s32 $_size__tile_overlayer_lowered;
	s9 =	simm.s32 $_tile_overlayer_lowered  }
0x9e: {  	s22 =	simm.s32 $0x1BFF;
	s21 =	sshll.u32 s9, $0x1;
	s6 =	sadd.s32 s7, s19  }
0x9f: {  	s10 =	simm.s32 $0x0;
	s20 =	sshll.u32 s8, $0x1;
	s8 =	sadd.s32 s21, s6  }
0xa0: {  	[timem:s10], [sflag:s22] =	dma.local [hbm:s8], s20  }
0xa1: {  	_ =	swait.ge [sflag:s22], s20  }
0xa2: {  	s7 =	ssub.s32 $0x0, s20;
	[sflag:s22] =	ssyncset.done $0x0  }
0xa3: {  	[sflag:s22] =	ssyncadd.s32 s7;
	_ =	sdelay $0x1  }
0xa4: {  	s23 =	simm.s32 $0x1B8B  }
0xa5: {  	_ =	swait.ge [sflag:s23], $0x1  }
0xa6: {  	[sflag:s23] =	ssyncset.done $0x0  }
0xa7: {  	s25 =	simm.s32 $0x1B8E;
	s24 =	sld [smem:$0x3FFE];
	[sflag:s23] =	ssyncadd.s32 $0xFFFFFFFF  }
0xa8: {  	s26 =	simm.s32 $execute0_lowered;
	[smem:$0x3FD2] =	sst s25  }
0xa9: {  	s8 =	sshll.u32 s26, $0x1;
	_ =	strace $0x80000046;
	[dreg:$0x1] =	wrdreg $0xFFFFFFFF  }
0xaa: {  	s28 =	simm.s32 $_size_execute0_lowered;
	s6 =	sadd.s32 s6, s8;
	[dreg:$0x0] =	wrdreg $0x0  }
0xab: {  	s8 =	sshll.u32 s28, $0x1;
	[dreg:$0x2] =	wrdreg s6  }
0xac: {  	[dreg:$0x3] =	wrdreg s8  }
0xad: {  	[dreg:$0x4] =	wrdreg $0xC0  }
0xae: {  	_ =	task [dreg:s10], $0x5FFFF  }
0xaf: {  	[dreg:$0x1] =	wrdreg $0xFFFFFFFF  }
0xb0: {  	[dreg:$0x0] =	wrdreg $0x60  }
0xb1: {  	[dreg:$0x2] =	wrdreg s24  }
0xb2: {  	[dreg:$0x3] =	wrdreg s2  }
0xb3: {  	[dreg:$0x4] =	wrdreg s18  }
0xb4: {  	[dreg:$0x5] =	wrdreg s4  }
0xb5: {  	[dreg:$0x6] =	wrdreg s5  }
0xb6: {  	[dreg:$0x7] =	wrdreg $0x9  }
0xb7: {  	_ =	task.clear_ibuf [dreg:s10], $0x8FFFF;
	_ =	strace $0x90000046  }
0xb8: {  	s29 =	simm.s32 $0x9;
	_ =	strace $0x80000048  }
0xb9: {  	_ =	swait.ge [sflag:s29], $0x1  }
0xba: {  	[sflag:s29] =	ssyncadd.s32 $0xFFFFFFFF  }
0xbb: {  	_ =	strace $0x90000048  }
0xbc: {  	_ =	sfence  }
0xbd: {  	s30 =	sld [smem:$0x0];
	_ =	sdelay $0x2  }
0xbe: {  	s31 =	sshll.u32 s1, $0xD;
	s1 =	sshrl.u32 s1, $0x2  }
0xbf: {  	s3 =	sand.u32 $0x4000, s31;
	s1 =	sadd.s32 s1, s30  }
0xc0: {  	s0 =	sor.u32 s3, s0;
	s1 =	sshll.u32 s1, $0x11  }
0xc1: {  	s0 =	sor.u32 s1, s0  }
0xc2: {  	s0 =	sadd.s32 $0x8F2B, s0  }
0xc3: {  	[sflag:s0] =	ssyncadd.remote.s32 $0x1  }
0xc4: {  	_ =	sfence.sel $0xFFFF  }
0xc5: {  	[dreg:$0x0] =	wrdreg $0xFFFFFFFF;
	(pc) =	sbr.abs _section_cstart, $3  }
0xc6: {  	[dreg:$0x1] =	wrdreg $0xFFFFFFFF  }
0xc7: {  	_ =	task.clear_ibuf [dreg:s10], $0x2FFFF;
	_ =	strace $0x9FFFFFFF  }
0xc8: {  	(tm) =	ssettm $0x7FFFFFFF  }
0xc9: {  	_ =	shalt  }
tec
execute0_lowered:
.L_overlay_start_1:
0x0: {  	(tag) =	ssettag $0x1  }
0x1: {  	s0 =	rddreg [dreg:$0x0]  }
0x2: {  	s6 =	rddreg [dreg:$0x1]  }
0x3: {  	s7 =	rddreg [dreg:$0x2]  }
0x4: {  	s3 =	simm.s32 $0x0;
	s1 =	srdreg.scid;
	s2 =	stileid.u32  }
0x5: {  	[smem:$0x7FF] =	sst s3;
	s1 =	sand.u32 $0x1, s1;
	s2 =	sshll.u32 s2, $0x1  }
0x6: {  	s26 =	sadd.s32 $0x100, s6;
	s29 =	sadd.s32 $0x200, s6;
	_ =	strace $0x80000047  }
0x7: {  	s2 =	sor.u32 s1, s2;
	s1 =	ssub.s32 $0x2, s1;
	[dreg:$0x7] =	wrdreg s26  }
0x8: {  	[dreg:$0x8] =	wrdreg s29;
	s25 =	sshll.u32 s2, $0x8;
	s4 =	sshll.u32 s2, $0xC  }
0x9: {  	s28 =	smul.u32 $0x1800, s2;
	s8 =	sshll.u32 s2, $0x6;
	s3 =	sadd.s32 s25, s0  }
0xa: {  	v0 =	vlaneseq.u32;
	s0 =	sadd.s32 s4, s0;
	[dreg:$0xa] =	wrdreg s8;
	s3 =	sadd.s32 $0x400, s3  }
0xb: {  	v1 =	vand.u32 $0x7, v0;
	v63 =	vshrl.u32 v0, $0x3;
	s5 =	sshrl.u32 s1, $0x1;
	s0 =	sadd.s32 $0x2400, s0;
	[dreg:$0x6] =	wrdreg s3  }
0xc: {  	v0 =	vor.u32 $0x8, v0;
	[tilespmem:$0x1FFD0] =	vst v1;
	v1 =	vmul.u32 $0x8, v63;
	s1 =	ssub.s32 s1, s5;
	s30 =	sadd.s32 s7, s28;
	[dreg:$0x9] =	wrdreg s0  }
0xd: {  	[tilespmem:$0x1FFF0] =	vst v0;
	s31 =	smax.u32 s1, $0x1;
	[dreg:$0xb] =	wrdreg s30  }
0xe: {  	vm0 =	vmmov $0xffff;
	s2 =	simm.s32 $0x0;
	[tilespmem:$0x1FFE0] =	vst v1;
	[dreg:$0xc] =	wrdreg s31  }
.LBB2_1:
0xf: {  	[dreg:$0xd] =	wrdreg s2  }
0x10: {  	s1 =	simm.s32 $0x0;
	s0 =	rddreg [dreg:$0x6];
	s4 =	simm.s32 $0x8  }
0x11: {  	[tilespmem:s1], [sflag:$0x8] =	stream.linear.gather [hbm4b:s0+s1], $0x800, $0x38;
	[tilespmem:$0x1DE00] =	vst v63  }
0x12: {  	_ =	swait.ge [sflag:s4], $0x800  }
0x13: {  	[sflag:s4] =	ssyncset.done $0x0  }
0x14: {  	[sflag:s4] =	ssyncadd.s32 $0xFFFFF800  }
0x15: {  	v0 =	vld [tilespmem:$0x0];
	_ =	sdelay $0x3  }
0x16: {  	v2 =	vld [tilespmem:$0x1FFD0]  }
0x17: {  	v1 =	vshrl.u32 v0, $0x3  }
0x18: {  	v3 =	vld [tilespmem:$0x1FFE0];
	v1 =	vmul.u32 $0x30, v1  }
0x19: {  	v0 =	vand.u32 $0x7, v0  }
0x1a: {  	v0 =	vor.u32 v0, v1  }
0x1b: {  	v1 =	vperm.xlane v0, v2  }
0x1c: {  	v4 =	vld [tilespmem:$0x1FFF0]  }
0x1d: {  	v1 =	vadd.s32 v3, v1;
	_ =	sdelay $0x3  }
0x1e: {  	s6 =	simm.s32 $0xEE00;
	s31 =	rddreg [dreg:$0x1];
	v0 =	vperm.xlane v0, v4  }
0x1f: {  	[tilespmem:s6], [sflag:$0x1] =	stream.indirect_vreg.gather [hbm4b:s31+s1], $0x80, v1, vm0, $0xb8;
	[tilespmem:$0x1DE00] =	vst v63  }
0x20: {  	s3 =	simm.s32 $0xF600;
	s7 =	rddreg [dreg:$0x7];
	v0 =	vadd.s32 v3, v0  }
0x21: {  	[tilespmem:s3], [sflag:$0x1] =	stream.indirect_vreg.gather [hbm4b:s7+s1], $0x80, v1, vm0, $0xb8;
	[tilespmem:$0x1DE00] =	vst v63  }
0x22: {  	s5 =	simm.s32 $0xFE00;
	s9 =	rddreg [dreg:$0x8]  }
0x23: {  	[tilespmem:s5], [sflag:$0x1] =	stream.indirect_vreg.gather [hbm4b:s9+s1], $0x80, v1, vm0, $0xb8;
	[tilespmem:$0x1DE00] =	vst v63  }
0x24: {  	s10 =	simm.s32 $0x10600  }
0x25: {  	[tilespmem:s10], [sflag:$0x1] =	stream.indirect_vreg.gather [hbm4b:s31+s1], $0x80, v0, vm0, $0xb8;
	[tilespmem:$0x1DE00] =	vst v63  }
0x26: {  	s11 =	simm.s32 $0x10E00  }
0x27: {  	[tilespmem:s11], [sflag:$0x1] =	stream.indirect_vreg.gather [hbm4b:s7+s1], $0x80, v0, vm0, $0xb8;
	[tilespmem:$0x1DE00] =	vst v63  }
0x28: {  	s12 =	simm.s32 $0x11600  }
0x29: {  	[tilespmem:s12], [sflag:$0x1] =	stream.indirect_vreg.gather [hbm4b:s9+s1], $0x80, v0, vm0, $0xb8;
	[tilespmem:$0x1DE00] =	vst v63  }
0x2a: {  	v0 =	vld [tilespmem:$0x80];
	_ =	sdelay $0x4  }
0x2b: {  	v62 =	vshrl.u32 v0, $0x3  }
0x2c: {  	v1 =	vmul.u32 $0x30, v62  }
0x2d: {  	v0 =	vand.u32 $0x7, v0  }
0x2e: {  	v0 =	vor.u32 v0, v1  }
0x2f: {  	v1 =	vperm.xlane v0, v2;
	_ =	sdelay $0x1  }
0x30: {  	v1 =	vadd.s32 v3, v1;
	_ =	sdelay $0x3  }
0x31: {  	s13 =	simm.s32 $0x11E00;
	v0 =	vperm.xlane v0, v4  }
0x32: {  	[tilespmem:s13], [sflag:$0x2] =	stream.indirect_vreg.gather [hbm4b:s31+s1], $0x80, v1, vm0, $0xb8;
	[tilespmem:$0x1DE00] =	vst v63  }
0x33: {  	s14 =	simm.s32 $0x12600;
	v0 =	vadd.s32 v3, v0  }
0x34: {  	[tilespmem:s14], [sflag:$0x2] =	stream.indirect_vreg.gather [hbm4b:s7+s1], $0x80, v1, vm0, $0xb8;
	[tilespmem:$0x1DE00] =	vst v63  }
0x35: {  	s15 =	simm.s32 $0x12E00  }
0x36: {  	[tilespmem:s15], [sflag:$0x2] =	stream.indirect_vreg.gather [hbm4b:s9+s1], $0x80, v1, vm0, $0xb8;
	[tilespmem:$0x1DE00] =	vst v63  }
0x37: {  	s16 =	simm.s32 $0x13600  }
0x38: {  	[tilespmem:s16], [sflag:$0x2] =	stream.indirect_vreg.gather [hbm4b:s31+s1], $0x80, v0, vm0, $0xb8;
	[tilespmem:$0x1DE00] =	vst v63  }
0x39: {  	s17 =	simm.s32 $0x13E00  }
0x3a: {  	[tilespmem:s17], [sflag:$0x2] =	stream.indirect_vreg.gather [hbm4b:s7+s1], $0x80, v0, vm0, $0xb8;
	[tilespmem:$0x1DE00] =	vst v63  }
0x3b: {  	s18 =	simm.s32 $0x14600  }
0x3c: {  	[tilespmem:s18], [sflag:$0x2] =	stream.indirect_vreg.gather [hbm4b:s9+s1], $0x80, v0, vm0, $0xb8;
	[tilespmem:$0x1DE00] =	vst v63  }
0x3d: {  	v0 =	vld [tilespmem:$0x100];
	_ =	sdelay $0x4  }
0x3e: {  	v63 =	vshrl.u32 v0, $0x3  }
0x3f: {  	v1 =	vmul.u32 $0x30, v63  }
0x40: {  	v0 =	vand.u32 $0x7, v0  }
0x41: {  	v0 =	vor.u32 v0, v1  }
0x42: {  	v1 =	vperm.xlane v0, v2;
	_ =	sdelay $0x1  }
0x43: {  	v1 =	vadd.s32 v3, v1;
	_ =	sdelay $0x3  }
0x44: {  	s19 =	simm.s32 $0x14E00;
	v0 =	vperm.xlane v0, v4  }
0x45: {  	[tilespmem:s19], [sflag:$0x3] =	stream.indirect_vreg.gather [hbm4b:s31+s1], $0x80, v1, vm0, $0xb8;
	[tilespmem:$0x1DE00] =	vst v63  }
0x46: {  	s20 =	simm.s32 $0x15600;
	v0 =	vadd.s32 v3, v0  }
0x47: {  	[tilespmem:s20], [sflag:$0x3] =	stream.indirect_vreg.gather [hbm4b:s7+s1], $0x80, v1, vm0, $0xb8;
	[tilespmem:$0x1DE00] =	vst v63  }
0x48: {  	s21 =	simm.s32 $0x15E00  }
0x49: {  	[tilespmem:s21], [sflag:$0x3] =	stream.indirect_vreg.gather [hbm4b:s9+s1], $0x80, v1, vm0, $0xb8;
	[tilespmem:$0x1DE00] =	vst v63  }
0x4a: {  	s22 =	simm.s32 $0x16600  }
0x4b: {  	[tilespmem:s22], [sflag:$0x3] =	stream.indirect_vreg.gather [hbm4b:s31+s1], $0x80, v0, vm0, $0xb8;
	[tilespmem:$0x1DE00] =	vst v63  }
0x4c: {  	s23 =	simm.s32 $0x16E00  }
0x4d: {  	[tilespmem:s23], [sflag:$0x3] =	stream.indirect_vreg.gather [hbm4b:s7+s1], $0x80, v0, vm0, $0xb8;
	[tilespmem:$0x1DE00] =	vst v63  }
0x4e: {  	s24 =	simm.s32 $0x17600  }
0x4f: {  	[tilespmem:s24], [sflag:$0x3] =	stream.indirect_vreg.gather [hbm4b:s9+s1], $0x80, v0, vm0, $0xb8;
	[tilespmem:$0x1DE00] =	vst v63  }
0x50: {  	s26 =	simm.s32 $0x800;
	s25 =	rddreg [dreg:$0x9]  }
0x51: {  	[tilespmem:s26], [sflag:$0x8] =	stream.linear.gather [hbm4b:s25+s1], $0x8000, $0x38;
	[tilespmem:$0x1DE00] =	vst v63  }
0x52: {  	_ =	swait.ge [sflag:s4], $0x8000  }
0x53: {  	[sflag:s4] =	ssyncset.done $0x0  }
0x54: {  	[sflag:s4] =	ssyncadd.s32 $0xFFFF8000  }
0x55: {  	s29 =	simm.s32 $0x8800;
	s28 =	rddreg [dreg:$0x3]  }
0x56: {  	[tilespmem:s29], [sflag:$0x8] =	stream.linear.gather [hbm4b:s28+s1], $0x600, $0x38;
	[tilespmem:$0x1DE00] =	vst v63  }
0x57: {  	_ =	swait.ge [sflag:s4], $0x600  }
0x58: {  	[sflag:s4] =	ssyncset.done $0x0  }
0x59: {  	s31 =	simm.s32 $0x8E00;
	s30 =	rddreg [dreg:$0xb];
	[sflag:s4] =	ssyncadd.s32 $0xFFFFFA00  }
0x5a: {  	[tilespmem:s31], [sflag:$0x8] =	stream.linear.gather [hbm4b:s30+s1], $0x3000, $0x38;
	[tilespmem:$0x1DE00] =	vst v63  }
0x5b: {  	_ =	swait.ge [sflag:s4], $0x3000  }
0x5c: {  	[sflag:s4] =	ssyncset.done $0x0  }
0x5d: {  	s20 =	simm.s32 $0x900;
	s21 =	simm.s32 $0x0;
	[sflag:s4] =	ssyncadd.s32 $0xFFFFD000  }
.LBB2_2:
0x5e: {  	s0 =	smul.u32 $0xAB, s21;
	p0 =	slt.u32 s21, $0x2  }
0x5f: {  	s1 =	sadd.s32 @!p0 $0xFFFFFFFE, s21  }
0x60: {  	s0 =	sshrl.u32 s0, $0x9;
	s2 =	sand.u32 @!p0 $0xFF, s1  }
0x61: {  	s0 =	sand.u32 $0x7F, s0;
	s2 =	smul.u32 @!p0 $0xAB, s2  }
0x62: {  	s0 =	smul.u32 $0x3, s0;
	_ =	sdelay $0x1  }
0x63: {  	s2 =	sshrl.u32 @!p0 s2, $0x9;
	s0 =	ssub.s32 s21, s0  }
0x64: {  	s3 =	sand.u32 $0xFF, s0;
	s0 =	smul.u32 @!p0 $0x3, s2  }
0x65: {  	[dreg:$0xe] =	wrdreg s3;
	s12 =	sadd.s32 $0x1, s3  }
0x66: {  	s0 =	ssub.s32 @!p0 s1, s0;
	_ =	swait.ge [sflag:s12], $0x3000  }
0x67: {  	[sflag:s12] =	ssyncset.done $0x0;
	s0 =	sor.u32 @!p0 $0x4, s0  }
0x68: {  	[sflag:s12] =	ssyncadd.s32 $0xFFFFD000;
	s0 =	sand.u32 @!p0 $0xFF, s0  }
0x69: {  	p1 =	sgt.u32 @!p0 s21, $0xC;
	_ =	swait.ge @!p0 [sflag:s0], $0x3000  }
0x6a: {  	p1 =	por p0, !p1;
	[sflag:s0] =	ssyncset.done @!p0 $0x0  }
0x6b: {  	[sflag:s0] =	ssyncadd.s32 @!p0 $0xFFFFD000;
	s0 =	sadd.s32 @p1 $0x3, s21  }
0x6c: {  	s1 =	sshll.u32 @p1 s0, $0x7  }
0x6d: {  	s1 =	sand.u32 @p1 $0x3FFFFF80, s1  }
0x6e: {  	v0 =	vld @p1 [tilespmem:s1+$0x0];
	_ =	sdelay $0x4  }
0x6f: {  	v1 =	vshrl.u32 @p1 v0, $0x3  }
0x70: {  	v1 =	vmul.u32 @p1 $0x30, v1  }
0x71: {  	v0 =	vand.u32 @p1 $0x7, v0  }
0x72: {  	s1 =	smul.u32 @p1 $0xCD, s0;
	v0 =	vor.u32 @p1 v0, v1;
	v1 =	vld @p1 [tilespmem:$0x1FFD0];
	_ =	sdelay $0x1  }
0x73: {  	v2 =	vld @p1 [tilespmem:$0x1FFE0];
	s1 =	sshrl.u32 @p1 s1, $0xA  }
0x74: {  	s2 =	smul.u32 @p1 $0xAB, s0;
	s1 =	sand.u32 @p1 $0x3F, s1  }
0x75: {  	s1 =	smul.u32 @p1 $0x5, s1  }
0x76: {  	s2 =	sshrl.u32 @p1 s2, $0x9;
	v1 =	vperm.xlane @p1 v0, v1  }
0x77: {  	v3 =	vld @p1 [tilespmem:$0x1FFF0];
	s2 =	sand.u32 @p1 $0x7F, s2;
	s1 =	ssub.s32 @p1 s0, s1  }
0x78: {  	s2 =	smul.u32 @p1 $0x3, s2;
	s1 =	sand.u32 @p1 $0xFF, s1;
	v1 =	vadd.s32 @p1 v2, v1  }
0x79: {  	s1 =	smul.u32 @p1 $0xC000, s1  }
0x7a: {  	s0 =	ssub.s32 @p1 s0, s2  }
0x7b: {  	s4 =	simm.s32 @p1 $0x0;
	s0 =	sand.u32 @p1 $0xFF, s0;
	s1 =	sshrl.u32 @p1 s1, $0x2  }
0x7c: {  	s3 =	rddreg @p1 [dreg:$0x1];
	s0 =	sadd.s32 @p1 $0x1, s0;
	s2 =	sadd.s32 @p1 $0xEE00, s1;
	v0 =	vperm.xlane @p1 v0, v3  }
0x7d: {  	[tilespmem:s2], [sflag:s0] =	stream.indirect_vreg.gather @p1 [hbm4b:s3+s4], $0x80, v1, vm0, $0xb8;
	[tilespmem:$0x1DE00] =	vst v63  }
0x7e: {  	s5 =	rddreg @p1 [dreg:$0x7];
	v0 =	vadd.s32 @p1 v2, v0;
	s2 =	sadd.s32 @p1 $0xF600, s1  }
0x7f: {  	[tilespmem:s2], [sflag:s0] =	stream.indirect_vreg.gather @p1 [hbm4b:s5+s4], $0x80, v1, vm0, $0xb8;
	[tilespmem:$0x1DE00] =	vst v63  }
0x80: {  	s6 =	rddreg @p1 [dreg:$0x8];
	s2 =	sadd.s32 @p1 $0xFE00, s1  }
0x81: {  	[tilespmem:s2], [sflag:s0] =	stream.indirect_vreg.gather @p1 [hbm4b:s6+s4], $0x80, v1, vm0, $0xb8;
	[tilespmem:$0x1DE00] =	vst v63  }
0x82: {  	s2 =	sadd.s32 @p1 $0x10600, s1  }
0x83: {  	[tilespmem:s2], [sflag:s0] =	stream.indirect_vreg.gather @p1 [hbm4b:s3+s4], $0x80, v0, vm0, $0xb8;
	[tilespmem:$0x1DE00] =	vst v63  }
0x84: {  	s2 =	sadd.s32 @p1 $0x10E00, s1  }
0x85: {  	[tilespmem:s2], [sflag:s0] =	stream.indirect_vreg.gather @p1 [hbm4b:s5+s4], $0x80, v0, vm0, $0xb8;
	[tilespmem:$0x1DE00] =	vst v63  }
0x86: {  	s1 =	sadd.s32 @p1 $0x11600, s1  }
0x87: {  	[tilespmem:s1], [sflag:s0] =	stream.indirect_vreg.gather @p1 [hbm4b:s6+s4], $0x80, v0, vm0, $0xb8;
	[tilespmem:$0x1DE00] =	vst v63  }
0x88: {  	p0 =	sgt.u32 s21, $0xB;
	s0 =	sand.u32 $0x3, s21  }
0x89: {  	p3 =	slt.u32 s21, $0x4;
	p2 =	sne.s32 @!p0 s0, $0x0  }
0x8a: {  	s3 =	sshrl.u32 s21, $0x2;
	p4 =	sne.s32 @!p3 s0, $0x0;
	p1 =	por p2, p0  }
0x8b: {  	[dreg:$0xf] =	wrdreg s0;
	p3 =	por p4, p3;
	s0 =	sadd.s32 @!p1 $0x1, s3  }
0x8c: {  	s2 =	simm.s32 @!p3 $0x7;
	s1 =	sshll.u32 @!p1 s0, $0x4  }
0x8d: {  	s0 =	sand.u32 @!p1 $0x1, s0;
	_ =	swait.ge @!p3 [sflag:s2], $0x3000;
	s1 =	sadd.s32 @!p1 s8, s1  }
0x8e: {  	p4 =	seq.s32 @!p1 s0, $0x1;
	[sflag:s2] =	ssyncset.done @!p3 $0x0;
	s1 =	sshrl.u32 @!p1 s1, $0x3  }
0x8f: {  	p2 =	por @!p0 !p4, p2;
	[sflag:s2] =	ssyncadd.s32 @!p3 $0xFFFFD000;
	s0 =	smul.u32 @!p1 $0x300, s1  }
0x90: {  	s1 =	simm.s32 @!p1 $0xBE00;
	p0 =	por !p2, p0;
	s2 =	rddreg [dreg:$0x2]  }
0x91: {  	s1 =	simm.s32 @!p0 $0x8E00;
	s0 =	sadd.s32 @!p1 s2, s0;
	s2 =	simm.s32 @!p1 $0x0  }
0x92: {  	[tilespmem:s1], [sflag:$0x7] =	stream.linear.gather @!p1 [hbm4b:s0+s2], $0x3000, $0x38;
	[tilespmem:$0x1DE00] =	vst v63  }
0x93: {  	v17 =	vld [tilespmem:$0x8800]  }
0x94: {  	v19 =	vld [tilespmem:$0x8810]  }
0x95: {  	v20 =	vld [tilespmem:$0x8820]  }
0x96: {  	v21 =	vld [tilespmem:$0x8830]  }
0x97: {  	v22 =	vld [tilespmem:$0x8840]  }
0x98: {  	v23 =	vld [tilespmem:$0x8850]  }
0x99: {  	v24 =	vld [tilespmem:$0x8860]  }
0x9a: {  	v25 =	vld [tilespmem:$0x8870]  }
0x9b: {  	v26 =	vld [tilespmem:$0x8900]  }
0x9c: {  	v27 =	vld [tilespmem:$0x8910]  }
0x9d: {  	v29 =	vld [tilespmem:$0x8920]  }
0x9e: {  	v28 =	vld [tilespmem:$0x8930]  }
0x9f: {  	v18 =	vld [tilespmem:$0x8940]  }
0xa0: {  	v16 =	vld [tilespmem:$0x8950]  }
0xa1: {  	v15 =	vld [tilespmem:$0x8960]  }
0xa2: {  	v14 =	vld [tilespmem:$0x8970]  }
0xa3: {  	v0 =	vld [tilespmem:$0x8880]  }
0xa4: {  	v5 =	vld [tilespmem:$0x8890]  }
0xa5: {  	v6 =	vld [tilespmem:$0x88A0]  }
0xa6: {  	s13 =	smul.u32 $0xCD, s21;
	s14 =	sand.u32 $0x1, s3;
	v7 =	vld [tilespmem:$0x88B0]  }
0xa7: {  	s26 =	simm.s32 $0x3000;
	s15 =	simm.s32 $0x0;
	p0 =	seq.s32 s14, $0x1;
	v8 =	vld [tilespmem:$0x88C0]  }
0xa8: {  	s26 =	simm.s32 @!p0 $0x0;
	s1 =	smul.u32 $0x1800, s15;
	v9 =	vld [tilespmem:$0x88D0]  }
0xa9: {  	s16 =	simm.s32 $0x180;
	[dreg:$0x10] =	wrdreg s3;
	s29 =	sor.u32 $0x8E00, s26;
	v10 =	vld [tilespmem:$0x88E0]  }
0xaa: {  	s0 =	sshrl.u32 s13, $0xA;
	s2 =	sand.u32 $0x380, s16;
	v11 =	vld [tilespmem:$0x88F0];
	s17 =	sadd.s32 s1, s29  }
0xab: {  	s22 =	sand.u32 $0x3F, s0;
	v39 =	vld [tilespmem:s20+$0x80];
	s23 =	sadd.s32 s2, s17  }
0xac: {  	s3 =	smul.u32 $0x5, s22;
	v12 =	vld [tilespmem:s23+$0x0]  }
0xad: {  	v4 =	vld [tilespmem:$0x8980]  }
0xae: {  	v3 =	vld [tilespmem:$0x8990];
	s3 =	ssub.s32 s21, s3  }
0xaf: {  	v2 =	vld [tilespmem:$0x89A0];
	s3 =	sand.u32 $0xFF, s3;
	v30 =	vsub.f32 v0, v17  }
0xb0: {  	v1 =	vld [tilespmem:$0x89B0];
	s28 =	smul.u32 $0x3000, s3  }
0xb1: {  	v31 =	vld [tilespmem:$0x89D0];
	v13 =	vmul.f32 v39, v30;
	v12 =	vadd.f32 v12, v17  }
0xb2: {  	v33 =	vld [tilespmem:$0x89E0];
	s25 =	sadd.s32 $0xEE00, s28  }
0xb3: {  	v34 =	vld [tilespmem:$0x89F0];
	s24 =	sadd.s32 s1, s25;
	v12 =	vadd.f32 v12, v13  }
0xb4: {  	v0 =	vld [tilespmem:$0x89C0];
	s2 =	sadd.s32 s2, s24  }
0xb5: {  	[tilespmem:s2+$0x0] =	vst.add.f32.msk $0xffff, v12  }
0xb6: {  	v12 =	vld [tilespmem:s23+$0x10];
	_ =	sdelay $0x1  }
0xb7: {  	s6 =	simm.s32 $0x0  }
0xb8: {  	s7 =	sand.u32 $0x200, s6;
	v32 =	vsub.f32 v5, v19  }
0xb9: {  	v36 =	vld [tilespmem:s20+$0xFFFFFF00];
	s1 =	sadd.s32 s7, s17  }
0xba: {  	v5 =	vld [tilespmem:s1+$0x0];
	v13 =	vmul.f32 v39, v32;
	v12 =	vadd.f32 v12, v19;
	_ =	sdelay $0x1  }
0xbb: {  	v12 =	vadd.f32 v12, v13;
	_ =	sdelay $0x1  }
0xbc: {  	[tilespmem:s2+$0x10] =	vst.add.f32.msk $0xffff, v12  }
0xbd: {  	v5 =	vadd.f32 v5, v17;
	v13 =	vmul.f32 v36, v30;
	v12 =	vld [tilespmem:s23+$0x20];
	_ =	sdelay $0x1  }
0xbe: {  	v5 =	vadd.f32 v5, v13  }
0xbf: {  	s18 =	sadd.s32 s7, s24;
	v13 =	vsub.f32 v6, v20  }
0xc0: {  	[tilespmem:s18+$0x0] =	vst.add.f32.msk $0xffff, v5  }
0xc1: {  	v5 =	vld [tilespmem:s1+$0x10];
	v6 =	vadd.f32 v12, v20;
	v12 =	vmul.f32 v39, v13;
	_ =	sdelay $0x1  }
0xc2: {  	v6 =	vadd.f32 v6, v12;
	_ =	sdelay $0x1  }
0xc3: {  	[tilespmem:s2+$0x20] =	vst.add.f32.msk $0xffff, v6  }
0xc4: {  	v12 =	vmul.f32 v36, v32;
	v5 =	vadd.f32 v5, v19;
	v6 =	vld [tilespmem:s23+$0x30];
	_ =	sdelay $0x1  }
0xc5: {  	v5 =	vadd.f32 v5, v12  }
0xc6: {  	v40 =	vsub.f32 v7, v21  }
0xc7: {  	[tilespmem:s18+$0x10] =	vst.add.f32.msk $0xffff, v5  }
0xc8: {  	v7 =	vmul.f32 v39, v40;
	v5 =	vld [tilespmem:s1+$0x20];
	v6 =	vadd.f32 v6, v21;
	_ =	sdelay $0x1  }
0xc9: {  	v6 =	vadd.f32 v6, v7;
	_ =	sdelay $0x1  }
0xca: {  	[tilespmem:s2+$0x30] =	vst.add.f32.msk $0xffff, v6  }
0xcb: {  	v7 =	vmul.f32 v36, v13;
	v5 =	vadd.f32 v5, v20;
	v6 =	vld [tilespmem:s23+$0x40];
	_ =	sdelay $0x1  }
0xcc: {  	v5 =	vadd.f32 v5, v7  }
0xcd: {  	v41 =	vsub.f32 v8, v22  }
0xce: {  	[tilespmem:s18+$0x20] =	vst.add.f32.msk $0xffff, v5  }
0xcf: {  	v7 =	vmul.f32 v39, v41;
	v5 =	vld [tilespmem:s1+$0x30];
	v6 =	vadd.f32 v6, v22;
	_ =	sdelay $0x1  }
0xd0: {  	v6 =	vadd.f32 v6, v7;
	_ =	sdelay $0x1  }
0xd1: {  	[tilespmem:s2+$0x40] =	vst.add.f32.msk $0xffff, v6  }
0xd2: {  	s8 =	simm.s32 $0x80;
	v7 =	vmul.f32 v36, v40;
	v5 =	vadd.f32 v5, v21;
	v6 =	vld [tilespmem:s23+$0x50]  }
0xd3: {  	s5 =	sand.u32 $0x280, s8  }
0xd4: {  	v37 =	vld [tilespmem:s20+$0xFFFFFF80];
	s19 =	sadd.s32 s5, s17;
	v5 =	vadd.f32 v5, v7  }
0xd5: {  	v8 =	vld [tilespmem:s19+$0x0];
	v42 =	vsub.f32 v9, v23  }
0xd6: {  	[tilespmem:s18+$0x30] =	vst.add.f32.msk $0xffff, v5  }
0xd7: {  	s9 =	simm.s32 $0x100;
	v7 =	vmul.f32 v39, v42;
	v5 =	vld [tilespmem:s1+$0x40];
	v6 =	vadd.f32 v6, v23  }
0xd8: {  	s6 =	sand.u32 $0x300, s9  }
0xd9: {  	v38 =	vld [tilespmem:s20+$0x0];
	s14 =	sadd.s32 s6, s17;
	v6 =	vadd.f32 v6, v7  }
0xda: {  	v9 =	vld [tilespmem:s14+$0x0];
	v8 =	vadd.f32 v8, v17;
	v12 =	vmul.f32 v37, v30  }
0xdb: {  	[tilespmem:s2+$0x50] =	vst.add.f32.msk $0xffff, v6  }
0xdc: {  	v8 =	vadd.f32 v8, v12;
	v7 =	vmul.f32 v36, v41;
	v5 =	vadd.f32 v5, v22;
	v6 =	vld [tilespmem:s23+$0x60]  }
0xdd: {  	s30 =	sadd.s32 s5, s24  }
0xde: {  	[tilespmem:s30+$0x0] =	vst.add.f32.msk $0xffff, v8;
	v5 =	vadd.f32 v5, v7  }
0xdf: {  	v12 =	vsub.f32 v10, v24;
	v8 =	vadd.f32 v9, v17;
	v9 =	vmul.f32 v38, v30;
	v7 =	vld [tilespmem:s19+$0x10]  }
0xe0: {  	[tilespmem:s18+$0x40] =	vst.add.f32.msk $0xffff, v5  }
0xe1: {  	v8 =	vadd.f32 v8, v9;
	v9 =	vmul.f32 v39, v12;
	v5 =	vld [tilespmem:s1+$0x50];
	v6 =	vadd.f32 v6, v24  }
0xe2: {  	s31 =	sadd.s32 s6, s24  }
0xe3: {  	[tilespmem:s31+$0x0] =	vst.add.f32.msk $0xffff, v8;
	v6 =	vadd.f32 v6, v9  }
0xe4: {  	v10 =	vmul.f32 v37, v32;
	v8 =	vld [tilespmem:s14+$0x10];
	v7 =	vadd.f32 v7, v19  }
0xe5: {  	[tilespmem:s2+$0x60] =	vst.add.f32.msk $0xffff, v6  }
0xe6: {  	v7 =	vadd.f32 v7, v10;
	v9 =	vmul.f32 v36, v42;
	v5 =	vadd.f32 v5, v23;
	v6 =	vld [tilespmem:s23+$0x70];
	_ =	sdelay $0x1  }
0xe7: {  	[tilespmem:s30+$0x10] =	vst.add.f32.msk $0xffff, v7;
	v5 =	vadd.f32 v5, v9  }
0xe8: {  	v11 =	vsub.f32 v11, v25;
	v8 =	vadd.f32 v8, v19;
	v7 =	vld [tilespmem:s19+$0x20];
	v9 =	vmul.f32 v38, v32  }
0xe9: {  	[tilespmem:s18+$0x50] =	vst.add.f32.msk $0xffff, v5  }
0xea: {  	v8 =	vadd.f32 v8, v9;
	v9 =	vmul.f32 v39, v11;
	v5 =	vld [tilespmem:s1+$0x60];
	v6 =	vadd.f32 v6, v25;
	_ =	sdelay $0x1  }
0xeb: {  	[tilespmem:s31+$0x10] =	vst.add.f32.msk $0xffff, v8;
	v6 =	vadd.f32 v6, v9  }
0xec: {  	v10 =	vmul.f32 v37, v13;
	v7 =	vadd.f32 v7, v20;
	v8 =	vld [tilespmem:s14+$0x20]  }
0xed: {  	[tilespmem:s2+$0x70] =	vst.add.f32.msk $0xffff, v6  }
0xee: {  	v7 =	vadd.f32 v7, v10;
	v9 =	vmul.f32 v36, v12;
	v5 =	vadd.f32 v5, v24;
	v6 =	vld [tilespmem:s23+$0x400];
	_ =	sdelay $0x1  }
0xef: {  	[tilespmem:s30+$0x20] =	vst.add.f32.msk $0xffff, v7;
	v5 =	vadd.f32 v5, v9  }
0xf0: {  	v10 =	vsub.f32 v4, v26;
	v4 =	vmul.f32 v38, v13;
	v7 =	vld [tilespmem:s19+$0x30];
	v8 =	vadd.f32 v8, v20  }
0xf1: {  	[tilespmem:s18+$0x60] =	vst.add.f32.msk $0xffff, v5  }
0xf2: {  	v4 =	vadd.f32 v8, v4;
	v8 =	vmul.f32 v39, v10;
	v5 =	vld [tilespmem:s1+$0x70];
	v6 =	vadd.f32 v6, v26;
	_ =	sdelay $0x1  }
0xf3: {  	[tilespmem:s31+$0x20] =	vst.add.f32.msk $0xffff, v4;
	v4 =	vadd.f32 v6, v8  }
0xf4: {  	v9 =	vmul.f32 v37, v40;
	v7 =	vadd.f32 v7, v21;
	v6 =	vld [tilespmem:s14+$0x30]  }
0xf5: {  	[tilespmem:s2+$0x400] =	vst.add.f32.msk $0xffff, v4  }
0xf6: {  	v7 =	vadd.f32 v7, v9;
	v8 =	vmul.f32 v36, v11;
	v5 =	vadd.f32 v5, v25;
	v4 =	vld [tilespmem:s23+$0x410];
	_ =	sdelay $0x1  }
0xf7: {  	[tilespmem:s30+$0x30] =	vst.add.f32.msk $0xffff, v7;
	v5 =	vadd.f32 v5, v8  }
0xf8: {  	v9 =	vsub.f32 v3, v27;
	v3 =	vmul.f32 v38, v40;
	v7 =	vld [tilespmem:s19+$0x40];
	v6 =	vadd.f32 v6, v21  }
0xf9: {  	[tilespmem:s18+$0x70] =	vst.add.f32.msk $0xffff, v5  }
0xfa: {  	v5 =	vld [tilespmem:s1+$0x400];
	v3 =	vadd.f32 v6, v3;
	v6 =	vmul.f32 v39, v9;
	v4 =	vadd.f32 v4, v27;
	_ =	sdelay $0x1  }
0xfb: {  	[tilespmem:s31+$0x30] =	vst.add.f32.msk $0xffff, v3;
	v3 =	vadd.f32 v4, v6  }
0xfc: {  	v8 =	vmul.f32 v37, v41;
	v7 =	vadd.f32 v7, v22;
	v4 =	vld [tilespmem:s14+$0x40]  }
0xfd: {  	[tilespmem:s2+$0x410] =	vst.add.f32.msk $0xffff, v3  }
0xfe: {  	v7 =	vadd.f32 v7, v8;
	v6 =	vmul.f32 v36, v10;
	v5 =	vadd.f32 v5, v26;
	v3 =	vld [tilespmem:s23+$0x420];
	_ =	sdelay $0x1  }
0xff: {  	[tilespmem:s30+$0x40] =	vst.add.f32.msk $0xffff, v7;
	v5 =	vadd.f32 v5, v6  }
0x100: {  	v43 =	vsub.f32 v2, v29;
	v2 =	vmul.f32 v38, v41;
	v6 =	vld [tilespmem:s19+$0x50];
	v4 =	vadd.f32 v4, v22  }
0x101: {  	[tilespmem:s18+$0x400] =	vst.add.f32.msk $0xffff, v5  }
0x102: {  	v5 =	vld [tilespmem:s1+$0x410];
	v2 =	vadd.f32 v4, v2;
	v4 =	vmul.f32 v39, v43;
	v3 =	vadd.f32 v3, v29;
	_ =	sdelay $0x1  }
0x103: {  	[tilespmem:s31+$0x40] =	vst.add.f32.msk $0xffff, v2;
	v2 =	vadd.f32 v3, v4  }
0x104: {  	v7 =	vmul.f32 v37, v42;
	v6 =	vadd.f32 v6, v23;
	v3 =	vld [tilespmem:s14+$0x50]  }
0x105: {  	[tilespmem:s2+$0x420] =	vst.add.f32.msk $0xffff, v2  }
0x106: {  	v6 =	vadd.f32 v6, v7;
	v4 =	vmul.f32 v36, v9;
	v5 =	vadd.f32 v5, v27;
	v2 =	vld [tilespmem:s23+$0x430];
	_ =	sdelay $0x1  }
0x107: {  	[tilespmem:s30+$0x50] =	vst.add.f32.msk $0xffff, v6;
	v4 =	vadd.f32 v5, v4  }
0x108: {  	v44 =	vsub.f32 v1, v28;
	v1 =	vmul.f32 v38, v42;
	v5 =	vld [tilespmem:s19+$0x60];
	v3 =	vadd.f32 v3, v23  }
0x109: {  	[tilespmem:s18+$0x410] =	vst.add.f32.msk $0xffff, v4  }
0x10a: {  	v4 =	vld [tilespmem:s1+$0x420];
	v1 =	vadd.f32 v3, v1;
	v3 =	vmul.f32 v39, v44;
	v2 =	vadd.f32 v2, v28;
	_ =	sdelay $0x1  }
0x10b: {  	[tilespmem:s31+$0x50] =	vst.add.f32.msk $0xffff, v1;
	v1 =	vadd.f32 v2, v3  }
0x10c: {  	v6 =	vmul.f32 v37, v12;
	v5 =	vadd.f32 v5, v24;
	v2 =	vld [tilespmem:s14+$0x60]  }
0x10d: {  	[tilespmem:s2+$0x430] =	vst.add.f32.msk $0xffff, v1  }
0x10e: {  	v5 =	vadd.f32 v5, v6;
	v3 =	vmul.f32 v36, v43;
	v4 =	vadd.f32 v4, v29;
	v1 =	vld [tilespmem:s23+$0x440];
	_ =	sdelay $0x1  }
0x10f: {  	[tilespmem:s30+$0x60] =	vst.add.f32.msk $0xffff, v5;
	v3 =	vadd.f32 v4, v3  }
0x110: {  	v52 =	vsub.f32 v0, v18;
	v0 =	vmul.f32 v38, v12;
	v4 =	vld [tilespmem:s19+$0x70];
	v2 =	vadd.f32 v2, v24  }
0x111: {  	[tilespmem:s18+$0x420] =	vst.add.f32.msk $0xffff, v3  }
0x112: {  	v3 =	vld [tilespmem:s1+$0x430];
	v0 =	vadd.f32 v2, v0;
	v2 =	vmul.f32 v39, v52;
	v1 =	vadd.f32 v1, v18;
	_ =	sdelay $0x1  }
0x113: {  	[tilespmem:s31+$0x60] =	vst.add.f32.msk $0xffff, v0;
	v0 =	vadd.f32 v1, v2  }
0x114: {  	v5 =	vmul.f32 v37, v11;
	v4 =	vadd.f32 v4, v25;
	v1 =	vld [tilespmem:s14+$0x70]  }
0x115: {  	[tilespmem:s2+$0x440] =	vst.add.f32.msk $0xffff, v0  }
0x116: {  	v4 =	vadd.f32 v4, v5;
	v2 =	vmul.f32 v36, v44;
	v3 =	vadd.f32 v3, v28;
	v0 =	vld [tilespmem:s23+$0x450];
	_ =	sdelay $0x1  }
0x117: {  	[tilespmem:s30+$0x70] =	vst.add.f32.msk $0xffff, v4;
	v2 =	vadd.f32 v3, v2  }
0x118: {  	v31 =	vsub.f32 v31, v16;
	v4 =	vmul.f32 v38, v11;
	v3 =	vld [tilespmem:s19+$0x400];
	v1 =	vadd.f32 v1, v25  }
0x119: {  	[tilespmem:s18+$0x430] =	vst.add.f32.msk $0xffff, v2  }
0x11a: {  	v2 =	vld [tilespmem:s1+$0x440];
	v1 =	vadd.f32 v1, v4;
	v4 =	vmul.f32 v39, v31;
	v0 =	vadd.f32 v0, v16;
	_ =	sdelay $0x1  }
0x11b: {  	[tilespmem:s31+$0x70] =	vst.add.f32.msk $0xffff, v1;
	v0 =	vadd.f32 v0, v4  }
0x11c: {  	v5 =	vmul.f32 v37, v10;
	v3 =	vadd.f32 v3, v26;
	v1 =	vld [tilespmem:s14+$0x400]  }
0x11d: {  	[tilespmem:s2+$0x450] =	vst.add.f32.msk $0xffff, v0  }
0x11e: {  	v3 =	vadd.f32 v3, v5;
	v4 =	vmul.f32 v36, v52;
	v2 =	vadd.f32 v2, v18;
	v0 =	vld [tilespmem:s23+$0x460];
	_ =	sdelay $0x1  }
0x11f: {  	[tilespmem:s30+$0x400] =	vst.add.f32.msk $0xffff, v3;
	v2 =	vadd.f32 v2, v4  }
0x120: {  	v33 =	vsub.f32 v33, v15;
	v3 =	vld [tilespmem:s19+$0x410]  }
0x121: {  	[tilespmem:s18+$0x440] =	vst.add.f32.msk $0xffff, v2;
	v2 =	vmul.f32 v38, v10;
	v1 =	vadd.f32 v1, v26  }
0x122: {  	v5 =	vmul.f32 v39, v33;
	v4 =	vld [tilespmem:s1+$0x450];
	v0 =	vadd.f32 v0, v15  }
0x123: {  	v1 =	vadd.f32 v1, v2  }
0x124: {  	v0 =	vadd.f32 v0, v5  }
0x125: {  	v2 =	vmul.f32 v37, v9;
	v3 =	vadd.f32 v3, v27;
	[tilespmem:s31+$0x400] =	vst.add.f32.msk $0xffff, v1  }
0x126: {  	[tilespmem:s2+$0x460] =	vst.add.f32.msk $0xffff, v0  }
0x127: {  	s12 =	sadd.s32 $0x200, s20;
	v1 =	vmul.f32 v36, v31;
	v2 =	vadd.f32 v3, v2;
	v0 =	vadd.f32 v4, v16;
	v3 =	vld [tilespmem:s23+$0x470]  }
0x128: {  	v35 =	vld [tilespmem:s12+$0x80]  }
0x129: {  	s10 =	simm.s32 $0x0;
	v49 =	vld [tilespmem:s12+$0xFFFFFF00];
	v0 =	vadd.f32 v0, v1  }
0x12a: {  	s11 =	smul.u32 $0x1800, s10;
	v34 =	vsub.f32 v34, v14;
	[tilespmem:s30+$0x410] =	vst.add.f32.msk $0xffff, v2  }
0x12b: {  	s10 =	simm.s32 $0x380;
	[tilespmem:s18+$0x450] =	vst.add.f32.msk $0xffff, v0  }
0x12c: {  	s13 =	sadd.s32 s11, s29;
	s7 =	sand.u32 $0x380, s10;
	v2 =	vmul.f32 v39, v34;
	v0 =	vld [tilespmem:s1+$0x460];
	v1 =	vadd.f32 v3, v14  }
0x12d: {  	v50 =	vld [tilespmem:s12+$0xFFFFFF80];
	s0 =	sadd.s32 s7, s13  }
0x12e: {  	s16 =	simm.s32 $0x200;
	v3 =	vld [tilespmem:s0+$0x0];
	v1 =	vadd.f32 v1, v2  }
0x12f: {  	s22 =	sand.u32 $0x200, s16;
	v4 =	vld [tilespmem:s14+$0x410]  }
0x130: {  	s4 =	sadd.s32 s22, s13;
	s17 =	simm.s32 $0x280;
	[tilespmem:s2+$0x470] =	vst.add.f32.msk $0xffff, v1  }
0x131: {  	s9 =	sand.u32 $0x280, s17;
	v2 =	vmul.f32 v36, v33;
	v0 =	vadd.f32 v0, v15;
	v1 =	vld [tilespmem:s4+$0x0]  }
0x132: {  	v51 =	vld [tilespmem:s12+$0x0];
	s3 =	sadd.s32 s9, s13  }
0x133: {  	v7 =	vmul.f32 v35, v30;
	v6 =	vld [tilespmem:s3+$0x0];
	v3 =	vadd.f32 v3, v17;
	v0 =	vadd.f32 v0, v2  }
0x134: {  	v5 =	vld [tilespmem:s19+$0x420]  }
0x135: {  	s23 =	sadd.s32 s11, s25;
	v4 =	vadd.f32 v4, v27;
	v2 =	vadd.f32 v3, v7;
	v3 =	vmul.f32 v38, v9;
	[tilespmem:s18+$0x460] =	vst.add.f32.msk $0xffff, v0  }
0x136: {  	s24 =	simm.s32 $0x300;
	s15 =	sadd.s32 s7, s23;
	v0 =	vmul.f32 v49, v30;
	v63 =	vld [tilespmem:s1+$0x470];
	v1 =	vadd.f32 v1, v17  }
0x137: {  	s1 =	sand.u32 $0x300, s24;
	[tilespmem:s15+$0x0] =	vst.add.f32.msk $0xffff, v2;
	v3 =	vadd.f32 v4, v3  }
0x138: {  	s7 =	sadd.s32 s1, s13;
	v2 =	vld [tilespmem:s0+$0x10];
	v0 =	vadd.f32 v1, v0;
	v1 =	vadd.f32 v6, v17;
	v6 =	vmul.f32 v50, v30  }
0x139: {  	v7 =	vld [tilespmem:s7+$0x0]  }
0x13a: {  	s16 =	sadd.s32 s22, s23;
	[tilespmem:s31+$0x410] =	vst.add.f32.msk $0xffff, v3;
	v1 =	vadd.f32 v1, v6  }
0x13b: {  	s13 =	sadd.s32 s9, s23;
	[tilespmem:s16+$0x0] =	vst.add.f32.msk $0xffff, v0  }
0x13c: {  	[tilespmem:s13+$0x0] =	vst.add.f32.msk $0xffff, v1  }
0x13d: {  	v3 =	vmul.f32 v35, v32;
	v0 =	vld [tilespmem:s4+$0x10];
	v2 =	vadd.f32 v2, v19;
	[tilespmem:$0x1FDD0] =	vst v17  }
0x13e: {  	[tilespmem:$0x1FDE0] =	vst v30  }
0x13f: {  	v4 =	vmul.f32 v51, v30;
	v1 =	vadd.f32 v7, v17;
	v6 =	vld [tilespmem:s3+$0x10];
	v2 =	vadd.f32 v2, v3  }
0x140: {  	v3 =	vld [tilespmem:s14+$0x420]  }
0x141: {  	v5 =	vadd.f32 v5, v29;
	v1 =	vadd.f32 v1, v4;
	v4 =	vmul.f32 v37, v43;
	[tilespmem:s15+$0x10] =	vst.add.f32.msk $0xffff, v2  }
0x142: {  	s17 =	sadd.s32 s1, s23;
	v7 =	vmul.f32 v49, v32;
	v0 =	vadd.f32 v0, v19;
	v2 =	vld [tilespmem:s0+$0x20]  }
0x143: {  	[tilespmem:s17+$0x0] =	vst.add.f32.msk $0xffff, v1;
	v4 =	vadd.f32 v5, v4  }
0x144: {  	v1 =	vmul.f32 v50, v32;
	v0 =	vadd.f32 v0, v7;
	v7 =	vld [tilespmem:s7+$0x10];
	v6 =	vadd.f32 v6, v19  }
0x145: {  	[tilespmem:s30+$0x420] =	vst.add.f32.msk $0xffff, v4  }
0x146: {  	[tilespmem:s16+$0x10] =	vst.add.f32.msk $0xffff, v0;
	v1 =	vadd.f32 v6, v1  }
0x147: {  	v0 =	vld [tilespmem:s4+$0x20]  }
0x148: {  	v4 =	vmul.f32 v35, v13;
	v2 =	vadd.f32 v2, v20;
	[tilespmem:s13+$0x10] =	vst.add.f32.msk $0xffff, v1  }
0x149: {  	[tilespmem:$0x1FDF0] =	vst v32  }
0x14a: {  	v1 =	vmul.f32 v51, v32;
	v6 =	vadd.f32 v7, v19;
	v2 =	vadd.f32 v2, v4;
	v5 =	vld [tilespmem:s3+$0x20];
	[tilespmem:$0x1FE00] =	vst v19  }
0x14b: {  	v4 =	vld [tilespmem:s19+$0x430]  }
0x14c: {  	v3 =	vadd.f32 v3, v29;
	v1 =	vadd.f32 v6, v1;
	v6 =	vmul.f32 v38, v43;
	[tilespmem:s15+$0x20] =	vst.add.f32.msk $0xffff, v2  }
0x14d: {  	v7 =	vmul.f32 v49, v13;
	v0 =	vadd.f32 v0, v20;
	v2 =	vld [tilespmem:s0+$0x30]  }
0x14e: {  	[tilespmem:s17+$0x10] =	vst.add.f32.msk $0xffff, v1;
	v3 =	vadd.f32 v3, v6  }
0x14f: {  	v1 =	vmul.f32 v50, v13;
	v0 =	vadd.f32 v0, v7;
	v7 =	vld [tilespmem:s7+$0x20];
	v5 =	vadd.f32 v5, v20  }
0x150: {  	[tilespmem:s31+$0x420] =	vst.add.f32.msk $0xffff, v3  }
0x151: {  	[tilespmem:s16+$0x20] =	vst.add.f32.msk $0xffff, v0;
	v0 =	vadd.f32 v5, v1  }
0x152: {  	v1 =	vld [tilespmem:s4+$0x30]  }
0x153: {  	v3 =	vmul.f32 v35, v40;
	v2 =	vadd.f32 v2, v21;
	[tilespmem:s13+$0x20] =	vst.add.f32.msk $0xffff, v0  }
0x154: {  	[tilespmem:$0x1FE10] =	vst v13  }
0x155: {  	v6 =	vadd.f32 v7, v20;
	v0 =	vmul.f32 v51, v13;
	v2 =	vadd.f32 v2, v3;
	v5 =	vld [tilespmem:s3+$0x30];
	[tilespmem:$0x1FE20] =	vst v20  }
0x156: {  	v3 =	vld [tilespmem:s14+$0x430]  }
0x157: {  	v4 =	vadd.f32 v4, v28;
	v0 =	vadd.f32 v6, v0;
	v6 =	vmul.f32 v37, v44;
	[tilespmem:s15+$0x30] =	vst.add.f32.msk $0xffff, v2  }
0x158: {  	v7 =	vmul.f32 v49, v40;
	v1 =	vadd.f32 v1, v21;
	v2 =	vld [tilespmem:s0+$0x40]  }
0x159: {  	[tilespmem:s17+$0x20] =	vst.add.f32.msk $0xffff, v0;
	v4 =	vadd.f32 v4, v6  }
0x15a: {  	v0 =	vmul.f32 v50, v40;
	v1 =	vadd.f32 v1, v7;
	v7 =	vld [tilespmem:s7+$0x30];
	v5 =	vadd.f32 v5, v21  }
0x15b: {  	[tilespmem:s30+$0x430] =	vst.add.f32.msk $0xffff, v4  }
0x15c: {  	[tilespmem:s16+$0x30] =	vst.add.f32.msk $0xffff, v1;
	v0 =	vadd.f32 v5, v0  }
0x15d: {  	v1 =	vld [tilespmem:s4+$0x40]  }
0x15e: {  	v4 =	vmul.f32 v35, v41;
	v2 =	vadd.f32 v2, v22;
	[tilespmem:s13+$0x30] =	vst.add.f32.msk $0xffff, v0  }
0x15f: {  	[tilespmem:$0x1FE30] =	vst v40  }
0x160: {  	v6 =	vadd.f32 v7, v21;
	v0 =	vmul.f32 v51, v40;
	v2 =	vadd.f32 v2, v4;
	v5 =	vld [tilespmem:s3+$0x40];
	[tilespmem:$0x1FE40] =	vst v21  }
0x161: {  	v4 =	vld [tilespmem:s19+$0x440]  }
0x162: {  	v7 =	vmul.f32 v49, v41;
	v1 =	vadd.f32 v1, v22;
	v0 =	vadd.f32 v6, v0;
	[tilespmem:s15+$0x40] =	vst.add.f32.msk $0xffff, v2  }
0x163: {  	v3 =	vadd.f32 v3, v28;
	v6 =	vmul.f32 v38, v44;
	v2 =	vld [tilespmem:s0+$0x50]  }
0x164: {  	v1 =	vadd.f32 v1, v7;
	[tilespmem:s17+$0x30] =	vst.add.f32.msk $0xffff, v0  }
0x165: {  	v0 =	vmul.f32 v50, v41;
	v3 =	vadd.f32 v3, v6;
	v7 =	vld [tilespmem:s7+$0x40];
	v5 =	vadd.f32 v5, v22  }
0x166: {  	[tilespmem:s16+$0x40] =	vst.add.f32.msk $0xffff, v1  }
0x167: {  	[tilespmem:s31+$0x430] =	vst.add.f32.msk $0xffff, v3;
	v0 =	vadd.f32 v5, v0  }
0x168: {  	v1 =	vld [tilespmem:s4+$0x50]  }
0x169: {  	v3 =	vmul.f32 v35, v42;
	v2 =	vadd.f32 v2, v23;
	[tilespmem:s13+$0x40] =	vst.add.f32.msk $0xffff, v0  }
0x16a: {  	[tilespmem:$0x1FE50] =	vst v41  }
0x16b: {  	v6 =	vadd.f32 v7, v22;
	v0 =	vmul.f32 v51, v41;
	v2 =	vadd.f32 v2, v3;
	v5 =	vld [tilespmem:s3+$0x50];
	[tilespmem:$0x1FE60] =	vst v22  }
0x16c: {  	v3 =	vld [tilespmem:s14+$0x440]  }
0x16d: {  	v7 =	vmul.f32 v49, v42;
	v1 =	vadd.f32 v1, v23;
	v0 =	vadd.f32 v6, v0;
	[tilespmem:s15+$0x50] =	vst.add.f32.msk $0xffff, v2  }
0x16e: {  	v4 =	vadd.f32 v4, v18;
	v6 =	vmul.f32 v37, v52;
	v2 =	vld [tilespmem:s0+$0x60]  }
0x16f: {  	v1 =	vadd.f32 v1, v7;
	[tilespmem:s17+$0x40] =	vst.add.f32.msk $0xffff, v0  }
0x170: {  	v0 =	vmul.f32 v50, v42;
	v4 =	vadd.f32 v4, v6;
	v7 =	vld [tilespmem:s7+$0x50];
	v5 =	vadd.f32 v5, v23  }
0x171: {  	[tilespmem:s16+$0x50] =	vst.add.f32.msk $0xffff, v1  }
0x172: {  	[tilespmem:s30+$0x440] =	vst.add.f32.msk $0xffff, v4;
	v0 =	vadd.f32 v5, v0  }
0x173: {  	v1 =	vmul.f32 v38, v52;
	v3 =	vadd.f32 v3, v18;
	v5 =	vld [tilespmem:s4+$0x60]  }
0x174: {  	v4 =	vmul.f32 v35, v12;
	v2 =	vadd.f32 v2, v24;
	[tilespmem:s13+$0x50] =	vst.add.f32.msk $0xffff, v0  }
0x175: {  	v1 =	vadd.f32 v3, v1;
	[tilespmem:$0x1FE70] =	vst v42  }
0x176: {  	v6 =	vadd.f32 v7, v23;
	v0 =	vmul.f32 v51, v42;
	v2 =	vadd.f32 v2, v4;
	v3 =	vld [tilespmem:s3+$0x60];
	[tilespmem:$0x1FE80] =	vst v23  }
0x177: {  	[tilespmem:s31+$0x440] =	vst.add.f32.msk $0xffff, v1  }
0x178: {  	v0 =	vadd.f32 v6, v0;
	v1 =	vmul.f32 v49, v12;
	v4 =	vadd.f32 v5, v24;
	[tilespmem:s15+$0x60] =	vst.add.f32.msk $0xffff, v2  }
0x179: {  	v2 =	vld [tilespmem:s0+$0x70]  }
0x17a: {  	[tilespmem:s17+$0x50] =	vst.add.f32.msk $0xffff, v0;
	v1 =	vadd.f32 v4, v1  }
0x17b: {  	v0 =	vmul.f32 v50, v12;
	v4 =	vld [tilespmem:s7+$0x60];
	v3 =	vadd.f32 v3, v24  }
0x17c: {  	[tilespmem:s16+$0x60] =	vst.add.f32.msk $0xffff, v1  }
0x17d: {  	v1 =	vld [tilespmem:s4+$0x70];
	v0 =	vadd.f32 v3, v0;
	_ =	sdelay $0x1  }
0x17e: {  	v5 =	vmul.f32 v35, v11;
	v2 =	vadd.f32 v2, v25;
	[tilespmem:s13+$0x60] =	vst.add.f32.msk $0xffff, v0  }
0x17f: {  	v3 =	vld [tilespmem:s19+$0x450];
	[tilespmem:$0x1FE90] =	vst v12  }
0x180: {  	v4 =	vadd.f32 v4, v24;
	v0 =	vmul.f32 v51, v12;
	v2 =	vadd.f32 v2, v5;
	v6 =	vld [tilespmem:s3+$0x70];
	[tilespmem:$0x1FEA0] =	vst v24  }
0x181: {  	v7 =	vmul.f32 v49, v11;
	v1 =	vadd.f32 v1, v25;
	v5 =	vld [tilespmem:s14+$0x450]  }
0x182: {  	v0 =	vadd.f32 v4, v0;
	[tilespmem:s15+$0x70] =	vst.add.f32.msk $0xffff, v2  }
0x183: {  	v2 =	vld [tilespmem:s0+$0x400];
	v1 =	vadd.f32 v1, v7  }
0x184: {  	v4 =	vmul.f32 v37, v31;
	v3 =	vadd.f32 v3, v16;
	[tilespmem:s17+$0x60] =	vst.add.f32.msk $0xffff, v0  }
0x185: {  	v0 =	vmul.f32 v50, v11;
	[tilespmem:s16+$0x70] =	vst.add.f32.msk $0xffff, v1;
	v6 =	vadd.f32 v6, v25  }
0x186: {  	v7 =	vld [tilespmem:s7+$0x70];
	v3 =	vadd.f32 v3, v4;
	[tilespmem:$0x1FEB0] =	vst v16  }
0x187: {  	v4 =	vadd.f32 v5, v16;
	v5 =	vld [tilespmem:s4+$0x400];
	v0 =	vadd.f32 v6, v0  }
0x188: {  	[tilespmem:s30+$0x450] =	vst.add.f32.msk $0xffff, v3  }
0x189: {  	v1 =	vmul.f32 v38, v31;
	[tilespmem:s13+$0x70] =	vst.add.f32.msk $0xffff, v0  }
0x18a: {  	v3 =	vmul.f32 v35, v10;
	v2 =	vadd.f32 v2, v26;
	[tilespmem:$0x1FEC0] =	vst v11  }
0x18b: {  	v1 =	vadd.f32 v4, v1;
	v4 =	vld [tilespmem:s3+$0x400]  }
0x18c: {  	v6 =	vadd.f32 v7, v25;
	v0 =	vmul.f32 v51, v11;
	v2 =	vadd.f32 v2, v3;
	[tilespmem:$0x1FED0] =	vst v25  }
0x18d: {  	[tilespmem:s31+$0x450] =	vst.add.f32.msk $0xffff, v1  }
0x18e: {  	v3 =	vadd.f32 v5, v26;
	v0 =	vadd.f32 v6, v0;
	v1 =	vmul.f32 v49, v10;
	[tilespmem:s15+$0x400] =	vst.add.f32.msk $0xffff, v2  }
0x18f: {  	v2 =	vld [tilespmem:s0+$0x410]  }
0x190: {  	[tilespmem:s17+$0x70] =	vst.add.f32.msk $0xffff, v0;
	v0 =	vmul.f32 v50, v10;
	v1 =	vadd.f32 v3, v1;
	v3 =	vadd.f32 v4, v26  }
0x191: {  	v4 =	vld [tilespmem:s7+$0x400]  }
0x192: {  	[tilespmem:s16+$0x400] =	vst.add.f32.msk $0xffff, v1;
	v0 =	vadd.f32 v3, v0  }
0x193: {  	v1 =	vld [tilespmem:s4+$0x410]  }
0x194: {  	v5 =	vmul.f32 v35, v9;
	v2 =	vadd.f32 v2, v27;
	[tilespmem:s13+$0x400] =	vst.add.f32.msk $0xffff, v0  }
0x195: {  	v3 =	vld [tilespmem:s19+$0x460];
	[tilespmem:$0x1FEE0] =	vst v10  }
0x196: {  	v0 =	vmul.f32 v51, v10;
	v2 =	vadd.f32 v2, v5;
	v4 =	vadd.f32 v4, v26;
	v6 =	vld [tilespmem:s3+$0x410]  }
0x197: {  	[tilespmem:$0x1FEF0] =	vst v26  }
0x198: {  	v7 =	vmul.f32 v49, v9;
	v1 =	vadd.f32 v1, v27;
	v0 =	vadd.f32 v4, v0;
	[tilespmem:s15+$0x410] =	vst.add.f32.msk $0xffff, v2  }
0x199: {  	v2 =	vld [tilespmem:s0+$0x420]  }
0x19a: {  	v4 =	vmul.f32 v37, v33;
	v3 =	vadd.f32 v3, v15;
	v1 =	vadd.f32 v1, v7;
	[tilespmem:s17+$0x400] =	vst.add.f32.msk $0xffff, v0  }
0x19b: {  	v0 =	vmul.f32 v50, v9;
	v7 =	vld [tilespmem:s7+$0x410];
	v6 =	vadd.f32 v6, v27  }
0x19c: {  	v3 =	vadd.f32 v3, v4;
	[tilespmem:s16+$0x410] =	vst.add.f32.msk $0xffff, v1  }
0x19d: {  	v1 =	vld [tilespmem:s4+$0x420];
	v0 =	vadd.f32 v6, v0  }
0x19e: {  	[tilespmem:s30+$0x460] =	vst.add.f32.msk $0xffff, v3  }
0x19f: {  	[tilespmem:s13+$0x410] =	vst.add.f32.msk $0xffff, v0  }
0x1a0: {  	v5 =	vld [tilespmem:s14+$0x460];
	v3 =	vmul.f32 v35, v43;
	v2 =	vadd.f32 v2, v29;
	[tilespmem:$0x1FF00] =	vst v9  }
0x1a1: {  	v4 =	vld [tilespmem:s3+$0x420]  }
0x1a2: {  	v0 =	vmul.f32 v51, v9;
	v6 =	vadd.f32 v7, v27;
	v2 =	vadd.f32 v2, v3;
	[tilespmem:$0x1FF10] =	vst v27  }
0x1a3: {  	v7 =	vmul.f32 v49, v43;
	v1 =	vadd.f32 v1, v29;
	v3 =	vld [tilespmem:s19+$0x470]  }
0x1a4: {  	v0 =	vadd.f32 v6, v0;
	[tilespmem:s15+$0x420] =	vst.add.f32.msk $0xffff, v2  }
0x1a5: {  	v5 =	vadd.f32 v5, v15;
	v6 =	vmul.f32 v38, v33;
	v1 =	vadd.f32 v1, v7;
	v2 =	vld [tilespmem:s0+$0x430];
	[tilespmem:$0x1FF20] =	vst v15  }
0x1a6: {  	[tilespmem:s17+$0x410] =	vst.add.f32.msk $0xffff, v0;
	v0 =	vmul.f32 v50, v43;
	v4 =	vadd.f32 v4, v29  }
0x1a7: {  	v5 =	vadd.f32 v5, v6;
	[tilespmem:s16+$0x420] =	vst.add.f32.msk $0xffff, v1  }
0x1a8: {  	v7 =	vld [tilespmem:s7+$0x420];
	v0 =	vadd.f32 v4, v0  }
0x1a9: {  	[tilespmem:s31+$0x460] =	vst.add.f32.msk $0xffff, v5  }
0x1aa: {  	v5 =	vadd.f32 v63, v14;
	v4 =	vmul.f32 v36, v34;
	[tilespmem:s13+$0x420] =	vst.add.f32.msk $0xffff, v0  }
0x1ab: {  	v1 =	vld [tilespmem:s4+$0x430];
	[tilespmem:$0x1FF30] =	vst v43  }
0x1ac: {  	v0 =	vadd.f32 v2, v28;
	v2 =	vmul.f32 v35, v44;
	v4 =	vadd.f32 v5, v4;
	v5 =	vld [tilespmem:s3+$0x430]  }
0x1ad: {  	v11 =	vld [tilespmem:s14+$0x470];
	[tilespmem:$0x1FF40] =	vst v29  }
0x1ae: {  	v9 =	vmul.f32 v51, v43;
	v7 =	vadd.f32 v7, v29;
	v0 =	vadd.f32 v0, v2;
	[tilespmem:$0x1FF50] =	vst v44  }
0x1af: {  	[tilespmem:s18+$0x470] =	vst.add.f32.msk $0xffff, v4  }
0x1b0: {  	v10 =	vmul.f32 v49, v44;
	v1 =	vadd.f32 v1, v28;
	v2 =	vadd.f32 v7, v9;
	[tilespmem:s15+$0x430] =	vst.add.f32.msk $0xffff, v0  }
0x1b1: {  	v4 =	vld [tilespmem:s0+$0x440];
	[tilespmem:$0x1FF60] =	vst v28  }
0x1b2: {  	v48 =	vmul.f32 v51, v44;
	v0 =	vadd.f32 v1, v10;
	[tilespmem:s17+$0x420] =	vst.add.f32.msk $0xffff, v2  }
0x1b3: {  	v58 =	vmul.f32 v49, v31;
	v47 =	vmul.f32 v49, v52;
	[tilespmem:$0x1FF70] =	vst v31  }
0x1b4: {  	v46 =	vmul.f32 v50, v52;
	v45 =	vmul.f32 v51, v52;
	[tilespmem:s16+$0x430] =	vst.add.f32.msk $0xffff, v0  }
0x1b5: {  	v12 =	vmul.f32 v50, v44;
	v1 =	vadd.f32 v3, v14;
	v3 =	vadd.f32 v5, v28;
	[tilespmem:$0x1FF80] =	vst v14  }
0x1b6: {  	v8 =	vmul.f32 v38, v34;
	v6 =	vmul.f32 v37, v34;
	v2 =	vadd.f32 v11, v14;
	[tilespmem:$0x1FF90] =	vst v33  }
0x1b7: {  	v13 =	vmul.f32 v50, v33;
	v15 =	vmul.f32 v49, v33;
	v5 =	vadd.f32 v3, v12;
	v3 =	vld [tilespmem:s7+$0x430]  }
0x1b8: {  	v43 =	vmul.f32 v50, v31;
	v0 =	vadd.f32 v1, v6;
	v1 =	vadd.f32 v2, v8;
	v2 =	vld [tilespmem:s4+$0x440];
	[tilespmem:$0x1FFA0] =	vst v34  }
0x1b9: {  	v44 =	vmul.f32 v51, v31;
	v9 =	vmul.f32 v49, v34;
	[tilespmem:s13+$0x430] =	vst.add.f32.msk $0xffff, v5  }
0x1ba: {  	v10 =	vmul.f32 v50, v34;
	v11 =	vmul.f32 v51, v33;
	[tilespmem:$0x1FFB0] =	vst v18  }
0x1bb: {  	s14 =	simm.s32 $0x4;
	v8 =	vmul.f32 v51, v34;
	v4 =	vadd.f32 v4, v18;
	v5 =	vmul.f32 v35, v52;
	[tilespmem:$0x1FFC0] =	vst v52  }
.LBB2_3:
0x1bc: {  	v7 =	vld [tilespmem:s3+$0x440]  }
0x1bd: {  	v36 =	vld [tilespmem:$0x1FF60]  }
0x1be: {  	[tilespmem:s30+$0x470] =	vst.add.f32.msk $0xffff, v0  }
0x1bf: {  	v32 =	vld [tilespmem:$0x1FFB0]  }
0x1c0: {  	v31 =	vld [tilespmem:$0x1FEB0]  }
0x1c1: {  	v26 =	vld [tilespmem:$0x1FF70]  }
0x1c2: {  	v12 =	vld [tilespmem:$0x1FDD0]  }
0x1c3: {  	[tilespmem:$0x1FD20] =	vst v15;
	v15 =	vld [tilespmem:$0x1FDE0]  }
0x1c4: {  	v20 =	vld [tilespmem:$0x1FDF0]  }
0x1c5: {  	v22 =	vld [tilespmem:$0x1FE10]  }
0x1c6: {  	v28 =	vld [tilespmem:$0x1FE30]  }
0x1c7: {  	v37 =	vld [tilespmem:$0x1FE50]  }
0x1c8: {  	v38 =	vld [tilespmem:$0x1FE70]  }
0x1c9: {  	v30 =	vld [tilespmem:$0x1FF20]  }
0x1ca: {  	v34 =	vld [tilespmem:$0x1FF90]  }
0x1cb: {  	v21 =	vld [tilespmem:$0x1FE00]  }
0x1cc: {  	v53 =	vld [tilespmem:$0x1FE90]  }
0x1cd: {  	v55 =	vld [tilespmem:$0x1FEC0]  }
0x1ce: {  	v39 =	vld [tilespmem:$0x1FEE0]  }
0x1cf: {  	v29 =	vld [tilespmem:$0x1FF80]  }
0x1d0: {  	v42 =	vld [tilespmem:$0x1FFA0]  }
0x1d1: {  	v56 =	vld [tilespmem:$0x1FF00]  }
0x1d2: {  	s14 =	sadd.s32 $0x4, s14;
	v40 =	vld [tilespmem:$0x1FF30]  }
0x1d3: {  	s12 =	sadd.s32 $0x200, s12;
	s1 =	sshrl.u32 s14, $0x3;
	v4 =	vadd.f32 v4, v5;
	[tilespmem:s31+$0x470] =	vst.add.f32.msk $0xffff, v1  }
0x1d4: {  	v54 =	vld [tilespmem:s12+$0xFFFFFF00];
	s6 =	smul.u32 $0x1800, s1  }
0x1d5: {  	s10 =	sadd.s32 $0x200, s10;
	[tilespmem:s15+$0x440] =	vst.add.f32.msk $0xffff, v4;
	v3 =	vadd.f32 v3, v36  }
0x1d6: {  	s9 =	sand.u32 $0x380, s10;
	s8 =	sadd.s32 s6, s29;
	v0 =	vadd.f32 v2, v32;
	v2 =	vld [tilespmem:s0+$0x450]  }
0x1d7: {  	[tilespmem:$0x1FDA0] =	vst v10;
	s2 =	sadd.s32 $0xFFFFFE80, s10;
	v10 =	vld [tilespmem:s12+$0x80];
	s1 =	sadd.s32 s9, s8;
	v1 =	vadd.f32 v3, v48  }
0x1d8: {  	s5 =	sadd.s32 $0xFFFFFF00, s10;
	s11 =	sand.u32 $0x200, s2;
	v6 =	vadd.f32 v0, v47;
	v0 =	vadd.f32 v7, v32;
	v3 =	vld [tilespmem:s1+$0x0]  }
0x1d9: {  	s23 =	sadd.s32 $0xFFFFFF80, s10;
	v59 =	vld [tilespmem:s12+$0xFFFFFF80];
	s22 =	sand.u32 $0x280, s5;
	s2 =	sadd.s32 s11, s8  }
0x1da: {  	[tilespmem:$0x1FD40] =	vst v11;
	s31 =	smov.u32 s17;
	s17 =	sand.u32 $0x300, s23;
	s5 =	sadd.s32 s22, s8;
	v11 =	vadd.f32 v0, v46;
	v0 =	vld [tilespmem:s2+$0x0]  }
0x1db: {  	s18 =	sadd.s32 s17, s8;
	v5 =	vmul.f32 v35, v26;
	v4 =	vld [tilespmem:s5+$0x0];
	v2 =	vadd.f32 v2, v31  }
0x1dc: {  	[tilespmem:$0x1FD90] =	vst v9;
	v7 =	vld [tilespmem:s18+$0x0]  }
0x1dd: {  	[tilespmem:$0x1FDC0] =	vst v8;
	v16 =	vld [tilespmem:s12+$0x0];
	v8 =	vmul.f32 v10, v15;
	v3 =	vadd.f32 v3, v12;
	v2 =	vadd.f32 v2, v5  }
0x1de: {  	[tilespmem:s31+$0x430] =	vst.add.f32.msk $0xffff, v1  }
0x1df: {  	s24 =	sadd.s32 s6, s25;
	v5 =	vmul.f32 v54, v15;
	v0 =	vadd.f32 v0, v12;
	v9 =	vadd.f32 v3, v8;
	[tilespmem:s15+$0x450] =	vst.add.f32.msk $0xffff, v2  }
0x1e0: {  	s6 =	sadd.s32 s9, s24;
	v2 =	vadd.f32 v4, v12;
	v4 =	vld [tilespmem:s0+$0x460]  }
0x1e1: {  	v0 =	vadd.f32 v0, v5;
	v5 =	vadd.f32 v7, v12;
	[tilespmem:s6+$0x0] =	vst.add.f32.msk $0xffff, v9;
	v7 =	vmul.f32 v59, v15  }
0x1e2: {  	s19 =	sadd.s32 s11, s24;
	v9 =	vld [tilespmem:s1+$0x10]  }
0x1e3: {  	[tilespmem:s19+$0x0] =	vst.add.f32.msk $0xffff, v0;
	v0 =	vmul.f32 v16, v15;
	v2 =	vadd.f32 v2, v7  }
0x1e4: {  	s30 =	smov.u32 s13;
	s13 =	sadd.s32 s22, s24;
	v41 =	vmul.f32 v35, v42;
	v49 =	vld [tilespmem:s2+$0x10]  }
0x1e5: {  	v0 =	vadd.f32 v5, v0;
	v1 =	vadd.f32 v4, v30;
	v4 =	vmul.f32 v35, v34;
	[tilespmem:s13+$0x0] =	vst.add.f32.msk $0xffff, v2  }
0x1e6: {  	[tilespmem:$0x1FD30] =	vst v13;
	s17 =	sadd.s32 s17, s24;
	v2 =	vmul.f32 v10, v20;
	v35 =	vmov v10;
	v10 =	vmul.f32 v54, v56;
	v50 =	vld [tilespmem:s5+$0x10]  }
0x1e7: {  	[tilespmem:s17+$0x0] =	vst.add.f32.msk $0xffff, v0;
	v1 =	vadd.f32 v1, v4  }
0x1e8: {  	v0 =	vadd.f32 v9, v21;
	[tilespmem:$0x1FD60] =	vst v10;
	v10 =	vmul.f32 v59, v56;
	v52 =	vld [tilespmem:s18+$0x10]  }
0x1e9: {  	v13 =	vmul.f32 v54, v20;
	v4 =	vadd.f32 v49, v21;
	[tilespmem:s15+$0x460] =	vst.add.f32.msk $0xffff, v1  }
0x1ea: {  	v0 =	vadd.f32 v0, v2;
	[tilespmem:$0x1FD70] =	vst v10;
	v10 =	vld [tilespmem:s7+$0x440]  }
0x1eb: {  	v33 =	vld [tilespmem:s0+$0x470];
	v13 =	vadd.f32 v4, v13  }
0x1ec: {  	[tilespmem:s6+$0x10] =	vst.add.f32.msk $0xffff, v0  }
0x1ed: {  	v27 =	vmul.f32 v59, v20;
	s0 =	smov.u32 s1;
	v50 =	vadd.f32 v50, v21;
	[tilespmem:s19+$0x10] =	vst.add.f32.msk $0xffff, v13;
	v13 =	vmul.f32 v16, v39  }
0x1ee: {  	v51 =	vld [tilespmem:s0+$0x20]  }
0x1ef: {  	v14 =	vmul.f32 v54, v28;
	v47 =	vadd.f32 v50, v27;
	[tilespmem:$0x1FD50] =	vst v13;
	v13 =	vld [tilespmem:s2+$0x20]  }
0x1f0: {  	v48 =	vmul.f32 v16, v20;
	v21 =	vadd.f32 v52, v21;
	v49 =	vadd.f32 v33, v29;
	v33 =	vld [tilespmem:$0x1FE20]  }
0x1f1: {  	v60 =	vmul.f32 v59, v22;
	v62 =	vmul.f32 v54, v39;
	[tilespmem:s13+$0x10] =	vst.add.f32.msk $0xffff, v47  }
0x1f2: {  	v25 =	vmul.f32 v54, v40;
	v23 =	vmul.f32 v54, v26;
	v21 =	vadd.f32 v21, v48;
	[tilespmem:s16+$0x440] =	vst.add.f32.msk $0xffff, v6  }
0x1f3: {  	v18 =	vmul.f32 v16, v22;
	v17 =	vmul.f32 v16, v28;
	v27 =	vld [tilespmem:s5+$0x20]  }
0x1f4: {  	v63 =	vmul.f32 v16, v55;
	v46 =	vmul.f32 v54, v22;
	v49 =	vadd.f32 v49, v41;
	[tilespmem:s17+$0x10] =	vst.add.f32.msk $0xffff, v21  }
0x1f5: {  	[tilespmem:$0x1FD80] =	vst v25;
	v24 =	vmul.f32 v35, v22;
	v41 =	vmul.f32 v16, v40;
	v25 =	vld [tilespmem:s18+$0x20];
	v57 =	vadd.f32 v51, v33  }
0x1f6: {  	v8 =	vmul.f32 v54, v37;
	v3 =	vmul.f32 v54, v38;
	[tilespmem:s15+$0x470] =	vst.add.f32.msk $0xffff, v49;
	v13 =	vadd.f32 v13, v33  }
0x1f7: {  	v12 =	vmul.f32 v16, v37;
	v7 =	vmul.f32 v16, v38;
	[tilespmem:$0x1FDB0] =	vst v41;
	v41 =	vld [tilespmem:$0x1FFC0];
	v47 =	vadd.f32 v57, v24  }
0x1f8: {  	v5 =	vmul.f32 v54, v53;
	v6 =	vadd.f32 v10, v32;
	s15 =	smov.u32 s6;
	v57 =	vld [tilespmem:$0x1FF50];
	v10 =	vadd.f32 v13, v46  }
0x1f9: {  	v1 =	vmul.f32 v16, v53;
	v2 =	vmul.f32 v54, v55;
	[tilespmem:s15+$0x20] =	vst.add.f32.msk $0xffff, v47  }
0x1fa: {  	v50 =	vmul.f32 v16, v56;
	v21 =	vadd.f32 v6, v45;
	v6 =	vmul.f32 v16, v34;
	[tilespmem:s19+$0x20] =	vst.add.f32.msk $0xffff, v10  }
0x1fb: {  	v20 =	vadd.f32 v27, v33;
	v13 =	vmul.f32 v54, v34;
	v10 =	vmul.f32 v59, v34;
	v34 =	vld [tilespmem:$0x1FE40]  }
0x1fc: {  	v24 =	vmul.f32 v59, v26;
	v26 =	vmul.f32 v16, v26;
	v22 =	vld [tilespmem:s0+$0x30]  }
0x1fd: {  	[tilespmem:s31+$0x440] =	vst.add.f32.msk $0xffff, v21;
	v20 =	vadd.f32 v20, v60;
	v60 =	vmul.f32 v54, v42;
	v47 =	vmul.f32 v54, v41  }
0x1fe: {  	v45 =	vmul.f32 v16, v41;
	v27 =	vld [tilespmem:s2+$0x30];
	v51 =	vmul.f32 v54, v57  }
0x1ff: {  	[tilespmem:s13+$0x20] =	vst.add.f32.msk $0xffff, v20;
	v48 =	vmul.f32 v16, v57;
	v54 =	vmul.f32 v16, v42;
	v16 =	vadd.f32 v25, v33  }
0x200: {  	v19 =	vmul.f32 v59, v28;
	v25 =	vld [tilespmem:$0x1FE60]  }
0x201: {  	v16 =	vadd.f32 v16, v18;
	v20 =	vadd.f32 v22, v34;
	v22 =	vmul.f32 v35, v28;
	v28 =	vld [tilespmem:s5+$0x30]  }
0x202: {  	v61 =	vmul.f32 v59, v39;
	v15 =	vmul.f32 v59, v37;
	[tilespmem:s30+$0x440] =	vst.add.f32.msk $0xffff, v11  }
0x203: {  	v9 =	vmul.f32 v59, v38;
	v4 =	vmul.f32 v59, v53;
	[tilespmem:s17+$0x20] =	vst.add.f32.msk $0xffff, v16;
	v20 =	vadd.f32 v20, v22  }
0x204: {  	v0 =	vmul.f32 v59, v55;
	v52 =	vmul.f32 v59, v40;
	v11 =	vadd.f32 v27, v34;
	v16 =	vld [tilespmem:s18+$0x30]  }
0x205: {  	v46 =	vmul.f32 v59, v41;
	v49 =	vmul.f32 v59, v57;
	[tilespmem:s15+$0x30] =	vst.add.f32.msk $0xffff, v20  }
0x206: {  	v59 =	vmul.f32 v59, v42;
	v11 =	vadd.f32 v11, v14;
	v42 =	vld [tilespmem:s0+$0x40];
	v14 =	vadd.f32 v28, v34  }
0x207: {  	v27 =	vmul.f32 v35, v37;
	v37 =	vld [tilespmem:$0x1FE80]  }
0x208: {  	[tilespmem:s19+$0x30] =	vst.add.f32.msk $0xffff, v11;
	v11 =	vadd.f32 v14, v19  }
0x209: {  	v14 =	vld [tilespmem:s2+$0x40];
	v16 =	vadd.f32 v16, v34  }
0x20a: {  	[tilespmem:s13+$0x30] =	vst.add.f32.msk $0xffff, v11  }
0x20b: {  	v16 =	vadd.f32 v16, v17;
	v11 =	vadd.f32 v42, v25;
	v28 =	vld [tilespmem:s5+$0x40]  }
0x20c: {  	v33 =	vld [tilespmem:s4+$0x450]  }
0x20d: {  	[tilespmem:s17+$0x30] =	vst.add.f32.msk $0xffff, v16;
	v11 =	vadd.f32 v11, v27  }
0x20e: {  	v14 =	vadd.f32 v14, v25;
	v16 =	vld [tilespmem:s18+$0x40]  }
0x20f: {  	[tilespmem:s15+$0x40] =	vst.add.f32.msk $0xffff, v11  }
0x210: {  	v8 =	vadd.f32 v14, v8;
	v11 =	vld [tilespmem:s0+$0x50];
	v14 =	vadd.f32 v28, v25  }
0x211: {  	v34 =	vld [tilespmem:s3+$0x450]  }
0x212: {  	[tilespmem:s19+$0x40] =	vst.add.f32.msk $0xffff, v8;
	v8 =	vadd.f32 v14, v15  }
0x213: {  	v15 =	vld [tilespmem:s2+$0x50];
	v16 =	vadd.f32 v16, v25  }
0x214: {  	[tilespmem:s13+$0x40] =	vst.add.f32.msk $0xffff, v8  }
0x215: {  	v12 =	vadd.f32 v16, v12;
	v16 =	vld [tilespmem:$0x1FEA0];
	v8 =	vadd.f32 v11, v37;
	v11 =	vmul.f32 v35, v38  }
0x216: {  	v38 =	vld [tilespmem:s5+$0x50]  }
0x217: {  	v8 =	vadd.f32 v8, v11;
	v11 =	vld [tilespmem:s7+$0x450]  }
0x218: {  	v17 =	vadd.f32 v33, v31;
	[tilespmem:s17+$0x40] =	vst.add.f32.msk $0xffff, v12  }
0x219: {  	v15 =	vadd.f32 v15, v37;
	v12 =	vld [tilespmem:s18+$0x50]  }
0x21a: {  	v17 =	vadd.f32 v17, v58;
	[tilespmem:s15+$0x50] =	vst.add.f32.msk $0xffff, v8  }
0x21b: {  	v3 =	vadd.f32 v15, v3;
	v8 =	vld [tilespmem:s0+$0x60];
	v15 =	vadd.f32 v38, v37  }
0x21c: {  	[tilespmem:s16+$0x450] =	vst.add.f32.msk $0xffff, v17  }
0x21d: {  	[tilespmem:s19+$0x50] =	vst.add.f32.msk $0xffff, v3;
	v11 =	vadd.f32 v11, v31;
	v3 =	vadd.f32 v15, v9  }
0x21e: {  	v9 =	vld [tilespmem:s2+$0x60]  }
0x21f: {  	v12 =	vadd.f32 v12, v37;
	v11 =	vadd.f32 v11, v44;
	[tilespmem:s13+$0x50] =	vst.add.f32.msk $0xffff, v3  }
0x220: {  	v3 =	vadd.f32 v8, v16;
	v8 =	vmul.f32 v35, v53;
	v15 =	vld [tilespmem:s5+$0x60]  }
0x221: {  	v7 =	vadd.f32 v12, v7;
	[tilespmem:s31+$0x450] =	vst.add.f32.msk $0xffff, v11  }
0x222: {  	v11 =	vld [tilespmem:$0x1FED0];
	v3 =	vadd.f32 v3, v8  }
0x223: {  	v14 =	vadd.f32 v34, v31;
	[tilespmem:s17+$0x50] =	vst.add.f32.msk $0xffff, v7  }
0x224: {  	v8 =	vadd.f32 v9, v16;
	[tilespmem:s15+$0x60] =	vst.add.f32.msk $0xffff, v3  }
0x225: {  	v14 =	vadd.f32 v14, v43;
	v3 =	vld [tilespmem:s0+$0x70]  }
0x226: {  	v7 =	vld [tilespmem:s18+$0x60];
	v5 =	vadd.f32 v8, v5;
	v8 =	vadd.f32 v15, v16  }
0x227: {  	[tilespmem:s30+$0x450] =	vst.add.f32.msk $0xffff, v14  }
0x228: {  	[tilespmem:s19+$0x60] =	vst.add.f32.msk $0xffff, v5;
	v4 =	vadd.f32 v8, v4  }
0x229: {  	v5 =	vld [tilespmem:s2+$0x70]  }
0x22a: {  	[tilespmem:s13+$0x60] =	vst.add.f32.msk $0xffff, v4;
	v4 =	vmul.f32 v35, v55;
	v3 =	vadd.f32 v3, v11  }
0x22b: {  	v7 =	vadd.f32 v7, v16;
	v8 =	vld [tilespmem:s5+$0x70]  }
0x22c: {  	v3 =	vadd.f32 v3, v4;
	v4 =	vld [tilespmem:s4+$0x460]  }
0x22d: {  	v9 =	vld [tilespmem:s3+$0x460];
	v1 =	vadd.f32 v7, v1  }
0x22e: {  	v7 =	vld [tilespmem:$0x1FD20]  }
0x22f: {  	[tilespmem:s17+$0x60] =	vst.add.f32.msk $0xffff, v1  }
0x230: {  	v5 =	vadd.f32 v5, v11;
	v1 =	vld [tilespmem:s18+$0x70]  }
0x231: {  	[tilespmem:s15+$0x70] =	vst.add.f32.msk $0xffff, v3;
	v4 =	vadd.f32 v4, v30  }
0x232: {  	v2 =	vadd.f32 v5, v2;
	v3 =	vld [tilespmem:s0+$0x400]  }
0x233: {  	v5 =	vadd.f32 v8, v11;
	v4 =	vadd.f32 v4, v7;
	v7 =	vld [tilespmem:$0x1FD30]  }
0x234: {  	v8 =	vld [tilespmem:$0x1FEF0]  }
0x235: {  	[tilespmem:s19+$0x70] =	vst.add.f32.msk $0xffff, v2;
	v0 =	vadd.f32 v5, v0  }
0x236: {  	v2 =	vadd.f32 v9, v30;
	v5 =	vld [tilespmem:s2+$0x400]  }
0x237: {  	[tilespmem:s13+$0x70] =	vst.add.f32.msk $0xffff, v0  }
0x238: {  	v2 =	vadd.f32 v2, v7;
	v7 =	vld [tilespmem:s5+$0x400]  }
0x239: {  	v0 =	vadd.f32 v3, v8;
	v3 =	vmul.f32 v35, v39;
	_ =	sdelay $0x1  }
0x23a: {  	v0 =	vadd.f32 v0, v3;
	v3 =	vld [tilespmem:s7+$0x460]  }
0x23b: {  	v1 =	vadd.f32 v1, v11;
	[tilespmem:s16+$0x460] =	vst.add.f32.msk $0xffff, v4  }
0x23c: {  	v4 =	vadd.f32 v5, v8;
	v5 =	vadd.f32 v7, v8;
	v7 =	vld [tilespmem:$0x1FD40];
	_ =	sdelay $0x1  }
0x23d: {  	v1 =	vadd.f32 v1, v63  }
0x23e: {  	v3 =	vadd.f32 v3, v30  }
0x23f: {  	[tilespmem:s17+$0x70] =	vst.add.f32.msk $0xffff, v1  }
0x240: {  	v1 =	vld [tilespmem:s18+$0x400];
	v3 =	vadd.f32 v3, v7  }
0x241: {  	[tilespmem:s15+$0x400] =	vst.add.f32.msk $0xffff, v0  }
0x242: {  	v4 =	vadd.f32 v4, v62;
	[tilespmem:s31+$0x460] =	vst.add.f32.msk $0xffff, v3  }
0x243: {  	v3 =	vld [tilespmem:$0x1FD50]  }
0x244: {  	[tilespmem:s19+$0x400] =	vst.add.f32.msk $0xffff, v4  }
0x245: {  	v4 =	vadd.f32 v5, v61;
	v5 =	vld [tilespmem:s2+$0x410]  }
0x246: {  	v1 =	vadd.f32 v1, v8;
	v7 =	vld [tilespmem:$0x1FF10]  }
0x247: {  	v0 =	vld [tilespmem:s0+$0x410]  }
0x248: {  	v1 =	vadd.f32 v1, v3;
	v3 =	vld [tilespmem:$0x1FD60]  }
0x249: {  	[tilespmem:s13+$0x400] =	vst.add.f32.msk $0xffff, v4  }
0x24a: {  	v11 =	vmov v6;
	v6 =	vld [tilespmem:s5+$0x410]  }
0x24b: {  	[tilespmem:s30+$0x460] =	vst.add.f32.msk $0xffff, v2;
	v2 =	vadd.f32 v5, v7  }
0x24c: {  	[tilespmem:s17+$0x400] =	vst.add.f32.msk $0xffff, v1  }
0x24d: {  	v4 =	vmul.f32 v35, v56;
	v0 =	vadd.f32 v0, v7;
	v1 =	vld [tilespmem:s18+$0x410];
	v2 =	vadd.f32 v2, v3  }
0x24e: {  	v8 =	vld [tilespmem:$0x1FF40]  }
0x24f: {  	v0 =	vadd.f32 v0, v4;
	[tilespmem:s19+$0x410] =	vst.add.f32.msk $0xffff, v2  }
0x250: {  	v2 =	vld [tilespmem:$0x1FD70]  }
0x251: {  	[tilespmem:s15+$0x410] =	vst.add.f32.msk $0xffff, v0  }
0x252: {  	v0 =	vld [tilespmem:s0+$0x420];
	v1 =	vadd.f32 v1, v7  }
0x253: {  	v3 =	vadd.f32 v6, v7  }
0x254: {  	v6 =	vld [tilespmem:$0x1FD80];
	v1 =	vadd.f32 v1, v50  }
0x255: {  	v2 =	vadd.f32 v3, v2;
	v3 =	vld [tilespmem:s2+$0x420]  }
0x256: {  	[tilespmem:s17+$0x410] =	vst.add.f32.msk $0xffff, v1  }
0x257: {  	v0 =	vadd.f32 v0, v8;
	[tilespmem:s13+$0x410] =	vst.add.f32.msk $0xffff, v2;
	v2 =	vmul.f32 v35, v40  }
0x258: {  	v4 =	vld [tilespmem:s5+$0x420]  }
0x259: {  	v0 =	vadd.f32 v0, v2;
	v2 =	vld [tilespmem:s4+$0x470]  }
0x25a: {  	v5 =	vld [tilespmem:s3+$0x470];
	v3 =	vadd.f32 v3, v8  }
0x25b: {  	[tilespmem:s15+$0x420] =	vst.add.f32.msk $0xffff, v0  }
0x25c: {  	v3 =	vadd.f32 v3, v6;
	v6 =	vld [tilespmem:$0x1FD90]  }
0x25d: {  	v0 =	vld [tilespmem:s0+$0x430];
	v4 =	vadd.f32 v4, v8  }
0x25e: {  	s4 =	smov.u32 s2;
	v2 =	vadd.f32 v2, v29;
	[tilespmem:s19+$0x420] =	vst.add.f32.msk $0xffff, v3  }
0x25f: {  	v3 =	vadd.f32 v4, v52;
	v4 =	vadd.f32 v5, v29;
	v5 =	vld [tilespmem:s4+$0x430]  }
0x260: {  	v1 =	vld [tilespmem:s18+$0x420]  }
0x261: {  	v2 =	vadd.f32 v2, v6;
	[tilespmem:s13+$0x420] =	vst.add.f32.msk $0xffff, v3  }
0x262: {  	v3 =	vadd.f32 v0, v36;
	v0 =	vld [tilespmem:$0x1FDA0]  }
0x263: {  	[tilespmem:s16+$0x470] =	vst.add.f32.msk $0xffff, v2  }
0x264: {  	v2 =	vadd.f32 v5, v36;
	v5 =	vld [tilespmem:$0x1FDB0]  }
0x265: {  	v6 =	vmul.f32 v35, v57;
	_ =	sdelay $0x1  }
0x266: {  	s3 =	smov.u32 s5;
	v1 =	vadd.f32 v1, v8;
	v3 =	vadd.f32 v3, v6;
	v6 =	vld [tilespmem:s7+$0x470]  }
0x267: {  	v0 =	vadd.f32 v4, v0;
	v4 =	vld [tilespmem:s3+$0x430]  }
0x268: {  	[tilespmem:s15+$0x430] =	vst.add.f32.msk $0xffff, v3;
	v1 =	vadd.f32 v1, v5  }
0x269: {  	v5 =	vld [tilespmem:s0+$0x440]  }
0x26a: {  	[tilespmem:s17+$0x420] =	vst.add.f32.msk $0xffff, v1  }
0x26b: {  	p0 =	slt.u32 s14, $0xC;
	v2 =	vadd.f32 v2, v51;
	v1 =	vadd.f32 v6, v29;
	v6 =	vld [tilespmem:$0x1FDC0]  }
.Ltmp0:
0x26c: {  	s16 =	smov.u32 s19;
	v4 =	vadd.f32 v4, v36;
	(pc) =	sbr.rel @p0 .LBB2_3-.Ltmp0, $4  }
0x26d: {  	[tilespmem:s16+$0x430] =	vst.add.f32.msk $0xffff, v2  }
0x26e: {  	v58 =	vmovc v23;
	v43 =	vmov v24;
	v44 =	vmov v26;
	s7 =	smov.u32 s18;
	v2 =	vld [tilespmem:s4+$0x440];
	v4 =	vadd.f32 v4, v49  }
0x26f: {  	v15 =	vmovc v13;
	v13 =	vmovc v10;
	v10 =	vmov v59;
	v9 =	vmov v60;
	v8 =	vmov v54;
	v3 =	vld [tilespmem:s7+$0x430]  }
0x270: {  	[tilespmem:s13+$0x430] =	vst.add.f32.msk $0xffff, v4;
	v4 =	vadd.f32 v5, v32;
	v5 =	vmul.f32 v35, v41;
	v1 =	vadd.f32 v1, v6  }
0x271: {  	v6 =	vld [tilespmem:$0x1FF60];
	_ =	sdelay $0x4  }
0x272: {  	v3 =	vadd.f32 v3, v6;
	_ =	sdelay $0x1  }
0x273: {  	v3 =	vadd.f32 v3, v48;
	_ =	sdelay $0x1  }
0x274: {  	[tilespmem:s17+$0x430] =	vst.add.f32.msk $0xffff, v3  }
0x275: {  	v7 =	vld [tilespmem:$0x1FFB0]  }
0x276: {  	v6 =	vld [tilespmem:s3+$0x440]  }
0x277: {  	v3 =	vld [tilespmem:s7+$0x440];
	_ =	sdelay $0x2  }
0x278: {  	v4 =	vadd.f32 v4, v5;
	v2 =	vadd.f32 v2, v7  }
0x279: {  	v5 =	vadd.f32 v6, v7  }
0x27a: {  	[tilespmem:s15+$0x440] =	vst.add.f32.msk $0xffff, v4;
	v3 =	vadd.f32 v3, v7;
	v2 =	vadd.f32 v2, v47  }
0x27b: {  	v4 =	vld [tilespmem:s0+$0x450];
	v5 =	vadd.f32 v5, v46  }
0x27c: {  	[tilespmem:s16+$0x440] =	vst.add.f32.msk $0xffff, v2;
	v2 =	vadd.f32 v3, v45  }
0x27d: {  	[tilespmem:s13+$0x440] =	vst.add.f32.msk $0xffff, v5  }
0x27e: {  	[tilespmem:s17+$0x440] =	vst.add.f32.msk $0xffff, v2  }
0x27f: {  	v7 =	vld [tilespmem:$0x1FEB0]  }
0x280: {  	v6 =	vld [tilespmem:$0x1FF70]  }
0x281: {  	v2 =	vld [tilespmem:s4+$0x450]  }
0x282: {  	v3 =	vld [tilespmem:s3+$0x450];
	_ =	sdelay $0x1  }
0x283: {  	v5 =	vld [tilespmem:s7+$0x450]  }
0x284: {  	v4 =	vadd.f32 v4, v7;
	v6 =	vmul.f32 v35, v6  }
0x285: {  	v2 =	vadd.f32 v2, v7  }
0x286: {  	v3 =	vadd.f32 v3, v7;
	v4 =	vadd.f32 v4, v6  }
0x287: {  	v2 =	vadd.f32 v2, v58  }
0x288: {  	v3 =	vadd.f32 v3, v43;
	[tilespmem:s15+$0x450] =	vst.add.f32.msk $0xffff, v4;
	v4 =	vadd.f32 v5, v7  }
0x289: {  	[tilespmem:s16+$0x450] =	vst.add.f32.msk $0xffff, v2  }
0x28a: {  	[tilespmem:s13+$0x450] =	vst.add.f32.msk $0xffff, v3;
	v2 =	vadd.f32 v4, v44  }
0x28b: {  	v5 =	vld [tilespmem:s0+$0x460]  }
0x28c: {  	[tilespmem:s17+$0x450] =	vst.add.f32.msk $0xffff, v2  }
0x28d: {  	v7 =	vld [tilespmem:$0x1FF20]  }
0x28e: {  	v6 =	vld [tilespmem:$0x1FF90]  }
0x28f: {  	v2 =	vld [tilespmem:s4+$0x460]  }
0x290: {  	v3 =	vld [tilespmem:s3+$0x460];
	_ =	sdelay $0x1  }
0x291: {  	v4 =	vld [tilespmem:s7+$0x460]  }
0x292: {  	v5 =	vadd.f32 v5, v7;
	v6 =	vmul.f32 v35, v6  }
0x293: {  	v2 =	vadd.f32 v2, v7  }
0x294: {  	v3 =	vadd.f32 v3, v7;
	v5 =	vadd.f32 v5, v6  }
0x295: {  	v2 =	vadd.f32 v2, v15  }
0x296: {  	v4 =	vadd.f32 v4, v7;
	v3 =	vadd.f32 v3, v13;
	[tilespmem:s15+$0x460] =	vst.add.f32.msk $0xffff, v5  }
0x297: {  	[tilespmem:s16+$0x460] =	vst.add.f32.msk $0xffff, v2  }
0x298: {  	v2 =	vadd.f32 v4, v11;
	[tilespmem:s13+$0x460] =	vst.add.f32.msk $0xffff, v3  }
0x299: {  	v5 =	vld [tilespmem:s0+$0x470]  }
0x29a: {  	[tilespmem:s17+$0x460] =	vst.add.f32.msk $0xffff, v2  }
0x29b: {  	v7 =	vld [tilespmem:$0x1FF80]  }
0x29c: {  	v6 =	vld [tilespmem:$0x1FFA0]  }
0x29d: {  	v2 =	vld [tilespmem:s4+$0x470]  }
0x29e: {  	v3 =	vld [tilespmem:s3+$0x470]  }
0x29f: {  	v4 =	vld [tilespmem:s7+$0x470];
	_ =	sdelay $0x1  }
0x2a0: {  	v5 =	vadd.f32 v5, v7;
	v6 =	vmul.f32 v35, v6  }
0x2a1: {  	v2 =	vadd.f32 v2, v7  }
0x2a2: {  	[tilespmem:s30+$0x470] =	vst.add.f32.msk $0xffff, v0;
	v3 =	vadd.f32 v3, v7;
	v0 =	vadd.f32 v5, v6  }
0x2a3: {  	[tilespmem:s31+$0x470] =	vst.add.f32.msk $0xffff, v1;
	v1 =	vadd.f32 v2, v9;
	v2 =	vadd.f32 v4, v7  }
0x2a4: {  	[tilespmem:s15+$0x470] =	vst.add.f32.msk $0xffff, v0;
	v0 =	vadd.f32 v3, v10  }
0x2a5: {  	[tilespmem:s16+$0x470] =	vst.add.f32.msk $0xffff, v1;
	v1 =	vadd.f32 v2, v8  }
0x2a6: {  	[tilespmem:s13+$0x470] =	vst.add.f32.msk $0xffff, v0  }
0x2a7: {  	[tilespmem:s17+$0x470] =	vst.add.f32.msk $0xffff, v1  }
0x2a8: {  	v17 =	vld [tilespmem:$0x8A00]  }
0x2a9: {  	v18 =	vld [tilespmem:$0x8A10]  }
0x2aa: {  	v19 =	vld [tilespmem:$0x8A20]  }
0x2ab: {  	v20 =	vld [tilespmem:$0x8A30]  }
0x2ac: {  	v21 =	vld [tilespmem:$0x8A40]  }
0x2ad: {  	v22 =	vld [tilespmem:$0x8A50]  }
0x2ae: {  	v23 =	vld [tilespmem:$0x8A60]  }
0x2af: {  	v24 =	vld [tilespmem:$0x8A70]  }
0x2b0: {  	v25 =	vld [tilespmem:$0x8B00]  }
0x2b1: {  	v26 =	vld [tilespmem:$0x8B10]  }
0x2b2: {  	v29 =	vld [tilespmem:$0x8B20]  }
0x2b3: {  	v28 =	vld [tilespmem:$0x8B30]  }
0x2b4: {  	v16 =	vld [tilespmem:$0x8B40]  }
0x2b5: {  	v15 =	vld [tilespmem:$0x8B50]  }
0x2b6: {  	v14 =	vld [tilespmem:$0x8B60]  }
0x2b7: {  	v13 =	vld [tilespmem:$0x8B70]  }
0x2b8: {  	v0 =	vld [tilespmem:$0x8A80]  }
0x2b9: {  	v4 =	vld [tilespmem:$0x8A90]  }
0x2ba: {  	v5 =	vld [tilespmem:$0x8AA0]  }
0x2bb: {  	s14 =	simm.s32 $0x0;
	v6 =	vld [tilespmem:$0x8AB0]  }
0x2bc: {  	s0 =	smul.u32 $0x1800, s14;
	v7 =	vld [tilespmem:$0x8AC0]  }
0x2bd: {  	v8 =	vld [tilespmem:$0x8AD0]  }
0x2be: {  	s1 =	simm.s32 $0x180;
	s5 =	sadd.s32 s26, s0;
	v9 =	vld [tilespmem:$0x8AE0]  }
0x2bf: {  	s2 =	sand.u32 $0x380, s1;
	s9 =	sadd.s32 $0x9600, s5;
	v10 =	vld [tilespmem:$0x8AF0]  }
0x2c0: {  	s10 =	sadd.s32 s2, s9;
	v39 =	vld [tilespmem:s20+$0x80]  }
0x2c1: {  	v11 =	vld [tilespmem:s10+$0x0]  }
0x2c2: {  	v3 =	vld [tilespmem:$0x8B80]  }
0x2c3: {  	v2 =	vld [tilespmem:$0x8B90]  }
0x2c4: {  	v1 =	vld [tilespmem:$0x8BA0];
	v30 =	vsub.f32 v0, v17  }
0x2c5: {  	v32 =	vld [tilespmem:$0x8BC0]  }
0x2c6: {  	v33 =	vld [tilespmem:$0x8BD0];
	v11 =	vadd.f32 v11, v17;
	v12 =	vmul.f32 v39, v30  }
0x2c7: {  	s15 =	sadd.s32 s28, s0;
	v34 =	vld [tilespmem:$0x8BE0]  }
0x2c8: {  	s11 =	sadd.s32 $0xF600, s15;
	v58 =	vld [tilespmem:$0x8BF0];
	v11 =	vadd.f32 v11, v12  }
0x2c9: {  	s8 =	sadd.s32 s2, s11;
	v0 =	vld [tilespmem:$0x8BB0]  }
0x2ca: {  	[tilespmem:s8+$0x0] =	vst.add.f32.msk $0xffff, v11  }
0x2cb: {  	v11 =	vld [tilespmem:s10+$0x10];
	_ =	sdelay $0x2  }
0x2cc: {  	v12 =	vsub.f32 v4, v18;
	_ =	sdelay $0x1  }
0x2cd: {  	v4 =	vadd.f32 v11, v18;
	v11 =	vmul.f32 v39, v12;
	_ =	sdelay $0x1  }
0x2ce: {  	v4 =	vadd.f32 v4, v11;
	_ =	sdelay $0x1  }
0x2cf: {  	[tilespmem:s8+$0x10] =	vst.add.f32.msk $0xffff, v4  }
0x2d0: {  	v4 =	vld [tilespmem:s10+$0x20];
	_ =	sdelay $0x2  }
0x2d1: {  	v31 =	vsub.f32 v5, v19;
	_ =	sdelay $0x1  }
0x2d2: {  	v5 =	vmul.f32 v39, v31;
	v4 =	vadd.f32 v4, v19;
	_ =	sdelay $0x1  }
0x2d3: {  	v4 =	vadd.f32 v4, v5;
	_ =	sdelay $0x1  }
0x2d4: {  	[tilespmem:s8+$0x20] =	vst.add.f32.msk $0xffff, v4  }
0x2d5: {  	v4 =	vld [tilespmem:s10+$0x30];
	_ =	sdelay $0x2  }
0x2d6: {  	v40 =	vsub.f32 v6, v20;
	_ =	sdelay $0x1  }
0x2d7: {  	v5 =	vmul.f32 v39, v40;
	v4 =	vadd.f32 v4, v20;
	_ =	sdelay $0x1  }
0x2d8: {  	v4 =	vadd.f32 v4, v5;
	_ =	sdelay $0x1  }
0x2d9: {  	[tilespmem:s8+$0x30] =	vst.add.f32.msk $0xffff, v4  }
0x2da: {  	v4 =	vld [tilespmem:s10+$0x40]  }
0x2db: {  	s17 =	simm.s32 $0x0  }
0x2dc: {  	s7 =	sand.u32 $0x200, s17  }
0x2dd: {  	s18 =	simm.s32 $0x80;
	v36 =	vld [tilespmem:s20+$0xFFFFFF00];
	s6 =	sadd.s32 s7, s9;
	v41 =	vsub.f32 v7, v21  }
0x2de: {  	s0 =	sand.u32 $0x280, s18;
	v5 =	vld [tilespmem:s6+$0x0]  }
0x2df: {  	s19 =	simm.s32 $0x100;
	s16 =	sadd.s32 s0, s9;
	v37 =	vld [tilespmem:s20+$0xFFFFFF80];
	v7 =	vmul.f32 v39, v41;
	v4 =	vadd.f32 v4, v21  }
0x2e0: {  	s3 =	sand.u32 $0x300, s19;
	v6 =	vld [tilespmem:s16+$0x0]  }
0x2e1: {  	v38 =	vld [tilespmem:s20+$0x0];
	s9 =	sadd.s32 s3, s9;
	v4 =	vadd.f32 v4, v7  }
0x2e2: {  	v11 =	vld [tilespmem:s9+$0x0]  }
0x2e3: {  	v5 =	vadd.f32 v5, v17;
	v7 =	vmul.f32 v36, v30;
	[tilespmem:s8+$0x40] =	vst.add.f32.msk $0xffff, v4  }
0x2e4: {  	v4 =	vld [tilespmem:s10+$0x50]  }
0x2e5: {  	v6 =	vadd.f32 v6, v17;
	v5 =	vadd.f32 v5, v7;
	v7 =	vmul.f32 v37, v30  }
0x2e6: {  	s22 =	sadd.s32 s7, s11;
	v42 =	vsub.f32 v8, v22  }
0x2e7: {  	v8 =	vadd.f32 v11, v17;
	[tilespmem:s22+$0x0] =	vst.add.f32.msk $0xffff, v5;
	v5 =	vmul.f32 v38, v30;
	v6 =	vadd.f32 v6, v7  }
0x2e8: {  	s14 =	sadd.s32 s0, s11;
	v7 =	vld [tilespmem:s6+$0x10]  }
0x2e9: {  	v5 =	vadd.f32 v8, v5;
	[tilespmem:s14+$0x0] =	vst.add.f32.msk $0xffff, v6;
	v6 =	vmul.f32 v39, v42;
	v4 =	vadd.f32 v4, v22  }
0x2ea: {  	s11 =	sadd.s32 s3, s11;
	v8 =	vld [tilespmem:s16+$0x10]  }
0x2eb: {  	[tilespmem:s11+$0x0] =	vst.add.f32.msk $0xffff, v5;
	v4 =	vadd.f32 v4, v6  }
0x2ec: {  	v5 =	vld [tilespmem:s9+$0x10]  }
0x2ed: {  	v6 =	vmul.f32 v36, v12;
	v7 =	vadd.f32 v7, v18;
	[tilespmem:s8+$0x50] =	vst.add.f32.msk $0xffff, v4  }
0x2ee: {  	v4 =	vld [tilespmem:s10+$0x60]  }
0x2ef: {  	v11 =	vmul.f32 v37, v12;
	v6 =	vadd.f32 v7, v6;
	v7 =	vadd.f32 v8, v18  }
0x2f0: {  	v59 =	vsub.f32 v9, v23  }
0x2f1: {  	v8 =	vmul.f32 v38, v12;
	[tilespmem:s22+$0x10] =	vst.add.f32.msk $0xffff, v6;
	v6 =	vadd.f32 v7, v11;
	v5 =	vadd.f32 v5, v18  }
0x2f2: {  	v7 =	vld [tilespmem:s6+$0x20]  }
0x2f3: {  	[tilespmem:s14+$0x10] =	vst.add.f32.msk $0xffff, v6;
	v5 =	vadd.f32 v5, v8;
	v6 =	vmul.f32 v39, v59;
	v4 =	vadd.f32 v4, v23  }
0x2f4: {  	v8 =	vld [tilespmem:s16+$0x20]  }
0x2f5: {  	[tilespmem:s11+$0x10] =	vst.add.f32.msk $0xffff, v5;
	v4 =	vadd.f32 v4, v6  }
0x2f6: {  	v5 =	vld [tilespmem:s9+$0x20]  }
0x2f7: {  	v6 =	vmul.f32 v36, v31;
	v7 =	vadd.f32 v7, v19;
	[tilespmem:s8+$0x60] =	vst.add.f32.msk $0xffff, v4  }
0x2f8: {  	v4 =	vld [tilespmem:s10+$0x70]  }
0x2f9: {  	v9 =	vmul.f32 v37, v31;
	v6 =	vadd.f32 v7, v6;
	v7 =	vadd.f32 v8, v19  }
0x2fa: {  	v10 =	vsub.f32 v10, v24  }
0x2fb: {  	v8 =	vmul.f32 v38, v31;
	[tilespmem:s22+$0x20] =	vst.add.f32.msk $0xffff, v6;
	v6 =	vadd.f32 v7, v9;
	v5 =	vadd.f32 v5, v19  }
0x2fc: {  	v7 =	vld [tilespmem:s6+$0x30]  }
0x2fd: {  	[tilespmem:s14+$0x20] =	vst.add.f32.msk $0xffff, v6;
	v5 =	vadd.f32 v5, v8;
	v6 =	vmul.f32 v39, v10;
	v4 =	vadd.f32 v4, v24  }
0x2fe: {  	v8 =	vld [tilespmem:s16+$0x30]  }
0x2ff: {  	[tilespmem:s11+$0x20] =	vst.add.f32.msk $0xffff, v5;
	v4 =	vadd.f32 v4, v6  }
0x300: {  	s13 =	sadd.s32 $0x9A00, s5;
	v5 =	vld [tilespmem:s9+$0x30]  }
0x301: {  	s19 =	sadd.s32 s2, s13;
	v6 =	vmul.f32 v36, v40;
	v7 =	vadd.f32 v7, v20;
	[tilespmem:s8+$0x70] =	vst.add.f32.msk $0xffff, v4  }
0x302: {  	v4 =	vld [tilespmem:s19+$0x0]  }
0x303: {  	v9 =	vmul.f32 v37, v40;
	v6 =	vadd.f32 v7, v6;
	v7 =	vadd.f32 v8, v20  }
0x304: {  	v11 =	vsub.f32 v3, v25  }
0x305: {  	v3 =	vmul.f32 v38, v40;
	[tilespmem:s22+$0x30] =	vst.add.f32.msk $0xffff, v6;
	v6 =	vadd.f32 v7, v9;
	v5 =	vadd.f32 v5, v20  }
0x306: {  	v7 =	vld [tilespmem:s6+$0x40]  }
0x307: {  	[tilespmem:s14+$0x30] =	vst.add.f32.msk $0xffff, v6;
	v3 =	vadd.f32 v5, v3;
	v5 =	vmul.f32 v39, v11;
	v4 =	vadd.f32 v4, v25  }
0x308: {  	v6 =	vld [tilespmem:s16+$0x40]  }
0x309: {  	s12 =	sadd.s32 $0xFA00, s15;
	[tilespmem:s11+$0x30] =	vst.add.f32.msk $0xffff, v3;
	v3 =	vadd.f32 v4, v5  }
0x30a: {  	s15 =	sadd.s32 s2, s12;
	v4 =	vld [tilespmem:s9+$0x40]  }
0x30b: {  	v5 =	vmul.f32 v36, v41;
	v7 =	vadd.f32 v7, v21;
	[tilespmem:s15+$0x0] =	vst.add.f32.msk $0xffff, v3  }
0x30c: {  	v3 =	vld [tilespmem:s19+$0x10]  }
0x30d: {  	v5 =	vadd.f32 v7, v5  }
0x30e: {  	v8 =	vmul.f32 v37, v41;
	v6 =	vadd.f32 v6, v21  }
0x30f: {  	v9 =	vsub.f32 v2, v26;
	v2 =	vmul.f32 v38, v41;
	[tilespmem:s22+$0x40] =	vst.add.f32.msk $0xffff, v5;
	v4 =	vadd.f32 v4, v21  }
0x310: {  	s30 =	sadd.s32 $0x200, s20;
	v5 =	vadd.f32 v6, v8;
	v6 =	vld [tilespmem:s6+$0x50]  }
0x311: {  	v27 =	vld [tilespmem:s30+$0x80];
	v2 =	vadd.f32 v4, v2;
	v4 =	vmul.f32 v39, v9;
	v3 =	vadd.f32 v3, v26  }
0x312: {  	s10 =	simm.s32 $0x0;
	[tilespmem:s14+$0x40] =	vst.add.f32.msk $0xffff, v5  }
0x313: {  	s17 =	smul.u32 $0x1800, s10;
	[tilespmem:s11+$0x40] =	vst.add.f32.msk $0xffff, v2;
	v2 =	vadd.f32 v3, v4  }
0x314: {  	v5 =	vld [tilespmem:s16+$0x50]  }
0x315: {  	s29 =	simm.s32 $0x380;
	s4 =	sadd.s32 s26, s17;
	v4 =	vmul.f32 v36, v42;
	v6 =	vadd.f32 v6, v22;
	[tilespmem:s15+$0x10] =	vst.add.f32.msk $0xffff, v2  }
0x316: {  	s2 =	sand.u32 $0x380, s29;
	s18 =	sadd.s32 $0x9600, s4;
	v2 =	vld [tilespmem:s19+$0x20]  }
0x317: {  	v61 =	vld [tilespmem:s30+$0xFFFFFF00];
	s23 =	sadd.s32 s2, s18;
	v4 =	vadd.f32 v6, v4  }
0x318: {  	s31 =	simm.s32 $0x200;
	v6 =	vld [tilespmem:s23+$0x0]  }
0x319: {  	s5 =	sand.u32 $0x200, s31;
	v60 =	vsub.f32 v1, v29;
	v1 =	vmul.f32 v37, v42;
	v5 =	vadd.f32 v5, v22;
	[tilespmem:s22+$0x50] =	vst.add.f32.msk $0xffff, v4  }
0x31a: {  	s31 =	sadd.s32 s5, s18;
	v4 =	vld [tilespmem:s6+$0x60]  }
0x31b: {  	v7 =	vld [tilespmem:s31+$0x0];
	v1 =	vadd.f32 v5, v1;
	v5 =	vmul.f32 v39, v60;
	v2 =	vadd.f32 v2, v29  }
0x31c: {  	v3 =	vld [tilespmem:s9+$0x50]  }
0x31d: {  	[tilespmem:s14+$0x50] =	vst.add.f32.msk $0xffff, v1;
	v1 =	vadd.f32 v2, v5;
	v2 =	vadd.f32 v6, v17;
	v5 =	vmul.f32 v27, v30  }
0x31e: {  	s10 =	sadd.s32 s28, s17;
	v6 =	vld [tilespmem:s16+$0x60]  }
0x31f: {  	s24 =	sadd.s32 $0xF600, s10;
	v8 =	vmul.f32 v36, v59;
	v4 =	vadd.f32 v4, v23;
	[tilespmem:s15+$0x20] =	vst.add.f32.msk $0xffff, v1;
	v1 =	vadd.f32 v2, v5  }
0x320: {  	s8 =	sadd.s32 s2, s24;
	v2 =	vld [tilespmem:s19+$0x30]  }
0x321: {  	v7 =	vadd.f32 v7, v17;
	v4 =	vadd.f32 v4, v8;
	v5 =	vmul.f32 v61, v30;
	[tilespmem:s8+$0x0] =	vst.add.f32.msk $0xffff, v1  }
0x322: {  	v62 =	vsub.f32 v0, v28;
	v0 =	vld [tilespmem:s23+$0x10]  }
0x323: {  	v3 =	vadd.f32 v3, v22;
	v1 =	vmul.f32 v38, v42;
	[tilespmem:s22+$0x60] =	vst.add.f32.msk $0xffff, v4;
	v4 =	vadd.f32 v7, v5  }
0x324: {  	v5 =	vld [tilespmem:s6+$0x70];
	s6 =	sadd.s32 s5, s24  }
0x325: {  	v1 =	vadd.f32 v3, v1;
	v3 =	vmul.f32 v39, v62;
	[tilespmem:s6+$0x0] =	vst.add.f32.msk $0xffff, v4;
	v2 =	vadd.f32 v2, v28  }
0x326: {  	v4 =	vld [tilespmem:s31+$0x10]  }
0x327: {  	[tilespmem:s11+$0x50] =	vst.add.f32.msk $0xffff, v1;
	v1 =	vadd.f32 v2, v3;
	v0 =	vadd.f32 v0, v18;
	v2 =	vmul.f32 v27, v12  }
0x328: {  	v7 =	vmul.f32 v37, v59;
	v6 =	vadd.f32 v6, v23;
	v3 =	vld [tilespmem:s9+$0x60]  }
0x329: {  	[tilespmem:s15+$0x30] =	vst.add.f32.msk $0xffff, v1;
	v0 =	vadd.f32 v0, v2  }
0x32a: {  	v2 =	vadd.f32 v6, v7;
	v1 =	vld [tilespmem:s19+$0x40]  }
0x32b: {  	v6 =	vmul.f32 v61, v12;
	v4 =	vadd.f32 v4, v18;
	[tilespmem:s8+$0x10] =	vst.add.f32.msk $0xffff, v0  }
0x32c: {  	[tilespmem:s14+$0x60] =	vst.add.f32.msk $0xffff, v2  }
0x32d: {  	v0 =	vld [tilespmem:s23+$0x20];
	v2 =	vadd.f32 v3, v23;
	v3 =	vadd.f32 v4, v6  }
0x32e: {  	v32 =	vsub.f32 v32, v16;
	v7 =	vmul.f32 v38, v59;
	v4 =	vld [tilespmem:s16+$0x70]  }
0x32f: {  	[tilespmem:s6+$0x10] =	vst.add.f32.msk $0xffff, v3  }
0x330: {  	v6 =	vmul.f32 v39, v32;
	v2 =	vadd.f32 v2, v7;
	v1 =	vadd.f32 v1, v16;
	v3 =	vld [tilespmem:s31+$0x20]  }
0x331: {  	v50 =	vld [tilespmem:s30+$0xFFFFFF80]  }
0x332: {  	[tilespmem:s11+$0x60] =	vst.add.f32.msk $0xffff, v2;
	v2 =	vmul.f32 v27, v31;
	v1 =	vadd.f32 v1, v6;
	v0 =	vadd.f32 v0, v19  }
0x333: {  	v5 =	vadd.f32 v5, v24;
	v7 =	vmul.f32 v36, v10;
	v6 =	vld [tilespmem:s9+$0x70]  }
0x334: {  	[tilespmem:s15+$0x40] =	vst.add.f32.msk $0xffff, v1;
	v0 =	vadd.f32 v0, v2;
	v1 =	vmul.f32 v37, v10;
	v2 =	vadd.f32 v4, v24  }
0x335: {  	v5 =	vadd.f32 v5, v7;
	v7 =	vmul.f32 v61, v31;
	v4 =	vld [tilespmem:s19+$0x50];
	v3 =	vadd.f32 v3, v19  }
0x336: {  	[tilespmem:s8+$0x20] =	vst.add.f32.msk $0xffff, v0;
	v0 =	vadd.f32 v2, v1  }
0x337: {  	v1 =	vld [tilespmem:s23+$0x30];
	v2 =	vadd.f32 v3, v7  }
0x338: {  	v33 =	vsub.f32 v33, v15;
	[tilespmem:s14+$0x70] =	vst.add.f32.msk $0xffff, v0  }
0x339: {  	[tilespmem:s6+$0x20] =	vst.add.f32.msk $0xffff, v2  }
0x33a: {  	s9 =	simm.s32 $0x280;
	v3 =	vmul.f32 v39, v33;
	v0 =	vadd.f32 v4, v15;
	v2 =	vld [tilespmem:s31+$0x30]  }
0x33b: {  	v51 =	vld [tilespmem:s30+$0x0];
	s1 =	sand.u32 $0x280, s9  }
0x33c: {  	[tilespmem:s22+$0x70] =	vst.add.f32.msk $0xffff, v5;
	s22 =	sadd.s32 s1, s18;
	v0 =	vadd.f32 v0, v3;
	v1 =	vadd.f32 v1, v20;
	v3 =	vmul.f32 v27, v40  }
0x33d: {  	v5 =	vmul.f32 v38, v10;
	v6 =	vadd.f32 v6, v24;
	v4 =	vld [tilespmem:s22+$0x0]  }
0x33e: {  	[tilespmem:s15+$0x50] =	vst.add.f32.msk $0xffff, v0;
	v0 =	vadd.f32 v1, v3  }
0x33f: {  	v3 =	vadd.f32 v6, v5;
	v5 =	vmul.f32 v61, v40;
	v1 =	vld [tilespmem:s19+$0x60];
	v2 =	vadd.f32 v2, v20  }
0x340: {  	[tilespmem:s8+$0x30] =	vst.add.f32.msk $0xffff, v0  }
0x341: {  	v0 =	vld [tilespmem:s23+$0x40];
	v2 =	vadd.f32 v2, v5  }
0x342: {  	v34 =	vsub.f32 v34, v14;
	s14 =	simm.s32 $0x300;
	v4 =	vadd.f32 v4, v17;
	[tilespmem:s11+$0x70] =	vst.add.f32.msk $0xffff, v3;
	v5 =	vmul.f32 v50, v30  }
0x343: {  	s9 =	sand.u32 $0x300, s14;
	[tilespmem:s6+$0x30] =	vst.add.f32.msk $0xffff, v2  }
0x344: {  	s18 =	sadd.s32 s9, s18;
	v2 =	vadd.f32 v4, v5;
	v4 =	vmul.f32 v39, v34;
	v1 =	vadd.f32 v1, v14;
	v5 =	vld [tilespmem:s31+$0x40]  }
0x345: {  	s17 =	sadd.s32 s1, s24;
	v3 =	vld [tilespmem:s18+$0x0]  }
0x346: {  	v6 =	vmul.f32 v27, v41;
	[tilespmem:s17+$0x0] =	vst.add.f32.msk $0xffff, v2;
	v0 =	vadd.f32 v0, v21;
	v1 =	vadd.f32 v1, v4  }
0x347: {  	v2 =	vld [tilespmem:s22+$0x10]  }
0x348: {  	v0 =	vadd.f32 v0, v6;
	[tilespmem:s15+$0x60] =	vst.add.f32.msk $0xffff, v1  }
0x349: {  	v4 =	vadd.f32 v5, v21;
	v5 =	vld [tilespmem:s19+$0x70]  }
0x34a: {  	v3 =	vadd.f32 v3, v17;
	v6 =	vmul.f32 v51, v30;
	[tilespmem:s8+$0x40] =	vst.add.f32.msk $0xffff, v0  }
0x34b: {  	v1 =	vmul.f32 v61, v41;
	v0 =	vld [tilespmem:s23+$0x50];
	[tilespmem:$0x1FB20] =	vst v17  }
0x34c: {  	s14 =	sadd.s32 s7, s13;
	v3 =	vadd.f32 v3, v6;
	[tilespmem:$0x1FB30] =	vst v30  }
0x34d: {  	s16 =	sadd.s32 s9, s24;
	v1 =	vadd.f32 v4, v1;
	v4 =	vld [tilespmem:s14+$0x0]  }
0x34e: {  	v63 =	vsub.f32 v58, v13;
	v7 =	vmul.f32 v50, v12;
	v2 =	vadd.f32 v2, v18;
	[tilespmem:s16+$0x0] =	vst.add.f32.msk $0xffff, v3  }
0x34f: {  	[tilespmem:s6+$0x40] =	vst.add.f32.msk $0xffff, v1  }
0x350: {  	v2 =	vadd.f32 v2, v7;
	v7 =	vmul.f32 v39, v63;
	v1 =	vld [tilespmem:s31+$0x50];
	v5 =	vadd.f32 v5, v13  }
0x351: {  	v3 =	vmul.f32 v27, v42;
	v6 =	vld [tilespmem:s18+$0x10];
	v0 =	vadd.f32 v0, v22  }
0x352: {  	[tilespmem:s17+$0x10] =	vst.add.f32.msk $0xffff, v2;
	v5 =	vadd.f32 v5, v7  }
0x353: {  	v0 =	vadd.f32 v0, v3;
	v3 =	vadd.f32 v4, v25;
	v4 =	vld [tilespmem:s22+$0x20]  }
0x354: {  	v2 =	vmul.f32 v36, v11;
	[tilespmem:s15+$0x70] =	vst.add.f32.msk $0xffff, v5  }
0x355: {  	v8 =	vmul.f32 v61, v42;
	v1 =	vadd.f32 v1, v22;
	[tilespmem:s8+$0x50] =	vst.add.f32.msk $0xffff, v0  }
0x356: {  	v0 =	vadd.f32 v3, v2;
	v2 =	vld [tilespmem:s23+$0x60];
	[tilespmem:$0x1FB40] =	vst v12  }
0x357: {  	s11 =	sadd.s32 s7, s12;
	[tilespmem:$0x1FB50] =	vst v18;
	v1 =	vadd.f32 v1, v8  }
0x358: {  	v5 =	vadd.f32 v6, v18;
	v3 =	vmul.f32 v51, v12;
	[tilespmem:s11+$0x0] =	vst.add.f32.msk $0xffff, v0  }
0x359: {  	[tilespmem:s6+$0x50] =	vst.add.f32.msk $0xffff, v1  }
0x35a: {  	v0 =	vmul.f32 v50, v31;
	v3 =	vadd.f32 v5, v3;
	v4 =	vadd.f32 v4, v19;
	v5 =	vld [tilespmem:s14+$0x10]  }
0x35b: {  	v1 =	vld [tilespmem:s31+$0x60]  }
0x35c: {  	[tilespmem:s16+$0x10] =	vst.add.f32.msk $0xffff, v3;
	v3 =	vmul.f32 v27, v59;
	v0 =	vadd.f32 v4, v0;
	v2 =	vadd.f32 v2, v23  }
0x35d: {  	v4 =	vld [tilespmem:s18+$0x20]  }
0x35e: {  	[tilespmem:s17+$0x20] =	vst.add.f32.msk $0xffff, v0;
	v0 =	vadd.f32 v2, v3  }
0x35f: {  	v2 =	vld [tilespmem:s22+$0x30]  }
0x360: {  	v3 =	vmul.f32 v61, v59;
	v1 =	vadd.f32 v1, v23;
	[tilespmem:s8+$0x60] =	vst.add.f32.msk $0xffff, v0  }
0x361: {  	v0 =	vld [tilespmem:s23+$0x70];
	s23 =	sadd.s32 s0, s13  }
0x362: {  	v8 =	vmul.f32 v36, v9;
	v5 =	vadd.f32 v5, v26;
	v1 =	vadd.f32 v1, v3;
	v3 =	vld [tilespmem:s23+$0x0];
	[tilespmem:$0x1FB60] =	vst v31  }
0x363: {  	v6 =	vmul.f32 v51, v31;
	v4 =	vadd.f32 v4, v19;
	[tilespmem:$0x1FB70] =	vst v19  }
0x364: {  	v5 =	vadd.f32 v5, v8;
	s13 =	sadd.s32 s3, s13;
	[tilespmem:s6+$0x60] =	vst.add.f32.msk $0xffff, v1  }
0x365: {  	v4 =	vadd.f32 v4, v6;
	v6 =	vld [tilespmem:s13+$0x0]  }
0x366: {  	v7 =	vmul.f32 v50, v40;
	v2 =	vadd.f32 v2, v20;
	[tilespmem:s11+$0x10] =	vst.add.f32.msk $0xffff, v5  }
0x367: {  	v1 =	vld [tilespmem:s31+$0x70]  }
0x368: {  	[tilespmem:s16+$0x20] =	vst.add.f32.msk $0xffff, v4;
	v2 =	vadd.f32 v2, v7;
	v7 =	vmul.f32 v37, v11;
	v3 =	vadd.f32 v3, v25  }
0x369: {  	v5 =	vld [tilespmem:s14+$0x20]  }
0x36a: {  	v4 =	vld [tilespmem:s18+$0x30];
	v3 =	vadd.f32 v3, v7  }
0x36b: {  	s0 =	sadd.s32 s0, s12;
	[tilespmem:s17+$0x30] =	vst.add.f32.msk $0xffff, v2  }
0x36c: {  	[tilespmem:s0+$0x0] =	vst.add.f32.msk $0xffff, v3  }
0x36d: {  	v8 =	vmul.f32 v38, v11;
	v2 =	vld [tilespmem:s22+$0x40];
	v6 =	vadd.f32 v6, v25;
	[tilespmem:$0x1FB80] =	vst v40  }
0x36e: {  	[tilespmem:$0x1FB90] =	vst v20  }
0x36f: {  	v4 =	vadd.f32 v4, v20;
	v3 =	vadd.f32 v6, v8;
	v6 =	vmul.f32 v51, v40;
	v7 =	vld [tilespmem:s23+$0x10]  }
0x370: {  	s3 =	sadd.s32 s3, s12;
	v5 =	vadd.f32 v5, v29;
	v8 =	vmul.f32 v36, v60  }
0x371: {  	[tilespmem:s3+$0x0] =	vst.add.f32.msk $0xffff, v3;
	v4 =	vadd.f32 v4, v6  }
0x372: {  	v5 =	vadd.f32 v5, v8;
	v6 =	vld [tilespmem:s13+$0x10]  }
0x373: {  	v3 =	vmul.f32 v50, v41;
	v2 =	vadd.f32 v2, v21;
	[tilespmem:s16+$0x30] =	vst.add.f32.msk $0xffff, v4  }
0x374: {  	v4 =	vmul.f32 v37, v9;
	[tilespmem:s11+$0x20] =	vst.add.f32.msk $0xffff, v5;
	v7 =	vadd.f32 v7, v26  }
0x375: {  	v2 =	vadd.f32 v2, v3;
	v3 =	vld [tilespmem:s18+$0x40]  }
0x376: {  	v5 =	vld [tilespmem:s14+$0x30];
	v4 =	vadd.f32 v7, v4  }
0x377: {  	[tilespmem:s17+$0x40] =	vst.add.f32.msk $0xffff, v2  }
0x378: {  	[tilespmem:s0+$0x10] =	vst.add.f32.msk $0xffff, v4  }
0x379: {  	v8 =	vmul.f32 v38, v9;
	v2 =	vld [tilespmem:s22+$0x50];
	v6 =	vadd.f32 v6, v26;
	[tilespmem:$0x1FBA0] =	vst v41  }
0x37a: {  	[tilespmem:$0x1FBB0] =	vst v21  }
0x37b: {  	v3 =	vadd.f32 v3, v21;
	v4 =	vadd.f32 v6, v8;
	v6 =	vmul.f32 v51, v41;
	v7 =	vld [tilespmem:s23+$0x20]  }
0x37c: {  	v5 =	vadd.f32 v5, v28;
	v8 =	vmul.f32 v36, v62  }
0x37d: {  	[tilespmem:s3+$0x10] =	vst.add.f32.msk $0xffff, v4;
	v3 =	vadd.f32 v3, v6  }
0x37e: {  	v2 =	vadd.f32 v2, v22;
	v4 =	vmul.f32 v50, v42;
	v5 =	vadd.f32 v5, v8;
	v6 =	vld [tilespmem:s13+$0x20]  }
0x37f: {  	[tilespmem:s16+$0x40] =	vst.add.f32.msk $0xffff, v3  }
0x380: {  	v2 =	vadd.f32 v2, v4;
	v4 =	vmul.f32 v37, v60;
	[tilespmem:s11+$0x30] =	vst.add.f32.msk $0xffff, v5;
	v7 =	vadd.f32 v7, v29  }
0x381: {  	v3 =	vld [tilespmem:s18+$0x50]  }
0x382: {  	v5 =	vld [tilespmem:s14+$0x40];
	v4 =	vadd.f32 v7, v4  }
0x383: {  	[tilespmem:s17+$0x50] =	vst.add.f32.msk $0xffff, v2  }
0x384: {  	v8 =	vmul.f32 v38, v60;
	v6 =	vadd.f32 v6, v29;
	[tilespmem:s0+$0x20] =	vst.add.f32.msk $0xffff, v4  }
0x385: {  	v2 =	vld [tilespmem:s22+$0x60];
	[tilespmem:$0x1FBC0] =	vst v42  }
0x386: {  	v3 =	vadd.f32 v3, v22;
	v4 =	vadd.f32 v6, v8;
	v6 =	vmul.f32 v51, v42;
	[tilespmem:$0x1FBD0] =	vst v22  }
0x387: {  	v5 =	vadd.f32 v5, v16;
	v8 =	vmul.f32 v36, v32;
	v7 =	vld [tilespmem:s23+$0x30]  }
0x388: {  	[tilespmem:s3+$0x20] =	vst.add.f32.msk $0xffff, v4;
	v3 =	vadd.f32 v3, v6  }
0x389: {  	v5 =	vadd.f32 v5, v8;
	v6 =	vld [tilespmem:s13+$0x30]  }
0x38a: {  	v2 =	vadd.f32 v2, v23;
	v4 =	vmul.f32 v50, v59;
	[tilespmem:s16+$0x50] =	vst.add.f32.msk $0xffff, v3  }
0x38b: {  	[tilespmem:s11+$0x40] =	vst.add.f32.msk $0xffff, v5  }
0x38c: {  	v2 =	vadd.f32 v2, v4;
	v4 =	vmul.f32 v37, v62;
	v3 =	vld [tilespmem:s18+$0x60];
	v7 =	vadd.f32 v7, v28  }
0x38d: {  	v8 =	vld [tilespmem:s14+$0x50]  }
0x38e: {  	[tilespmem:s17+$0x60] =	vst.add.f32.msk $0xffff, v2;
	v4 =	vadd.f32 v7, v4  }
0x38f: {  	v0 =	vadd.f32 v0, v24;
	v5 =	vmul.f32 v27, v10;
	v2 =	vld [tilespmem:s22+$0x70]  }
0x390: {  	v6 =	vadd.f32 v6, v28;
	v7 =	vmul.f32 v38, v62;
	[tilespmem:s0+$0x30] =	vst.add.f32.msk $0xffff, v4  }
0x391: {  	v0 =	vadd.f32 v0, v5;
	v4 =	vld [tilespmem:s23+$0x40];
	[tilespmem:$0x1FBE0] =	vst v59  }
0x392: {  	v3 =	vadd.f32 v3, v23;
	v5 =	vadd.f32 v6, v7;
	v6 =	vmul.f32 v51, v59;
	[tilespmem:$0x1FBF0] =	vst v23  }
0x393: {  	[tilespmem:s8+$0x70] =	vst.add.f32.msk $0xffff, v0  }
0x394: {  	v1 =	vadd.f32 v1, v24;
	[tilespmem:s3+$0x30] =	vst.add.f32.msk $0xffff, v5;
	v0 =	vmul.f32 v61, v10;
	v3 =	vadd.f32 v3, v6  }
0x395: {  	v7 =	vadd.f32 v8, v15;
	v5 =	vmul.f32 v36, v33;
	v6 =	vld [tilespmem:s13+$0x40]  }
0x396: {  	v0 =	vadd.f32 v1, v0;
	[tilespmem:s16+$0x60] =	vst.add.f32.msk $0xffff, v3  }
0x397: {  	v3 =	vmul.f32 v37, v32;
	v5 =	vadd.f32 v7, v5;
	v1 =	vld [tilespmem:s18+$0x70];
	v4 =	vadd.f32 v4, v16  }
0x398: {  	[tilespmem:s6+$0x70] =	vst.add.f32.msk $0xffff, v0  }
0x399: {  	v2 =	vadd.f32 v2, v24;
	[tilespmem:s11+$0x50] =	vst.add.f32.msk $0xffff, v5;
	v0 =	vadd.f32 v4, v3;
	v3 =	vmul.f32 v50, v10  }
0x39a: {  	v4 =	vld [tilespmem:s14+$0x60];
	[tilespmem:$0x1FC00] =	vst v16  }
0x39b: {  	[tilespmem:s0+$0x40] =	vst.add.f32.msk $0xffff, v0;
	v0 =	vadd.f32 v2, v3  }
0x39c: {  	v5 =	vmul.f32 v38, v32;
	v6 =	vadd.f32 v6, v16;
	v2 =	vld [tilespmem:s23+$0x50];
	[tilespmem:$0x1FC10] =	vst v10  }
0x39d: {  	s24 =	sadd.s32 $0x9A00, s4;
	[tilespmem:s17+$0x70] =	vst.add.f32.msk $0xffff, v0  }
0x39e: {  	s15 =	sadd.s32 s2, s24;
	v3 =	vmul.f32 v51, v10;
	v5 =	vadd.f32 v6, v5;
	v0 =	vadd.f32 v1, v24;
	[tilespmem:$0x1FC20] =	vst v24  }
0x39f: {  	v1 =	vld [tilespmem:s15+$0x0]  }
0x3a0: {  	v6 =	vmul.f32 v36, v34;
	v4 =	vadd.f32 v4, v14;
	[tilespmem:s3+$0x40] =	vst.add.f32.msk $0xffff, v5;
	v0 =	vadd.f32 v0, v3  }
0x3a1: {  	v3 =	vld [tilespmem:s13+$0x50]  }
0x3a2: {  	s4 =	sadd.s32 s5, s24;
	[tilespmem:s16+$0x70] =	vst.add.f32.msk $0xffff, v0;
	v0 =	vadd.f32 v4, v6  }
0x3a3: {  	v5 =	vld [tilespmem:s4+$0x0];
	v4 =	vmul.f32 v37, v33;
	v2 =	vadd.f32 v2, v15  }
0x3a4: {  	[tilespmem:s11+$0x60] =	vst.add.f32.msk $0xffff, v0  }
0x3a5: {  	s7 =	sadd.s32 s1, s24;
	v6 =	vmul.f32 v27, v11;
	v0 =	vadd.f32 v2, v4;
	v1 =	vadd.f32 v1, v25;
	v2 =	vld [tilespmem:s14+$0x70];
	[tilespmem:$0x1FC30] =	vst v15  }
0x3a6: {  	v4 =	vmul.f32 v38, v33;
	v3 =	vadd.f32 v3, v15;
	v7 =	vld [tilespmem:s7+$0x0]  }
0x3a7: {  	s12 =	sadd.s32 s9, s24;
	s31 =	sadd.s32 $0xFA00, s10;
	[tilespmem:s0+$0x50] =	vst.add.f32.msk $0xffff, v0;
	v1 =	vadd.f32 v1, v6  }
0x3a8: {  	s14 =	sadd.s32 s2, s31;
	v0 =	vmul.f32 v61, v11;
	v3 =	vadd.f32 v3, v4;
	v4 =	vadd.f32 v5, v25;
	v5 =	vld [tilespmem:s12+$0x0]  }
0x3a9: {  	[tilespmem:s14+$0x0] =	vst.add.f32.msk $0xffff, v1  }
0x3aa: {  	v1 =	vld [tilespmem:s15+$0x10];
	v0 =	vadd.f32 v4, v0  }
0x3ab: {  	s10 =	sadd.s32 s5, s31;
	[tilespmem:s3+$0x50] =	vst.add.f32.msk $0xffff, v3;
	v3 =	vmul.f32 v50, v11;
	v4 =	vadd.f32 v7, v25  }
0x3ac: {  	[tilespmem:s10+$0x0] =	vst.add.f32.msk $0xffff, v0  }
0x3ad: {  	v0 =	vadd.f32 v4, v3;
	v3 =	vld [tilespmem:s4+$0x10]  }
0x3ae: {  	s1 =	sadd.s32 s1, s31;
	v4 =	vld [tilespmem:s23+$0x60]  }
0x3af: {  	v6 =	vmul.f32 v27, v9;
	v1 =	vadd.f32 v1, v26;
	[tilespmem:s1+$0x0] =	vst.add.f32.msk $0xffff, v0  }
0x3b0: {  	v5 =	vadd.f32 v5, v25;
	v0 =	vmul.f32 v51, v11;
	[tilespmem:$0x1FC40] =	vst v11  }
0x3b1: {  	v7 =	vld [tilespmem:s7+$0x10];
	v1 =	vadd.f32 v1, v6  }
0x3b2: {  	[tilespmem:$0x1FC50] =	vst v25;
	v0 =	vadd.f32 v5, v0  }
0x3b3: {  	v8 =	vmul.f32 v61, v9;
	s2 =	sadd.s32 s9, s31;
	v3 =	vadd.f32 v3, v26;
	[tilespmem:s14+$0x10] =	vst.add.f32.msk $0xffff, v1  }
0x3b4: {  	v5 =	vmul.f32 v37, v34;
	v4 =	vadd.f32 v4, v14;
	[tilespmem:s2+$0x0] =	vst.add.f32.msk $0xffff, v0  }
0x3b5: {  	v1 =	vld [tilespmem:s15+$0x20];
	v3 =	vadd.f32 v3, v8  }
0x3b6: {  	v0 =	vmul.f32 v50, v9;
	v8 =	vld [tilespmem:s12+$0x10];
	v4 =	vadd.f32 v4, v5;
	v7 =	vadd.f32 v7, v26  }
0x3b7: {  	[tilespmem:s10+$0x10] =	vst.add.f32.msk $0xffff, v3  }
0x3b8: {  	[tilespmem:s0+$0x60] =	vst.add.f32.msk $0xffff, v4;
	v0 =	vadd.f32 v7, v0  }
0x3b9: {  	v3 =	vld [tilespmem:s4+$0x20]  }
0x3ba: {  	v4 =	vmul.f32 v27, v60;
	v1 =	vadd.f32 v1, v29;
	[tilespmem:s1+$0x10] =	vst.add.f32.msk $0xffff, v0  }
0x3bb: {  	v6 =	vld [tilespmem:s13+$0x60];
	[tilespmem:$0x1FC60] =	vst v9  }
0x3bc: {  	v7 =	vadd.f32 v8, v26;
	v0 =	vmul.f32 v51, v9;
	v1 =	vadd.f32 v1, v4;
	v5 =	vld [tilespmem:s7+$0x20];
	[tilespmem:$0x1FC70] =	vst v26  }
0x3bd: {  	v4 =	vld [tilespmem:s23+$0x70]  }
0x3be: {  	v8 =	vmul.f32 v61, v60;
	v3 =	vadd.f32 v3, v29;
	v0 =	vadd.f32 v7, v0;
	[tilespmem:s14+$0x20] =	vst.add.f32.msk $0xffff, v1  }
0x3bf: {  	v1 =	vld [tilespmem:s15+$0x30];
	[tilespmem:$0x1FC80] =	vst v14  }
0x3c0: {  	v6 =	vadd.f32 v6, v14;
	v7 =	vmul.f32 v38, v34;
	v3 =	vadd.f32 v3, v8;
	[tilespmem:s2+$0x10] =	vst.add.f32.msk $0xffff, v0  }
0x3c1: {  	v0 =	vmul.f32 v50, v60;
	v8 =	vld [tilespmem:s12+$0x20];
	v5 =	vadd.f32 v5, v29  }
0x3c2: {  	v6 =	vadd.f32 v6, v7;
	[tilespmem:s10+$0x20] =	vst.add.f32.msk $0xffff, v3  }
0x3c3: {  	v0 =	vadd.f32 v5, v0;
	v5 =	vld [tilespmem:s4+$0x30];
	[tilespmem:$0x1FC90] =	vst v60  }
0x3c4: {  	v2 =	vadd.f32 v2, v13;
	v3 =	vmul.f32 v36, v63;
	[tilespmem:s3+$0x60] =	vst.add.f32.msk $0xffff, v6  }
0x3c5: {  	[tilespmem:s1+$0x20] =	vst.add.f32.msk $0xffff, v0  }
0x3c6: {  	v2 =	vadd.f32 v2, v3;
	v0 =	vadd.f32 v1, v28;
	v1 =	vmul.f32 v27, v62;
	v3 =	vld [tilespmem:s7+$0x30];
	[tilespmem:$0x1FCA0] =	vst v29  }
0x3c7: {  	v10 =	vmul.f32 v51, v60;
	v8 =	vadd.f32 v8, v29;
	v12 =	vld [tilespmem:s13+$0x70];
	[tilespmem:$0x1FCB0] =	vst v62  }
0x3c8: {  	v0 =	vadd.f32 v0, v1;
	[tilespmem:s11+$0x70] =	vst.add.f32.msk $0xffff, v2  }
0x3c9: {  	v48 =	vmul.f32 v61, v32;
	v2 =	vadd.f32 v8, v10;
	[tilespmem:$0x1FCC0] =	vst v32  }
0x3ca: {  	v47 =	vmul.f32 v50, v32;
	v45 =	vmul.f32 v51, v32;
	[tilespmem:s14+$0x30] =	vst.add.f32.msk $0xffff, v0  }
0x3cb: {  	v43 =	vmul.f32 v50, v33;
	v6 =	vmul.f32 v61, v62;
	v1 =	vadd.f32 v5, v28;
	[tilespmem:s2+$0x20] =	vst.add.f32.msk $0xffff, v2  }
0x3cc: {  	v44 =	vmul.f32 v51, v33;
	v49 =	vmul.f32 v51, v62;
	[tilespmem:$0x1FCD0] =	vst v33  }
0x3cd: {  	v40 =	vmul.f32 v51, v34;
	v41 =	vmul.f32 v50, v34;
	v1 =	vadd.f32 v1, v6;
	v2 =	vld [tilespmem:s15+$0x40];
	[tilespmem:$0x1FCE0] =	vst v28  }
0x3ce: {  	v42 =	vmul.f32 v61, v33;
	v11 =	vmul.f32 v50, v62;
	[tilespmem:$0x1FCF0] =	vst v13  }
0x3cf: {  	v9 =	vmul.f32 v38, v63;
	v7 =	vmul.f32 v37, v63;
	v0 =	vadd.f32 v4, v13;
	[tilespmem:s10+$0x30] =	vst.add.f32.msk $0xffff, v1  }
0x3d0: {  	v14 =	vmul.f32 v61, v34;
	v3 =	vadd.f32 v3, v28;
	v6 =	vadd.f32 v12, v13;
	[tilespmem:$0x1FD00] =	vst v34  }
0x3d1: {  	v10 =	vmul.f32 v61, v63;
	v8 =	vmul.f32 v51, v63;
	v0 =	vadd.f32 v0, v7;
	v4 =	vld [tilespmem:s12+$0x30];
	[tilespmem:$0x1FD10] =	vst v63  }
0x3d2: {  	s13 =	simm.s32 $0x4;
	v5 =	vadd.f32 v3, v11;
	v11 =	vmul.f32 v50, v63;
	v1 =	vadd.f32 v6, v9;
	v3 =	vld [tilespmem:s4+$0x40]  }
.LBB2_5:
0x3d3: {  	v23 =	vld [tilespmem:$0x1FC00]  }
0x3d4: {  	v24 =	vld [tilespmem:$0x1FCC0]  }
0x3d5: {  	v35 =	vld [tilespmem:$0x1FCE0]  }
0x3d6: {  	v32 =	vld [tilespmem:$0x1FC30]  }
0x3d7: {  	v26 =	vld [tilespmem:$0x1FCD0]  }
0x3d8: {  	v13 =	vld [tilespmem:$0x1FB20]  }
0x3d9: {  	v15 =	vld [tilespmem:$0x1FB30]  }
0x3da: {  	v20 =	vld [tilespmem:$0x1FB40]  }
0x3db: {  	v21 =	vld [tilespmem:$0x1FB60]  }
0x3dc: {  	v29 =	vld [tilespmem:$0x1FB80]  }
0x3dd: {  	v36 =	vld [tilespmem:$0x1FBA0]  }
0x3de: {  	v37 =	vld [tilespmem:$0x1FBC0]  }
0x3df: {  	v31 =	vld [tilespmem:$0x1FC80]  }
0x3e0: {  	v34 =	vld [tilespmem:$0x1FD00]  }
0x3e1: {  	v22 =	vld [tilespmem:$0x1FB50]  }
0x3e2: {  	v55 =	vld [tilespmem:$0x1FC10]  }
0x3e3: {  	v56 =	vld [tilespmem:$0x1FC40]  }
0x3e4: {  	v30 =	vld [tilespmem:$0x1FCF0]  }
0x3e5: {  	v58 =	vld [tilespmem:$0x1FD10]  }
0x3e6: {  	v33 =	vld [tilespmem:$0x1FB70]  }
0x3e7: {  	[tilespmem:s1+$0x30] =	vst.add.f32.msk $0xffff, v5  }
0x3e8: {  	s13 =	sadd.s32 $0x4, s13;
	s30 =	sadd.s32 $0x200, s30;
	[tilespmem:s3+$0x70] =	vst.add.f32.msk $0xffff, v1;
	v2 =	vadd.f32 v2, v23;
	v5 =	vmul.f32 v27, v24  }
0x3e9: {  	s5 =	sshrl.u32 s13, $0x3;
	v54 =	vld [tilespmem:s30+$0xFFFFFF00]  }
0x3ea: {  	v6 =	vld [tilespmem:s7+$0x40];
	s8 =	smul.u32 $0x1800, s5;
	v2 =	vadd.f32 v2, v5  }
0x3eb: {  	[tilespmem:s0+$0x70] =	vst.add.f32.msk $0xffff, v0  }
0x3ec: {  	s29 =	sadd.s32 $0x200, s29;
	s18 =	sadd.s32 s26, s8;
	v4 =	vadd.f32 v4, v35;
	[tilespmem:s14+$0x40] =	vst.add.f32.msk $0xffff, v2  }
0x3ed: {  	s3 =	smov.u32 s2;
	s2 =	sand.u32 $0x380, s29;
	v0 =	vadd.f32 v3, v23;
	s31 =	sadd.s32 $0x9600, s18;
	v2 =	vld [tilespmem:s15+$0x50]  }
0x3ee: {  	[tilespmem:$0x1FAD0] =	vst v10;
	s11 =	sadd.s32 $0xFFFFFE80, s29;
	s22 =	sadd.s32 s2, s31;
	v1 =	vadd.f32 v4, v49;
	v10 =	vld [tilespmem:s30+$0x80]  }
0x3ef: {  	s6 =	sadd.s32 $0xFFFFFF00, s29;
	s5 =	sand.u32 $0x200, s11;
	v4 =	vadd.f32 v0, v48;
	v0 =	vadd.f32 v6, v23;
	v3 =	vld [tilespmem:s22+$0x0]  }
0x3f0: {  	s16 =	sand.u32 $0x280, s6;
	s11 =	sadd.s32 $0xFFFFFF80, s29;
	v59 =	vld [tilespmem:s30+$0xFFFFFF80];
	s6 =	sadd.s32 s5, s31  }
0x3f1: {  	s17 =	sand.u32 $0x300, s11;
	s9 =	sadd.s32 s16, s31;
	v12 =	vadd.f32 v0, v47;
	v0 =	vld [tilespmem:s6+$0x0]  }
0x3f2: {  	s0 =	smov.u32 s1;
	s1 =	sadd.s32 s17, s31;
	v5 =	vld [tilespmem:s9+$0x0];
	v6 =	vmul.f32 v27, v26;
	v2 =	vadd.f32 v2, v32  }
0x3f3: {  	v7 =	vld [tilespmem:s1+$0x0]  }
0x3f4: {  	[tilespmem:$0x1FB10] =	vst v8;
	v16 =	vld [tilespmem:s30+$0x0];
	v3 =	vadd.f32 v3, v13;
	v8 =	vmul.f32 v10, v15;
	v2 =	vadd.f32 v2, v6  }
0x3f5: {  	s19 =	sadd.s32 s28, s8;
	[tilespmem:s3+$0x30] =	vst.add.f32.msk $0xffff, v1  }
0x3f6: {  	s24 =	sadd.s32 $0xF600, s19;
	v0 =	vadd.f32 v0, v13;
	v6 =	vmul.f32 v54, v15;
	v9 =	vadd.f32 v3, v8;
	[tilespmem:s14+$0x50] =	vst.add.f32.msk $0xffff, v2  }
0x3f7: {  	s23 =	sadd.s32 s2, s24;
	v2 =	vadd.f32 v5, v13;
	v5 =	vld [tilespmem:s15+$0x60]  }
0x3f8: {  	v0 =	vadd.f32 v0, v6;
	v6 =	vadd.f32 v7, v13;
	v7 =	vmul.f32 v59, v15;
	[tilespmem:s23+$0x0] =	vst.add.f32.msk $0xffff, v9  }
0x3f9: {  	s11 =	sadd.s32 s5, s24;
	v9 =	vld [tilespmem:s22+$0x10]  }
0x3fa: {  	[tilespmem:s11+$0x0] =	vst.add.f32.msk $0xffff, v0;
	v0 =	vmul.f32 v16, v15;
	v2 =	vadd.f32 v2, v7  }
0x3fb: {  	s8 =	sadd.s32 s16, s24;
	v38 =	vld [tilespmem:s6+$0x10]  }
0x3fc: {  	v0 =	vadd.f32 v6, v0;
	[tilespmem:s8+$0x0] =	vst.add.f32.msk $0xffff, v2  }
0x3fd: {  	s31 =	sadd.s32 s17, s24;
	v50 =	vld [tilespmem:s9+$0x10];
	v1 =	vadd.f32 v5, v31;
	v5 =	vmul.f32 v27, v34  }
0x3fe: {  	[tilespmem:s31+$0x0] =	vst.add.f32.msk $0xffff, v0  }
0x3ff: {  	v2 =	vmul.f32 v10, v20;
	v0 =	vadd.f32 v9, v22;
	v52 =	vld [tilespmem:s1+$0x10];
	v1 =	vadd.f32 v1, v5  }
0x400: {  	[tilespmem:$0x1FAE0] =	vst v11;
	v5 =	vadd.f32 v38, v22;
	v38 =	vld [tilespmem:$0x1FC60]  }
0x401: {  	v11 =	vmul.f32 v54, v20;
	v0 =	vadd.f32 v0, v2;
	[tilespmem:s14+$0x60] =	vst.add.f32.msk $0xffff, v1  }
0x402: {  	v39 =	vld [tilespmem:s15+$0x70]  }
0x403: {  	v11 =	vadd.f32 v5, v11;
	[tilespmem:s23+$0x10] =	vst.add.f32.msk $0xffff, v0  }
0x404: {  	v46 =	vmul.f32 v59, v20;
	v50 =	vadd.f32 v50, v22;
	v51 =	vld [tilespmem:s22+$0x20]  }
0x405: {  	v57 =	vmul.f32 v27, v58;
	[tilespmem:s11+$0x10] =	vst.add.f32.msk $0xffff, v11;
	v11 =	vmul.f32 v16, v56  }
0x406: {  	[tilespmem:$0x1FA90] =	vst v14;
	v53 =	vld [tilespmem:$0x1FBE0];
	v14 =	vmul.f32 v54, v29;
	v62 =	vmul.f32 v54, v56;
	v46 =	vadd.f32 v50, v46  }
0x407: {  	v48 =	vmul.f32 v16, v20;
	v18 =	vmul.f32 v16, v21;
	[tilespmem:$0x1FAA0] =	vst v11;
	v11 =	vld [tilespmem:s6+$0x20]  }
0x408: {  	v17 =	vmul.f32 v16, v29;
	v27 =	vmov v10;
	[tilespmem:s8+$0x10] =	vst.add.f32.msk $0xffff, v46;
	v49 =	vadd.f32 v39, v30  }
0x409: {  	v10 =	vmul.f32 v54, v38;
	[tilespmem:s10+$0x40] =	vst.add.f32.msk $0xffff, v4;
	v39 =	vmul.f32 v27, v21;
	v46 =	vadd.f32 v51, v33  }
0x40a: {  	v63 =	vmul.f32 v16, v55;
	v22 =	vadd.f32 v52, v22;
	v49 =	vadd.f32 v49, v57;
	v57 =	vld [tilespmem:$0x1FC90]  }
0x40b: {  	v60 =	vmul.f32 v59, v21;
	[tilespmem:$0x1FAB0] =	vst v10;
	v10 =	vmul.f32 v59, v38;
	v20 =	vadd.f32 v46, v39;
	v39 =	vld [tilespmem:$0x1FCB0]  }
0x40c: {  	v19 =	vmul.f32 v59, v29;
	v47 =	vmul.f32 v54, v21;
	v22 =	vadd.f32 v22, v48;
	v21 =	vld [tilespmem:s9+$0x20]  }
0x40d: {  	v8 =	vmul.f32 v54, v36;
	v3 =	vmul.f32 v54, v37;
	[tilespmem:$0x1FAC0] =	vst v10;
	v10 =	vld [tilespmem:s12+$0x40]  }
0x40e: {  	v13 =	vmul.f32 v16, v36;
	v7 =	vmul.f32 v16, v37;
	[tilespmem:s31+$0x10] =	vst.add.f32.msk $0xffff, v22  }
0x40f: {  	v6 =	vmul.f32 v54, v53;
	[tilespmem:s14+$0x70] =	vst.add.f32.msk $0xffff, v49;
	v25 =	vmul.f32 v16, v57  }
0x410: {  	v2 =	vmul.f32 v54, v55;
	v11 =	vadd.f32 v11, v33;
	[tilespmem:s23+$0x20] =	vst.add.f32.msk $0xffff, v20;
	v4 =	vmul.f32 v59, v39  }
0x411: {  	v1 =	vmul.f32 v16, v53;
	v50 =	vmul.f32 v16, v38;
	v21 =	vadd.f32 v21, v33;
	[tilespmem:$0x1FAF0] =	vst v25  }
0x412: {  	v48 =	vmul.f32 v54, v24;
	v25 =	vld [tilespmem:s1+$0x20];
	[tilespmem:$0x1FB00] =	vst v4;
	v4 =	vadd.f32 v10, v23;
	v10 =	vadd.f32 v11, v47  }
0x413: {  	v20 =	vld [tilespmem:s22+$0x30];
	v51 =	vmul.f32 v54, v57;
	v21 =	vadd.f32 v21, v60;
	v60 =	vmul.f32 v54, v58  }
0x414: {  	v46 =	vmul.f32 v54, v39;
	v11 =	vmul.f32 v54, v34;
	[tilespmem:s11+$0x20] =	vst.add.f32.msk $0xffff, v10  }
0x415: {  	v22 =	vadd.f32 v4, v45;
	v10 =	vmul.f32 v59, v34;
	v4 =	vmul.f32 v16, v34;
	v34 =	vld [tilespmem:$0x1FB90]  }
0x416: {  	v49 =	vmul.f32 v16, v39;
	[tilespmem:s8+$0x20] =	vst.add.f32.msk $0xffff, v21;
	v21 =	vmul.f32 v27, v29  }
0x417: {  	v47 =	vmul.f32 v59, v24;
	v23 =	vmul.f32 v54, v26;
	v28 =	vld [tilespmem:s6+$0x30];
	v33 =	vadd.f32 v25, v33  }
0x418: {  	v29 =	vld [tilespmem:s9+$0x30];
	v54 =	vmul.f32 v16, v58;
	v45 =	vmul.f32 v16, v24  }
0x419: {  	[tilespmem:s0+$0x40] =	vst.add.f32.msk $0xffff, v12;
	v24 =	vmul.f32 v59, v26;
	v26 =	vmul.f32 v16, v26;
	v16 =	vadd.f32 v33, v18  }
0x41a: {  	[tilespmem:s3+$0x40] =	vst.add.f32.msk $0xffff, v22;
	v20 =	vadd.f32 v20, v34  }
0x41b: {  	v61 =	vmul.f32 v59, v56;
	[tilespmem:s31+$0x20] =	vst.add.f32.msk $0xffff, v16  }
0x41c: {  	v15 =	vmul.f32 v59, v36;
	v12 =	vadd.f32 v28, v34;
	v20 =	vadd.f32 v20, v21;
	v16 =	vld [tilespmem:s1+$0x30]  }
0x41d: {  	v9 =	vmul.f32 v59, v37;
	v5 =	vmul.f32 v59, v53;
	v21 =	vld [tilespmem:$0x1FBB0]  }
0x41e: {  	v0 =	vmul.f32 v59, v55;
	v12 =	vadd.f32 v12, v14;
	v14 =	vadd.f32 v29, v34;
	[tilespmem:s23+$0x30] =	vst.add.f32.msk $0xffff, v20  }
0x41f: {  	v52 =	vmul.f32 v59, v57;
	v59 =	vmul.f32 v59, v58;
	v58 =	vld [tilespmem:s22+$0x40]  }
0x420: {  	[tilespmem:s11+$0x30] =	vst.add.f32.msk $0xffff, v12;
	v12 =	vadd.f32 v14, v19  }
0x421: {  	v14 =	vld [tilespmem:s6+$0x40];
	v16 =	vadd.f32 v16, v34  }
0x422: {  	[tilespmem:s8+$0x30] =	vst.add.f32.msk $0xffff, v12  }
0x423: {  	v33 =	vmul.f32 v27, v36;
	v36 =	vld [tilespmem:s9+$0x40];
	v16 =	vadd.f32 v16, v17  }
0x424: {  	v12 =	vadd.f32 v58, v21;
	v58 =	vld [tilespmem:s4+$0x50]  }
0x425: {  	[tilespmem:s31+$0x30] =	vst.add.f32.msk $0xffff, v16  }
0x426: {  	v14 =	vadd.f32 v14, v21;
	v12 =	vadd.f32 v12, v33;
	v33 =	vld [tilespmem:s7+$0x50]  }
0x427: {  	v16 =	vld [tilespmem:s1+$0x40]  }
0x428: {  	v8 =	vadd.f32 v14, v8;
	v14 =	vadd.f32 v36, v21;
	v36 =	vld [tilespmem:$0x1FBD0]  }
0x429: {  	[tilespmem:s23+$0x40] =	vst.add.f32.msk $0xffff, v12  }
0x42a: {  	v12 =	vld [tilespmem:s22+$0x50]  }
0x42b: {  	[tilespmem:s11+$0x40] =	vst.add.f32.msk $0xffff, v8  }
0x42c: {  	v34 =	vadd.f32 v58, v32;
	v8 =	vadd.f32 v14, v15;
	v58 =	vld [tilespmem:$0x1FBF0]  }
0x42d: {  	v15 =	vld [tilespmem:s6+$0x50]  }
0x42e: {  	v17 =	vadd.f32 v34, v42;
	[tilespmem:s8+$0x40] =	vst.add.f32.msk $0xffff, v8;
	v16 =	vadd.f32 v16, v21  }
0x42f: {  	v8 =	vadd.f32 v12, v36;
	v12 =	vmul.f32 v27, v37;
	v37 =	vld [tilespmem:s9+$0x50]  }
0x430: {  	[tilespmem:s10+$0x50] =	vst.add.f32.msk $0xffff, v17;
	v13 =	vadd.f32 v16, v13  }
0x431: {  	v8 =	vadd.f32 v8, v12;
	v12 =	vld [tilespmem:s12+$0x50]  }
0x432: {  	v15 =	vadd.f32 v15, v36;
	[tilespmem:s31+$0x40] =	vst.add.f32.msk $0xffff, v13  }
0x433: {  	[tilespmem:s23+$0x50] =	vst.add.f32.msk $0xffff, v8  }
0x434: {  	v3 =	vadd.f32 v15, v3;
	v8 =	vld [tilespmem:s22+$0x60];
	v15 =	vadd.f32 v37, v36  }
0x435: {  	v13 =	vld [tilespmem:s1+$0x50]  }
0x436: {  	v14 =	vadd.f32 v33, v32;
	[tilespmem:s11+$0x50] =	vst.add.f32.msk $0xffff, v3;
	v3 =	vadd.f32 v15, v9  }
0x437: {  	v12 =	vadd.f32 v12, v32;
	v9 =	vld [tilespmem:s6+$0x60]  }
0x438: {  	v14 =	vadd.f32 v14, v43;
	[tilespmem:s8+$0x50] =	vst.add.f32.msk $0xffff, v3  }
0x439: {  	v12 =	vadd.f32 v12, v44;
	v3 =	vadd.f32 v8, v58;
	v8 =	vmul.f32 v27, v53;
	v15 =	vld [tilespmem:s9+$0x60]  }
0x43a: {  	[tilespmem:s0+$0x50] =	vst.add.f32.msk $0xffff, v14  }
0x43b: {  	v13 =	vadd.f32 v13, v36;
	[tilespmem:s3+$0x50] =	vst.add.f32.msk $0xffff, v12;
	v3 =	vadd.f32 v3, v8  }
0x43c: {  	v12 =	vld [tilespmem:$0x1FC20]  }
0x43d: {  	v7 =	vadd.f32 v13, v7;
	v8 =	vadd.f32 v9, v58;
	[tilespmem:s23+$0x60] =	vst.add.f32.msk $0xffff, v3  }
0x43e: {  	v3 =	vld [tilespmem:s22+$0x70]  }
0x43f: {  	[tilespmem:s31+$0x50] =	vst.add.f32.msk $0xffff, v7;
	v6 =	vadd.f32 v8, v6;
	v8 =	vadd.f32 v15, v58  }
0x440: {  	v7 =	vld [tilespmem:s1+$0x60]  }
0x441: {  	[tilespmem:s11+$0x60] =	vst.add.f32.msk $0xffff, v6;
	v5 =	vadd.f32 v8, v5  }
0x442: {  	v6 =	vld [tilespmem:s6+$0x70]  }
0x443: {  	[tilespmem:s8+$0x60] =	vst.add.f32.msk $0xffff, v5;
	v5 =	vmul.f32 v27, v55;
	v3 =	vadd.f32 v3, v12  }
0x444: {  	v8 =	vld [tilespmem:s9+$0x70]  }
0x445: {  	v3 =	vadd.f32 v3, v5  }
0x446: {  	s14 =	sadd.s32 $0x9A00, s18;
	v9 =	vld [tilespmem:s7+$0x60]  }
0x447: {  	s15 =	sadd.s32 s2, s14;
	v6 =	vadd.f32 v6, v12;
	[tilespmem:s23+$0x70] =	vst.add.f32.msk $0xffff, v3  }
0x448: {  	v7 =	vadd.f32 v7, v58;
	v3 =	vld [tilespmem:s15+$0x0]  }
0x449: {  	v2 =	vadd.f32 v6, v2;
	v6 =	vadd.f32 v8, v12;
	v8 =	vld [tilespmem:$0x1FC50]  }
0x44a: {  	v1 =	vadd.f32 v7, v1;
	v7 =	vld [tilespmem:$0x1FA90]  }
0x44b: {  	v5 =	vld [tilespmem:s4+$0x60]  }
0x44c: {  	[tilespmem:s31+$0x60] =	vst.add.f32.msk $0xffff, v1;
	v0 =	vadd.f32 v6, v0  }
0x44d: {  	v1 =	vld [tilespmem:s1+$0x70]  }
0x44e: {  	[tilespmem:s8+$0x70] =	vst.add.f32.msk $0xffff, v0;
	v0 =	vadd.f32 v3, v8;
	v3 =	vmul.f32 v27, v56;
	_ =	sdelay $0x1  }
0x44f: {  	v0 =	vadd.f32 v0, v3;
	v3 =	vld [tilespmem:s12+$0x60]  }
0x450: {  	v5 =	vadd.f32 v5, v31  }
0x451: {  	s18 =	sadd.s32 s5, s14;
	[tilespmem:s11+$0x70] =	vst.add.f32.msk $0xffff, v2;
	v1 =	vadd.f32 v1, v12  }
0x452: {  	s22 =	sadd.s32 s16, s14;
	v6 =	vld [tilespmem:s18+$0x0];
	v5 =	vadd.f32 v5, v7  }
0x453: {  	v7 =	vld [tilespmem:s22+$0x0];
	v1 =	vadd.f32 v1, v63  }
0x454: {  	[tilespmem:s10+$0x60] =	vst.add.f32.msk $0xffff, v5;
	v3 =	vadd.f32 v3, v31  }
0x455: {  	s24 =	sadd.s32 $0xFA00, s19;
	s6 =	sadd.s32 s17, s14;
	[tilespmem:s31+$0x70] =	vst.add.f32.msk $0xffff, v1  }
0x456: {  	s14 =	sadd.s32 s2, s24;
	v1 =	vld [tilespmem:s6+$0x0];
	v3 =	vadd.f32 v3, v40  }
0x457: {  	v5 =	vadd.f32 v6, v8;
	[tilespmem:s14+$0x0] =	vst.add.f32.msk $0xffff, v0  }
0x458: {  	[tilespmem:s3+$0x60] =	vst.add.f32.msk $0xffff, v3  }
0x459: {  	v5 =	vadd.f32 v5, v62;
	v3 =	vld [tilespmem:$0x1FAA0]  }
0x45a: {  	s5 =	sadd.s32 s5, s24;
	v6 =	vadd.f32 v7, v8;
	v7 =	vld [tilespmem:$0x1FC70]  }
0x45b: {  	[tilespmem:s5+$0x0] =	vst.add.f32.msk $0xffff, v5  }
0x45c: {  	v5 =	vadd.f32 v6, v61;
	v6 =	vld [tilespmem:s18+$0x10];
	v1 =	vadd.f32 v1, v8  }
0x45d: {  	v2 =	vadd.f32 v9, v31;
	v0 =	vld [tilespmem:s15+$0x10]  }
0x45e: {  	s1 =	sadd.s32 s16, s24;
	v1 =	vadd.f32 v1, v3;
	v3 =	vld [tilespmem:$0x1FAB0]  }
0x45f: {  	v2 =	vadd.f32 v2, v41;
	[tilespmem:s1+$0x0] =	vst.add.f32.msk $0xffff, v5  }
0x460: {  	v5 =	vld [tilespmem:s22+$0x10]  }
0x461: {  	[tilespmem:s0+$0x60] =	vst.add.f32.msk $0xffff, v2;
	v2 =	vadd.f32 v6, v7  }
0x462: {  	s2 =	sadd.s32 s17, s24  }
0x463: {  	[tilespmem:s2+$0x0] =	vst.add.f32.msk $0xffff, v1;
	v2 =	vadd.f32 v2, v3  }
0x464: {  	v40 =	vmov v4;
	v4 =	vmul.f32 v27, v38;
	v0 =	vadd.f32 v0, v7;
	v1 =	vld [tilespmem:s6+$0x10]  }
0x465: {  	[tilespmem:s5+$0x10] =	vst.add.f32.msk $0xffff, v2  }
0x466: {  	v0 =	vadd.f32 v0, v4;
	v2 =	vld [tilespmem:$0x1FAC0]  }
0x467: {  	v8 =	vld [tilespmem:$0x1FCA0]  }
0x468: {  	[tilespmem:s14+$0x10] =	vst.add.f32.msk $0xffff, v0  }
0x469: {  	v0 =	vld [tilespmem:s15+$0x20];
	v3 =	vadd.f32 v5, v7;
	_ =	sdelay $0x1  }
0x46a: {  	v6 =	vld [tilespmem:$0x1FAD0];
	v1 =	vadd.f32 v1, v7;
	v2 =	vadd.f32 v3, v2  }
0x46b: {  	v3 =	vld [tilespmem:s18+$0x20]  }
0x46c: {  	v1 =	vadd.f32 v1, v50;
	[tilespmem:s1+$0x10] =	vst.add.f32.msk $0xffff, v2  }
0x46d: {  	v0 =	vadd.f32 v0, v8;
	v2 =	vmul.f32 v27, v57;
	v4 =	vld [tilespmem:s22+$0x20]  }
0x46e: {  	[tilespmem:s2+$0x10] =	vst.add.f32.msk $0xffff, v1  }
0x46f: {  	v0 =	vadd.f32 v0, v2;
	v2 =	vld [tilespmem:s4+$0x70]  }
0x470: {  	v5 =	vld [tilespmem:s7+$0x70];
	v3 =	vadd.f32 v3, v8  }
0x471: {  	[tilespmem:s14+$0x20] =	vst.add.f32.msk $0xffff, v0  }
0x472: {  	v0 =	vld [tilespmem:s15+$0x30];
	v3 =	vadd.f32 v3, v51;
	v4 =	vadd.f32 v4, v8  }
0x473: {  	v1 =	vld [tilespmem:s6+$0x20]  }
0x474: {  	s4 =	smov.u32 s18;
	v2 =	vadd.f32 v2, v30;
	[tilespmem:s5+$0x20] =	vst.add.f32.msk $0xffff, v3;
	v3 =	vadd.f32 v4, v52  }
0x475: {  	v4 =	vadd.f32 v5, v30;
	v5 =	vld [tilespmem:s4+$0x30]  }
0x476: {  	v2 =	vadd.f32 v2, v6;
	[tilespmem:s1+$0x20] =	vst.add.f32.msk $0xffff, v3  }
0x477: {  	v3 =	vadd.f32 v0, v35;
	v0 =	vld [tilespmem:$0x1FAE0]  }
0x478: {  	v6 =	vmul.f32 v27, v39;
	[tilespmem:s10+$0x70] =	vst.add.f32.msk $0xffff, v2  }
0x479: {  	v2 =	vld [tilespmem:$0x1FAF0]  }
0x47a: {  	v3 =	vadd.f32 v3, v6;
	v5 =	vadd.f32 v5, v35  }
0x47b: {  	v6 =	vld [tilespmem:s12+$0x70]  }
0x47c: {  	s7 =	smov.u32 s22;
	v1 =	vadd.f32 v1, v8;
	[tilespmem:s14+$0x30] =	vst.add.f32.msk $0xffff, v3;
	v3 =	vadd.f32 v5, v46  }
0x47d: {  	s10 =	smov.u32 s5;
	v0 =	vadd.f32 v4, v0;
	v4 =	vld [tilespmem:s7+$0x30]  }
0x47e: {  	v1 =	vadd.f32 v1, v2;
	[tilespmem:s10+$0x30] =	vst.add.f32.msk $0xffff, v3  }
0x47f: {  	v3 =	vld [tilespmem:$0x1FB00]  }
0x480: {  	[tilespmem:s2+$0x20] =	vst.add.f32.msk $0xffff, v1  }
0x481: {  	p0 =	slt.u32 s13, $0xC;
	v1 =	vadd.f32 v6, v30;
	v6 =	vld [tilespmem:$0x1FB10]  }
.Ltmp1:
0x482: {  	_ = 	snop;
	(pc) =	sbr.rel @p0 .LBB2_5-.Ltmp1, $4  }
0x483: {  	_ = 	snop  }
0x484: {  	s12 =	smov.u32 s6;
	v2 =	vld [tilespmem:s15+$0x40];
	v5 =	vadd.f32 v4, v35  }
0x485: {  	v42 =	vmovc v23;
	v43 =	vmovc v24;
	v44 =	vmov v26;
	v14 =	vmov v11;
	v11 =	vmov v59;
	v4 =	vld [tilespmem:s12+$0x30]  }
0x486: {  	v41 =	vmovc v10;
	v10 =	vmovc v60;
	v8 =	vmov v54;
	v5 =	vadd.f32 v5, v3;
	v3 =	vld [tilespmem:s4+$0x40];
	v1 =	vadd.f32 v1, v6  }
0x487: {  	v6 =	vld [tilespmem:$0x1FCE0];
	_ =	sdelay $0x4  }
0x488: {  	v4 =	vadd.f32 v4, v6;
	_ =	sdelay $0x1  }
0x489: {  	v4 =	vadd.f32 v4, v49  }
0x48a: {  	[tilespmem:s1+$0x30] =	vst.add.f32.msk $0xffff, v5  }
0x48b: {  	[tilespmem:s2+$0x30] =	vst.add.f32.msk $0xffff, v4  }
0x48c: {  	v7 =	vld [tilespmem:$0x1FC00]  }
0x48d: {  	v6 =	vld [tilespmem:$0x1FCC0]  }
0x48e: {  	v5 =	vld [tilespmem:s7+$0x40];
	_ =	sdelay $0x2  }
0x48f: {  	v4 =	vld [tilespmem:s12+$0x40]  }
0x490: {  	v2 =	vadd.f32 v2, v7;
	v6 =	vmul.f32 v27, v6  }
0x491: {  	v5 =	vadd.f32 v5, v7  }
0x492: {  	v3 =	vadd.f32 v3, v7;
	v2 =	vadd.f32 v2, v6  }
0x493: {  	v5 =	vadd.f32 v5, v47  }
0x494: {  	[tilespmem:s14+$0x40] =	vst.add.f32.msk $0xffff, v2;
	v2 =	vadd.f32 v3, v48;
	v3 =	vadd.f32 v4, v7  }
0x495: {  	[tilespmem:s1+$0x40] =	vst.add.f32.msk $0xffff, v5  }
0x496: {  	[tilespmem:s10+$0x40] =	vst.add.f32.msk $0xffff, v2;
	v2 =	vadd.f32 v3, v45  }
0x497: {  	v4 =	vld [tilespmem:s15+$0x50]  }
0x498: {  	[tilespmem:s2+$0x40] =	vst.add.f32.msk $0xffff, v2  }
0x499: {  	v7 =	vld [tilespmem:$0x1FC30]  }
0x49a: {  	v6 =	vld [tilespmem:$0x1FCD0]  }
0x49b: {  	v2 =	vld [tilespmem:s4+$0x50]  }
0x49c: {  	v3 =	vld [tilespmem:s7+$0x50];
	_ =	sdelay $0x1  }
0x49d: {  	v5 =	vld [tilespmem:s12+$0x50]  }
0x49e: {  	v4 =	vadd.f32 v4, v7;
	v6 =	vmul.f32 v27, v6  }
0x49f: {  	v2 =	vadd.f32 v2, v7  }
0x4a0: {  	v3 =	vadd.f32 v3, v7;
	v4 =	vadd.f32 v4, v6  }
0x4a1: {  	v2 =	vadd.f32 v2, v42  }
0x4a2: {  	v3 =	vadd.f32 v3, v43;
	[tilespmem:s14+$0x50] =	vst.add.f32.msk $0xffff, v4;
	v4 =	vadd.f32 v5, v7  }
0x4a3: {  	[tilespmem:s10+$0x50] =	vst.add.f32.msk $0xffff, v2  }
0x4a4: {  	[tilespmem:s1+$0x50] =	vst.add.f32.msk $0xffff, v3;
	v2 =	vadd.f32 v4, v44  }
0x4a5: {  	v5 =	vld [tilespmem:s15+$0x60]  }
0x4a6: {  	[tilespmem:s2+$0x50] =	vst.add.f32.msk $0xffff, v2  }
0x4a7: {  	v7 =	vld [tilespmem:$0x1FC80]  }
0x4a8: {  	v6 =	vld [tilespmem:$0x1FD00]  }
0x4a9: {  	v2 =	vld [tilespmem:s4+$0x60]  }
0x4aa: {  	v3 =	vld [tilespmem:s7+$0x60];
	_ =	sdelay $0x1  }
0x4ab: {  	v4 =	vld [tilespmem:s12+$0x60]  }
0x4ac: {  	v5 =	vadd.f32 v5, v7;
	v6 =	vmul.f32 v27, v6  }
0x4ad: {  	v2 =	vadd.f32 v2, v7  }
0x4ae: {  	v3 =	vadd.f32 v3, v7;
	v5 =	vadd.f32 v5, v6  }
0x4af: {  	v2 =	vadd.f32 v2, v14  }
0x4b0: {  	v4 =	vadd.f32 v4, v7;
	v3 =	vadd.f32 v3, v41;
	[tilespmem:s14+$0x60] =	vst.add.f32.msk $0xffff, v5  }
0x4b1: {  	[tilespmem:s10+$0x60] =	vst.add.f32.msk $0xffff, v2  }
0x4b2: {  	v2 =	vadd.f32 v4, v40;
	[tilespmem:s1+$0x60] =	vst.add.f32.msk $0xffff, v3  }
0x4b3: {  	v5 =	vld [tilespmem:s15+$0x70]  }
0x4b4: {  	[tilespmem:s2+$0x60] =	vst.add.f32.msk $0xffff, v2  }
0x4b5: {  	v7 =	vld [tilespmem:$0x1FCF0]  }
0x4b6: {  	v6 =	vld [tilespmem:$0x1FD10]  }
0x4b7: {  	v2 =	vld [tilespmem:s4+$0x70]  }
0x4b8: {  	v3 =	vld [tilespmem:s7+$0x70]  }
0x4b9: {  	v4 =	vld [tilespmem:s12+$0x70];
	_ =	sdelay $0x1  }
0x4ba: {  	v5 =	vadd.f32 v5, v7;
	v6 =	vmul.f32 v27, v6  }
0x4bb: {  	v2 =	vadd.f32 v2, v7  }
0x4bc: {  	[tilespmem:s0+$0x70] =	vst.add.f32.msk $0xffff, v0;
	v3 =	vadd.f32 v3, v7;
	v0 =	vadd.f32 v5, v6  }
0x4bd: {  	[tilespmem:s3+$0x70] =	vst.add.f32.msk $0xffff, v1;
	v1 =	vadd.f32 v2, v10;
	v2 =	vadd.f32 v4, v7  }
0x4be: {  	[tilespmem:s14+$0x70] =	vst.add.f32.msk $0xffff, v0;
	v0 =	vadd.f32 v3, v11  }
0x4bf: {  	[tilespmem:s10+$0x70] =	vst.add.f32.msk $0xffff, v1;
	v1 =	vadd.f32 v2, v8  }
0x4c0: {  	[tilespmem:s1+$0x70] =	vst.add.f32.msk $0xffff, v0  }
0x4c1: {  	[tilespmem:s2+$0x70] =	vst.add.f32.msk $0xffff, v1  }
0x4c2: {  	v17 =	vld [tilespmem:$0x8C00]  }
0x4c3: {  	v18 =	vld [tilespmem:$0x8C10]  }
0x4c4: {  	v19 =	vld [tilespmem:$0x8C20]  }
0x4c5: {  	v20 =	vld [tilespmem:$0x8C30]  }
0x4c6: {  	v21 =	vld [tilespmem:$0x8C40]  }
0x4c7: {  	v22 =	vld [tilespmem:$0x8C50]  }
0x4c8: {  	v23 =	vld [tilespmem:$0x8C60]  }
0x4c9: {  	v24 =	vld [tilespmem:$0x8C70]  }
0x4ca: {  	v25 =	vld [tilespmem:$0x8D00]  }
0x4cb: {  	v26 =	vld [tilespmem:$0x8D10]  }
0x4cc: {  	v29 =	vld [tilespmem:$0x8D20]  }
0x4cd: {  	v28 =	vld [tilespmem:$0x8D30]  }
0x4ce: {  	v16 =	vld [tilespmem:$0x8D40]  }
0x4cf: {  	v15 =	vld [tilespmem:$0x8D50]  }
0x4d0: {  	v14 =	vld [tilespmem:$0x8D60]  }
0x4d1: {  	v13 =	vld [tilespmem:$0x8D70]  }
0x4d2: {  	v0 =	vld [tilespmem:$0x8C80]  }
0x4d3: {  	v4 =	vld [tilespmem:$0x8C90]  }
0x4d4: {  	v5 =	vld [tilespmem:$0x8CA0]  }
0x4d5: {  	s23 =	simm.s32 $0x0;
	v6 =	vld [tilespmem:$0x8CB0]  }
0x4d6: {  	s0 =	smul.u32 $0x1800, s23;
	v7 =	vld [tilespmem:$0x8CC0]  }
0x4d7: {  	v8 =	vld [tilespmem:$0x8CD0]  }
0x4d8: {  	s24 =	simm.s32 $0x180;
	s5 =	sadd.s32 s26, s0;
	v9 =	vld [tilespmem:$0x8CE0]  }
0x4d9: {  	s31 =	sand.u32 $0x380, s24;
	s9 =	sadd.s32 $0x9E00, s5;
	v10 =	vld [tilespmem:$0x8CF0]  }
0x4da: {  	s8 =	sadd.s32 s31, s9;
	v39 =	vld [tilespmem:s20+$0x80]  }
0x4db: {  	v11 =	vld [tilespmem:s8+$0x0]  }
0x4dc: {  	v3 =	vld [tilespmem:$0x8D80]  }
0x4dd: {  	v2 =	vld [tilespmem:$0x8D90]  }
0x4de: {  	v1 =	vld [tilespmem:$0x8DA0];
	v30 =	vsub.f32 v0, v17  }
0x4df: {  	v32 =	vld [tilespmem:$0x8DC0]  }
0x4e0: {  	v33 =	vld [tilespmem:$0x8DD0];
	v11 =	vadd.f32 v11, v17;
	v12 =	vmul.f32 v39, v30  }
0x4e1: {  	s12 =	sadd.s32 s28, s0;
	v34 =	vld [tilespmem:$0x8DE0]  }
0x4e2: {  	s11 =	sadd.s32 $0xFE00, s12;
	v35 =	vld [tilespmem:$0x8DF0];
	v11 =	vadd.f32 v11, v12  }
0x4e3: {  	s14 =	sadd.s32 s31, s11;
	v0 =	vld [tilespmem:$0x8DB0]  }
0x4e4: {  	[tilespmem:s14+$0x0] =	vst.add.f32.msk $0xffff, v11  }
0x4e5: {  	v11 =	vld [tilespmem:s8+$0x10];
	_ =	sdelay $0x2  }
0x4e6: {  	v12 =	vsub.f32 v4, v18;
	_ =	sdelay $0x1  }
0x4e7: {  	v4 =	vadd.f32 v11, v18;
	v11 =	vmul.f32 v39, v12;
	_ =	sdelay $0x1  }
0x4e8: {  	v4 =	vadd.f32 v4, v11;
	_ =	sdelay $0x1  }
0x4e9: {  	[tilespmem:s14+$0x10] =	vst.add.f32.msk $0xffff, v4  }
0x4ea: {  	v4 =	vld [tilespmem:s8+$0x20];
	_ =	sdelay $0x2  }
0x4eb: {  	v31 =	vsub.f32 v5, v19;
	_ =	sdelay $0x1  }
0x4ec: {  	v5 =	vmul.f32 v39, v31;
	v4 =	vadd.f32 v4, v19;
	_ =	sdelay $0x1  }
0x4ed: {  	v4 =	vadd.f32 v4, v5;
	_ =	sdelay $0x1  }
0x4ee: {  	[tilespmem:s14+$0x20] =	vst.add.f32.msk $0xffff, v4  }
0x4ef: {  	v4 =	vld [tilespmem:s8+$0x30];
	_ =	sdelay $0x2  }
0x4f0: {  	v57 =	vsub.f32 v6, v20;
	_ =	sdelay $0x1  }
0x4f1: {  	v5 =	vmul.f32 v39, v57;
	v4 =	vadd.f32 v4, v20;
	_ =	sdelay $0x1  }
0x4f2: {  	v4 =	vadd.f32 v4, v5;
	_ =	sdelay $0x1  }
0x4f3: {  	[tilespmem:s14+$0x30] =	vst.add.f32.msk $0xffff, v4  }
0x4f4: {  	v4 =	vld [tilespmem:s8+$0x40]  }
0x4f5: {  	s15 =	simm.s32 $0x0  }
0x4f6: {  	s10 =	sand.u32 $0x200, s15  }
0x4f7: {  	s16 =	simm.s32 $0x80;
	s6 =	sadd.s32 s10, s9;
	v36 =	vld [tilespmem:s20+$0xFFFFFF00];
	v58 =	vsub.f32 v7, v21  }
0x4f8: {  	s0 =	sand.u32 $0x280, s16;
	v5 =	vld [tilespmem:s6+$0x0]  }
0x4f9: {  	s17 =	simm.s32 $0x100;
	s16 =	sadd.s32 s0, s9;
	v37 =	vld [tilespmem:s20+$0xFFFFFF80];
	v7 =	vmul.f32 v39, v58;
	v4 =	vadd.f32 v4, v21  }
0x4fa: {  	s3 =	sand.u32 $0x300, s17;
	v6 =	vld [tilespmem:s16+$0x0]  }
0x4fb: {  	s9 =	sadd.s32 s3, s9;
	v38 =	vld [tilespmem:s20+$0x0];
	v4 =	vadd.f32 v4, v7  }
0x4fc: {  	v11 =	vld [tilespmem:s9+$0x0]  }
0x4fd: {  	v5 =	vadd.f32 v5, v17;
	v7 =	vmul.f32 v36, v30;
	[tilespmem:s14+$0x40] =	vst.add.f32.msk $0xffff, v4  }
0x4fe: {  	v4 =	vld [tilespmem:s8+$0x50]  }
0x4ff: {  	v6 =	vadd.f32 v6, v17;
	v5 =	vadd.f32 v5, v7;
	v7 =	vmul.f32 v37, v30  }
0x500: {  	s18 =	sadd.s32 s10, s11;
	v59 =	vsub.f32 v8, v22  }
0x501: {  	v8 =	vadd.f32 v11, v17;
	[tilespmem:s18+$0x0] =	vst.add.f32.msk $0xffff, v5;
	v5 =	vmul.f32 v38, v30;
	v6 =	vadd.f32 v6, v7  }
0x502: {  	s22 =	sadd.s32 s0, s11;
	v7 =	vld [tilespmem:s6+$0x10]  }
0x503: {  	v5 =	vadd.f32 v8, v5;
	[tilespmem:s22+$0x0] =	vst.add.f32.msk $0xffff, v6;
	v6 =	vmul.f32 v39, v59;
	v4 =	vadd.f32 v4, v22  }
0x504: {  	s11 =	sadd.s32 s3, s11;
	v8 =	vld [tilespmem:s16+$0x10]  }
0x505: {  	[tilespmem:s11+$0x0] =	vst.add.f32.msk $0xffff, v5;
	v4 =	vadd.f32 v4, v6  }
0x506: {  	v5 =	vld [tilespmem:s9+$0x10]  }
0x507: {  	v6 =	vmul.f32 v36, v12;
	v7 =	vadd.f32 v7, v18;
	[tilespmem:s14+$0x50] =	vst.add.f32.msk $0xffff, v4  }
0x508: {  	v4 =	vld [tilespmem:s8+$0x60]  }
0x509: {  	v11 =	vmul.f32 v37, v12;
	v6 =	vadd.f32 v7, v6;
	v7 =	vadd.f32 v8, v18  }
0x50a: {  	v60 =	vsub.f32 v9, v23  }
0x50b: {  	v8 =	vmul.f32 v38, v12;
	[tilespmem:s18+$0x10] =	vst.add.f32.msk $0xffff, v6;
	v6 =	vadd.f32 v7, v11;
	v5 =	vadd.f32 v5, v18  }
0x50c: {  	v7 =	vld [tilespmem:s6+$0x20]  }
0x50d: {  	[tilespmem:s22+$0x10] =	vst.add.f32.msk $0xffff, v6;
	v5 =	vadd.f32 v5, v8;
	v6 =	vmul.f32 v39, v60;
	v4 =	vadd.f32 v4, v23  }
0x50e: {  	v8 =	vld [tilespmem:s16+$0x20]  }
0x50f: {  	[tilespmem:s11+$0x10] =	vst.add.f32.msk $0xffff, v5;
	v4 =	vadd.f32 v4, v6  }
0x510: {  	v5 =	vld [tilespmem:s9+$0x20]  }
0x511: {  	v6 =	vmul.f32 v36, v31;
	v7 =	vadd.f32 v7, v19;
	[tilespmem:s14+$0x60] =	vst.add.f32.msk $0xffff, v4  }
0x512: {  	v4 =	vld [tilespmem:s8+$0x70]  }
0x513: {  	v9 =	vmul.f32 v37, v31;
	v6 =	vadd.f32 v7, v6;
	v7 =	vadd.f32 v8, v19  }
0x514: {  	v10 =	vsub.f32 v10, v24  }
0x515: {  	v8 =	vmul.f32 v38, v31;
	[tilespmem:s18+$0x20] =	vst.add.f32.msk $0xffff, v6;
	v6 =	vadd.f32 v7, v9;
	v5 =	vadd.f32 v5, v19  }
0x516: {  	v7 =	vld [tilespmem:s6+$0x30]  }
0x517: {  	[tilespmem:s22+$0x20] =	vst.add.f32.msk $0xffff, v6;
	v5 =	vadd.f32 v5, v8;
	v6 =	vmul.f32 v39, v10;
	v4 =	vadd.f32 v4, v24  }
0x518: {  	v8 =	vld [tilespmem:s16+$0x30]  }
0x519: {  	[tilespmem:s11+$0x20] =	vst.add.f32.msk $0xffff, v5;
	v4 =	vadd.f32 v4, v6  }
0x51a: {  	s13 =	sadd.s32 $0xA200, s5;
	v5 =	vld [tilespmem:s9+$0x30]  }
0x51b: {  	s19 =	sadd.s32 s31, s13;
	v6 =	vmul.f32 v36, v57;
	v7 =	vadd.f32 v7, v20;
	[tilespmem:s14+$0x70] =	vst.add.f32.msk $0xffff, v4  }
0x51c: {  	v4 =	vld [tilespmem:s19+$0x0]  }
0x51d: {  	v9 =	vmul.f32 v37, v57;
	v6 =	vadd.f32 v7, v6;
	v7 =	vadd.f32 v8, v20  }
0x51e: {  	v11 =	vsub.f32 v3, v25  }
0x51f: {  	v3 =	vmul.f32 v38, v57;
	[tilespmem:s18+$0x30] =	vst.add.f32.msk $0xffff, v6;
	v6 =	vadd.f32 v7, v9;
	v5 =	vadd.f32 v5, v20  }
0x520: {  	v7 =	vld [tilespmem:s6+$0x40]  }
0x521: {  	[tilespmem:s22+$0x30] =	vst.add.f32.msk $0xffff, v6;
	v3 =	vadd.f32 v5, v3;
	v5 =	vmul.f32 v39, v11;
	v4 =	vadd.f32 v4, v25  }
0x522: {  	v6 =	vld [tilespmem:s16+$0x40]  }
0x523: {  	s12 =	sadd.s32 $0x10200, s12;
	[tilespmem:s11+$0x30] =	vst.add.f32.msk $0xffff, v3;
	v3 =	vadd.f32 v4, v5  }
0x524: {  	s15 =	sadd.s32 s31, s12;
	v4 =	vld [tilespmem:s9+$0x40]  }
0x525: {  	v5 =	vmul.f32 v36, v58;
	v7 =	vadd.f32 v7, v21;
	[tilespmem:s15+$0x0] =	vst.add.f32.msk $0xffff, v3  }
0x526: {  	v3 =	vld [tilespmem:s19+$0x10]  }
0x527: {  	v5 =	vadd.f32 v7, v5  }
0x528: {  	v8 =	vmul.f32 v37, v58;
	v6 =	vadd.f32 v6, v21  }
0x529: {  	v9 =	vsub.f32 v2, v26;
	v2 =	vmul.f32 v38, v58;
	[tilespmem:s18+$0x40] =	vst.add.f32.msk $0xffff, v5;
	v4 =	vadd.f32 v4, v21  }
0x52a: {  	s30 =	sadd.s32 $0x200, s20;
	v5 =	vadd.f32 v6, v8;
	v6 =	vld [tilespmem:s6+$0x50]  }
0x52b: {  	v27 =	vld [tilespmem:s30+$0x80];
	v2 =	vadd.f32 v4, v2;
	v4 =	vmul.f32 v39, v9;
	v3 =	vadd.f32 v3, v26  }
0x52c: {  	s23 =	simm.s32 $0x0;
	[tilespmem:s22+$0x40] =	vst.add.f32.msk $0xffff, v5  }
0x52d: {  	s24 =	smul.u32 $0x1800, s23;
	[tilespmem:s11+$0x40] =	vst.add.f32.msk $0xffff, v2;
	v2 =	vadd.f32 v3, v4  }
0x52e: {  	v5 =	vld [tilespmem:s16+$0x50]  }
0x52f: {  	s29 =	simm.s32 $0x380;
	s4 =	sadd.s32 s26, s24;
	v4 =	vmul.f32 v36, v59;
	v6 =	vadd.f32 v6, v22;
	[tilespmem:s15+$0x10] =	vst.add.f32.msk $0xffff, v2  }
0x530: {  	s17 =	sadd.s32 $0x9E00, s4;
	s2 =	sand.u32 $0x380, s29;
	v2 =	vld [tilespmem:s19+$0x20]  }
0x531: {  	s23 =	sadd.s32 s2, s17;
	v46 =	vld [tilespmem:s30+$0xFFFFFF00];
	v4 =	vadd.f32 v6, v4  }
0x532: {  	s8 =	simm.s32 $0x200;
	v6 =	vld [tilespmem:s23+$0x0]  }
0x533: {  	v61 =	vsub.f32 v1, v29;
	v1 =	vmul.f32 v37, v59;
	s5 =	sand.u32 $0x200, s8;
	v5 =	vadd.f32 v5, v22;
	[tilespmem:s18+$0x50] =	vst.add.f32.msk $0xffff, v4  }
0x534: {  	s31 =	sadd.s32 s5, s17;
	v4 =	vld [tilespmem:s6+$0x60]  }
0x535: {  	v7 =	vld [tilespmem:s31+$0x0];
	v1 =	vadd.f32 v5, v1;
	v5 =	vmul.f32 v39, v61;
	v2 =	vadd.f32 v2, v29  }
0x536: {  	v3 =	vld [tilespmem:s9+$0x50]  }
0x537: {  	[tilespmem:s22+$0x50] =	vst.add.f32.msk $0xffff, v1;
	v1 =	vadd.f32 v2, v5;
	v2 =	vadd.f32 v6, v17;
	v5 =	vmul.f32 v27, v30  }
0x538: {  	s7 =	sadd.s32 s28, s24;
	v6 =	vld [tilespmem:s16+$0x60]  }
0x539: {  	s24 =	sadd.s32 $0xFE00, s7;
	v8 =	vmul.f32 v36, v60;
	v4 =	vadd.f32 v4, v23;
	[tilespmem:s15+$0x20] =	vst.add.f32.msk $0xffff, v1;
	v1 =	vadd.f32 v2, v5  }
0x53a: {  	s8 =	sadd.s32 s2, s24;
	v2 =	vld [tilespmem:s19+$0x30]  }
0x53b: {  	v7 =	vadd.f32 v7, v17;
	v4 =	vadd.f32 v4, v8;
	v5 =	vmul.f32 v46, v30;
	[tilespmem:s8+$0x0] =	vst.add.f32.msk $0xffff, v1  }
0x53c: {  	v62 =	vsub.f32 v0, v28;
	v0 =	vld [tilespmem:s23+$0x10]  }
0x53d: {  	v3 =	vadd.f32 v3, v22;
	v1 =	vmul.f32 v38, v59;
	[tilespmem:s18+$0x60] =	vst.add.f32.msk $0xffff, v4;
	v4 =	vadd.f32 v7, v5  }
0x53e: {  	v5 =	vld [tilespmem:s6+$0x70];
	s6 =	sadd.s32 s5, s24  }
0x53f: {  	v1 =	vadd.f32 v3, v1;
	v3 =	vmul.f32 v39, v62;
	[tilespmem:s6+$0x0] =	vst.add.f32.msk $0xffff, v4;
	v2 =	vadd.f32 v2, v28  }
0x540: {  	v4 =	vld [tilespmem:s31+$0x10]  }
0x541: {  	[tilespmem:s11+$0x50] =	vst.add.f32.msk $0xffff, v1;
	v1 =	vadd.f32 v2, v3;
	v0 =	vadd.f32 v0, v18;
	v2 =	vmul.f32 v27, v12  }
0x542: {  	v7 =	vmul.f32 v37, v60;
	v6 =	vadd.f32 v6, v23;
	v3 =	vld [tilespmem:s9+$0x60]  }
0x543: {  	[tilespmem:s15+$0x30] =	vst.add.f32.msk $0xffff, v1;
	v0 =	vadd.f32 v0, v2  }
0x544: {  	v2 =	vadd.f32 v6, v7;
	v1 =	vld [tilespmem:s19+$0x40]  }
0x545: {  	v6 =	vmul.f32 v46, v12;
	v4 =	vadd.f32 v4, v18;
	[tilespmem:s8+$0x10] =	vst.add.f32.msk $0xffff, v0  }
0x546: {  	[tilespmem:s22+$0x60] =	vst.add.f32.msk $0xffff, v2  }
0x547: {  	v0 =	vld [tilespmem:s23+$0x20];
	v2 =	vadd.f32 v3, v23;
	v3 =	vadd.f32 v4, v6  }
0x548: {  	v32 =	vsub.f32 v32, v16;
	v7 =	vmul.f32 v38, v60;
	v4 =	vld [tilespmem:s16+$0x70]  }
0x549: {  	[tilespmem:s6+$0x10] =	vst.add.f32.msk $0xffff, v3  }
0x54a: {  	v6 =	vmul.f32 v39, v32;
	v2 =	vadd.f32 v2, v7;
	v1 =	vadd.f32 v1, v16;
	v3 =	vld [tilespmem:s31+$0x20]  }
0x54b: {  	v50 =	vld [tilespmem:s30+$0xFFFFFF80]  }
0x54c: {  	[tilespmem:s11+$0x60] =	vst.add.f32.msk $0xffff, v2;
	v2 =	vmul.f32 v27, v31;
	v1 =	vadd.f32 v1, v6;
	v0 =	vadd.f32 v0, v19  }
0x54d: {  	v5 =	vadd.f32 v5, v24;
	v7 =	vmul.f32 v36, v10;
	v6 =	vld [tilespmem:s9+$0x70]  }
0x54e: {  	[tilespmem:s15+$0x40] =	vst.add.f32.msk $0xffff, v1;
	v0 =	vadd.f32 v0, v2;
	v1 =	vmul.f32 v37, v10;
	v2 =	vadd.f32 v4, v24  }
0x54f: {  	v5 =	vadd.f32 v5, v7;
	v7 =	vmul.f32 v46, v31;
	v4 =	vld [tilespmem:s19+$0x50];
	v3 =	vadd.f32 v3, v19  }
0x550: {  	[tilespmem:s8+$0x20] =	vst.add.f32.msk $0xffff, v0;
	v0 =	vadd.f32 v2, v1  }
0x551: {  	v1 =	vld [tilespmem:s23+$0x30];
	v2 =	vadd.f32 v3, v7  }
0x552: {  	v33 =	vsub.f32 v33, v15;
	[tilespmem:s22+$0x70] =	vst.add.f32.msk $0xffff, v0  }
0x553: {  	[tilespmem:s6+$0x20] =	vst.add.f32.msk $0xffff, v2  }
0x554: {  	s9 =	simm.s32 $0x280;
	v3 =	vmul.f32 v39, v33;
	v0 =	vadd.f32 v4, v15;
	v2 =	vld [tilespmem:s31+$0x30]  }
0x555: {  	v51 =	vld [tilespmem:s30+$0x0];
	s1 =	sand.u32 $0x280, s9  }
0x556: {  	[tilespmem:s18+$0x70] =	vst.add.f32.msk $0xffff, v5;
	s22 =	sadd.s32 s1, s17;
	v0 =	vadd.f32 v0, v3;
	v1 =	vadd.f32 v1, v20;
	v3 =	vmul.f32 v27, v57  }
0x557: {  	v5 =	vmul.f32 v38, v10;
	v6 =	vadd.f32 v6, v24;
	v4 =	vld [tilespmem:s22+$0x0]  }
0x558: {  	[tilespmem:s15+$0x50] =	vst.add.f32.msk $0xffff, v0;
	v0 =	vadd.f32 v1, v3  }
0x559: {  	v3 =	vadd.f32 v6, v5;
	v5 =	vmul.f32 v46, v57;
	v1 =	vld [tilespmem:s19+$0x60];
	v2 =	vadd.f32 v2, v20  }
0x55a: {  	[tilespmem:s8+$0x30] =	vst.add.f32.msk $0xffff, v0  }
0x55b: {  	v0 =	vld [tilespmem:s23+$0x40];
	v2 =	vadd.f32 v2, v5  }
0x55c: {  	v34 =	vsub.f32 v34, v14;
	s14 =	simm.s32 $0x300;
	v4 =	vadd.f32 v4, v17;
	[tilespmem:s11+$0x70] =	vst.add.f32.msk $0xffff, v3;
	v5 =	vmul.f32 v50, v30  }
0x55d: {  	s9 =	sand.u32 $0x300, s14;
	[tilespmem:s6+$0x30] =	vst.add.f32.msk $0xffff, v2  }
0x55e: {  	s18 =	sadd.s32 s9, s17;
	v2 =	vadd.f32 v4, v5;
	v4 =	vmul.f32 v39, v34;
	v1 =	vadd.f32 v1, v14;
	v5 =	vld [tilespmem:s31+$0x40]  }
0x55f: {  	s17 =	sadd.s32 s1, s24;
	v3 =	vld [tilespmem:s18+$0x0]  }
0x560: {  	v6 =	vmul.f32 v27, v58;
	[tilespmem:s17+$0x0] =	vst.add.f32.msk $0xffff, v2;
	v0 =	vadd.f32 v0, v21;
	v1 =	vadd.f32 v1, v4  }
0x561: {  	v2 =	vld [tilespmem:s22+$0x10]  }
0x562: {  	v0 =	vadd.f32 v0, v6;
	[tilespmem:s15+$0x60] =	vst.add.f32.msk $0xffff, v1  }
0x563: {  	v4 =	vadd.f32 v5, v21;
	v5 =	vld [tilespmem:s19+$0x70]  }
0x564: {  	v3 =	vadd.f32 v3, v17;
	v6 =	vmul.f32 v51, v30;
	[tilespmem:s8+$0x40] =	vst.add.f32.msk $0xffff, v0  }
0x565: {  	v1 =	vmul.f32 v46, v58;
	v0 =	vld [tilespmem:s23+$0x50];
	[tilespmem:$0x1F890] =	vst v17  }
0x566: {  	s14 =	sadd.s32 s10, s13;
	v3 =	vadd.f32 v3, v6;
	[tilespmem:$0x1F8A0] =	vst v30  }
0x567: {  	s16 =	sadd.s32 s9, s24;
	v1 =	vadd.f32 v4, v1;
	v4 =	vld [tilespmem:s14+$0x0]  }
0x568: {  	v63 =	vsub.f32 v35, v13;
	v7 =	vmul.f32 v50, v12;
	v2 =	vadd.f32 v2, v18;
	[tilespmem:s16+$0x0] =	vst.add.f32.msk $0xffff, v3  }
0x569: {  	[tilespmem:s6+$0x40] =	vst.add.f32.msk $0xffff, v1  }
0x56a: {  	v2 =	vadd.f32 v2, v7;
	v7 =	vmul.f32 v39, v63;
	v1 =	vld [tilespmem:s31+$0x50];
	v5 =	vadd.f32 v5, v13  }
0x56b: {  	v3 =	vmul.f32 v27, v59;
	v6 =	vld [tilespmem:s18+$0x10];
	v0 =	vadd.f32 v0, v22  }
0x56c: {  	[tilespmem:s17+$0x10] =	vst.add.f32.msk $0xffff, v2;
	v5 =	vadd.f32 v5, v7  }
0x56d: {  	v0 =	vadd.f32 v0, v3;
	v3 =	vadd.f32 v4, v25;
	v4 =	vld [tilespmem:s22+$0x20]  }
0x56e: {  	v2 =	vmul.f32 v36, v11;
	[tilespmem:s15+$0x70] =	vst.add.f32.msk $0xffff, v5  }
0x56f: {  	v8 =	vmul.f32 v46, v59;
	v1 =	vadd.f32 v1, v22;
	[tilespmem:s8+$0x50] =	vst.add.f32.msk $0xffff, v0  }
0x570: {  	v0 =	vadd.f32 v3, v2;
	v2 =	vld [tilespmem:s23+$0x60];
	[tilespmem:$0x1F8B0] =	vst v12  }
0x571: {  	s11 =	sadd.s32 s10, s12;
	[tilespmem:$0x1F8C0] =	vst v18;
	v1 =	vadd.f32 v1, v8  }
0x572: {  	v5 =	vadd.f32 v6, v18;
	v3 =	vmul.f32 v51, v12;
	[tilespmem:s11+$0x0] =	vst.add.f32.msk $0xffff, v0  }
0x573: {  	[tilespmem:s6+$0x50] =	vst.add.f32.msk $0xffff, v1  }
0x574: {  	v0 =	vmul.f32 v50, v31;
	v3 =	vadd.f32 v5, v3;
	v4 =	vadd.f32 v4, v19;
	v5 =	vld [tilespmem:s14+$0x10]  }
0x575: {  	v1 =	vld [tilespmem:s31+$0x60]  }
0x576: {  	[tilespmem:s16+$0x10] =	vst.add.f32.msk $0xffff, v3;
	v3 =	vmul.f32 v27, v60;
	v0 =	vadd.f32 v4, v0;
	v2 =	vadd.f32 v2, v23  }
0x577: {  	v4 =	vld [tilespmem:s18+$0x20]  }
0x578: {  	[tilespmem:s17+$0x20] =	vst.add.f32.msk $0xffff, v0;
	v0 =	vadd.f32 v2, v3  }
0x579: {  	v2 =	vld [tilespmem:s22+$0x30]  }
0x57a: {  	v3 =	vmul.f32 v46, v60;
	v1 =	vadd.f32 v1, v23;
	[tilespmem:s8+$0x60] =	vst.add.f32.msk $0xffff, v0  }
0x57b: {  	v0 =	vld [tilespmem:s23+$0x70];
	s23 =	sadd.s32 s0, s13  }
0x57c: {  	v8 =	vmul.f32 v36, v9;
	v5 =	vadd.f32 v5, v26;
	v1 =	vadd.f32 v1, v3;
	v3 =	vld [tilespmem:s23+$0x0];
	[tilespmem:$0x1F8D0] =	vst v31  }
0x57d: {  	v6 =	vmul.f32 v51, v31;
	v4 =	vadd.f32 v4, v19;
	[tilespmem:$0x1F8E0] =	vst v19  }
0x57e: {  	v5 =	vadd.f32 v5, v8;
	s13 =	sadd.s32 s3, s13;
	[tilespmem:s6+$0x60] =	vst.add.f32.msk $0xffff, v1  }
0x57f: {  	v4 =	vadd.f32 v4, v6;
	v6 =	vld [tilespmem:s13+$0x0]  }
0x580: {  	v7 =	vmul.f32 v50, v57;
	v2 =	vadd.f32 v2, v20;
	[tilespmem:s11+$0x10] =	vst.add.f32.msk $0xffff, v5  }
0x581: {  	v1 =	vld [tilespmem:s31+$0x70]  }
0x582: {  	[tilespmem:s16+$0x20] =	vst.add.f32.msk $0xffff, v4;
	v2 =	vadd.f32 v2, v7;
	v7 =	vmul.f32 v37, v11;
	v3 =	vadd.f32 v3, v25  }
0x583: {  	v5 =	vld [tilespmem:s14+$0x20]  }
0x584: {  	v4 =	vld [tilespmem:s18+$0x30];
	v3 =	vadd.f32 v3, v7  }
0x585: {  	s0 =	sadd.s32 s0, s12;
	[tilespmem:s17+$0x30] =	vst.add.f32.msk $0xffff, v2  }
0x586: {  	[tilespmem:s0+$0x0] =	vst.add.f32.msk $0xffff, v3  }
0x587: {  	v8 =	vmul.f32 v38, v11;
	v2 =	vld [tilespmem:s22+$0x40];
	v6 =	vadd.f32 v6, v25;
	[tilespmem:$0x1F8F0] =	vst v57  }
0x588: {  	[tilespmem:$0x1F900] =	vst v20  }
0x589: {  	v4 =	vadd.f32 v4, v20;
	v3 =	vadd.f32 v6, v8;
	v6 =	vmul.f32 v51, v57;
	v7 =	vld [tilespmem:s23+$0x10]  }
0x58a: {  	s3 =	sadd.s32 s3, s12;
	v5 =	vadd.f32 v5, v29;
	v8 =	vmul.f32 v36, v61  }
0x58b: {  	[tilespmem:s3+$0x0] =	vst.add.f32.msk $0xffff, v3;
	v4 =	vadd.f32 v4, v6  }
0x58c: {  	v5 =	vadd.f32 v5, v8;
	v6 =	vld [tilespmem:s13+$0x10]  }
0x58d: {  	v3 =	vmul.f32 v50, v58;
	v2 =	vadd.f32 v2, v21;
	[tilespmem:s16+$0x30] =	vst.add.f32.msk $0xffff, v4  }
0x58e: {  	v4 =	vmul.f32 v37, v9;
	[tilespmem:s11+$0x20] =	vst.add.f32.msk $0xffff, v5;
	v7 =	vadd.f32 v7, v26  }
0x58f: {  	v2 =	vadd.f32 v2, v3;
	v3 =	vld [tilespmem:s18+$0x40]  }
0x590: {  	v5 =	vld [tilespmem:s14+$0x30];
	v4 =	vadd.f32 v7, v4  }
0x591: {  	[tilespmem:s17+$0x40] =	vst.add.f32.msk $0xffff, v2  }
0x592: {  	[tilespmem:s0+$0x10] =	vst.add.f32.msk $0xffff, v4  }
0x593: {  	v8 =	vmul.f32 v38, v9;
	v2 =	vld [tilespmem:s22+$0x50];
	v6 =	vadd.f32 v6, v26;
	[tilespmem:$0x1F910] =	vst v58  }
0x594: {  	[tilespmem:$0x1F920] =	vst v21  }
0x595: {  	v3 =	vadd.f32 v3, v21;
	v4 =	vadd.f32 v6, v8;
	v6 =	vmul.f32 v51, v58;
	v7 =	vld [tilespmem:s23+$0x20]  }
0x596: {  	v5 =	vadd.f32 v5, v28;
	v8 =	vmul.f32 v36, v62  }
0x597: {  	[tilespmem:s3+$0x10] =	vst.add.f32.msk $0xffff, v4;
	v3 =	vadd.f32 v3, v6  }
0x598: {  	v2 =	vadd.f32 v2, v22;
	v4 =	vmul.f32 v50, v59;
	v5 =	vadd.f32 v5, v8;
	v6 =	vld [tilespmem:s13+$0x20]  }
0x599: {  	[tilespmem:s16+$0x40] =	vst.add.f32.msk $0xffff, v3  }
0x59a: {  	v2 =	vadd.f32 v2, v4;
	v4 =	vmul.f32 v37, v61;
	[tilespmem:s11+$0x30] =	vst.add.f32.msk $0xffff, v5;
	v7 =	vadd.f32 v7, v29  }
0x59b: {  	v3 =	vld [tilespmem:s18+$0x50]  }
0x59c: {  	v5 =	vld [tilespmem:s14+$0x40];
	v4 =	vadd.f32 v7, v4  }
0x59d: {  	[tilespmem:s17+$0x50] =	vst.add.f32.msk $0xffff, v2  }
0x59e: {  	v8 =	vmul.f32 v38, v61;
	v6 =	vadd.f32 v6, v29;
	[tilespmem:s0+$0x20] =	vst.add.f32.msk $0xffff, v4  }
0x59f: {  	v2 =	vld [tilespmem:s22+$0x60];
	[tilespmem:$0x1F930] =	vst v59  }
0x5a0: {  	v3 =	vadd.f32 v3, v22;
	v4 =	vadd.f32 v6, v8;
	v6 =	vmul.f32 v51, v59;
	[tilespmem:$0x1F940] =	vst v22  }
0x5a1: {  	v5 =	vadd.f32 v5, v16;
	v8 =	vmul.f32 v36, v32;
	v7 =	vld [tilespmem:s23+$0x30]  }
0x5a2: {  	[tilespmem:s3+$0x20] =	vst.add.f32.msk $0xffff, v4;
	v3 =	vadd.f32 v3, v6  }
0x5a3: {  	v5 =	vadd.f32 v5, v8;
	v6 =	vld [tilespmem:s13+$0x30]  }
0x5a4: {  	v2 =	vadd.f32 v2, v23;
	v4 =	vmul.f32 v50, v60;
	[tilespmem:s16+$0x50] =	vst.add.f32.msk $0xffff, v3  }
0x5a5: {  	[tilespmem:s11+$0x40] =	vst.add.f32.msk $0xffff, v5  }
0x5a6: {  	v2 =	vadd.f32 v2, v4;
	v4 =	vmul.f32 v37, v62;
	v3 =	vld [tilespmem:s18+$0x60];
	v7 =	vadd.f32 v7, v28  }
0x5a7: {  	v8 =	vld [tilespmem:s14+$0x50]  }
0x5a8: {  	[tilespmem:s17+$0x60] =	vst.add.f32.msk $0xffff, v2;
	v4 =	vadd.f32 v7, v4  }
0x5a9: {  	v0 =	vadd.f32 v0, v24;
	v5 =	vmul.f32 v27, v10;
	v2 =	vld [tilespmem:s22+$0x70]  }
0x5aa: {  	v6 =	vadd.f32 v6, v28;
	v7 =	vmul.f32 v38, v62;
	[tilespmem:s0+$0x30] =	vst.add.f32.msk $0xffff, v4  }
0x5ab: {  	v0 =	vadd.f32 v0, v5;
	v4 =	vld [tilespmem:s23+$0x40];
	[tilespmem:$0x1F950] =	vst v60  }
0x5ac: {  	v3 =	vadd.f32 v3, v23;
	v5 =	vadd.f32 v6, v7;
	v6 =	vmul.f32 v51, v60;
	[tilespmem:$0x1F960] =	vst v23  }
0x5ad: {  	[tilespmem:s8+$0x70] =	vst.add.f32.msk $0xffff, v0  }
0x5ae: {  	v1 =	vadd.f32 v1, v24;
	[tilespmem:s3+$0x30] =	vst.add.f32.msk $0xffff, v5;
	v0 =	vmul.f32 v46, v10;
	v3 =	vadd.f32 v3, v6  }
0x5af: {  	v7 =	vadd.f32 v8, v15;
	v5 =	vmul.f32 v36, v33;
	v6 =	vld [tilespmem:s13+$0x40]  }
0x5b0: {  	v0 =	vadd.f32 v1, v0;
	[tilespmem:s16+$0x60] =	vst.add.f32.msk $0xffff, v3  }
0x5b1: {  	v3 =	vmul.f32 v37, v32;
	v5 =	vadd.f32 v7, v5;
	v1 =	vld [tilespmem:s18+$0x70];
	v4 =	vadd.f32 v4, v16  }
0x5b2: {  	[tilespmem:s6+$0x70] =	vst.add.f32.msk $0xffff, v0  }
0x5b3: {  	v2 =	vadd.f32 v2, v24;
	[tilespmem:s11+$0x50] =	vst.add.f32.msk $0xffff, v5;
	v0 =	vadd.f32 v4, v3;
	v3 =	vmul.f32 v50, v10  }
0x5b4: {  	v4 =	vld [tilespmem:s14+$0x60];
	[tilespmem:$0x1F970] =	vst v16  }
0x5b5: {  	[tilespmem:s0+$0x40] =	vst.add.f32.msk $0xffff, v0;
	v0 =	vadd.f32 v2, v3  }
0x5b6: {  	v5 =	vmul.f32 v38, v32;
	v6 =	vadd.f32 v6, v16;
	v2 =	vld [tilespmem:s23+$0x50];
	[tilespmem:$0x1F980] =	vst v10  }
0x5b7: {  	s24 =	sadd.s32 $0xA200, s4;
	[tilespmem:s17+$0x70] =	vst.add.f32.msk $0xffff, v0  }
0x5b8: {  	s15 =	sadd.s32 s2, s24;
	v3 =	vmul.f32 v51, v10;
	v5 =	vadd.f32 v6, v5;
	v0 =	vadd.f32 v1, v24;
	[tilespmem:$0x1F990] =	vst v24  }
0x5b9: {  	v1 =	vld [tilespmem:s15+$0x0]  }
0x5ba: {  	v6 =	vmul.f32 v36, v34;
	v4 =	vadd.f32 v4, v14;
	[tilespmem:s3+$0x40] =	vst.add.f32.msk $0xffff, v5;
	v0 =	vadd.f32 v0, v3  }
0x5bb: {  	v3 =	vld [tilespmem:s13+$0x50]  }
0x5bc: {  	s4 =	sadd.s32 s5, s24;
	[tilespmem:s16+$0x70] =	vst.add.f32.msk $0xffff, v0;
	v0 =	vadd.f32 v4, v6  }
0x5bd: {  	v5 =	vld [tilespmem:s4+$0x0];
	v4 =	vmul.f32 v37, v33;
	v2 =	vadd.f32 v2, v15  }
0x5be: {  	[tilespmem:s11+$0x60] =	vst.add.f32.msk $0xffff, v0  }
0x5bf: {  	s10 =	sadd.s32 s1, s24;
	v6 =	vmul.f32 v27, v11;
	v0 =	vadd.f32 v2, v4;
	v1 =	vadd.f32 v1, v25;
	v2 =	vld [tilespmem:s14+$0x70];
	[tilespmem:$0x1F9A0] =	vst v15  }
0x5c0: {  	v4 =	vmul.f32 v38, v33;
	v3 =	vadd.f32 v3, v15;
	v7 =	vld [tilespmem:s10+$0x0]  }
0x5c1: {  	s12 =	sadd.s32 s9, s24;
	s31 =	sadd.s32 $0x10200, s7;
	[tilespmem:s0+$0x50] =	vst.add.f32.msk $0xffff, v0;
	v1 =	vadd.f32 v1, v6  }
0x5c2: {  	s14 =	sadd.s32 s2, s31;
	v0 =	vmul.f32 v46, v11;
	v3 =	vadd.f32 v3, v4;
	v4 =	vadd.f32 v5, v25;
	v5 =	vld [tilespmem:s12+$0x0]  }
0x5c3: {  	[tilespmem:s14+$0x0] =	vst.add.f32.msk $0xffff, v1  }
0x5c4: {  	v1 =	vld [tilespmem:s15+$0x10];
	v0 =	vadd.f32 v4, v0  }
0x5c5: {  	s7 =	sadd.s32 s5, s31;
	[tilespmem:s3+$0x50] =	vst.add.f32.msk $0xffff, v3;
	v3 =	vmul.f32 v50, v11;
	v4 =	vadd.f32 v7, v25  }
0x5c6: {  	[tilespmem:s7+$0x0] =	vst.add.f32.msk $0xffff, v0  }
0x5c7: {  	v0 =	vadd.f32 v4, v3;
	v3 =	vld [tilespmem:s4+$0x10]  }
0x5c8: {  	s5 =	sadd.s32 s1, s31;
	v4 =	vld [tilespmem:s23+$0x60]  }
0x5c9: {  	v6 =	vmul.f32 v27, v9;
	v1 =	vadd.f32 v1, v26;
	[tilespmem:s5+$0x0] =	vst.add.f32.msk $0xffff, v0  }
0x5ca: {  	v5 =	vadd.f32 v5, v25;
	v0 =	vmul.f32 v51, v11;
	[tilespmem:$0x1F9B0] =	vst v11  }
0x5cb: {  	v7 =	vld [tilespmem:s10+$0x10];
	v1 =	vadd.f32 v1, v6  }
0x5cc: {  	[tilespmem:$0x1F9C0] =	vst v25;
	v0 =	vadd.f32 v5, v0  }
0x5cd: {  	s1 =	sadd.s32 s9, s31;
	v8 =	vmul.f32 v46, v9;
	v3 =	vadd.f32 v3, v26;
	[tilespmem:s14+$0x10] =	vst.add.f32.msk $0xffff, v1  }
0x5ce: {  	v5 =	vmul.f32 v37, v34;
	v4 =	vadd.f32 v4, v14;
	[tilespmem:s1+$0x0] =	vst.add.f32.msk $0xffff, v0  }
0x5cf: {  	v1 =	vld [tilespmem:s15+$0x20];
	v3 =	vadd.f32 v3, v8  }
0x5d0: {  	v0 =	vmul.f32 v50, v9;
	v8 =	vld [tilespmem:s12+$0x10];
	v4 =	vadd.f32 v4, v5;
	v7 =	vadd.f32 v7, v26  }
0x5d1: {  	[tilespmem:s7+$0x10] =	vst.add.f32.msk $0xffff, v3  }
0x5d2: {  	[tilespmem:s0+$0x60] =	vst.add.f32.msk $0xffff, v4;
	v0 =	vadd.f32 v7, v0  }
0x5d3: {  	v3 =	vld [tilespmem:s4+$0x20]  }
0x5d4: {  	v4 =	vmul.f32 v27, v61;
	v1 =	vadd.f32 v1, v29;
	[tilespmem:s5+$0x10] =	vst.add.f32.msk $0xffff, v0  }
0x5d5: {  	v6 =	vld [tilespmem:s13+$0x60];
	[tilespmem:$0x1F9D0] =	vst v9  }
0x5d6: {  	v7 =	vadd.f32 v8, v26;
	v0 =	vmul.f32 v51, v9;
	v1 =	vadd.f32 v1, v4;
	v5 =	vld [tilespmem:s10+$0x20];
	[tilespmem:$0x1F9E0] =	vst v26  }
0x5d7: {  	v4 =	vld [tilespmem:s23+$0x70]  }
0x5d8: {  	v8 =	vmul.f32 v46, v61;
	v3 =	vadd.f32 v3, v29;
	v0 =	vadd.f32 v7, v0;
	[tilespmem:s14+$0x20] =	vst.add.f32.msk $0xffff, v1  }
0x5d9: {  	v1 =	vld [tilespmem:s15+$0x30];
	[tilespmem:$0x1F9F0] =	vst v14  }
0x5da: {  	v6 =	vadd.f32 v6, v14;
	v7 =	vmul.f32 v38, v34;
	v3 =	vadd.f32 v3, v8;
	[tilespmem:s1+$0x10] =	vst.add.f32.msk $0xffff, v0  }
0x5db: {  	v0 =	vmul.f32 v50, v61;
	v8 =	vld [tilespmem:s12+$0x20];
	v5 =	vadd.f32 v5, v29  }
0x5dc: {  	v6 =	vadd.f32 v6, v7;
	[tilespmem:s7+$0x20] =	vst.add.f32.msk $0xffff, v3  }
0x5dd: {  	v0 =	vadd.f32 v5, v0;
	v5 =	vld [tilespmem:s4+$0x30];
	[tilespmem:$0x1FA00] =	vst v61  }
0x5de: {  	v2 =	vadd.f32 v2, v13;
	v3 =	vmul.f32 v36, v63;
	[tilespmem:s3+$0x60] =	vst.add.f32.msk $0xffff, v6  }
0x5df: {  	[tilespmem:s5+$0x20] =	vst.add.f32.msk $0xffff, v0  }
0x5e0: {  	v2 =	vadd.f32 v2, v3;
	v0 =	vadd.f32 v1, v28;
	v1 =	vmul.f32 v27, v62;
	v3 =	vld [tilespmem:s10+$0x30];
	[tilespmem:$0x1FA10] =	vst v29  }
0x5e1: {  	v10 =	vmul.f32 v51, v61;
	v8 =	vadd.f32 v8, v29;
	v12 =	vld [tilespmem:s13+$0x70];
	[tilespmem:$0x1FA20] =	vst v62  }
0x5e2: {  	v0 =	vadd.f32 v0, v1;
	[tilespmem:s11+$0x70] =	vst.add.f32.msk $0xffff, v2  }
0x5e3: {  	v48 =	vmul.f32 v46, v32;
	v2 =	vadd.f32 v8, v10;
	[tilespmem:$0x1FA30] =	vst v32  }
0x5e4: {  	v47 =	vmul.f32 v50, v32;
	v45 =	vmul.f32 v51, v32;
	[tilespmem:s14+$0x30] =	vst.add.f32.msk $0xffff, v0  }
0x5e5: {  	v42 =	vmul.f32 v46, v33;
	v6 =	vmul.f32 v46, v62;
	v1 =	vadd.f32 v5, v28;
	[tilespmem:s1+$0x20] =	vst.add.f32.msk $0xffff, v2  }
0x5e6: {  	v43 =	vmul.f32 v50, v33;
	v44 =	vmul.f32 v51, v33;
	[tilespmem:$0x1FA40] =	vst v33  }
0x5e7: {  	v41 =	vmul.f32 v50, v34;
	v40 =	vmul.f32 v51, v34;
	v1 =	vadd.f32 v1, v6;
	v2 =	vld [tilespmem:s15+$0x40];
	[tilespmem:$0x1FA50] =	vst v28  }
0x5e8: {  	v49 =	vmul.f32 v51, v62;
	v11 =	vmul.f32 v50, v62;
	[tilespmem:$0x1FA60] =	vst v13  }
0x5e9: {  	v9 =	vmul.f32 v38, v63;
	v7 =	vmul.f32 v37, v63;
	v0 =	vadd.f32 v4, v13;
	[tilespmem:s7+$0x30] =	vst.add.f32.msk $0xffff, v1  }
0x5ea: {  	v14 =	vmul.f32 v46, v34;
	v3 =	vadd.f32 v3, v28;
	v6 =	vadd.f32 v12, v13;
	[tilespmem:$0x1FA70] =	vst v34  }
0x5eb: {  	v10 =	vmul.f32 v46, v63;
	v8 =	vmul.f32 v51, v63;
	v0 =	vadd.f32 v0, v7;
	v4 =	vld [tilespmem:s12+$0x30];
	[tilespmem:$0x1FA80] =	vst v63  }
0x5ec: {  	s13 =	simm.s32 $0x4;
	v5 =	vadd.f32 v3, v11;
	v11 =	vmul.f32 v50, v63;
	v1 =	vadd.f32 v6, v9;
	v3 =	vld [tilespmem:s4+$0x40]  }
.LBB2_7:
0x5ed: {  	v23 =	vld [tilespmem:$0x1F970]  }
0x5ee: {  	v24 =	vld [tilespmem:$0x1FA30]  }
0x5ef: {  	v35 =	vld [tilespmem:$0x1FA50]  }
0x5f0: {  	v32 =	vld [tilespmem:$0x1F9A0]  }
0x5f1: {  	v26 =	vld [tilespmem:$0x1FA40]  }
0x5f2: {  	v13 =	vld [tilespmem:$0x1F890]  }
0x5f3: {  	v15 =	vld [tilespmem:$0x1F8A0]  }
0x5f4: {  	v20 =	vld [tilespmem:$0x1F8B0]  }
0x5f5: {  	v21 =	vld [tilespmem:$0x1F8D0]  }
0x5f6: {  	v29 =	vld [tilespmem:$0x1F8F0]  }
0x5f7: {  	v36 =	vld [tilespmem:$0x1F910]  }
0x5f8: {  	v53 =	vld [tilespmem:$0x1F930]  }
0x5f9: {  	v31 =	vld [tilespmem:$0x1F9F0]  }
0x5fa: {  	v34 =	vld [tilespmem:$0x1FA70]  }
0x5fb: {  	v22 =	vld [tilespmem:$0x1F8C0]  }
0x5fc: {  	v55 =	vld [tilespmem:$0x1F950]  }
0x5fd: {  	v56 =	vld [tilespmem:$0x1F980]  }
0x5fe: {  	v37 =	vld [tilespmem:$0x1F9B0]  }
0x5ff: {  	v30 =	vld [tilespmem:$0x1FA60]  }
0x600: {  	v38 =	vld [tilespmem:$0x1F9D0]  }
0x601: {  	[tilespmem:s5+$0x30] =	vst.add.f32.msk $0xffff, v5  }
0x602: {  	s13 =	sadd.s32 $0x4, s13;
	s30 =	sadd.s32 $0x200, s30;
	[tilespmem:s3+$0x70] =	vst.add.f32.msk $0xffff, v1;
	v2 =	vadd.f32 v2, v23;
	v5 =	vmul.f32 v27, v24  }
0x603: {  	s2 =	sshrl.u32 s13, $0x3;
	v54 =	vld [tilespmem:s30+$0xFFFFFF00]  }
0x604: {  	v6 =	vld [tilespmem:s10+$0x40];
	s8 =	smul.u32 $0x1800, s2;
	v2 =	vadd.f32 v2, v5  }
0x605: {  	[tilespmem:s0+$0x70] =	vst.add.f32.msk $0xffff, v0  }
0x606: {  	s29 =	sadd.s32 $0x200, s29;
	s18 =	sadd.s32 s26, s8;
	v4 =	vadd.f32 v4, v35;
	[tilespmem:s14+$0x40] =	vst.add.f32.msk $0xffff, v2  }
0x607: {  	s2 =	sand.u32 $0x380, s29;
	v0 =	vadd.f32 v3, v23;
	s31 =	sadd.s32 $0x9E00, s18;
	v2 =	vld [tilespmem:s15+$0x50]  }
0x608: {  	[tilespmem:$0x1F840] =	vst v10;
	s11 =	sadd.s32 $0xFFFFFE80, s29;
	s22 =	sadd.s32 s2, s31;
	v1 =	vadd.f32 v4, v49;
	v10 =	vld [tilespmem:s30+$0x80]  }
0x609: {  	s6 =	sadd.s32 $0xFFFFFF00, s29;
	s0 =	smov.u32 s5;
	s5 =	sand.u32 $0x200, s11;
	v4 =	vadd.f32 v0, v48;
	v0 =	vadd.f32 v6, v23;
	v3 =	vld [tilespmem:s22+$0x0]  }
0x60a: {  	s16 =	sand.u32 $0x280, s6;
	s11 =	sadd.s32 $0xFFFFFF80, s29;
	v59 =	vld [tilespmem:s30+$0xFFFFFF80];
	s6 =	sadd.s32 s5, s31  }
0x60b: {  	s17 =	sand.u32 $0x300, s11;
	s9 =	sadd.s32 s16, s31;
	v12 =	vadd.f32 v0, v47;
	v0 =	vld [tilespmem:s6+$0x0]  }
0x60c: {  	s3 =	smov.u32 s1;
	s1 =	sadd.s32 s17, s31;
	v5 =	vld [tilespmem:s9+$0x0];
	v6 =	vmul.f32 v27, v26;
	v2 =	vadd.f32 v2, v32  }
0x60d: {  	v7 =	vld [tilespmem:s1+$0x0]  }
0x60e: {  	[tilespmem:$0x1F880] =	vst v8;
	v16 =	vld [tilespmem:s30+$0x0];
	v3 =	vadd.f32 v3, v13;
	v8 =	vmul.f32 v10, v15;
	v2 =	vadd.f32 v2, v6  }
0x60f: {  	s19 =	sadd.s32 s28, s8;
	[tilespmem:s3+$0x30] =	vst.add.f32.msk $0xffff, v1  }
0x610: {  	s24 =	sadd.s32 $0xFE00, s19;
	v0 =	vadd.f32 v0, v13;
	v6 =	vmul.f32 v54, v15;
	v9 =	vadd.f32 v3, v8;
	[tilespmem:s14+$0x50] =	vst.add.f32.msk $0xffff, v2  }
0x611: {  	s23 =	sadd.s32 s2, s24;
	v2 =	vadd.f32 v5, v13;
	v5 =	vld [tilespmem:s15+$0x60]  }
0x612: {  	v0 =	vadd.f32 v0, v6;
	v6 =	vadd.f32 v7, v13;
	v7 =	vmul.f32 v59, v15;
	[tilespmem:s23+$0x0] =	vst.add.f32.msk $0xffff, v9  }
0x613: {  	s11 =	sadd.s32 s5, s24;
	v9 =	vld [tilespmem:s22+$0x10]  }
0x614: {  	[tilespmem:s11+$0x0] =	vst.add.f32.msk $0xffff, v0;
	v0 =	vmul.f32 v16, v15;
	v2 =	vadd.f32 v2, v7  }
0x615: {  	s8 =	sadd.s32 s16, s24;
	v58 =	vld [tilespmem:s6+$0x10]  }
0x616: {  	v0 =	vadd.f32 v6, v0;
	[tilespmem:s8+$0x0] =	vst.add.f32.msk $0xffff, v2;
	v1 =	vadd.f32 v5, v31;
	v5 =	vmul.f32 v27, v34  }
0x617: {  	s31 =	sadd.s32 s17, s24;
	v50 =	vld [tilespmem:s9+$0x10]  }
0x618: {  	[tilespmem:s31+$0x0] =	vst.add.f32.msk $0xffff, v0;
	v1 =	vadd.f32 v1, v5  }
0x619: {  	v2 =	vmul.f32 v10, v20;
	v0 =	vadd.f32 v9, v22;
	v52 =	vld [tilespmem:s1+$0x10]  }
0x61a: {  	[tilespmem:s14+$0x60] =	vst.add.f32.msk $0xffff, v1  }
0x61b: {  	[tilespmem:$0x1F850] =	vst v11;
	v11 =	vmul.f32 v54, v20;
	v5 =	vadd.f32 v58, v22;
	v0 =	vadd.f32 v0, v2;
	v33 =	vld [tilespmem:s15+$0x70]  }
0x61c: {  	v58 =	vld [tilespmem:$0x1FA80]  }
0x61d: {  	v11 =	vadd.f32 v5, v11;
	[tilespmem:s23+$0x10] =	vst.add.f32.msk $0xffff, v0  }
0x61e: {  	[tilespmem:$0x1F800] =	vst v14;
	v51 =	vld [tilespmem:s22+$0x20]  }
0x61f: {  	v14 =	vmul.f32 v54, v29;
	v46 =	vmul.f32 v59, v20;
	v50 =	vadd.f32 v50, v22;
	[tilespmem:s11+$0x10] =	vst.add.f32.msk $0xffff, v11  }
0x620: {  	v62 =	vmul.f32 v54, v37;
	v11 =	vmul.f32 v16, v37;
	v49 =	vadd.f32 v33, v30;
	v33 =	vld [tilespmem:$0x1F8E0]  }
0x621: {  	v39 =	vld [tilespmem:$0x1FA00];
	v48 =	vmul.f32 v16, v20;
	v18 =	vmul.f32 v16, v21;
	v46 =	vadd.f32 v50, v46  }
0x622: {  	v17 =	vmul.f32 v16, v29;
	v60 =	vmul.f32 v59, v21;
	[tilespmem:$0x1F810] =	vst v11;
	v11 =	vld [tilespmem:s6+$0x20]  }
0x623: {  	v47 =	vmul.f32 v54, v21;
	v50 =	vmul.f32 v27, v58;
	v27 =	vmov v10;
	[tilespmem:s8+$0x10] =	vst.add.f32.msk $0xffff, v46  }
0x624: {  	v10 =	vmul.f32 v54, v38;
	v57 =	vmul.f32 v27, v21;
	v21 =	vld [tilespmem:s9+$0x20]  }
0x625: {  	v63 =	vmul.f32 v16, v56;
	v22 =	vadd.f32 v52, v22;
	[tilespmem:s7+$0x40] =	vst.add.f32.msk $0xffff, v4;
	v46 =	vadd.f32 v51, v33  }
0x626: {  	v25 =	vmul.f32 v16, v39;
	[tilespmem:$0x1F820] =	vst v10;
	v10 =	vmul.f32 v59, v38  }
0x627: {  	v19 =	vmul.f32 v59, v29;
	v22 =	vadd.f32 v22, v48;
	v20 =	vadd.f32 v46, v57;
	v57 =	vld [tilespmem:$0x1FA20]  }
0x628: {  	v8 =	vmul.f32 v54, v36;
	v3 =	vmul.f32 v54, v53;
	[tilespmem:$0x1F830] =	vst v10;
	v10 =	vld [tilespmem:s12+$0x40]  }
0x629: {  	v13 =	vmul.f32 v16, v36;
	[tilespmem:s31+$0x10] =	vst.add.f32.msk $0xffff, v22;
	v49 =	vadd.f32 v49, v50;
	v21 =	vadd.f32 v21, v33  }
0x62a: {  	[tilespmem:$0x1F860] =	vst v25;
	v7 =	vmul.f32 v16, v53;
	v6 =	vmul.f32 v54, v55;
	v25 =	vld [tilespmem:s1+$0x20]  }
0x62b: {  	v2 =	vmul.f32 v54, v56;
	v1 =	vmul.f32 v16, v55;
	[tilespmem:s14+$0x70] =	vst.add.f32.msk $0xffff, v49;
	v21 =	vadd.f32 v21, v60  }
0x62c: {  	v48 =	vmul.f32 v54, v24;
	v11 =	vadd.f32 v11, v33;
	[tilespmem:s23+$0x20] =	vst.add.f32.msk $0xffff, v20;
	v4 =	vmul.f32 v59, v57  }
0x62d: {  	v50 =	vmul.f32 v16, v38;
	v51 =	vmul.f32 v54, v39;
	[tilespmem:s8+$0x20] =	vst.add.f32.msk $0xffff, v21  }
0x62e: {  	v60 =	vmul.f32 v54, v58;
	[tilespmem:$0x1F870] =	vst v4;
	v4 =	vadd.f32 v10, v23;
	v10 =	vadd.f32 v11, v47  }
0x62f: {  	v21 =	vmul.f32 v27, v29;
	v20 =	vld [tilespmem:s22+$0x30];
	v46 =	vmul.f32 v54, v57  }
0x630: {  	v49 =	vmul.f32 v16, v57;
	v11 =	vmul.f32 v54, v34;
	[tilespmem:s11+$0x20] =	vst.add.f32.msk $0xffff, v10  }
0x631: {  	v22 =	vadd.f32 v4, v45;
	v10 =	vmul.f32 v59, v34;
	v4 =	vmul.f32 v16, v34;
	v34 =	vld [tilespmem:$0x1F900]  }
0x632: {  	v33 =	vadd.f32 v25, v33;
	v47 =	vmul.f32 v59, v24;
	v23 =	vmul.f32 v54, v26  }
0x633: {  	v54 =	vmul.f32 v16, v58;
	v45 =	vmul.f32 v16, v24;
	v28 =	vld [tilespmem:s6+$0x30]  }
0x634: {  	v29 =	vld [tilespmem:s9+$0x30];
	v24 =	vmul.f32 v59, v26;
	v26 =	vmul.f32 v16, v26;
	v16 =	vadd.f32 v33, v18  }
0x635: {  	[tilespmem:s3+$0x40] =	vst.add.f32.msk $0xffff, v22  }
0x636: {  	[tilespmem:s31+$0x20] =	vst.add.f32.msk $0xffff, v16;
	v20 =	vadd.f32 v20, v34  }
0x637: {  	v61 =	vmul.f32 v59, v37;
	v16 =	vld [tilespmem:s1+$0x30]  }
0x638: {  	v15 =	vmul.f32 v59, v36;
	[tilespmem:s0+$0x40] =	vst.add.f32.msk $0xffff, v12;
	v12 =	vadd.f32 v28, v34;
	v20 =	vadd.f32 v20, v21  }
0x639: {  	v9 =	vmul.f32 v59, v53;
	v5 =	vmul.f32 v59, v55;
	v21 =	vld [tilespmem:$0x1F920]  }
0x63a: {  	v0 =	vmul.f32 v59, v56;
	v12 =	vadd.f32 v12, v14;
	v14 =	vadd.f32 v29, v34;
	[tilespmem:s23+$0x30] =	vst.add.f32.msk $0xffff, v20  }
0x63b: {  	v52 =	vmul.f32 v59, v39;
	v59 =	vmul.f32 v59, v58;
	v58 =	vld [tilespmem:s22+$0x40]  }
0x63c: {  	v16 =	vadd.f32 v16, v34;
	[tilespmem:s11+$0x30] =	vst.add.f32.msk $0xffff, v12;
	v12 =	vadd.f32 v14, v19  }
0x63d: {  	v14 =	vld [tilespmem:s6+$0x40]  }
0x63e: {  	v16 =	vadd.f32 v16, v17;
	[tilespmem:s8+$0x30] =	vst.add.f32.msk $0xffff, v12  }
0x63f: {  	v33 =	vmul.f32 v27, v36;
	v36 =	vld [tilespmem:s9+$0x40]  }
0x640: {  	[tilespmem:s31+$0x30] =	vst.add.f32.msk $0xffff, v16  }
0x641: {  	v16 =	vld [tilespmem:s1+$0x40];
	v12 =	vadd.f32 v58, v21  }
0x642: {  	v58 =	vld [tilespmem:s4+$0x50];
	v14 =	vadd.f32 v14, v21  }
0x643: {  	v12 =	vadd.f32 v12, v33;
	v33 =	vld [tilespmem:s10+$0x50]  }
0x644: {  	v8 =	vadd.f32 v14, v8;
	v14 =	vadd.f32 v36, v21;
	v36 =	vld [tilespmem:$0x1F940]  }
0x645: {  	[tilespmem:s23+$0x40] =	vst.add.f32.msk $0xffff, v12  }
0x646: {  	v12 =	vld [tilespmem:s22+$0x50]  }
0x647: {  	[tilespmem:s11+$0x40] =	vst.add.f32.msk $0xffff, v8  }
0x648: {  	v34 =	vadd.f32 v58, v32;
	v8 =	vadd.f32 v14, v15;
	v58 =	vld [tilespmem:$0x1F960]  }
0x649: {  	v15 =	vld [tilespmem:s6+$0x50]  }
0x64a: {  	v16 =	vadd.f32 v16, v21;
	v17 =	vadd.f32 v34, v42;
	[tilespmem:s8+$0x40] =	vst.add.f32.msk $0xffff, v8  }
0x64b: {  	v8 =	vadd.f32 v12, v36;
	v12 =	vmul.f32 v27, v53;
	v53 =	vld [tilespmem:s9+$0x50]  }
0x64c: {  	v13 =	vadd.f32 v16, v13;
	[tilespmem:s7+$0x50] =	vst.add.f32.msk $0xffff, v17  }
0x64d: {  	v8 =	vadd.f32 v8, v12;
	v12 =	vld [tilespmem:s12+$0x50]  }
0x64e: {  	v15 =	vadd.f32 v15, v36;
	[tilespmem:s31+$0x40] =	vst.add.f32.msk $0xffff, v13  }
0x64f: {  	[tilespmem:s23+$0x50] =	vst.add.f32.msk $0xffff, v8  }
0x650: {  	v3 =	vadd.f32 v15, v3;
	v8 =	vld [tilespmem:s22+$0x60];
	v15 =	vadd.f32 v53, v36  }
0x651: {  	v13 =	vld [tilespmem:s1+$0x50]  }
0x652: {  	v14 =	vadd.f32 v33, v32;
	[tilespmem:s11+$0x50] =	vst.add.f32.msk $0xffff, v3;
	v3 =	vadd.f32 v15, v9  }
0x653: {  	v12 =	vadd.f32 v12, v32;
	v9 =	vld [tilespmem:s6+$0x60]  }
0x654: {  	v14 =	vadd.f32 v14, v43;
	[tilespmem:s8+$0x50] =	vst.add.f32.msk $0xffff, v3  }
0x655: {  	v12 =	vadd.f32 v12, v44;
	v3 =	vadd.f32 v8, v58;
	v8 =	vmul.f32 v27, v55;
	v15 =	vld [tilespmem:s9+$0x60]  }
0x656: {  	[tilespmem:s0+$0x50] =	vst.add.f32.msk $0xffff, v14  }
0x657: {  	v13 =	vadd.f32 v13, v36;
	[tilespmem:s3+$0x50] =	vst.add.f32.msk $0xffff, v12;
	v3 =	vadd.f32 v3, v8  }
0x658: {  	v12 =	vld [tilespmem:$0x1F990]  }
0x659: {  	v7 =	vadd.f32 v13, v7;
	v8 =	vadd.f32 v9, v58;
	[tilespmem:s23+$0x60] =	vst.add.f32.msk $0xffff, v3  }
0x65a: {  	v3 =	vld [tilespmem:s22+$0x70]  }
0x65b: {  	[tilespmem:s31+$0x50] =	vst.add.f32.msk $0xffff, v7;
	v6 =	vadd.f32 v8, v6;
	v8 =	vadd.f32 v15, v58  }
0x65c: {  	v7 =	vld [tilespmem:s1+$0x60]  }
0x65d: {  	[tilespmem:s11+$0x60] =	vst.add.f32.msk $0xffff, v6;
	v5 =	vadd.f32 v8, v5  }
0x65e: {  	v6 =	vld [tilespmem:s6+$0x70]  }
0x65f: {  	[tilespmem:s8+$0x60] =	vst.add.f32.msk $0xffff, v5;
	v5 =	vmul.f32 v27, v56;
	v3 =	vadd.f32 v3, v12  }
0x660: {  	v8 =	vld [tilespmem:s9+$0x70]  }
0x661: {  	v3 =	vadd.f32 v3, v5  }
0x662: {  	s14 =	sadd.s32 $0xA200, s18;
	v9 =	vld [tilespmem:s10+$0x60]  }
0x663: {  	s15 =	sadd.s32 s2, s14;
	v6 =	vadd.f32 v6, v12;
	[tilespmem:s23+$0x70] =	vst.add.f32.msk $0xffff, v3  }
0x664: {  	v7 =	vadd.f32 v7, v58;
	v3 =	vld [tilespmem:s15+$0x0]  }
0x665: {  	v2 =	vadd.f32 v6, v2;
	v6 =	vadd.f32 v8, v12;
	v8 =	vld [tilespmem:$0x1F9C0]  }
0x666: {  	v1 =	vadd.f32 v7, v1;
	v7 =	vld [tilespmem:$0x1F800]  }
0x667: {  	v5 =	vld [tilespmem:s4+$0x60]  }
0x668: {  	[tilespmem:s31+$0x60] =	vst.add.f32.msk $0xffff, v1;
	v0 =	vadd.f32 v6, v0  }
0x669: {  	v1 =	vld [tilespmem:s1+$0x70]  }
0x66a: {  	[tilespmem:s8+$0x70] =	vst.add.f32.msk $0xffff, v0;
	v0 =	vadd.f32 v3, v8;
	v3 =	vmul.f32 v27, v37;
	_ =	sdelay $0x1  }
0x66b: {  	v0 =	vadd.f32 v0, v3;
	v3 =	vld [tilespmem:s12+$0x60]  }
0x66c: {  	v5 =	vadd.f32 v5, v31  }
0x66d: {  	s18 =	sadd.s32 s5, s14;
	[tilespmem:s11+$0x70] =	vst.add.f32.msk $0xffff, v2;
	v1 =	vadd.f32 v1, v12  }
0x66e: {  	s22 =	sadd.s32 s16, s14;
	v6 =	vld [tilespmem:s18+$0x0];
	v5 =	vadd.f32 v5, v7  }
0x66f: {  	v7 =	vld [tilespmem:s22+$0x0];
	v1 =	vadd.f32 v1, v63  }
0x670: {  	[tilespmem:s7+$0x60] =	vst.add.f32.msk $0xffff, v5;
	v3 =	vadd.f32 v3, v31  }
0x671: {  	s6 =	sadd.s32 s17, s14;
	s23 =	sadd.s32 $0x10200, s19;
	[tilespmem:s31+$0x70] =	vst.add.f32.msk $0xffff, v1  }
0x672: {  	s14 =	sadd.s32 s2, s23;
	v1 =	vld [tilespmem:s6+$0x0];
	v3 =	vadd.f32 v3, v40  }
0x673: {  	v5 =	vadd.f32 v6, v8;
	[tilespmem:s14+$0x0] =	vst.add.f32.msk $0xffff, v0  }
0x674: {  	[tilespmem:s3+$0x60] =	vst.add.f32.msk $0xffff, v3  }
0x675: {  	v5 =	vadd.f32 v5, v62;
	v3 =	vld [tilespmem:$0x1F810]  }
0x676: {  	s24 =	sadd.s32 s5, s23;
	v6 =	vadd.f32 v7, v8;
	v7 =	vld [tilespmem:$0x1F9E0]  }
0x677: {  	[tilespmem:s24+$0x0] =	vst.add.f32.msk $0xffff, v5  }
0x678: {  	v5 =	vadd.f32 v6, v61;
	v6 =	vld [tilespmem:s18+$0x10];
	v1 =	vadd.f32 v1, v8  }
0x679: {  	v2 =	vadd.f32 v9, v31;
	v0 =	vld [tilespmem:s15+$0x10]  }
0x67a: {  	s5 =	sadd.s32 s16, s23;
	v1 =	vadd.f32 v1, v3;
	v3 =	vld [tilespmem:$0x1F820]  }
0x67b: {  	v2 =	vadd.f32 v2, v41;
	[tilespmem:s5+$0x0] =	vst.add.f32.msk $0xffff, v5  }
0x67c: {  	v5 =	vld [tilespmem:s22+$0x10]  }
0x67d: {  	[tilespmem:s0+$0x60] =	vst.add.f32.msk $0xffff, v2;
	v2 =	vadd.f32 v6, v7  }
0x67e: {  	s1 =	sadd.s32 s17, s23  }
0x67f: {  	[tilespmem:s1+$0x0] =	vst.add.f32.msk $0xffff, v1;
	v2 =	vadd.f32 v2, v3  }
0x680: {  	v40 =	vmov v4;
	v4 =	vmul.f32 v27, v38;
	v0 =	vadd.f32 v0, v7;
	v1 =	vld [tilespmem:s6+$0x10]  }
0x681: {  	[tilespmem:s24+$0x10] =	vst.add.f32.msk $0xffff, v2  }
0x682: {  	v0 =	vadd.f32 v0, v4;
	v2 =	vld [tilespmem:$0x1F830]  }
0x683: {  	v8 =	vld [tilespmem:$0x1FA10]  }
0x684: {  	[tilespmem:s14+$0x10] =	vst.add.f32.msk $0xffff, v0  }
0x685: {  	v0 =	vld [tilespmem:s15+$0x20];
	v3 =	vadd.f32 v5, v7;
	_ =	sdelay $0x1  }
0x686: {  	v6 =	vld [tilespmem:$0x1F840];
	v1 =	vadd.f32 v1, v7;
	v2 =	vadd.f32 v3, v2  }
0x687: {  	v3 =	vld [tilespmem:s18+$0x20]  }
0x688: {  	v1 =	vadd.f32 v1, v50;
	[tilespmem:s5+$0x10] =	vst.add.f32.msk $0xffff, v2  }
0x689: {  	v0 =	vadd.f32 v0, v8;
	v2 =	vmul.f32 v27, v39;
	v4 =	vld [tilespmem:s22+$0x20]  }
0x68a: {  	[tilespmem:s1+$0x10] =	vst.add.f32.msk $0xffff, v1  }
0x68b: {  	v0 =	vadd.f32 v0, v2;
	v2 =	vld [tilespmem:s4+$0x70]  }
0x68c: {  	v5 =	vld [tilespmem:s10+$0x70];
	v3 =	vadd.f32 v3, v8  }
0x68d: {  	[tilespmem:s14+$0x20] =	vst.add.f32.msk $0xffff, v0  }
0x68e: {  	v0 =	vld [tilespmem:s15+$0x30];
	v3 =	vadd.f32 v3, v51;
	v4 =	vadd.f32 v4, v8  }
0x68f: {  	v1 =	vld [tilespmem:s6+$0x20]  }
0x690: {  	s4 =	smov.u32 s18;
	v2 =	vadd.f32 v2, v30;
	[tilespmem:s24+$0x20] =	vst.add.f32.msk $0xffff, v3;
	v3 =	vadd.f32 v4, v52  }
0x691: {  	v4 =	vadd.f32 v5, v30;
	v5 =	vld [tilespmem:s4+$0x30]  }
0x692: {  	v2 =	vadd.f32 v2, v6;
	[tilespmem:s5+$0x20] =	vst.add.f32.msk $0xffff, v3  }
0x693: {  	v3 =	vadd.f32 v0, v35;
	v0 =	vld [tilespmem:$0x1F850]  }
0x694: {  	v6 =	vmul.f32 v27, v57;
	[tilespmem:s7+$0x70] =	vst.add.f32.msk $0xffff, v2  }
0x695: {  	v2 =	vld [tilespmem:$0x1F860]  }
0x696: {  	v3 =	vadd.f32 v3, v6;
	v5 =	vadd.f32 v5, v35  }
0x697: {  	v6 =	vld [tilespmem:s12+$0x70]  }
0x698: {  	s10 =	smov.u32 s22;
	v1 =	vadd.f32 v1, v8;
	[tilespmem:s14+$0x30] =	vst.add.f32.msk $0xffff, v3;
	v3 =	vadd.f32 v5, v46  }
0x699: {  	s7 =	smov.u32 s24;
	v0 =	vadd.f32 v4, v0;
	v4 =	vld [tilespmem:s10+$0x30]  }
0x69a: {  	v1 =	vadd.f32 v1, v2;
	[tilespmem:s7+$0x30] =	vst.add.f32.msk $0xffff, v3  }
0x69b: {  	v3 =	vld [tilespmem:$0x1F870]  }
0x69c: {  	[tilespmem:s1+$0x20] =	vst.add.f32.msk $0xffff, v1  }
0x69d: {  	p0 =	slt.u32 s13, $0xC;
	v1 =	vadd.f32 v6, v30;
	v6 =	vld [tilespmem:$0x1F880]  }
.Ltmp2:
0x69e: {  	_ = 	snop;
	(pc) =	sbr.rel @p0 .LBB2_7-.Ltmp2, $4  }
0x69f: {  	_ = 	snop  }
0x6a0: {  	s12 =	smov.u32 s6;
	v2 =	vld [tilespmem:s15+$0x40];
	v5 =	vadd.f32 v4, v35  }
0x6a1: {  	v42 =	vmovc v23;
	v43 =	vmovc v24;
	v44 =	vmov v26;
	v14 =	vmov v11;
	v11 =	vmov v59;
	v4 =	vld [tilespmem:s12+$0x30]  }
0x6a2: {  	v41 =	vmovc v10;
	v10 =	vmovc v60;
	v8 =	vmov v54;
	v5 =	vadd.f32 v5, v3;
	v3 =	vld [tilespmem:s4+$0x40];
	v1 =	vadd.f32 v1, v6  }
0x6a3: {  	v6 =	vld [tilespmem:$0x1FA50];
	_ =	sdelay $0x4  }
0x6a4: {  	v4 =	vadd.f32 v4, v6;
	_ =	sdelay $0x1  }
0x6a5: {  	v4 =	vadd.f32 v4, v49  }
0x6a6: {  	[tilespmem:s5+$0x30] =	vst.add.f32.msk $0xffff, v5  }
0x6a7: {  	[tilespmem:s1+$0x30] =	vst.add.f32.msk $0xffff, v4  }
0x6a8: {  	v7 =	vld [tilespmem:$0x1F970]  }
0x6a9: {  	v32 =	vld [tilespmem:$0x1FA30];
	_ =	sdelay $0x1  }
0x6aa: {  	v5 =	vld [tilespmem:s10+$0x40]  }
0x6ab: {  	v4 =	vld [tilespmem:s12+$0x40];
	_ =	sdelay $0x1  }
0x6ac: {  	v2 =	vadd.f32 v2, v7;
	v6 =	vmul.f32 v27, v32  }
0x6ad: {  	v3 =	vadd.f32 v3, v7  }
0x6ae: {  	v5 =	vadd.f32 v5, v7;
	v2 =	vadd.f32 v2, v6  }
0x6af: {  	v34 =	vadd.f32 v4, v7;
	v33 =	vadd.f32 v3, v48  }
0x6b0: {  	v5 =	vadd.f32 v5, v47;
	[tilespmem:s14+$0x40] =	vst.add.f32.msk $0xffff, v2  }
0x6b1: {  	v36 =	vadd.f32 v34, v45;
	[tilespmem:s7+$0x40] =	vst.add.f32.msk $0xffff, v33  }
0x6b2: {  	[tilespmem:s5+$0x40] =	vst.add.f32.msk $0xffff, v5  }
0x6b3: {  	[tilespmem:s1+$0x40] =	vst.add.f32.msk $0xffff, v36  }
0x6b4: {  	v35 =	vld [tilespmem:s15+$0x50]  }
0x6b5: {  	v45 =	vld [tilespmem:$0x1F9A0]  }
0x6b6: {  	v46 =	vld [tilespmem:$0x1FA40]  }
0x6b7: {  	v37 =	vld [tilespmem:s4+$0x50]  }
0x6b8: {  	v38 =	vld [tilespmem:s10+$0x50]  }
0x6b9: {  	v39 =	vld [tilespmem:s12+$0x50];
	_ =	sdelay $0x1  }
0x6ba: {  	v4 =	vadd.f32 v35, v45;
	v6 =	vmul.f32 v27, v46  }
0x6bb: {  	v2 =	vadd.f32 v37, v45  }
0x6bc: {  	v3 =	vadd.f32 v38, v45;
	v4 =	vadd.f32 v4, v6  }
0x6bd: {  	v47 =	vadd.f32 v39, v45;
	v2 =	vadd.f32 v2, v42  }
0x6be: {  	v3 =	vadd.f32 v3, v43;
	[tilespmem:s14+$0x50] =	vst.add.f32.msk $0xffff, v4  }
0x6bf: {  	v49 =	vadd.f32 v47, v44;
	[tilespmem:s7+$0x50] =	vst.add.f32.msk $0xffff, v2  }
0x6c0: {  	[tilespmem:s5+$0x50] =	vst.add.f32.msk $0xffff, v3  }
0x6c1: {  	[tilespmem:s1+$0x50] =	vst.add.f32.msk $0xffff, v49  }
0x6c2: {  	v48 =	vld [tilespmem:s15+$0x60]  }
0x6c3: {  	v52 =	vld [tilespmem:$0x1F9F0]  }
0x6c4: {  	v53 =	vld [tilespmem:$0x1FA70]  }
0x6c5: {  	v50 =	vld [tilespmem:s4+$0x60]  }
0x6c6: {  	v3 =	vld [tilespmem:s10+$0x60]  }
0x6c7: {  	v51 =	vld [tilespmem:s12+$0x60];
	_ =	sdelay $0x1  }
0x6c8: {  	v5 =	vadd.f32 v48, v52;
	v6 =	vmul.f32 v27, v53  }
0x6c9: {  	v2 =	vadd.f32 v50, v52  }
0x6ca: {  	v3 =	vadd.f32 v3, v52;
	v5 =	vadd.f32 v5, v6  }
0x6cb: {  	v4 =	vadd.f32 v51, v52;
	v2 =	vadd.f32 v2, v14  }
0x6cc: {  	v3 =	vadd.f32 v3, v41;
	[tilespmem:s14+$0x60] =	vst.add.f32.msk $0xffff, v5  }
0x6cd: {  	v54 =	vadd.f32 v4, v40;
	[tilespmem:s7+$0x60] =	vst.add.f32.msk $0xffff, v2  }
0x6ce: {  	[tilespmem:s5+$0x60] =	vst.add.f32.msk $0xffff, v3  }
0x6cf: {  	[tilespmem:s1+$0x60] =	vst.add.f32.msk $0xffff, v54  }
0x6d0: {  	v5 =	vld [tilespmem:s15+$0x70]  }
0x6d1: {  	v57 =	vld [tilespmem:$0x1FA60]  }
0x6d2: {  	v58 =	vld [tilespmem:$0x1FA80]  }
0x6d3: {  	v55 =	vld [tilespmem:s4+$0x70]  }
0x6d4: {  	v3 =	vld [tilespmem:s10+$0x70]  }
0x6d5: {  	v56 =	vld [tilespmem:s12+$0x70];
	_ =	sdelay $0x1  }
0x6d6: {  	v5 =	vadd.f32 v5, v57;
	v6 =	vmul.f32 v27, v58  }
0x6d7: {  	s2 =	rddreg [dreg:$0xf];
	v2 =	vadd.f32 v55, v57  }
0x6d8: {  	s28 =	rddreg [dreg:$0x10];
	[tilespmem:s0+$0x70] =	vst.add.f32.msk $0xffff, v0;
	v3 =	vadd.f32 v3, v57;
	v59 =	vadd.f32 v5, v6  }
0x6d9: {  	[tilespmem:s3+$0x70] =	vst.add.f32.msk $0xffff, v1;
	s2 =	sshll.u32 s2, $0xB;
	s4 =	sshll.u32 s28, $0x4;
	v61 =	vadd.f32 v56, v57;
	v60 =	vadd.f32 v2, v10  }
0x6da: {  	s21 =	sadd.s32 $0x1, s21;
	s8 =	rddreg [dreg:$0xa];
	s29 =	sadd.s32 s4, s2;
	v62 =	vadd.f32 v3, v11;
	[tilespmem:s14+$0x70] =	vst.add.f32.msk $0xffff, v59  }
0x6db: {  	p0 =	sne.s32 s21, $0x10;
	s0 =	sadd.s32 s8, s29;
	v63 =	vadd.f32 v61, v8;
	[tilespmem:s7+$0x70] =	vst.add.f32.msk $0xffff, v60  }
.Ltmp3:
0x6dc: {  	s0 =	sshrl.u32 s0, $0x3;
	[tilespmem:s5+$0x70] =	vst.add.f32.msk $0xffff, v62;
	(pc) =	sbr.rel @p0 .LBB2_2-.Ltmp3, $4  }
0x6dd: {  	s30 =	rddreg [dreg:$0x4];
	s0 =	smul.u32 $0x300, s0;
	[tilespmem:s1+$0x70] =	vst.add.f32.msk $0xffff, v63  }
0x6de: {  	s31 =	simm.s32 $0x0;
	s1 =	rddreg [dreg:$0xe]  }
0x6df: {  	s20 =	sadd.s32 $0x800, s20;
	s0 =	sadd.s32 s30, s0;
	s1 =	sadd.s32 $0x4, s1  }
0x6e0: {  	[hbm4b:s0+s31] =	stream.linear.scatter [tilespmem:s25], [sflag:s1], $0x3000, $0x38;
	[tilespmem:$0x1DE00] =	vst v63  }
0x6e1: {  	s0 =	simm.s32 $0x6  }
0x6e2: {  	_ =	swait.ge [sflag:s0], $0x3000  }
0x6e3: {  	[sflag:s0] =	ssyncset.done $0x0  }
0x6e4: {  	s1 =	simm.s32 $0x4;
	[sflag:s0] =	ssyncadd.s32 $0xFFFFD000  }
0x6e5: {  	_ =	swait.ge [sflag:s1], $0x3000  }
0x6e6: {  	s2 =	rddreg [dreg:$0xd]  }
0x6e7: {  	s31 =	rddreg [dreg:$0xc];
	s2 =	sadd.s32 $0x1, s2  }
0x6e8: {  	p0 =	sne.s32 s2, s31  }
.Ltmp4:
0x6e9: {  	_ = 	snop;
	(pc) =	sbr.rel @p0 .LBB2_1-.Ltmp4, $3  }
0x6ea: {  	_ =	sdelay $0x1  }
0x6eb: {  	[sflag:s1] =	ssyncset.done $0x0  }
0x6ec: {  	[sflag:s1] =	ssyncadd.s32 $0xFFFFD000  }
0x6ed: {  	_ =	sfence.sel $0x180000  }
0x6ee: {  	[bflag:$0x0] =	sbarrier.arrive $0xFFFF  }
0x6ef: {  	_ =	strace $0x90000047  }
0x6f0: {  	s0 =	stileid.u32;
	[bflag:$0x2] =	sbarrier.arrive $0xFFFF  }
0x6f1: {  	p0 =	sne.s32 s0, $0x0;
	s0 =	rddreg [dreg:$0x5]  }
0x6f2: {  	s0 =	sadd.s32 @!p0 $0x100000, s0  }
0x6f3: {  	[sflag:s0] =	ssyncadd.tile.s32 @!p0 $0x1;
	_ =	shalt  }
.Lfunc_end2:
_tile_overlayer_lowered:
.L_overlay_start_2:
0x6f4: {  	(tag) =	ssettag $0x2  }
0x6f5: {  	s0 =	rddreg [dreg:$0x0];
	s2 =	stileid.u32  }
0x6f6: {  	s1 =	rddreg [dreg:$0x1];
	p0 =	sne.s32 s2, $0x0  }
0x6f7: {  	s3 =	rddreg [dreg:$0x2];
	[bflag:$0x3] =	sbarrier.arrive $0xFFFF;
	s2 =	simm.s32 @!p0 $0x1C08  }
0x6f8: {  	[timem:s3], [sflag:s2] =	dma.local @!p0 [hbm:s0], s1  }
0x6f9: {  	s0 =	simm.s32 @!p0 $0x8  }
0x6fa: {  	_ =	swait.ge @!p0 [sflag:s0], s1  }
0x6fb: {  	s1 =	ssub.s32 @!p0 $0x0, s1;
	[sflag:s0] =	ssyncset.done @!p0 $0x0  }
0x6fc: {  	[sflag:s0] =	ssyncadd.s32 @!p0 s1  }
0x6fd: {  	[bflag:$0x3] =	sbarrier.arrive $0xFFFF  }
0x6fe: {  	_ =	shalt  }

</sc_bundles>
